<compile_context>
chip_gen: v7x
topology: tpu7x:2x2x1
jax: 0.10.2.dev20260603
libtpu: 0.0.44.dev20260713+nightly
codegen_flags: <defaults>
</compile_context>

<pallas_src>
import functools

import jax
import jax.numpy as jnp
import numpy as np
from jax import lax
from jax.experimental import pallas as pl
from jax.experimental.pallas import tpu as pltpu
from jax.experimental.pallas import tpu_sc as plsc

N = 10000
E = 320000
D = 128
DH = D // 2
NC = 2
NS = 16
NW = NC * NS
K = 80
NCH_T = E // NS // K
NCH_W = E // NW // K
NP = 10240
RPT = NP // NS
ZROWS = 128
W16 = 16
BLK = 2000
NBLK = N // BLK
f32 = jnp.float32

_KEEP_MASKED = float(np.float32(1.0) - np.float32(0.999))


def _zero_fill(zbuf, width):
    zero = jnp.zeros((16,), f32)

    def zrow(i, _):
        def zcol(j, _):
            zbuf[i, pl.ds(j * 16, 16)] = zero
            return 0
        return lax.fori_loop(0, width // 16, zcol, 0)

    lax.fori_loop(0, ZROWS, zrow, 0)


def _zero_shared(zbuf, acc, sid):
    def zcp(r, _):
        pltpu.sync_copy(zbuf, acc.at[pl.ds(sid * RPT + r * ZROWS, ZROWS)])
        return 0

    lax.fori_loop(0, RPT // ZROWS, zcp, 0)


@functools.lru_cache(maxsize=None)
def _make_agg_split():
    mesh = plsc.VectorSubcoreMesh(core_axis_name="c", subcore_axis_name="s")

    @functools.partial(
        pl.kernel,
        out_type=(jax.ShapeDtypeStruct((NP, DH), f32),
                  jax.ShapeDtypeStruct((NP, DH), f32)),
        mesh=mesh,
        compiler_params=pltpu.CompilerParams(use_tc_tiling_on_sc=False),
        scratch_types=[
            pltpu.VMEM((NCH_T, K), jnp.int32),
            pltpu.VMEM((NCH_T, K), jnp.int32),
            pltpu.VMEM((K, DH), f32),
            pltpu.VMEM((ZROWS, DH), f32),
            pltpu.VMEM_SHARED((NP, DH), f32),
            pltpu.SemaphoreType.DMA,
        ],
    )
    def agg(hA, hB, src_hbm, dst_hbm, outA, outB,
            src_v, dst_v, gbuf, zbuf, acc, sem):
        cid = lax.axis_index("c")
        sid = lax.axis_index("s")

        pltpu.sync_copy(src_hbm.at[sid], src_v)
        pltpu.sync_copy(dst_hbm.at[sid], dst_v)

        _zero_fill(zbuf, DH)
        _zero_shared(zbuf, acc, sid)
        plsc.subcore_barrier()

        def chunk(c, _):
            @pl.when(cid == 0)
            def _():
                pltpu.async_copy(hA.at[src_v.at[c]], gbuf, sem).wait()

            @pl.when(cid == 1)
            def _():
                pltpu.async_copy(hB.at[src_v.at[c]], gbuf, sem).wait()

            pltpu.sync_copy(gbuf, acc.at[dst_v.at[c]], add=True)
            return 0

        lax.fori_loop(0, NCH_T, chunk, 0)
        plsc.subcore_barrier()

        rows = pl.ds(sid * RPT, RPT)

        @pl.when(cid == 0)
        def _():
            pltpu.sync_copy(acc.at[rows], outA.at[rows])

        @pl.when(cid == 1)
        def _():
            pltpu.sync_copy(acc.at[rows], outB.at[rows])

    return agg


@functools.lru_cache(maxsize=None)
def _make_agg16():
    mesh = plsc.VectorSubcoreMesh(core_axis_name="c", subcore_axis_name="s")

    @functools.partial(
        pl.kernel,
        out_type=(jax.ShapeDtypeStruct((NP, W16), f32),
                  jax.ShapeDtypeStruct((NP, W16), f32)),
        mesh=mesh,
        compiler_params=pltpu.CompilerParams(use_tc_tiling_on_sc=False),
        scratch_types=[
            pltpu.VMEM((NCH_W, K), jnp.int32),
            pltpu.VMEM((NCH_W, K), jnp.int32),
            pltpu.VMEM((K, W16), f32),
            pltpu.VMEM((ZROWS, W16), f32),
            pltpu.VMEM_SHARED((NP, W16), f32),
            pltpu.SemaphoreType.DMA,
        ],
    )
    def agg(h_hbm, src_hbm, dst_hbm, out0, out1,
            src_v, dst_v, gbuf, zbuf, acc, sem):
        cid = lax.axis_index("c")
        sid = lax.axis_index("s")
        wid = sid * NC + cid

        pltpu.sync_copy(src_hbm.at[wid], src_v)
        pltpu.sync_copy(dst_hbm.at[wid], dst_v)

        _zero_fill(zbuf, W16)
        _zero_shared(zbuf, acc, sid)
        plsc.subcore_barrier()

        def chunk(c, _):
            pltpu.async_copy(h_hbm.at[src_v.at[c]], gbuf, sem).wait()
            pltpu.sync_copy(gbuf, acc.at[dst_v.at[c]], add=True)
            return 0

        lax.fori_loop(0, NCH_W, chunk, 0)
        plsc.subcore_barrier()

        rows = pl.ds(sid * RPT, RPT)

        @pl.when(cid == 0)
        def _():
            pltpu.sync_copy(acc.at[rows], out0.at[rows])

        @pl.when(cid == 1)
        def _():
            pltpu.sync_copy(acc.at[rows], out1.at[rows])

    return agg


@functools.lru_cache(maxsize=None)
def _make_deg():
    mesh = plsc.VectorSubcoreMesh(core_axis_name="c", subcore_axis_name="s")

    @functools.partial(
        pl.kernel,
        out_type=(jax.ShapeDtypeStruct((NP, W16), f32),
                  jax.ShapeDtypeStruct((NP, W16), f32),
                  jax.ShapeDtypeStruct((NP, W16), f32),
                  jax.ShapeDtypeStruct((NP, W16), f32)),
        mesh=mesh,
        compiler_params=pltpu.CompilerParams(use_tc_tiling_on_sc=False),
        scratch_types=[
            pltpu.VMEM((NCH_W, K), jnp.int32),
            pltpu.VMEM((NCH_W, K), jnp.int32),
            pltpu.VMEM((K, W16), f32),
            pltpu.VMEM((ZROWS, W16), f32),
            pltpu.VMEM_SHARED((NP, W16), f32),
            pltpu.VMEM_SHARED((NP, W16), f32),
        ],
    )
    def deg(src_hbm, dst_hbm, o0, o1, i0, i1,
            src_v, dst_v, ones_v, zbuf, ohist, ihist):
        cid = lax.axis_index("c")
        sid = lax.axis_index("s")
        wid = sid * NC + cid

        pltpu.sync_copy(src_hbm.at[wid], src_v)
        pltpu.sync_copy(dst_hbm.at[wid], dst_v)

        one = jnp.ones((16,), f32)

        def orow(i, _):
            ones_v[i] = one
            return 0

        lax.fori_loop(0, K, orow, 0)
        _zero_fill(zbuf, W16)
        _zero_shared(zbuf, ohist, sid)
        _zero_shared(zbuf, ihist, sid)
        plsc.subcore_barrier()

        def chunk(c, _):
            pltpu.sync_copy(ones_v, ohist.at[src_v.at[c]], add=True)
            pltpu.sync_copy(ones_v, ihist.at[dst_v.at[c]], add=True)
            return 0

        lax.fori_loop(0, NCH_W, chunk, 0)
        plsc.subcore_barrier()

        rows = pl.ds(sid * RPT, RPT)

        @pl.when(cid == 0)
        def _():
            pltpu.sync_copy(ohist.at[rows], o0.at[rows])
            pltpu.sync_copy(ihist.at[rows], i0.at[rows])

        @pl.when(cid == 1)
        def _():
            pltpu.sync_copy(ohist.at[rows], o1.at[rows])
            pltpu.sync_copy(ihist.at[rows], i1.at[rows])

    return deg



def _norm_body(o0, o1, i0, i1, ns_ref, nd_ref):
    osum = o0[0:N, :] + o1[0:N, :]
    isum = i0[0:N, :] + i1[0:N, :]
    ns_ref[...] = lax.rsqrt(jnp.clip(osum[:, 0:1], 1.0, None))
    nd_ref[...] = lax.rsqrt(jnp.clip(isum[:, 0:1], 1.0, None))


_norm = pl.pallas_call(
    _norm_body,
    out_shape=(jax.ShapeDtypeStruct((N, 1), f32),
               jax.ShapeDtypeStruct((N, 1), f32)),
)

_half_out = (pl.BlockSpec((BLK, DH), lambda i: (i, 0)),
             pl.BlockSpec((BLK, DH), lambda i: (i, 0)))
_half_oshape = (jax.ShapeDtypeStruct((N, DH), f32),
                jax.ShapeDtypeStruct((N, DH), f32))


def _split(h, hA_ref, hB_ref):
    hA_ref[...] = h[:, 0:DH]
    hB_ref[...] = h[:, DH:D]


def _preA_body(x_ref, ns_ref, w_ref, hA_ref, hB_ref):
    _split(jnp.dot(x_ref[...] * ns_ref[...], w_ref[...],
                   preferred_element_type=f32), hA_ref, hB_ref)


_preA = pl.pallas_call(
    _preA_body,
    grid=(NBLK,),
    in_specs=[pl.BlockSpec((BLK, D), lambda i: (i, 0)),
              pl.BlockSpec((BLK, 1), lambda i: (i, 0)),
              pl.BlockSpec((D, D), lambda i: (0, 0))],
    out_specs=_half_out,
    out_shape=_half_oshape,
)


def _preB_body(pa, pb, nd, b, ns, w, hA_ref, hB_ref, hg_ref):
    i = pl.program_id(0)
    p = jnp.concatenate([pa[...], pb[...]], axis=1)
    out = jnp.maximum(p * nd[...] + b[...], 0.0)
    _split(jnp.dot(out * ns[...], w[...], preferred_element_type=f32),
           hA_ref, hB_ref)
    bs = jnp.sum(out, axis=0, keepdims=True)
    bm = jnp.max(out, axis=0, keepdims=True)

    @pl.when(i == 0)
    def _():
        hg_ref[0:1, :] = bs
        hg_ref[1:2, :] = bm

    @pl.when(i != 0)
    def _():
        hg_ref[0:1, :] = hg_ref[0:1, :] + bs
        hg_ref[1:2, :] = jnp.maximum(hg_ref[1:2, :], bm)

    @pl.when(i == NBLK - 1)
    def _():
        hg_ref[0:1, :] = hg_ref[0:1, :] * (1.0 / N)


_preB_specs = [pl.BlockSpec((BLK, DH), lambda i: (i, 0)),
               pl.BlockSpec((BLK, DH), lambda i: (i, 0)),
               pl.BlockSpec((BLK, 1), lambda i: (i, 0)),
               pl.BlockSpec((1, D), lambda i: (0, 0)),
               pl.BlockSpec((BLK, 1), lambda i: (i, 0)),
               pl.BlockSpec((D, D), lambda i: (0, 0))]

_preB = pl.pallas_call(
    _preB_body,
    grid=(NBLK,),
    in_specs=_preB_specs,
    out_specs=_half_out + (pl.BlockSpec((2, D), lambda i: (0, 0)),),
    out_shape=_half_oshape + (jax.ShapeDtypeStruct((2, D), f32),),
)


def _preC_body(pa, pb, nd, b, ns, w, out3_ref, hA_ref, hB_ref):
    p = jnp.concatenate([pa[...], pb[...]], axis=1)
    out = jnp.maximum(p * nd[...] + b[...], 0.0)
    out3_ref[...] = out
    _split(jnp.dot(out * ns[...], w[...], preferred_element_type=f32),
           hA_ref, hB_ref)


_preC = pl.pallas_call(
    _preC_body,
    grid=(NBLK,),
    in_specs=_preB_specs,
    out_specs=(pl.BlockSpec((BLK, D), lambda i: (i, 0)),) + _half_out,
    out_shape=(jax.ShapeDtypeStruct((N, D), f32),) + _half_oshape,
)


def _preD_body(pa, pb, nd, b, ns, wpad, h_ref):
    p = jnp.concatenate([pa[...], pb[...]], axis=1)
    p = p * nd[...] + b[...]
    h_ref[...] = jnp.dot(p * ns[...], wpad[...], preferred_element_type=f32)


_preD = pl.pallas_call(
    _preD_body,
    grid=(NBLK,),
    in_specs=_preB_specs[:5] + [pl.BlockSpec((D, W16), lambda i: (0, 0))],
    out_specs=pl.BlockSpec((BLK, W16), lambda i: (i, 0)),
    out_shape=jax.ShapeDtypeStruct((N, W16), f32),
)


def _final_body(pp0, pp1, nd, bdiff, gdiff, out3, hg1, hg2,
                wn0, bn0, wn1, bn1, wn2, bn2,
                wm0a, wm0b, bm0, wm1, bm1, wm2, bm2,
                pred_ref, predc_ref, hg3_ref, np_ref, acc):
    i = pl.program_id(0)
    psum = pp0[...] + pp1[...]
    dlog = (psum[:, 1:2] - psum[:, 0:1]) * nd[...] + bdiff[...]
    keep = jnp.where(dlog + gdiff[...] > 0.0, _KEEP_MASKED, 1.0)
    o3 = out3[...]
    o3m = o3 * keep

    t = jnp.maximum(jnp.dot(o3, wn0[...], preferred_element_type=f32)
                    + bn0[...], 0.0)
    t = jnp.maximum(jnp.dot(t, wn1[...], preferred_element_type=f32)
                    + bn1[...], 0.0)
    np_ref[...] = jnp.dot(t, wn2[...], preferred_element_type=f32) + bn2[...]

    bs = jnp.sum(o3m, axis=0, keepdims=True)
    bm = jnp.max(o3m, axis=0, keepdims=True)

    @pl.when(i == 0)
    def _():
        acc[0:1, :] = bs
        acc[1:2, :] = bm

    @pl.when(i != 0)
    def _():
        acc[0:1, :] = acc[0:1, :] + bs
        acc[1:2, :] = jnp.maximum(acc[1:2, :], bm)

    @pl.when(i == NBLK - 1)
    def _():
        mean3 = acc[0:1, :] * (1.0 / N)
        max3 = acc[1:2, :]
        hg3_ref[0:1, 0:D] = mean3
        hg3_ref[0:1, D:2 * D] = max3

        def mlp(hm, hx):
            h = jnp.maximum(
                jnp.dot(hm, wm0a[...], preferred_element_type=f32)
                + jnp.dot(hx, wm0b[...], preferred_element_type=f32)
                + bm0[...], 0.0)
            h = jnp.maximum(jnp.dot(h, wm1[...], preferred_element_type=f32)
                            + bm1[...], 0.0)
            return jnp.dot(h, wm2[...], preferred_element_type=f32) + bm2[...]

        pred_ref[...] = mlp(hg1[0:1, :] + hg2[0:1, :] + mean3,
                            hg1[1:2, :] + hg2[1:2, :] + max3)
        predc_ref[...] = mlp(mean3, max3)


def _const_spec(shape):
    return pl.BlockSpec(shape, lambda i: tuple(0 for _ in shape))


_final = pl.pallas_call(
    _final_body,
    grid=(NBLK,),
    in_specs=[pl.BlockSpec((BLK, W16), lambda i: (i, 0)),
              pl.BlockSpec((BLK, W16), lambda i: (i, 0)),
              pl.BlockSpec((BLK, 1), lambda i: (i, 0)),
              _const_spec((1, 1)),
              pl.BlockSpec((BLK, 1), lambda i: (i, 0)),
              pl.BlockSpec((BLK, D), lambda i: (i, 0)),
              _const_spec((2, D)),
              _const_spec((2, D)),
              _const_spec((D, D // 2)),
              _const_spec((1, D // 2)),
              _const_spec((D // 2, D // 4)),
              _const_spec((1, D // 4)),
              _const_spec((D // 4, 2)),
              _const_spec((1, 2)),
              _const_spec((D, D)),
              _const_spec((D, D)),
              _const_spec((1, D)),
              _const_spec((D, D // 2)),
              _const_spec((1, D // 2)),
              _const_spec((D // 2, 2)),
              _const_spec((1, 2))],
    out_specs=(_const_spec((1, 2)),
               _const_spec((1, 2)),
               _const_spec((1, 2 * D)),
               pl.BlockSpec((BLK, 2), lambda i: (i, 0))),
    out_shape=(jax.ShapeDtypeStruct((1, 2), f32),
               jax.ShapeDtypeStruct((1, 2), f32),
               jax.ShapeDtypeStruct((1, 2 * D), f32),
               jax.ShapeDtypeStruct((N, 2), f32)),
    scratch_shapes=[pltpu.VMEM((2, D), f32)],
)


def kernel(feature, edge_index, label, W1, b1, W2, b2, W3, b3, Wp1, bp1,
           Wp2, bp2, Wm0, bm0, Wm1, bm1, Wm2, bm2, Wn0, bn0, Wn1, bn1,
           Wn2, bn2):
    src = edge_index[0].astype(jnp.int32)
    dst = edge_index[1].astype(jnp.int32)
    src_t = src.reshape(NS, NCH_T, K)
    dst_t = dst.reshape(NS, NCH_T, K)
    src_w = src.reshape(NW, NCH_W, K)
    dst_w = dst.reshape(NW, NCH_W, K)

    _aggD = _make_agg_split()
    _agg16 = _make_agg16()

    o0, o1, i0, i1 = _make_deg()(src_w, dst_w)
    ns, nd = _norm(o0, o1, i0, i1)

    h1a, h1b = _preA(feature, ns, W1)
    p1a, p1b = _aggD(h1a, h1b, src_t, dst_t)
    h2a, h2b, hg1 = _preB(p1a, p1b, nd, b1.reshape(1, D), ns, W2)
    p2a, p2b = _aggD(h2a, h2b, src_t, dst_t)
    h3a, h3b, hg2 = _preB(p2a, p2b, nd, b2.reshape(1, D), ns, W3)
    p3a, p3b = _aggD(h3a, h3b, src_t, dst_t)
    out3, hp1a, hp1b = _preC(p3a, p3b, nd, b3.reshape(1, D), ns, Wp1)
    pp1a, pp1b = _aggD(hp1a, hp1b, src_t, dst_t)
    wp2pad = jnp.pad(Wp2, ((0, 0), (0, W16 - 2)))
    hp2 = _preD(pp1a, pp1b, nd, bp1.reshape(1, D), ns, wp2pad)
    pp2a, pp2b = _agg16(hp2, src_w, dst_w)

    u = jax.random.uniform(jax.random.key(42), (N, 2), f32, 1e-10, 1.0)
    g = -jnp.log(-jnp.log(u))
    gdiff = (g[:, 1] - g[:, 0]).reshape(N, 1)
    bdiff = (bp2[1] - bp2[0]).reshape(1, 1)

    pred, pred_com, hg3, node_pred = _final(
        pp2a, pp2b, nd, bdiff, gdiff, out3, hg1, hg2,
        Wn0, bn0.reshape(1, -1), Wn1, bn1.reshape(1, -1),
        Wn2, bn2.reshape(1, -1),
        Wm0[:D], Wm0[D:], bm0.reshape(1, D),
        Wm1, bm1.reshape(1, -1), Wm2, bm2.reshape(1, -1))
    return (pred, pred_com, hg3, node_pred)

# --- scband reference (transcript-rebuilt; emitter-appended) ---
"""Pipeline reference for scband-compool-net-gumble-89060441850431 (READ-ONLY COPY).

The authoritative reference and input builder live on the scoring server;
editing this copy changes nothing except your own understanding.
"""

import jax, jax.numpy as jnp
import numpy as np

N_NODES = 10000
N_EDGES = 320000
D = 128
N_CLASSES = 2

def _lin(k, i, o):
    return jax.random.normal(k, (i, o), jnp.float32) / np.sqrt(i)

def setup_inputs(seed: int = 0):
    key = jax.random.key(seed)
    ks = jax.random.split(key, 16)
    inp = {}
    inp["feature"] = jax.random.normal(ks[0], (N_NODES, D), jnp.float32)
    inp["edge_index"] = jax.random.randint(ks[1], (2, N_EDGES), 0, N_NODES)
    inp["label"] = jax.random.randint(ks[2], (1,), 0, N_CLASSES)
    inp["W1"] = _lin(ks[3], D, D); inp["b1"] = jnp.zeros((D,), jnp.float32)
    inp["W2"] = _lin(ks[4], D, D); inp["b2"] = jnp.zeros((D,), jnp.float32)
    inp["W3"] = _lin(ks[5], D, D); inp["b3"] = jnp.zeros((D,), jnp.float32)
    inp["Wp1"] = _lin(ks[6], D, D); inp["bp1"] = jnp.zeros((D,), jnp.float32)
    inp["Wp2"] = _lin(ks[7], D, 2); inp["bp2"] = jnp.zeros((2,), jnp.float32)
    inp["Wm0"] = _lin(ks[8], 2 * D, D); inp["bm0"] = jnp.zeros((D,), jnp.float32)
    inp["Wm1"] = _lin(ks[9], D, D // 2); inp["bm1"] = jnp.zeros((D // 2,), jnp.float32)
    inp["Wm2"] = _lin(ks[10], D // 2, N_CLASSES); inp["bm2"] = jnp.zeros((N_CLASSES,), jnp.float32)
    inp["Wn0"] = _lin(ks[11], D, D // 2); inp["bn0"] = jnp.zeros((D // 2,), jnp.float32)
    inp["Wn1"] = _lin(ks[12], D // 2, D // 4); inp["bn1"] = jnp.zeros((D // 4,), jnp.float32)
    inp["Wn2"] = _lin(ks[13], D // 4, N_CLASSES); inp["bn2"] = jnp.zeros((N_CLASSES,), jnp.float32)
    return inp

def reference(feature, edge_index, label, W1, b1, W2, b2, W3, b3, Wp1, bp1, Wp2, bp2,
              Wm0, bm0, Wm1, bm1, Wm2, bm2, Wn0, bn0, Wn1, bn1, Wn2, bn2):
    n = feature.shape[0]
    src = edge_index[0]
    dst = edge_index[1]
    out_deg = jnp.clip(jnp.zeros((n,), jnp.float32).at[src].add(1.0), 1.0, None)
    in_deg = jnp.clip(jnp.zeros((n,), jnp.float32).at[dst].add(1.0), 1.0, None)
    ns = out_deg ** -0.5
    nd = in_deg ** -0.5

    def gconv(x, W, b):
        # DGL GraphConv, norm='both': D^{-1/2} A D^{-1/2} X W + b
        h = (x * ns[:, None]) @ W
        agg = jnp.zeros((n, W.shape[1]), x.dtype).at[dst].add(h[src])
        return agg * nd[:, None] + b

    def readout(h):
        # AvgPooling || MaxPooling over the (single) batched graph
        return jnp.concatenate([jnp.mean(h, axis=0), jnp.max(h, axis=0)])[None, :]

    def mlp(h, Wa, ba, Wb, bb, Wc, bc):
        # MLPReadout with L=2
        h = jax.nn.relu(h @ Wa + ba)
        h = jax.nn.relu(h @ Wb + bb)
        return h @ Wc + bc

    out1 = jax.nn.relu(gconv(feature, W1, b1))
    hg1 = readout(out1)
    out2 = jax.nn.relu(gconv(out1, W2, b2))
    hg2 = readout(out2)
    out3 = jax.nn.relu(gconv(out2, W3, b3))
    node_pred = mlp(out3, Wn0, bn0, Wn1, bn1, Wn2, bn2)

    # COMSAGPool_gumble: two GraphConvs + hard gumbel-softmax partition
    p1 = gconv(out3, Wp1, bp1)
    p2 = gconv(p1, Wp2, bp2)
    gk = jax.random.key(42)
    u = jax.random.uniform(gk, p2.shape, jnp.float32, 1e-10, 1.0)
    g = -jnp.log(-jnp.log(u))
    y_soft = jax.nn.softmax(p2 + g, axis=-1)
    hard = jax.nn.one_hot(jnp.argmax(y_soft, axis=-1), 2, dtype=p2.dtype)
    mask_com = jax.lax.stop_gradient(hard[:, 1])  # perm_com derived via nonzero (non-diff)

    # out3[perm_com] = out3[perm_com] * 0.001
    out3m = out3 * (1.0 - 0.999 * mask_com)[:, None]
    hg3 = readout(out3m)
    hg = hg1 + hg2 + hg3
    pred = mlp(hg, Wm0, bm0, Wm1, bm1, Wm2, bm2)
    pred_com = mlp(hg3, Wm0, bm0, Wm1, bm1, Wm2, bm2)
    return (pred, pred_com, hg3, node_pred)

if __name__ == "__main__":
    import jax
    _d = setup_inputs()
    print(jax.jit(kernel)(*tuple(_d.values())))

</pallas_src>

<mosaic_0001>
#map = affine_map<(d0, d1) -> (0, 0)>
#map1 = affine_map<(d0, d1) -> (0, 0, 0)>
module attributes {stable_mosaic.version = 14 : i64} {
  func.func @agg(%arg0: i32, %arg1: i32, %arg2: memref<10000x64xf32, #tpu.memory_space<hbm>>, %arg3: memref<10000x64xf32, #tpu.memory_space<hbm>>, %arg4: memref<16x250x80xi32, #tpu.memory_space<hbm>>, %arg5: memref<16x250x80xi32, #tpu.memory_space<hbm>>, %arg6: memref<10240x64xf32, #tpu.memory_space<hbm>>, %arg7: memref<10240x64xf32, #tpu.memory_space<hbm>>, %arg8: memref<250x80xi32, #tpu.memory_space<vmem>>, %arg9: memref<250x80xi32, #tpu.memory_space<vmem>>, %arg10: memref<80x64xf32, #tpu.memory_space<vmem>>, %arg11: memref<128x64xf32, #tpu.memory_space<vmem>>, %arg12: memref<10240x64xf32, #tpu.memory_space<vmem_shared>>, %arg13: memref<!tpu.dma_semaphore, #tpu.memory_space<semaphore_mem>>) attributes {dimension_semantics = [#tpu.dimension_semantics<core_parallel>, #tpu.dimension_semantics<subcore_parallel>], iteration_bounds = array<i64: 2, 16>, scalar_prefetch = 0 : i64, scratch_operands = 6 : i64, tpu.core_type = #tpu.core_type<sc_vector_subcore>, window_params = [{transform_indices = #map}, {transform_indices = #map}, {transform_indices = #map1}, {transform_indices = #map1}, {transform_indices = #map}, {transform_indices = #map}]} {
    "tpu.region"() ({
      %run_scoped3A = tpu.sem_alloc : memref<!tpu.dma_semaphore, #tpu.memory_space<semaphore_mem>>
      %dma_start3A = arith.constant 0 : i32
      %dma_start3A_30 = arith.constant 0 : i32
      %dma_start3A_31 = tpu.memref_slice %arg4[%arg1, %dma_start3A, %dma_start3A_30] : memref<16x250x80xi32, #tpu.memory_space<hbm>> -> memref<1x250x80xi32, #tpu.memory_space<hbm>>
      %dma_start3A_32 = tpu.memref_squeeze %dma_start3A_31 : memref<1x250x80xi32, #tpu.memory_space<hbm>> -> memref<250x80xi32, #tpu.memory_space<hbm>>
      %dma_start3A_33 = arith.constant 0 : i32
      %dma_start3A_34 = arith.constant 0 : i32
      %dma_start3A_35 = tpu.memref_slice %arg4[%arg1, %dma_start3A_33, %dma_start3A_34] : memref<16x250x80xi32, #tpu.memory_space<hbm>> -> memref<1x250x80xi32, #tpu.memory_space<hbm>>
      %dma_start3A_36 = tpu.memref_squeeze %dma_start3A_35 : memref<1x250x80xi32, #tpu.memory_space<hbm>> -> memref<250x80xi32, #tpu.memory_space<hbm>>
      tpu.enqueue_dma source(%dma_start3A_36 : memref<250x80xi32, #tpu.memory_space<hbm>>) target(%arg8 : memref<250x80xi32, #tpu.memory_space<vmem>>) target_semaphore(%run_scoped3A : memref<!tpu.dma_semaphore, #tpu.memory_space<semaphore_mem>>)
      %dma_wait3A = arith.constant 0 : i32
      %dma_wait3A_37 = arith.constant 0 : i32
      %dma_wait3A_38 = tpu.memref_slice %arg4[%arg1, %dma_wait3A, %dma_wait3A_37] : memref<16x250x80xi32, #tpu.memory_space<hbm>> -> memref<1x250x80xi32, #tpu.memory_space<hbm>>
      %dma_wait3A_39 = tpu.memref_squeeze %dma_wait3A_38 : memref<1x250x80xi32, #tpu.memory_space<hbm>> -> memref<250x80xi32, #tpu.memory_space<hbm>>
      %dma_wait3A_40 = arith.constant 0 : i32
      %dma_wait3A_41 = arith.constant 0 : i32
      %dma_wait3A_42 = tpu.memref_slice %arg4[%arg1, %dma_wait3A_40, %dma_wait3A_41] : memref<16x250x80xi32, #tpu.memory_space<hbm>> -> memref<1x250x80xi32, #tpu.memory_space<hbm>>
      %dma_wait3A_43 = tpu.memref_squeeze %dma_wait3A_42 : memref<1x250x80xi32, #tpu.memory_space<hbm>> -> memref<250x80xi32, #tpu.memory_space<hbm>>
      tpu.wait_dma2 semaphore(%run_scoped3A : memref<!tpu.dma_semaphore, #tpu.memory_space<semaphore_mem>>) src(%dma_wait3A_43 : memref<250x80xi32, #tpu.memory_space<hbm>>) dst(%arg8 : memref<250x80xi32, #tpu.memory_space<vmem>>)
      tpu.yield
    }) : () -> ()
    "tpu.region"() ({
      %run_scoped3A = tpu.sem_alloc : memref<!tpu.dma_semaphore, #tpu.memory_space<semaphore_mem>>
      %dma_start3A = arith.constant 0 : i32
      %dma_start3A_30 = arith.constant 0 : i32
      %dma_start3A_31 = tpu.memref_slice %arg5[%arg1, %dma_start3A, %dma_start3A_30] : memref<16x250x80xi32, #tpu.memory_space<hbm>> -> memref<1x250x80xi32, #tpu.memory_space<hbm>>
      %dma_start3A_32 = tpu.memref_squeeze %dma_start3A_31 : memref<1x250x80xi32, #tpu.memory_space<hbm>> -> memref<250x80xi32, #tpu.memory_space<hbm>>
      %dma_start3A_33 = arith.constant 0 : i32
      %dma_start3A_34 = arith.constant 0 : i32
      %dma_start3A_35 = tpu.memref_slice %arg5[%arg1, %dma_start3A_33, %dma_start3A_34] : memref<16x250x80xi32, #tpu.memory_space<hbm>> -> memref<1x250x80xi32, #tpu.memory_space<hbm>>
      %dma_start3A_36 = tpu.memref_squeeze %dma_start3A_35 : memref<1x250x80xi32, #tpu.memory_space<hbm>> -> memref<250x80xi32, #tpu.memory_space<hbm>>
      tpu.enqueue_dma source(%dma_start3A_36 : memref<250x80xi32, #tpu.memory_space<hbm>>) target(%arg9 : memref<250x80xi32, #tpu.memory_space<vmem>>) target_semaphore(%run_scoped3A : memref<!tpu.dma_semaphore, #tpu.memory_space<semaphore_mem>>)
      %dma_wait3A = arith.constant 0 : i32
      %dma_wait3A_37 = arith.constant 0 : i32
      %dma_wait3A_38 = tpu.memref_slice %arg5[%arg1, %dma_wait3A, %dma_wait3A_37] : memref<16x250x80xi32, #tpu.memory_space<hbm>> -> memref<1x250x80xi32, #tpu.memory_space<hbm>>
      %dma_wait3A_39 = tpu.memref_squeeze %dma_wait3A_38 : memref<1x250x80xi32, #tpu.memory_space<hbm>> -> memref<250x80xi32, #tpu.memory_space<hbm>>
      %dma_wait3A_40 = arith.constant 0 : i32
      %dma_wait3A_41 = arith.constant 0 : i32
      %dma_wait3A_42 = tpu.memref_slice %arg5[%arg1, %dma_wait3A_40, %dma_wait3A_41] : memref<16x250x80xi32, #tpu.memory_space<hbm>> -> memref<1x250x80xi32, #tpu.memory_space<hbm>>
      %dma_wait3A_43 = tpu.memref_squeeze %dma_wait3A_42 : memref<1x250x80xi32, #tpu.memory_space<hbm>> -> memref<250x80xi32, #tpu.memory_space<hbm>>
      tpu.wait_dma2 semaphore(%run_scoped3A : memref<!tpu.dma_semaphore, #tpu.memory_space<semaphore_mem>>) src(%dma_wait3A_43 : memref<250x80xi32, #tpu.memory_space<hbm>>) dst(%arg9 : memref<250x80xi32, #tpu.memory_space<vmem>>)
      tpu.yield
    }) : () -> ()
    %broadcast_in_dim3A = arith.constant 0.000000e+00 : f32
    %broadcast_in_dim3A_0 = vector.broadcast %broadcast_in_dim3A : f32 to vector<16xf32>
    %scan3A = arith.constant 0 : i32
    %scan3A_1 = arith.constant 0 : i32
    %scan3A_2 = arith.constant 128 : i32
    %scan3A_3 = arith.addi %scan3A_1, %scan3A_2 : i32
    %scan3A_4 = arith.constant 1 : i32
    %scan3A_5 = scf.for %scan3A_30 = %scan3A_1 to %scan3A_3 step %scan3A_4 iter_args(%scan3A_31 = %scan3A) -> (i32)  : i32 {
      %scan3A_32 = arith.constant 0 : i32
      %scan3A_33 = arith.constant 0 : i32
      %scan3A_34 = arith.constant 4 : i32
      %scan3A_35 = arith.addi %scan3A_33, %scan3A_34 : i32
      %scan3A_36 = arith.constant 1 : i32
      %scan3A_37 = scf.for %scan3A_39 = %scan3A_33 to %scan3A_35 step %scan3A_36 iter_args(%scan3A_40 = %scan3A_32) -> (i32)  : i32 {
        %mul3A_41 = arith.constant 16 : i32
        %mul3A_42 = arith.muli %scan3A_39, %mul3A_41 : i32
        %swap3A = arith.index_cast %scan3A_30 : i32 to index
        %swap3A_43 = arith.index_cast %mul3A_42 : i32 to index
        %swap3A_44 = tpu.vector_load %arg11[%swap3A, %swap3A_43] {strides = array<i32>} : memref<128x64xf32, #tpu.memory_space<vmem>>, vector<1x16xf32>,
        %swap3A_45 = vector.shape_cast %swap3A_44 : vector<1x16xf32> to vector<16xf32>
        %swap3A_46 = vector.shape_cast %broadcast_in_dim3A_0 : vector<16xf32> to vector<1x16xf32>
        tpu.vector_store %arg11[%swap3A, %swap3A_43], %swap3A_46 {strides = array<i32>} : memref<128x64xf32, #tpu.memory_space<vmem>>, vector<1x16xf32>,
        %scan3A_47 = arith.constant 0 : i32
        scf.yield %scan3A_47 : i32
      }
      %scan3A_38 = arith.constant 4 : i32
      scf.yield %scan3A_37 : i32
    }
    %scan3A_6 = arith.constant 128 : i32
    %scan3A_7 = arith.constant 0 : i32
    %scan3A_8 = arith.constant 0 : i32
    %scan3A_9 = arith.constant 5 : i32
    %scan3A_10 = arith.addi %scan3A_8, %scan3A_9 : i32
    %scan3A_11 = arith.constant 1 : i32
    %scan3A_12 = scf.for %scan3A_30 = %scan3A_8 to %scan3A_10 step %scan3A_11 iter_args(%scan3A_31 = %scan3A_7) -> (i32)  : i32 {
      %mul3A_32 = arith.constant 640 : i32
      %mul3A_33 = arith.muli %arg1, %mul3A_32 : i32
      %mul3A_34 = arith.constant 128 : i32
      %mul3A_35 = arith.muli %scan3A_30, %mul3A_34 : i32
      %add3A = arith.addi %mul3A_33, %mul3A_35 : i32
      "tpu.region"() ({
        %run_scoped3A = tpu.sem_alloc : memref<!tpu.dma_semaphore, #tpu.memory_space<semaphore_mem>>
        %dma_start3A = arith.constant 0 : i32
        %dma_start3A_37 = tpu.memref_slice %arg12[%add3A, %dma_start3A] : memref<10240x64xf32, #tpu.memory_space<vmem_shared>> -> memref<128x64xf32, #tpu.memory_space<vmem_shared>>
        %dma_start3A_38 = arith.constant 0 : i32
        %dma_start3A_39 = tpu.memref_slice %arg12[%add3A, %dma_start3A_38] : memref<10240x64xf32, #tpu.memory_space<vmem_shared>> -> memref<128x64xf32, #tpu.memory_space<vmem_shared>>
        tpu.enqueue_dma source(%arg11 : memref<128x64xf32, #tpu.memory_space<vmem>>) target(%dma_start3A_39 : memref<128x64xf32, #tpu.memory_space<vmem_shared>>) target_semaphore(%run_scoped3A : memref<!tpu.dma_semaphore, #tpu.memory_space<semaphore_mem>>)
        %dma_wait3A = arith.constant 0 : i32
        %dma_wait3A_40 = tpu.memref_slice %arg12[%add3A, %dma_wait3A] : memref<10240x64xf32, #tpu.memory_space<vmem_shared>> -> memref<128x64xf32, #tpu.memory_space<vmem_shared>>
        %dma_wait3A_41 = arith.constant 0 : i32
        %dma_wait3A_42 = tpu.memref_slice %arg12[%add3A, %dma_wait3A_41] : memref<10240x64xf32, #tpu.memory_space<vmem_shared>> -> memref<128x64xf32, #tpu.memory_space<vmem_shared>>
        tpu.wait_dma2 semaphore(%run_scoped3A : memref<!tpu.dma_semaphore, #tpu.memory_space<semaphore_mem>>) src(%arg11 : memref<128x64xf32, #tpu.memory_space<vmem>>) dst(%dma_wait3A_42 : memref<128x64xf32, #tpu.memory_space<vmem_shared>>)
        tpu.yield
      }) : () -> ()
      %scan3A_36 = arith.constant 0 : i32
      scf.yield %scan3A_36 : i32
    }
    %scan3A_13 = arith.constant 5 : i32
    %barrier3A = arith.constant 0 : index
    tpu.barrier barrier_id(%barrier3A)
    %scan3A_14 = arith.constant 0 : i32
    %scan3A_15 = arith.constant 0 : i32
    %scan3A_16 = arith.constant 250 : i32
    %scan3A_17 = arith.addi %scan3A_15, %scan3A_16 : i32
    %scan3A_18 = arith.constant 1 : i32
    %scan3A_19 = scf.for %scan3A_30 = %scan3A_15 to %scan3A_17 step %scan3A_18 iter_args(%scan3A_31 = %scan3A_14) -> (i32)  : i32 {
      %eq3A_32 = arith.constant 0 : i32
      %eq3A_33 = arith.cmpi eq, %arg0, %eq3A_32 : i32
      %convert_element_type3A_34 = arith.extui %eq3A_33 : i1 to i32
      %cond3A_35 = arith.constant 0 : i32
      %cond3A_36 = arith.cmpi ne, %convert_element_type3A_34, %cond3A_35 : i32
      scf.if %cond3A_36 {
        %dma_start3A = arith.constant 0 : i32
        %dma_start3A_43 = tpu.memref_slice %arg8[%scan3A_30, %dma_start3A] : memref<250x80xi32, #tpu.memory_space<vmem>> -> memref<1x80xi32, #tpu.memory_space<vmem>>
        %dma_start3A_44 = tpu.memref_squeeze %dma_start3A_43 : memref<1x80xi32, #tpu.memory_space<vmem>> -> memref<80xi32, #tpu.memory_space<vmem>>
        %dma_start3A_45 = arith.constant 0 : i32
        %dma_start3A_46 = arith.constant 0 : i32
        %dma_start3A_47 = tpu.memref_slice %arg2[%dma_start3A_45, %dma_start3A_46] : memref<10000x64xf32, #tpu.memory_space<hbm>> -> memref<10000x64xf32, #tpu.memory_space<hbm>>
        tpu.enqueue_indirect_dma source(%dma_start3A_47 : memref<10000x64xf32, #tpu.memory_space<hbm>>) target(%arg10 : memref<80x64xf32, #tpu.memory_space<vmem>>) offsets(%dma_start3A_44 : memref<80xi32, #tpu.memory_space<vmem>>) semaphore(%arg13 : memref<!tpu.dma_semaphore, #tpu.memory_space<semaphore_mem>>)
        %dma_wait3A = arith.constant 0 : i32
        %dma_wait3A_48 = tpu.memref_slice %arg8[%scan3A_30, %dma_wait3A] : memref<250x80xi32, #tpu.memory_space<vmem>> -> memref<1x80xi32, #tpu.memory_space<vmem>>
        %dma_wait3A_49 = tpu.memref_squeeze %dma_wait3A_48 : memref<1x80xi32, #tpu.memory_space<vmem>> -> memref<80xi32, #tpu.memory_space<vmem>>
        %dma_wait3A_50 = arith.constant 0 : i32
        %dma_wait3A_51 = arith.constant 0 : i32
        %dma_wait3A_52 = tpu.memref_slice %arg2[%dma_wait3A_50, %dma_wait3A_51] : memref<10000x64xf32, #tpu.memory_space<hbm>> -> memref<10000x64xf32, #tpu.memory_space<hbm>>
        tpu.wait_indirect_dma semaphore(%arg13 : memref<!tpu.dma_semaphore, #tpu.memory_space<semaphore_mem>>) src(%dma_wait3A_52 : memref<10000x64xf32, #tpu.memory_space<hbm>>) dst(%arg10 : memref<80x64xf32, #tpu.memory_space<vmem>>)
      } else {
      }
      %eq3A_37 = arith.constant 1 : i32
      %eq3A_38 = arith.cmpi eq, %arg0, %eq3A_37 : i32
      %convert_element_type3A_39 = arith.extui %eq3A_38 : i1 to i32
      %cond3A_40 = arith.constant 0 : i32
      %cond3A_41 = arith.cmpi ne, %convert_element_type3A_39, %cond3A_40 : i32
      scf.if %cond3A_41 {
        %dma_start3A = arith.constant 0 : i32
        %dma_start3A_43 = tpu.memref_slice %arg8[%scan3A_30, %dma_start3A] : memref<250x80xi32, #tpu.memory_space<vmem>> -> memref<1x80xi32, #tpu.memory_space<vmem>>
        %dma_start3A_44 = tpu.memref_squeeze %dma_start3A_43 : memref<1x80xi32, #tpu.memory_space<vmem>> -> memref<80xi32, #tpu.memory_space<vmem>>
        %dma_start3A_45 = arith.constant 0 : i32
        %dma_start3A_46 = arith.constant 0 : i32
        %dma_start3A_47 = tpu.memref_slice %arg3[%dma_start3A_45, %dma_start3A_46] : memref<10000x64xf32, #tpu.memory_space<hbm>> -> memref<10000x64xf32, #tpu.memory_space<hbm>>
        tpu.enqueue_indirect_dma source(%dma_start3A_47 : memref<10000x64xf32, #tpu.memory_space<hbm>>) target(%arg10 : memref<80x64xf32, #tpu.memory_space<vmem>>) offsets(%dma_start3A_44 : memref<80xi32, #tpu.memory_space<vmem>>) semaphore(%arg13 : memref<!tpu.dma_semaphore, #tpu.memory_space<semaphore_mem>>)
        %dma_wait3A = arith.constant 0 : i32
        %dma_wait3A_48 = tpu.memref_slice %arg8[%scan3A_30, %dma_wait3A] : memref<250x80xi32, #tpu.memory_space<vmem>> -> memref<1x80xi32, #tpu.memory_space<vmem>>
        %dma_wait3A_49 = tpu.memref_squeeze %dma_wait3A_48 : memref<1x80xi32, #tpu.memory_space<vmem>> -> memref<80xi32, #tpu.memory_space<vmem>>
        %dma_wait3A_50 = arith.constant 0 : i32
        %dma_wait3A_51 = arith.constant 0 : i32
        %dma_wait3A_52 = tpu.memref_slice %arg3[%dma_wait3A_50, %dma_wait3A_51] : memref<10000x64xf32, #tpu.memory_space<hbm>> -> memref<10000x64xf32, #tpu.memory_space<hbm>>
        tpu.wait_indirect_dma semaphore(%arg13 : memref<!tpu.dma_semaphore, #tpu.memory_space<semaphore_mem>>) src(%dma_wait3A_52 : memref<10000x64xf32, #tpu.memory_space<hbm>>) dst(%arg10 : memref<80x64xf32, #tpu.memory_space<vmem>>)
      } else {
      }
      "tpu.region"() ({
        %run_scoped3A = tpu.sem_alloc : memref<!tpu.dma_semaphore, #tpu.memory_space<semaphore_mem>>
        %dma_start3A = arith.constant 0 : i32
        %dma_start3A_43 = tpu.memref_slice %arg9[%scan3A_30, %dma_start3A] : memref<250x80xi32, #tpu.memory_space<vmem>> -> memref<1x80xi32, #tpu.memory_space<vmem>>
        %dma_start3A_44 = tpu.memref_squeeze %dma_start3A_43 : memref<1x80xi32, #tpu.memory_space<vmem>> -> memref<80xi32, #tpu.memory_space<vmem>>
        %dma_start3A_45 = arith.constant 0 : i32
        %dma_start3A_46 = arith.constant 0 : i32
        %dma_start3A_47 = tpu.memref_slice %arg12[%dma_start3A_45, %dma_start3A_46] : memref<10240x64xf32, #tpu.memory_space<vmem_shared>> -> memref<10240x64xf32, #tpu.memory_space<vmem_shared>>
        tpu.enqueue_indirect_dma source(%arg10 : memref<80x64xf32, #tpu.memory_space<vmem>>) target(%dma_start3A_47 : memref<10240x64xf32, #tpu.memory_space<vmem_shared>>) offsets(%dma_start3A_44 : memref<80xi32, #tpu.memory_space<vmem>>) semaphore(%run_scoped3A : memref<!tpu.dma_semaphore, #tpu.memory_space<semaphore_mem>>) {add = true}
        %dma_wait3A = arith.constant 0 : i32
        %dma_wait3A_48 = tpu.memref_slice %arg9[%scan3A_30, %dma_wait3A] : memref<250x80xi32, #tpu.memory_space<vmem>> -> memref<1x80xi32, #tpu.memory_space<vmem>>
        %dma_wait3A_49 = tpu.memref_squeeze %dma_wait3A_48 : memref<1x80xi32, #tpu.memory_space<vmem>> -> memref<80xi32, #tpu.memory_space<vmem>>
        %dma_wait3A_50 = arith.constant 0 : i32
        %dma_wait3A_51 = arith.constant 0 : i32
        %dma_wait3A_52 = tpu.memref_slice %arg12[%dma_wait3A_50, %dma_wait3A_51] : memref<10240x64xf32, #tpu.memory_space<vmem_shared>> -> memref<10240x64xf32, #tpu.memory_space<vmem_shared>>
        tpu.wait_indirect_dma semaphore(%run_scoped3A : memref<!tpu.dma_semaphore, #tpu.memory_space<semaphore_mem>>) src(%arg10 : memref<80x64xf32, #tpu.memory_space<vmem>>) dst(%dma_wait3A_52 : memref<10240x64xf32, #tpu.memory_space<vmem_shared>>)
        tpu.yield
      }) : () -> ()
      %scan3A_42 = arith.constant 0 : i32
      scf.yield %scan3A_42 : i32
    }
    %scan3A_20 = arith.constant 250 : i32
    %barrier3A_21 = arith.constant 0 : index
    tpu.barrier barrier_id(%barrier3A_21)
    %mul3A = arith.constant 640 : i32
    %mul3A_22 = arith.muli %arg1, %mul3A : i32
    %eq3A = arith.constant 0 : i32
    %eq3A_23 = arith.cmpi eq, %arg0, %eq3A : i32
    %convert_element_type3A = arith.extui %eq3A_23 : i1 to i32
    %cond3A = arith.constant 0 : i32
    %cond3A_24 = arith.cmpi ne, %convert_element_type3A, %cond3A : i32
    scf.if %cond3A_24 {
      "tpu.region"() ({
        %run_scoped3A = tpu.sem_alloc : memref<!tpu.dma_semaphore, #tpu.memory_space<semaphore_mem>>
        %dma_start3A = arith.constant 0 : i32
        %dma_start3A_30 = tpu.memref_slice %arg6[%mul3A_22, %dma_start3A] : memref<10240x64xf32, #tpu.memory_space<hbm>> -> memref<640x64xf32, #tpu.memory_space<hbm>>
        %dma_start3A_31 = arith.constant 0 : i32
        %dma_start3A_32 = tpu.memref_slice %arg12[%mul3A_22, %dma_start3A_31] : memref<10240x64xf32, #tpu.memory_space<vmem_shared>> -> memref<640x64xf32, #tpu.memory_space<vmem_shared>>
        tpu.enqueue_dma source(%dma_start3A_32 : memref<640x64xf32, #tpu.memory_space<vmem_shared>>) target(%dma_start3A_30 : memref<640x64xf32, #tpu.memory_space<hbm>>) target_semaphore(%run_scoped3A : memref<!tpu.dma_semaphore, #tpu.memory_space<semaphore_mem>>)
        %dma_wait3A = arith.constant 0 : i32
        %dma_wait3A_33 = tpu.memref_slice %arg6[%mul3A_22, %dma_wait3A] : memref<10240x64xf32, #tpu.memory_space<hbm>> -> memref<640x64xf32, #tpu.memory_space<hbm>>
        %dma_wait3A_34 = arith.constant 0 : i32
        %dma_wait3A_35 = tpu.memref_slice %arg12[%mul3A_22, %dma_wait3A_34] : memref<10240x64xf32, #tpu.memory_space<vmem_shared>> -> memref<640x64xf32, #tpu.memory_space<vmem_shared>>
        tpu.wait_dma2 semaphore(%run_scoped3A : memref<!tpu.dma_semaphore, #tpu.memory_space<semaphore_mem>>) src(%dma_wait3A_35 : memref<640x64xf32, #tpu.memory_space<vmem_shared>>) dst(%dma_wait3A_33 : memref<640x64xf32, #tpu.memory_space<hbm>>)
        tpu.yield
      }) : () -> ()
    } else {
    }
    %eq3A_25 = arith.constant 1 : i32
    %eq3A_26 = arith.cmpi eq, %arg0, %eq3A_25 : i32
    %convert_element_type3A_27 = arith.extui %eq3A_26 : i1 to i32
    %cond3A_28 = arith.constant 0 : i32
    %cond3A_29 = arith.cmpi ne, %convert_element_type3A_27, %cond3A_28 : i32
    scf.if %cond3A_29 {
      "tpu.region"() ({
        %run_scoped3A = tpu.sem_alloc : memref<!tpu.dma_semaphore, #tpu.memory_space<semaphore_mem>>
        %dma_start3A = arith.constant 0 : i32
        %dma_start3A_30 = tpu.memref_slice %arg7[%mul3A_22, %dma_start3A] : memref<10240x64xf32, #tpu.memory_space<hbm>> -> memref<640x64xf32, #tpu.memory_space<hbm>>
        %dma_start3A_31 = arith.constant 0 : i32
        %dma_start3A_32 = tpu.memref_slice %arg12[%mul3A_22, %dma_start3A_31] : memref<10240x64xf32, #tpu.memory_space<vmem_shared>> -> memref<640x64xf32, #tpu.memory_space<vmem_shared>>
        tpu.enqueue_dma source(%dma_start3A_32 : memref<640x64xf32, #tpu.memory_space<vmem_shared>>) target(%dma_start3A_30 : memref<640x64xf32, #tpu.memory_space<hbm>>) target_semaphore(%run_scoped3A : memref<!tpu.dma_semaphore, #tpu.memory_space<semaphore_mem>>)
        %dma_wait3A = arith.constant 0 : i32
        %dma_wait3A_33 = tpu.memref_slice %arg7[%mul3A_22, %dma_wait3A] : memref<10240x64xf32, #tpu.memory_space<hbm>> -> memref<640x64xf32, #tpu.memory_space<hbm>>
        %dma_wait3A_34 = arith.constant 0 : i32
        %dma_wait3A_35 = tpu.memref_slice %arg12[%mul3A_22, %dma_wait3A_34] : memref<10240x64xf32, #tpu.memory_space<vmem_shared>> -> memref<640x64xf32, #tpu.memory_space<vmem_shared>>
        tpu.wait_dma2 semaphore(%run_scoped3A : memref<!tpu.dma_semaphore, #tpu.memory_space<semaphore_mem>>) src(%dma_wait3A_35 : memref<640x64xf32, #tpu.memory_space<vmem_shared>>) dst(%dma_wait3A_33 : memref<640x64xf32, #tpu.memory_space<hbm>>)
        tpu.yield
      }) : () -> ()
    } else {
    }
    return
  }
}

#map = affine_map<(d0, d1) -> (0, 0)>
#map1 = affine_map<(d0, d1) -> (0, 0, 0)>
module attributes {stable_mosaic.version = 14 : i64} {
  func.func @agg(%arg0: i32, %arg1: i32, %arg2: memref<10000x64xf32, #tpu.memory_space<hbm>>, %arg3: memref<10000x64xf32, #tpu.memory_space<hbm>>, %arg4: memref<16x250x80xi32, #tpu.memory_space<hbm>>, %arg5: memref<16x250x80xi32, #tpu.memory_space<hbm>>, %arg6: memref<10240x64xf32, #tpu.memory_space<hbm>>, %arg7: memref<10240x64xf32, #tpu.memory_space<hbm>>, %arg8: memref<250x80xi32, #tpu.memory_space<vmem>>, %arg9: memref<250x80xi32, #tpu.memory_space<vmem>>, %arg10: memref<80x64xf32, #tpu.memory_space<vmem>>, %arg11: memref<128x64xf32, #tpu.memory_space<vmem>>, %arg12: memref<10240x64xf32, #tpu.memory_space<vmem_shared>>, %arg13: memref<!tpu.dma_semaphore, #tpu.memory_space<semaphore_mem>>) attributes {dimension_semantics = [#tpu.dimension_semantics<core_parallel>, #tpu.dimension_semantics<subcore_parallel>], iteration_bounds = array<i64: 2, 16>, scalar_prefetch = 0 : i64, scratch_operands = 6 : i64, tpu.core_type = #tpu.core_type<sc_vector_subcore>, window_params = [{transform_indices = #map}, {transform_indices = #map}, {transform_indices = #map1}, {transform_indices = #map1}, {transform_indices = #map}, {transform_indices = #map}]} {
    "tpu.region"() ({
      %run_scoped3A = tpu.sem_alloc : memref<!tpu.dma_semaphore, #tpu.memory_space<semaphore_mem>>
      %dma_start3A = arith.constant 0 : i32
      %dma_start3A_30 = arith.constant 0 : i32
      %dma_start3A_31 = tpu.memref_slice %arg4[%arg1, %dma_start3A, %dma_start3A_30] : memref<16x250x80xi32, #tpu.memory_space<hbm>> -> memref<1x250x80xi32, #tpu.memory_space<hbm>>
      %dma_start3A_32 = tpu.memref_squeeze %dma_start3A_31 : memref<1x250x80xi32, #tpu.memory_space<hbm>> -> memref<250x80xi32, #tpu.memory_space<hbm>>
      %dma_start3A_33 = arith.constant 0 : i32
      %dma_start3A_34 = arith.constant 0 : i32
      %dma_start3A_35 = tpu.memref_slice %arg4[%arg1, %dma_start3A_33, %dma_start3A_34] : memref<16x250x80xi32, #tpu.memory_space<hbm>> -> memref<1x250x80xi32, #tpu.memory_space<hbm>>
      %dma_start3A_36 = tpu.memref_squeeze %dma_start3A_35 : memref<1x250x80xi32, #tpu.memory_space<hbm>> -> memref<250x80xi32, #tpu.memory_space<hbm>>
      tpu.enqueue_dma source(%dma_start3A_36 : memref<250x80xi32, #tpu.memory_space<hbm>>) target(%arg8 : memref<250x80xi32, #tpu.memory_space<vmem>>) target_semaphore(%run_scoped3A : memref<!tpu.dma_semaphore, #tpu.memory_space<semaphore_mem>>)
      %dma_wait3A = arith.constant 0 : i32
      %dma_wait3A_37 = arith.constant 0 : i32
      %dma_wait3A_38 = tpu.memref_slice %arg4[%arg1, %dma_wait3A, %dma_wait3A_37] : memref<16x250x80xi32, #tpu.memory_space<hbm>> -> memref<1x250x80xi32, #tpu.memory_space<hbm>>
      %dma_wait3A_39 = tpu.memref_squeeze %dma_wait3A_38 : memref<1x250x80xi32, #tpu.memory_space<hbm>> -> memref<250x80xi32, #tpu.memory_space<hbm>>
      %dma_wait3A_40 = arith.constant 0 : i32
      %dma_wait3A_41 = arith.constant 0 : i32
      %dma_wait3A_42 = tpu.memref_slice %arg4[%arg1, %dma_wait3A_40, %dma_wait3A_41] : memref<16x250x80xi32, #tpu.memory_space<hbm>> -> memref<1x250x80xi32, #tpu.memory_space<hbm>>
      %dma_wait3A_43 = tpu.memref_squeeze %dma_wait3A_42 : memref<1x250x80xi32, #tpu.memory_space<hbm>> -> memref<250x80xi32, #tpu.memory_space<hbm>>
      tpu.wait_dma2 semaphore(%run_scoped3A : memref<!tpu.dma_semaphore, #tpu.memory_space<semaphore_mem>>) src(%dma_wait3A_43 : memref<250x80xi32, #tpu.memory_space<hbm>>) dst(%arg8 : memref<250x80xi32, #tpu.memory_space<vmem>>)
      tpu.yield
    }) : () -> ()
    "tpu.region"() ({
      %run_scoped3A = tpu.sem_alloc : memref<!tpu.dma_semaphore, #tpu.memory_space<semaphore_mem>>
      %dma_start3A = arith.constant 0 : i32
      %dma_start3A_30 = arith.constant 0 : i32
      %dma_start3A_31 = tpu.memref_slice %arg5[%arg1, %dma_start3A, %dma_start3A_30] : memref<16x250x80xi32, #tpu.memory_space<hbm>> -> memref<1x250x80xi32, #tpu.memory_space<hbm>>
      %dma_start3A_32 = tpu.memref_squeeze %dma_start3A_31 : memref<1x250x80xi32, #tpu.memory_space<hbm>> -> memref<250x80xi32, #tpu.memory_space<hbm>>
      %dma_start3A_33 = arith.constant 0 : i32
      %dma_start3A_34 = arith.constant 0 : i32
      %dma_start3A_35 = tpu.memref_slice %arg5[%arg1, %dma_start3A_33, %dma_start3A_34] : memref<16x250x80xi32, #tpu.memory_space<hbm>> -> memref<1x250x80xi32, #tpu.memory_space<hbm>>
      %dma_start3A_36 = tpu.memref_squeeze %dma_start3A_35 : memref<1x250x80xi32, #tpu.memory_space<hbm>> -> memref<250x80xi32, #tpu.memory_space<hbm>>
      tpu.enqueue_dma source(%dma_start3A_36 : memref<250x80xi32, #tpu.memory_space<hbm>>) target(%arg9 : memref<250x80xi32, #tpu.memory_space<vmem>>) target_semaphore(%run_scoped3A : memref<!tpu.dma_semaphore, #tpu.memory_space<semaphore_mem>>)
      %dma_wait3A = arith.constant 0 : i32
      %dma_wait3A_37 = arith.constant 0 : i32
      %dma_wait3A_38 = tpu.memref_slice %arg5[%arg1, %dma_wait3A, %dma_wait3A_37] : memref<16x250x80xi32, #tpu.memory_space<hbm>> -> memref<1x250x80xi32, #tpu.memory_space<hbm>>
      %dma_wait3A_39 = tpu.memref_squeeze %dma_wait3A_38 : memref<1x250x80xi32, #tpu.memory_space<hbm>> -> memref<250x80xi32, #tpu.memory_space<hbm>>
      %dma_wait3A_40 = arith.constant 0 : i32
      %dma_wait3A_41 = arith.constant 0 : i32
      %dma_wait3A_42 = tpu.memref_slice %arg5[%arg1, %dma_wait3A_40, %dma_wait3A_41] : memref<16x250x80xi32, #tpu.memory_space<hbm>> -> memref<1x250x80xi32, #tpu.memory_space<hbm>>
      %dma_wait3A_43 = tpu.memref_squeeze %dma_wait3A_42 : memref<1x250x80xi32, #tpu.memory_space<hbm>> -> memref<250x80xi32, #tpu.memory_space<hbm>>
      tpu.wait_dma2 semaphore(%run_scoped3A : memref<!tpu.dma_semaphore, #tpu.memory_space<semaphore_mem>>) src(%dma_wait3A_43 : memref<250x80xi32, #tpu.memory_space<hbm>>) dst(%arg9 : memref<250x80xi32, #tpu.memory_space<vmem>>)
      tpu.yield
    }) : () -> ()
    %broadcast_in_dim3A = arith.constant 0.000000e+00 : f32
    %broadcast_in_dim3A_0 = vector.broadcast %broadcast_in_dim3A : f32 to vector<16xf32>
    %scan3A = arith.constant 0 : i32
    %scan3A_1 = arith.constant 0 : i32
    %scan3A_2 = arith.constant 128 : i32
    %scan3A_3 = arith.addi %scan3A_1, %scan3A_2 : i32
    %scan3A_4 = arith.constant 1 : i32
    %scan3A_5 = scf.for %scan3A_30 = %scan3A_1 to %scan3A_3 step %scan3A_4 iter_args(%scan3A_31 = %scan3A) -> (i32)  : i32 {
      %scan3A_32 = arith.constant 0 : i32
      %scan3A_33 = arith.constant 0 : i32
      %scan3A_34 = arith.constant 4 : i32
      %scan3A_35 = arith.addi %scan3A_33, %scan3A_34 : i32
      %scan3A_36 = arith.constant 1 : i32
      %scan3A_37 = scf.for %scan3A_39 = %scan3A_33 to %scan3A_35 step %scan3A_36 iter_args(%scan3A_40 = %scan3A_32) -> (i32)  : i32 {
        %mul3A_41 = arith.constant 16 : i32
        %mul3A_42 = arith.muli %scan3A_39, %mul3A_41 : i32
        %swap3A = arith.index_cast %scan3A_30 : i32 to index
        %swap3A_43 = arith.index_cast %mul3A_42 : i32 to index
        %swap3A_44 = tpu.vector_load %arg11[%swap3A, %swap3A_43] {strides = array<i32>} : memref<128x64xf32, #tpu.memory_space<vmem>>, vector<1x16xf32>,
        %swap3A_45 = vector.shape_cast %swap3A_44 : vector<1x16xf32> to vector<16xf32>
        %swap3A_46 = vector.shape_cast %broadcast_in_dim3A_0 : vector<16xf32> to vector<1x16xf32>
        tpu.vector_store %arg11[%swap3A, %swap3A_43], %swap3A_46 {strides = array<i32>} : memref<128x64xf32, #tpu.memory_space<vmem>>, vector<1x16xf32>,
        %scan3A_47 = arith.constant 0 : i32
        scf.yield %scan3A_47 : i32
      }
      %scan3A_38 = arith.constant 4 : i32
      scf.yield %scan3A_37 : i32
    }
    %scan3A_6 = arith.constant 128 : i32
    %scan3A_7 = arith.constant 0 : i32
    %scan3A_8 = arith.constant 0 : i32
    %scan3A_9 = arith.constant 5 : i32
    %scan3A_10 = arith.addi %scan3A_8, %scan3A_9 : i32
    %scan3A_11 = arith.constant 1 : i32
    %scan3A_12 = scf.for %scan3A_30 = %scan3A_8 to %scan3A_10 step %scan3A_11 iter_args(%scan3A_31 = %scan3A_7) -> (i32)  : i32 {
      %mul3A_32 = arith.constant 640 : i32
      %mul3A_33 = arith.muli %arg1, %mul3A_32 : i32
      %mul3A_34 = arith.constant 128 : i32
      %mul3A_35 = arith.muli %scan3A_30, %mul3A_34 : i32
      %add3A = arith.addi %mul3A_33, %mul3A_35 : i32
      "tpu.region"() ({
        %run_scoped3A = tpu.sem_alloc : memref<!tpu.dma_semaphore, #tpu.memory_space<semaphore_mem>>
        %dma_start3A = arith.constant 0 : i32
        %dma_start3A_37 = tpu.memref_slice %arg12[%add3A, %dma_start3A] : memref<10240x64xf32, #tpu.memory_space<vmem_shared>> -> memref<128x64xf32, #tpu.memory_space<vmem_shared>>
        %dma_start3A_38 = arith.constant 0 : i32
        %dma_start3A_39 = tpu.memref_slice %arg12[%add3A, %dma_start3A_38] : memref<10240x64xf32, #tpu.memory_space<vmem_shared>> -> memref<128x64xf32, #tpu.memory_space<vmem_shared>>
        tpu.enqueue_dma source(%arg11 : memref<128x64xf32, #tpu.memory_space<vmem>>) target(%dma_start3A_39 : memref<128x64xf32, #tpu.memory_space<vmem_shared>>) target_semaphore(%run_scoped3A : memref<!tpu.dma_semaphore, #tpu.memory_space<semaphore_mem>>)
        %dma_wait3A = arith.constant 0 : i32
        %dma_wait3A_40 = tpu.memref_slice %arg12[%add3A, %dma_wait3A] : memref<10240x64xf32, #tpu.memory_space<vmem_shared>> -> memref<128x64xf32, #tpu.memory_space<vmem_shared>>
        %dma_wait3A_41 = arith.constant 0 : i32
        %dma_wait3A_42 = tpu.memref_slice %arg12[%add3A, %dma_wait3A_41] : memref<10240x64xf32, #tpu.memory_space<vmem_shared>> -> memref<128x64xf32, #tpu.memory_space<vmem_shared>>
        tpu.wait_dma2 semaphore(%run_scoped3A : memref<!tpu.dma_semaphore, #tpu.memory_space<semaphore_mem>>) src(%arg11 : memref<128x64xf32, #tpu.memory_space<vmem>>) dst(%dma_wait3A_42 : memref<128x64xf32, #tpu.memory_space<vmem_shared>>)
        tpu.yield
      }) : () -> ()
      %scan3A_36 = arith.constant 0 : i32
      scf.yield %scan3A_36 : i32
    }
    %scan3A_13 = arith.constant 5 : i32
    %barrier3A = arith.constant 0 : index
    tpu.barrier barrier_id(%barrier3A)
    %scan3A_14 = arith.constant 0 : i32
    %scan3A_15 = arith.constant 0 : i32
    %scan3A_16 = arith.constant 250 : i32
    %scan3A_17 = arith.addi %scan3A_15, %scan3A_16 : i32
    %scan3A_18 = arith.constant 1 : i32
    %scan3A_19 = scf.for %scan3A_30 = %scan3A_15 to %scan3A_17 step %scan3A_18 iter_args(%scan3A_31 = %scan3A_14) -> (i32)  : i32 {
      %eq3A_32 = arith.constant 0 : i32
      %eq3A_33 = arith.cmpi eq, %arg0, %eq3A_32 : i32
      %convert_element_type3A_34 = arith.extui %eq3A_33 : i1 to i32
      %cond3A_35 = arith.constant 0 : i32
      %cond3A_36 = arith.cmpi ne, %convert_element_type3A_34, %cond3A_35 : i32
      scf.if %cond3A_36 {
        %dma_start3A = arith.constant 0 : i32
        %dma_start3A_43 = tpu.memref_slice %arg8[%scan3A_30, %dma_start3A] : memref<250x80xi32, #tpu.memory_space<vmem>> -> memref<1x80xi32, #tpu.memory_space<vmem>>
        %dma_start3A_44 = tpu.memref_squeeze %dma_start3A_43 : memref<1x80xi32, #tpu.memory_space<vmem>> -> memref<80xi32, #tpu.memory_space<vmem>>
        %dma_start3A_45 = arith.constant 0 : i32
        %dma_start3A_46 = arith.constant 0 : i32
        %dma_start3A_47 = tpu.memref_slice %arg2[%dma_start3A_45, %dma_start3A_46] : memref<10000x64xf32, #tpu.memory_space<hbm>> -> memref<10000x64xf32, #tpu.memory_space<hbm>>
        tpu.enqueue_indirect_dma source(%dma_start3A_47 : memref<10000x64xf32, #tpu.memory_space<hbm>>) target(%arg10 : memref<80x64xf32, #tpu.memory_space<vmem>>) offsets(%dma_start3A_44 : memref<80xi32, #tpu.memory_space<vmem>>) semaphore(%arg13 : memref<!tpu.dma_semaphore, #tpu.memory_space<semaphore_mem>>)
        %dma_wait3A = arith.constant 0 : i32
        %dma_wait3A_48 = tpu.memref_slice %arg8[%scan3A_30, %dma_wait3A] : memref<250x80xi32, #tpu.memory_space<vmem>> -> memref<1x80xi32, #tpu.memory_space<vmem>>
        %dma_wait3A_49 = tpu.memref_squeeze %dma_wait3A_48 : memref<1x80xi32, #tpu.memory_space<vmem>> -> memref<80xi32, #tpu.memory_space<vmem>>
        %dma_wait3A_50 = arith.constant 0 : i32
        %dma_wait3A_51 = arith.constant 0 : i32
        %dma_wait3A_52 = tpu.memref_slice %arg2[%dma_wait3A_50, %dma_wait3A_51] : memref<10000x64xf32, #tpu.memory_space<hbm>> -> memref<10000x64xf32, #tpu.memory_space<hbm>>
        tpu.wait_indirect_dma semaphore(%arg13 : memref<!tpu.dma_semaphore, #tpu.memory_space<semaphore_mem>>) src(%dma_wait3A_52 : memref<10000x64xf32, #tpu.memory_space<hbm>>) dst(%arg10 : memref<80x64xf32, #tpu.memory_space<vmem>>)
      } else {
      }
      %eq3A_37 = arith.constant 1 : i32
      %eq3A_38 = arith.cmpi eq, %arg0, %eq3A_37 : i32
      %convert_element_type3A_39 = arith.extui %eq3A_38 : i1 to i32
      %cond3A_40 = arith.constant 0 : i32
      %cond3A_41 = arith.cmpi ne, %convert_element_type3A_39, %cond3A_40 : i32
      scf.if %cond3A_41 {
        %dma_start3A = arith.constant 0 : i32
        %dma_start3A_43 = tpu.memref_slice %arg8[%scan3A_30, %dma_start3A] : memref<250x80xi32, #tpu.memory_space<vmem>> -> memref<1x80xi32, #tpu.memory_space<vmem>>
        %dma_start3A_44 = tpu.memref_squeeze %dma_start3A_43 : memref<1x80xi32, #tpu.memory_space<vmem>> -> memref<80xi32, #tpu.memory_space<vmem>>
        %dma_start3A_45 = arith.constant 0 : i32
        %dma_start3A_46 = arith.constant 0 : i32
        %dma_start3A_47 = tpu.memref_slice %arg3[%dma_start3A_45, %dma_start3A_46] : memref<10000x64xf32, #tpu.memory_space<hbm>> -> memref<10000x64xf32, #tpu.memory_space<hbm>>
        tpu.enqueue_indirect_dma source(%dma_start3A_47 : memref<10000x64xf32, #tpu.memory_space<hbm>>) target(%arg10 : memref<80x64xf32, #tpu.memory_space<vmem>>) offsets(%dma_start3A_44 : memref<80xi32, #tpu.memory_space<vmem>>) semaphore(%arg13 : memref<!tpu.dma_semaphore, #tpu.memory_space<semaphore_mem>>)
        %dma_wait3A = arith.constant 0 : i32
        %dma_wait3A_48 = tpu.memref_slice %arg8[%scan3A_30, %dma_wait3A] : memref<250x80xi32, #tpu.memory_space<vmem>> -> memref<1x80xi32, #tpu.memory_space<vmem>>
        %dma_wait3A_49 = tpu.memref_squeeze %dma_wait3A_48 : memref<1x80xi32, #tpu.memory_space<vmem>> -> memref<80xi32, #tpu.memory_space<vmem>>
        %dma_wait3A_50 = arith.constant 0 : i32
        %dma_wait3A_51 = arith.constant 0 : i32
        %dma_wait3A_52 = tpu.memref_slice %arg3[%dma_wait3A_50, %dma_wait3A_51] : memref<10000x64xf32, #tpu.memory_space<hbm>> -> memref<10000x64xf32, #tpu.memory_space<hbm>>
        tpu.wait_indirect_dma semaphore(%arg13 : memref<!tpu.dma_semaphore, #tpu.memory_space<semaphore_mem>>) src(%dma_wait3A_52 : memref<10000x64xf32, #tpu.memory_space<hbm>>) dst(%arg10 : memref<80x64xf32, #tpu.memory_space<vmem>>)
      } else {
      }
      "tpu.region"() ({
        %run_scoped3A = tpu.sem_alloc : memref<!tpu.dma_semaphore, #tpu.memory_space<semaphore_mem>>
        %dma_start3A = arith.constant 0 : i32
        %dma_start3A_43 = tpu.memref_slice %arg9[%scan3A_30, %dma_start3A] : memref<250x80xi32, #tpu.memory_space<vmem>> -> memref<1x80xi32, #tpu.memory_space<vmem>>
        %dma_start3A_44 = tpu.memref_squeeze %dma_start3A_43 : memref<1x80xi32, #tpu.memory_space<vmem>> -> memref<80xi32, #tpu.memory_space<vmem>>
        %dma_start3A_45 = arith.constant 0 : i32
        %dma_start3A_46 = arith.constant 0 : i32
        %dma_start3A_47 = tpu.memref_slice %arg12[%dma_start3A_45, %dma_start3A_46] : memref<10240x64xf32, #tpu.memory_space<vmem_shared>> -> memref<10240x64xf32, #tpu.memory_space<vmem_shared>>
        tpu.enqueue_indirect_dma source(%arg10 : memref<80x64xf32, #tpu.memory_space<vmem>>) target(%dma_start3A_47 : memref<10240x64xf32, #tpu.memory_space<vmem_shared>>) offsets(%dma_start3A_44 : memref<80xi32, #tpu.memory_space<vmem>>) semaphore(%run_scoped3A : memref<!tpu.dma_semaphore, #tpu.memory_space<semaphore_mem>>) {add = true}
        %dma_wait3A = arith.constant 0 : i32
        %dma_wait3A_48 = tpu.memref_slice %arg9[%scan3A_30, %dma_wait3A] : memref<250x80xi32, #tpu.memory_space<vmem>> -> memref<1x80xi32, #tpu.memory_space<vmem>>
        %dma_wait3A_49 = tpu.memref_squeeze %dma_wait3A_48 : memref<1x80xi32, #tpu.memory_space<vmem>> -> memref<80xi32, #tpu.memory_space<vmem>>
        %dma_wait3A_50 = arith.constant 0 : i32
        %dma_wait3A_51 = arith.constant 0 : i32
        %dma_wait3A_52 = tpu.memref_slice %arg12[%dma_wait3A_50, %dma_wait3A_51] : memref<10240x64xf32, #tpu.memory_space<vmem_shared>> -> memref<10240x64xf32, #tpu.memory_space<vmem_shared>>
        tpu.wait_indirect_dma semaphore(%run_scoped3A : memref<!tpu.dma_semaphore, #tpu.memory_space<semaphore_mem>>) src(%arg10 : memref<80x64xf32, #tpu.memory_space<vmem>>) dst(%dma_wait3A_52 : memref<10240x64xf32, #tpu.memory_space<vmem_shared>>)
        tpu.yield
      }) : () -> ()
      %scan3A_42 = arith.constant 0 : i32
      scf.yield %scan3A_42 : i32
    }
    %scan3A_20 = arith.constant 250 : i32
    %barrier3A_21 = arith.constant 0 : index
    tpu.barrier barrier_id(%barrier3A_21)
    %mul3A = arith.constant 640 : i32
    %mul3A_22 = arith.muli %arg1, %mul3A : i32
    %eq3A = arith.constant 0 : i32
    %eq3A_23 = arith.cmpi eq, %arg0, %eq3A : i32
    %convert_element_type3A = arith.extui %eq3A_23 : i1 to i32
    %cond3A = arith.constant 0 : i32
    %cond3A_24 = arith.cmpi ne, %convert_element_type3A, %cond3A : i32
    scf.if %cond3A_24 {
      "tpu.region"() ({
        %run_scoped3A = tpu.sem_alloc : memref<!tpu.dma_semaphore, #tpu.memory_space<semaphore_mem>>
        %dma_start3A = arith.constant 0 : i32
        %dma_start3A_30 = tpu.memref_slice %arg6[%mul3A_22, %dma_start3A] : memref<10240x64xf32, #tpu.memory_space<hbm>> -> memref<640x64xf32, #tpu.memory_space<hbm>>
        %dma_start3A_31 = arith.constant 0 : i32
        %dma_start3A_32 = tpu.memref_slice %arg12[%mul3A_22, %dma_start3A_31] : memref<10240x64xf32, #tpu.memory_space<vmem_shared>> -> memref<640x64xf32, #tpu.memory_space<vmem_shared>>
        tpu.enqueue_dma source(%dma_start3A_32 : memref<640x64xf32, #tpu.memory_space<vmem_shared>>) target(%dma_start3A_30 : memref<640x64xf32, #tpu.memory_space<hbm>>) target_semaphore(%run_scoped3A : memref<!tpu.dma_semaphore, #tpu.memory_space<semaphore_mem>>)
        %dma_wait3A = arith.constant 0 : i32
        %dma_wait3A_33 = tpu.memref_slice %arg6[%mul3A_22, %dma_wait3A] : memref<10240x64xf32, #tpu.memory_space<hbm>> -> memref<640x64xf32, #tpu.memory_space<hbm>>
        %dma_wait3A_34 = arith.constant 0 : i32
        %dma_wait3A_35 = tpu.memref_slice %arg12[%mul3A_22, %dma_wait3A_34] : memref<10240x64xf32, #tpu.memory_space<vmem_shared>> -> memref<640x64xf32, #tpu.memory_space<vmem_shared>>
        tpu.wait_dma2 semaphore(%run_scoped3A : memref<!tpu.dma_semaphore, #tpu.memory_space<semaphore_mem>>) src(%dma_wait3A_35 : memref<640x64xf32, #tpu.memory_space<vmem_shared>>) dst(%dma_wait3A_33 : memref<640x64xf32, #tpu.memory_space<hbm>>)
        tpu.yield
      }) : () -> ()
    } else {
    }
    %eq3A_25 = arith.constant 1 : i32
    %eq3A_26 = arith.cmpi eq, %arg0, %eq3A_25 : i32
    %convert_element_type3A_27 = arith.extui %eq3A_26 : i1 to i32
    %cond3A_28 = arith.constant 0 : i32
    %cond3A_29 = arith.cmpi ne, %convert_element_type3A_27, %cond3A_28 : i32
    scf.if %cond3A_29 {
      "tpu.region"() ({
        %run_scoped3A = tpu.sem_alloc : memref<!tpu.dma_semaphore, #tpu.memory_space<semaphore_mem>>
        %dma_start3A = arith.constant 0 : i32
        %dma_start3A_30 = tpu.memref_slice %arg7[%mul3A_22, %dma_start3A] : memref<10240x64xf32, #tpu.memory_space<hbm>> -> memref<640x64xf32, #tpu.memory_space<hbm>>
        %dma_start3A_31 = arith.constant 0 : i32
        %dma_start3A_32 = tpu.memref_slice %arg12[%mul3A_22, %dma_start3A_31] : memref<10240x64xf32, #tpu.memory_space<vmem_shared>> -> memref<640x64xf32, #tpu.memory_space<vmem_shared>>
        tpu.enqueue_dma source(%dma_start3A_32 : memref<640x64xf32, #tpu.memory_space<vmem_shared>>) target(%dma_start3A_30 : memref<640x64xf32, #tpu.memory_space<hbm>>) target_semaphore(%run_scoped3A : memref<!tpu.dma_semaphore, #tpu.memory_space<semaphore_mem>>)
        %dma_wait3A = arith.constant 0 : i32
        %dma_wait3A_33 = tpu.memref_slice %arg7[%mul3A_22, %dma_wait3A] : memref<10240x64xf32, #tpu.memory_space<hbm>> -> memref<640x64xf32, #tpu.memory_space<hbm>>
        %dma_wait3A_34 = arith.constant 0 : i32
        %dma_wait3A_35 = tpu.memref_slice %arg12[%mul3A_22, %dma_wait3A_34] : memref<10240x64xf32, #tpu.memory_space<vmem_shared>> -> memref<640x64xf32, #tpu.memory_space<vmem_shared>>
        tpu.wait_dma2 semaphore(%run_scoped3A : memref<!tpu.dma_semaphore, #tpu.memory_space<semaphore_mem>>) src(%dma_wait3A_35 : memref<640x64xf32, #tpu.memory_space<vmem_shared>>) dst(%dma_wait3A_33 : memref<640x64xf32, #tpu.memory_space<hbm>>)
        tpu.yield
      }) : () -> ()
    } else {
    }
    return
  }
}

#map = affine_map<(d0, d1) -> (0, 0, 0)>
#map1 = affine_map<(d0, d1) -> (0, 0)>
module attributes {stable_mosaic.version = 14 : i64} {
  func.func @deg(%arg0: i32, %arg1: i32, %arg2: memref<32x125x80xi32, #tpu.memory_space<hbm>>, %arg3: memref<32x125x80xi32, #tpu.memory_space<hbm>>, %arg4: memref<10240x16xf32, #tpu.memory_space<hbm>>, %arg5: memref<10240x16xf32, #tpu.memory_space<hbm>>, %arg6: memref<10240x16xf32, #tpu.memory_space<hbm>>, %arg7: memref<10240x16xf32, #tpu.memory_space<hbm>>, %arg8: memref<125x80xi32, #tpu.memory_space<vmem>>, %arg9: memref<125x80xi32, #tpu.memory_space<vmem>>, %arg10: memref<80x16xf32, #tpu.memory_space<vmem>>, %arg11: memref<128x16xf32, #tpu.memory_space<vmem>>, %arg12: memref<10240x16xf32, #tpu.memory_space<vmem_shared>>, %arg13: memref<10240x16xf32, #tpu.memory_space<vmem_shared>>) attributes {dimension_semantics = [#tpu.dimension_semantics<core_parallel>, #tpu.dimension_semantics<subcore_parallel>], iteration_bounds = array<i64: 2, 16>, scalar_prefetch = 0 : i64, scratch_operands = 6 : i64, tpu.core_type = #tpu.core_type<sc_vector_subcore>, window_params = [{transform_indices = #map}, {transform_indices = #map}, {transform_indices = #map1}, {transform_indices = #map1}, {transform_indices = #map1}, {transform_indices = #map1}]} {
    %mul3A = arith.constant 2 : i32
    %mul3A_0 = arith.muli %arg1, %mul3A : i32
    %add3A = arith.addi %mul3A_0, %arg0 : i32
    "tpu.region"() ({
      %run_scoped3A = tpu.sem_alloc : memref<!tpu.dma_semaphore, #tpu.memory_space<semaphore_mem>>
      %dma_start3A = arith.constant 0 : i32
      %dma_start3A_48 = arith.constant 0 : i32
      %dma_start3A_49 = tpu.memref_slice %arg2[%add3A, %dma_start3A, %dma_start3A_48] : memref<32x125x80xi32, #tpu.memory_space<hbm>> -> memref<1x125x80xi32, #tpu.memory_space<hbm>>
      %dma_start3A_50 = tpu.memref_squeeze %dma_start3A_49 : memref<1x125x80xi32, #tpu.memory_space<hbm>> -> memref<125x80xi32, #tpu.memory_space<hbm>>
      %dma_start3A_51 = arith.constant 0 : i32
      %dma_start3A_52 = arith.constant 0 : i32
      %dma_start3A_53 = tpu.memref_slice %arg2[%add3A, %dma_start3A_51, %dma_start3A_52] : memref<32x125x80xi32, #tpu.memory_space<hbm>> -> memref<1x125x80xi32, #tpu.memory_space<hbm>>
      %dma_start3A_54 = tpu.memref_squeeze %dma_start3A_53 : memref<1x125x80xi32, #tpu.memory_space<hbm>> -> memref<125x80xi32, #tpu.memory_space<hbm>>
      tpu.enqueue_dma source(%dma_start3A_54 : memref<125x80xi32, #tpu.memory_space<hbm>>) target(%arg8 : memref<125x80xi32, #tpu.memory_space<vmem>>) target_semaphore(%run_scoped3A : memref<!tpu.dma_semaphore, #tpu.memory_space<semaphore_mem>>)
      %dma_wait3A = arith.constant 0 : i32
      %dma_wait3A_55 = arith.constant 0 : i32
      %dma_wait3A_56 = tpu.memref_slice %arg2[%add3A, %dma_wait3A, %dma_wait3A_55] : memref<32x125x80xi32, #tpu.memory_space<hbm>> -> memref<1x125x80xi32, #tpu.memory_space<hbm>>
      %dma_wait3A_57 = tpu.memref_squeeze %dma_wait3A_56 : memref<1x125x80xi32, #tpu.memory_space<hbm>> -> memref<125x80xi32, #tpu.memory_space<hbm>>
      %dma_wait3A_58 = arith.constant 0 : i32
      %dma_wait3A_59 = arith.constant 0 : i32
      %dma_wait3A_60 = tpu.memref_slice %arg2[%add3A, %dma_wait3A_58, %dma_wait3A_59] : memref<32x125x80xi32, #tpu.memory_space<hbm>> -> memref<1x125x80xi32, #tpu.memory_space<hbm>>
      %dma_wait3A_61 = tpu.memref_squeeze %dma_wait3A_60 : memref<1x125x80xi32, #tpu.memory_space<hbm>> -> memref<125x80xi32, #tpu.memory_space<hbm>>
      tpu.wait_dma2 semaphore(%run_scoped3A : memref<!tpu.dma_semaphore, #tpu.memory_space<semaphore_mem>>) src(%dma_wait3A_61 : memref<125x80xi32, #tpu.memory_space<hbm>>) dst(%arg8 : memref<125x80xi32, #tpu.memory_space<vmem>>)
      tpu.yield
    }) : () -> ()
    "tpu.region"() ({
      %run_scoped3A = tpu.sem_alloc : memref<!tpu.dma_semaphore, #tpu.memory_space<semaphore_mem>>
      %dma_start3A = arith.constant 0 : i32
      %dma_start3A_48 = arith.constant 0 : i32
      %dma_start3A_49 = tpu.memref_slice %arg3[%add3A, %dma_start3A, %dma_start3A_48] : memref<32x125x80xi32, #tpu.memory_space<hbm>> -> memref<1x125x80xi32, #tpu.memory_space<hbm>>
      %dma_start3A_50 = tpu.memref_squeeze %dma_start3A_49 : memref<1x125x80xi32, #tpu.memory_space<hbm>> -> memref<125x80xi32, #tpu.memory_space<hbm>>
      %dma_start3A_51 = arith.constant 0 : i32
      %dma_start3A_52 = arith.constant 0 : i32
      %dma_start3A_53 = tpu.memref_slice %arg3[%add3A, %dma_start3A_51, %dma_start3A_52] : memref<32x125x80xi32, #tpu.memory_space<hbm>> -> memref<1x125x80xi32, #tpu.memory_space<hbm>>
      %dma_start3A_54 = tpu.memref_squeeze %dma_start3A_53 : memref<1x125x80xi32, #tpu.memory_space<hbm>> -> memref<125x80xi32, #tpu.memory_space<hbm>>
      tpu.enqueue_dma source(%dma_start3A_54 : memref<125x80xi32, #tpu.memory_space<hbm>>) target(%arg9 : memref<125x80xi32, #tpu.memory_space<vmem>>) target_semaphore(%run_scoped3A : memref<!tpu.dma_semaphore, #tpu.memory_space<semaphore_mem>>)
      %dma_wait3A = arith.constant 0 : i32
      %dma_wait3A_55 = arith.constant 0 : i32
      %dma_wait3A_56 = tpu.memref_slice %arg3[%add3A, %dma_wait3A, %dma_wait3A_55] : memref<32x125x80xi32, #tpu.memory_space<hbm>> -> memref<1x125x80xi32, #tpu.memory_space<hbm>>
      %dma_wait3A_57 = tpu.memref_squeeze %dma_wait3A_56 : memref<1x125x80xi32, #tpu.memory_space<hbm>> -> memref<125x80xi32, #tpu.memory_space<hbm>>
      %dma_wait3A_58 = arith.constant 0 : i32
      %dma_wait3A_59 = arith.constant 0 : i32
      %dma_wait3A_60 = tpu.memref_slice %arg3[%add3A, %dma_wait3A_58, %dma_wait3A_59] : memref<32x125x80xi32, #tpu.memory_space<hbm>> -> memref<1x125x80xi32, #tpu.memory_space<hbm>>
      %dma_wait3A_61 = tpu.memref_squeeze %dma_wait3A_60 : memref<1x125x80xi32, #tpu.memory_space<hbm>> -> memref<125x80xi32, #tpu.memory_space<hbm>>
      tpu.wait_dma2 semaphore(%run_scoped3A : memref<!tpu.dma_semaphore, #tpu.memory_space<semaphore_mem>>) src(%dma_wait3A_61 : memref<125x80xi32, #tpu.memory_space<hbm>>) dst(%arg9 : memref<125x80xi32, #tpu.memory_space<vmem>>)
      tpu.yield
    }) : () -> ()
    %broadcast_in_dim3A = arith.constant 1.000000e+00 : f32
    %broadcast_in_dim3A_1 = vector.broadcast %broadcast_in_dim3A : f32 to vector<16xf32>
    %scan3A = arith.constant 0 : i32
    %scan3A_2 = arith.constant 0 : i32
    %scan3A_3 = arith.constant 80 : i32
    %scan3A_4 = arith.addi %scan3A_2, %scan3A_3 : i32
    %scan3A_5 = arith.constant 1 : i32
    %scan3A_6 = scf.for %scan3A_48 = %scan3A_2 to %scan3A_4 step %scan3A_5 iter_args(%scan3A_49 = %scan3A) -> (i32)  : i32 {
      %swap3A = arith.index_cast %scan3A_48 : i32 to index
      %swap3A_50 = arith.constant 0 : index
      %swap3A_51 = tpu.vector_load %arg10[%swap3A, %swap3A_50] {strides = array<i32>} : memref<80x16xf32, #tpu.memory_space<vmem>>, vector<1x16xf32>,
      %swap3A_52 = vector.shape_cast %swap3A_51 : vector<1x16xf32> to vector<16xf32>
      %swap3A_53 = vector.shape_cast %broadcast_in_dim3A_1 : vector<16xf32> to vector<1x16xf32>
      tpu.vector_store %arg10[%swap3A, %swap3A_50], %swap3A_53 {strides = array<i32>} : memref<80x16xf32, #tpu.memory_space<vmem>>, vector<1x16xf32>,
      %scan3A_54 = arith.constant 0 : i32
      scf.yield %scan3A_54 : i32
    }
    %scan3A_7 = arith.constant 80 : i32
    %broadcast_in_dim3A_8 = arith.constant 0.000000e+00 : f32
    %broadcast_in_dim3A_9 = vector.broadcast %broadcast_in_dim3A_8 : f32 to vector<16xf32>
    %scan3A_10 = arith.constant 0 : i32
    %scan3A_11 = arith.constant 0 : i32
    %scan3A_12 = arith.constant 128 : i32
    %scan3A_13 = arith.addi %scan3A_11, %scan3A_12 : i32
    %scan3A_14 = arith.constant 1 : i32
    %scan3A_15 = scf.for %scan3A_48 = %scan3A_11 to %scan3A_13 step %scan3A_14 iter_args(%scan3A_49 = %scan3A_10) -> (i32)  : i32 {
      %scan3A_50 = arith.constant 0 : i32
      %scan3A_51 = arith.constant 0 : i32
      %mul3A_52 = arith.constant 16 : i32
      %mul3A_53 = arith.muli %scan3A_51, %mul3A_52 : i32
      %swap3A = arith.index_cast %scan3A_48 : i32 to index
      %swap3A_54 = arith.index_cast %mul3A_53 : i32 to index
      %swap3A_55 = tpu.vector_load %arg11[%swap3A, %swap3A_54] {strides = array<i32>} : memref<128x16xf32, #tpu.memory_space<vmem>>, vector<1x16xf32>,
      %swap3A_56 = vector.shape_cast %swap3A_55 : vector<1x16xf32> to vector<16xf32>
      %swap3A_57 = vector.shape_cast %broadcast_in_dim3A_9 : vector<16xf32> to vector<1x16xf32>
      tpu.vector_store %arg11[%swap3A, %swap3A_54], %swap3A_57 {strides = array<i32>} : memref<128x16xf32, #tpu.memory_space<vmem>>, vector<1x16xf32>,
      %scan3A_58 = arith.constant 0 : i32
      %scan3A_59 = arith.constant 1 : i32
      scf.yield %scan3A_58 : i32
    }
    %scan3A_16 = arith.constant 128 : i32
    %scan3A_17 = arith.constant 0 : i32
    %scan3A_18 = arith.constant 0 : i32
    %scan3A_19 = arith.constant 5 : i32
    %scan3A_20 = arith.addi %scan3A_18, %scan3A_19 : i32
    %scan3A_21 = arith.constant 1 : i32
    %scan3A_22 = scf.for %scan3A_48 = %scan3A_18 to %scan3A_20 step %scan3A_21 iter_args(%scan3A_49 = %scan3A_17) -> (i32)  : i32 {
      %mul3A_50 = arith.constant 640 : i32
      %mul3A_51 = arith.muli %arg1, %mul3A_50 : i32
      %mul3A_52 = arith.constant 128 : i32
      %mul3A_53 = arith.muli %scan3A_48, %mul3A_52 : i32
      %add3A_54 = arith.addi %mul3A_51, %mul3A_53 : i32
      "tpu.region"() ({
        %run_scoped3A = tpu.sem_alloc : memref<!tpu.dma_semaphore, #tpu.memory_space<semaphore_mem>>
        %dma_start3A = arith.constant 0 : i32
        %dma_start3A_56 = tpu.memref_slice %arg12[%add3A_54, %dma_start3A] : memref<10240x16xf32, #tpu.memory_space<vmem_shared>> -> memref<128x16xf32, #tpu.memory_space<vmem_shared>>
        %dma_start3A_57 = arith.constant 0 : i32
        %dma_start3A_58 = tpu.memref_slice %arg12[%add3A_54, %dma_start3A_57] : memref<10240x16xf32, #tpu.memory_space<vmem_shared>> -> memref<128x16xf32, #tpu.memory_space<vmem_shared>>
        tpu.enqueue_dma source(%arg11 : memref<128x16xf32, #tpu.memory_space<vmem>>) target(%dma_start3A_58 : memref<128x16xf32, #tpu.memory_space<vmem_shared>>) target_semaphore(%run_scoped3A : memref<!tpu.dma_semaphore, #tpu.memory_space<semaphore_mem>>)
        %dma_wait3A = arith.constant 0 : i32
        %dma_wait3A_59 = tpu.memref_slice %arg12[%add3A_54, %dma_wait3A] : memref<10240x16xf32, #tpu.memory_space<vmem_shared>> -> memref<128x16xf32, #tpu.memory_space<vmem_shared>>
        %dma_wait3A_60 = arith.constant 0 : i32
        %dma_wait3A_61 = tpu.memref_slice %arg12[%add3A_54, %dma_wait3A_60] : memref<10240x16xf32, #tpu.memory_space<vmem_shared>> -> memref<128x16xf32, #tpu.memory_space<vmem_shared>>
        tpu.wait_dma2 semaphore(%run_scoped3A : memref<!tpu.dma_semaphore, #tpu.memory_space<semaphore_mem>>) src(%arg11 : memref<128x16xf32, #tpu.memory_space<vmem>>) dst(%dma_wait3A_61 : memref<128x16xf32, #tpu.memory_space<vmem_shared>>)
        tpu.yield
      }) : () -> ()
      %scan3A_55 = arith.constant 0 : i32
      scf.yield %scan3A_55 : i32
    }
    %scan3A_23 = arith.constant 5 : i32
    %scan3A_24 = arith.constant 0 : i32
    %scan3A_25 = arith.constant 0 : i32
    %scan3A_26 = arith.constant 5 : i32
    %scan3A_27 = arith.addi %scan3A_25, %scan3A_26 : i32
    %scan3A_28 = arith.constant 1 : i32
    %scan3A_29 = scf.for %scan3A_48 = %scan3A_25 to %scan3A_27 step %scan3A_28 iter_args(%scan3A_49 = %scan3A_24) -> (i32)  : i32 {
      %mul3A_50 = arith.constant 640 : i32
      %mul3A_51 = arith.muli %arg1, %mul3A_50 : i32
      %mul3A_52 = arith.constant 128 : i32
      %mul3A_53 = arith.muli %scan3A_48, %mul3A_52 : i32
      %add3A_54 = arith.addi %mul3A_51, %mul3A_53 : i32
      "tpu.region"() ({
        %run_scoped3A = tpu.sem_alloc : memref<!tpu.dma_semaphore, #tpu.memory_space<semaphore_mem>>
        %dma_start3A = arith.constant 0 : i32
        %dma_start3A_56 = tpu.memref_slice %arg13[%add3A_54, %dma_start3A] : memref<10240x16xf32, #tpu.memory_space<vmem_shared>> -> memref<128x16xf32, #tpu.memory_space<vmem_shared>>
        %dma_start3A_57 = arith.constant 0 : i32
        %dma_start3A_58 = tpu.memref_slice %arg13[%add3A_54, %dma_start3A_57] : memref<10240x16xf32, #tpu.memory_space<vmem_shared>> -> memref<128x16xf32, #tpu.memory_space<vmem_shared>>
        tpu.enqueue_dma source(%arg11 : memref<128x16xf32, #tpu.memory_space<vmem>>) target(%dma_start3A_58 : memref<128x16xf32, #tpu.memory_space<vmem_shared>>) target_semaphore(%run_scoped3A : memref<!tpu.dma_semaphore, #tpu.memory_space<semaphore_mem>>)
        %dma_wait3A = arith.constant 0 : i32
        %dma_wait3A_59 = tpu.memref_slice %arg13[%add3A_54, %dma_wait3A] : memref<10240x16xf32, #tpu.memory_space<vmem_shared>> -> memref<128x16xf32, #tpu.memory_space<vmem_shared>>
        %dma_wait3A_60 = arith.constant 0 : i32
        %dma_wait3A_61 = tpu.memref_slice %arg13[%add3A_54, %dma_wait3A_60] : memref<10240x16xf32, #tpu.memory_space<vmem_shared>> -> memref<128x16xf32, #tpu.memory_space<vmem_shared>>
        tpu.wait_dma2 semaphore(%run_scoped3A : memref<!tpu.dma_semaphore, #tpu.memory_space<semaphore_mem>>) src(%arg11 : memref<128x16xf32, #tpu.memory_space<vmem>>) dst(%dma_wait3A_61 : memref<128x16xf32, #tpu.memory_space<vmem_shared>>)
        tpu.yield
      }) : () -> ()
      %scan3A_55 = arith.constant 0 : i32
      scf.yield %scan3A_55 : i32
    }
    %scan3A_30 = arith.constant 5 : i32
    %barrier3A = arith.constant 0 : index
    tpu.barrier barrier_id(%barrier3A)
    %scan3A_31 = arith.constant 0 : i32
    %scan3A_32 = arith.constant 0 : i32
    %scan3A_33 = arith.constant 125 : i32
    %scan3A_34 = arith.addi %scan3A_32, %scan3A_33 : i32
    %scan3A_35 = arith.constant 1 : i32
    %scan3A_36 = scf.for %scan3A_48 = %scan3A_32 to %scan3A_34 step %scan3A_35 iter_args(%scan3A_49 = %scan3A_31) -> (i32)  : i32 {
      "tpu.region"() ({
        %run_scoped3A = tpu.sem_alloc : memref<!tpu.dma_semaphore, #tpu.memory_space<semaphore_mem>>
        %dma_start3A = arith.constant 0 : i32
        %dma_start3A_51 = tpu.memref_slice %arg8[%scan3A_48, %dma_start3A] : memref<125x80xi32, #tpu.memory_space<vmem>> -> memref<1x80xi32, #tpu.memory_space<vmem>>
        %dma_start3A_52 = tpu.memref_squeeze %dma_start3A_51 : memref<1x80xi32, #tpu.memory_space<vmem>> -> memref<80xi32, #tpu.memory_space<vmem>>
        %dma_start3A_53 = arith.constant 0 : i32
        %dma_start3A_54 = arith.constant 0 : i32
        %dma_start3A_55 = tpu.memref_slice %arg12[%dma_start3A_53, %dma_start3A_54] : memref<10240x16xf32, #tpu.memory_space<vmem_shared>> -> memref<10240x16xf32, #tpu.memory_space<vmem_shared>>
        tpu.enqueue_indirect_dma source(%arg10 : memref<80x16xf32, #tpu.memory_space<vmem>>) target(%dma_start3A_55 : memref<10240x16xf32, #tpu.memory_space<vmem_shared>>) offsets(%dma_start3A_52 : memref<80xi32, #tpu.memory_space<vmem>>) semaphore(%run_scoped3A : memref<!tpu.dma_semaphore, #tpu.memory_space<semaphore_mem>>) {add = true}
        %dma_wait3A = arith.constant 0 : i32
        %dma_wait3A_56 = tpu.memref_slice %arg8[%scan3A_48, %dma_wait3A] : memref<125x80xi32, #tpu.memory_space<vmem>> -> memref<1x80xi32, #tpu.memory_space<vmem>>
        %dma_wait3A_57 = tpu.memref_squeeze %dma_wait3A_56 : memref<1x80xi32, #tpu.memory_space<vmem>> -> memref<80xi32, #tpu.memory_space<vmem>>
        %dma_wait3A_58 = arith.constant 0 : i32
        %dma_wait3A_59 = arith.constant 0 : i32
        %dma_wait3A_60 = tpu.memref_slice %arg12[%dma_wait3A_58, %dma_wait3A_59] : memref<10240x16xf32, #tpu.memory_space<vmem_shared>> -> memref<10240x16xf32, #tpu.memory_space<vmem_shared>>
        tpu.wait_indirect_dma semaphore(%run_scoped3A : memref<!tpu.dma_semaphore, #tpu.memory_space<semaphore_mem>>) src(%arg10 : memref<80x16xf32, #tpu.memory_space<vmem>>) dst(%dma_wait3A_60 : memref<10240x16xf32, #tpu.memory_space<vmem_shared>>)
        tpu.yield
      }) : () -> ()
      "tpu.region"() ({
        %run_scoped3A = tpu.sem_alloc : memref<!tpu.dma_semaphore, #tpu.memory_space<semaphore_mem>>
        %dma_start3A = arith.constant 0 : i32
        %dma_start3A_51 = tpu.memref_slice %arg9[%scan3A_48, %dma_start3A] : memref<125x80xi32, #tpu.memory_space<vmem>> -> memref<1x80xi32, #tpu.memory_space<vmem>>
        %dma_start3A_52 = tpu.memref_squeeze %dma_start3A_51 : memref<1x80xi32, #tpu.memory_space<vmem>> -> memref<80xi32, #tpu.memory_space<vmem>>
        %dma_start3A_53 = arith.constant 0 : i32
        %dma_start3A_54 = arith.constant 0 : i32
        %dma_start3A_55 = tpu.memref_slice %arg13[%dma_start3A_53, %dma_start3A_54] : memref<10240x16xf32, #tpu.memory_space<vmem_shared>> -> memref<10240x16xf32, #tpu.memory_space<vmem_shared>>
        tpu.enqueue_indirect_dma source(%arg10 : memref<80x16xf32, #tpu.memory_space<vmem>>) target(%dma_start3A_55 : memref<10240x16xf32, #tpu.memory_space<vmem_shared>>) offsets(%dma_start3A_52 : memref<80xi32, #tpu.memory_space<vmem>>) semaphore(%run_scoped3A : memref<!tpu.dma_semaphore, #tpu.memory_space<semaphore_mem>>) {add = true}
        %dma_wait3A = arith.constant 0 : i32
        %dma_wait3A_56 = tpu.memref_slice %arg9[%scan3A_48, %dma_wait3A] : memref<125x80xi32, #tpu.memory_space<vmem>> -> memref<1x80xi32, #tpu.memory_space<vmem>>
        %dma_wait3A_57 = tpu.memref_squeeze %dma_wait3A_56 : memref<1x80xi32, #tpu.memory_space<vmem>> -> memref<80xi32, #tpu.memory_space<vmem>>
        %dma_wait3A_58 = arith.constant 0 : i32
        %dma_wait3A_59 = arith.constant 0 : i32
        %dma_wait3A_60 = tpu.memref_slice %arg13[%dma_wait3A_58, %dma_wait3A_59] : memref<10240x16xf32, #tpu.memory_space<vmem_shared>> -> memref<10240x16xf32, #tpu.memory_space<vmem_shared>>
        tpu.wait_indirect_dma semaphore(%run_scoped3A : memref<!tpu.dma_semaphore, #tpu.memory_space<semaphore_mem>>) src(%arg10 : memref<80x16xf32, #tpu.memory_space<vmem>>) dst(%dma_wait3A_60 : memref<10240x16xf32, #tpu.memory_space<vmem_shared>>)
        tpu.yield
      }) : () -> ()
      %scan3A_50 = arith.constant 0 : i32
      scf.yield %scan3A_50 : i32
    }
    %scan3A_37 = arith.constant 125 : i32
    %barrier3A_38 = arith.constant 0 : index
    tpu.barrier barrier_id(%barrier3A_38)
    %mul3A_39 = arith.constant 640 : i32
    %mul3A_40 = arith.muli %arg1, %mul3A_39 : i32
    %eq3A = arith.constant 0 : i32
    %eq3A_41 = arith.cmpi eq, %arg0, %eq3A : i32
    %convert_element_type3A = arith.extui %eq3A_41 : i1 to i32
    %cond3A = arith.constant 0 : i32
    %cond3A_42 = arith.cmpi ne, %convert_element_type3A, %cond3A : i32
    scf.if %cond3A_42 {
      "tpu.region"() ({
        %run_scoped3A = tpu.sem_alloc : memref<!tpu.dma_semaphore, #tpu.memory_space<semaphore_mem>>
        %dma_start3A = arith.constant 0 : i32
        %dma_start3A_48 = tpu.memref_slice %arg4[%mul3A_40, %dma_start3A] : memref<10240x16xf32, #tpu.memory_space<hbm>> -> memref<640x16xf32, #tpu.memory_space<hbm>>
        %dma_start3A_49 = arith.constant 0 : i32
        %dma_start3A_50 = tpu.memref_slice %arg12[%mul3A_40, %dma_start3A_49] : memref<10240x16xf32, #tpu.memory_space<vmem_shared>> -> memref<640x16xf32, #tpu.memory_space<vmem_shared>>
        tpu.enqueue_dma source(%dma_start3A_50 : memref<640x16xf32, #tpu.memory_space<vmem_shared>>) target(%dma_start3A_48 : memref<640x16xf32, #tpu.memory_space<hbm>>) target_semaphore(%run_scoped3A : memref<!tpu.dma_semaphore, #tpu.memory_space<semaphore_mem>>)
        %dma_wait3A = arith.constant 0 : i32
        %dma_wait3A_51 = tpu.memref_slice %arg4[%mul3A_40, %dma_wait3A] : memref<10240x16xf32, #tpu.memory_space<hbm>> -> memref<640x16xf32, #tpu.memory_space<hbm>>
        %dma_wait3A_52 = arith.constant 0 : i32
        %dma_wait3A_53 = tpu.memref_slice %arg12[%mul3A_40, %dma_wait3A_52] : memref<10240x16xf32, #tpu.memory_space<vmem_shared>> -> memref<640x16xf32, #tpu.memory_space<vmem_shared>>
        tpu.wait_dma2 semaphore(%run_scoped3A : memref<!tpu.dma_semaphore, #tpu.memory_space<semaphore_mem>>) src(%dma_wait3A_53 : memref<640x16xf32, #tpu.memory_space<vmem_shared>>) dst(%dma_wait3A_51 : memref<640x16xf32, #tpu.memory_space<hbm>>)
        tpu.yield
      }) : () -> ()
      "tpu.region"() ({
        %run_scoped3A = tpu.sem_alloc : memref<!tpu.dma_semaphore, #tpu.memory_space<semaphore_mem>>
        %dma_start3A = arith.constant 0 : i32
        %dma_start3A_48 = tpu.memref_slice %arg6[%mul3A_40, %dma_start3A] : memref<10240x16xf32, #tpu.memory_space<hbm>> -> memref<640x16xf32, #tpu.memory_space<hbm>>
        %dma_start3A_49 = arith.constant 0 : i32
        %dma_start3A_50 = tpu.memref_slice %arg13[%mul3A_40, %dma_start3A_49] : memref<10240x16xf32, #tpu.memory_space<vmem_shared>> -> memref<640x16xf32, #tpu.memory_space<vmem_shared>>
        tpu.enqueue_dma source(%dma_start3A_50 : memref<640x16xf32, #tpu.memory_space<vmem_shared>>) target(%dma_start3A_48 : memref<640x16xf32, #tpu.memory_space<hbm>>) target_semaphore(%run_scoped3A : memref<!tpu.dma_semaphore, #tpu.memory_space<semaphore_mem>>)
        %dma_wait3A = arith.constant 0 : i32
        %dma_wait3A_51 = tpu.memref_slice %arg6[%mul3A_40, %dma_wait3A] : memref<10240x16xf32, #tpu.memory_space<hbm>> -> memref<640x16xf32, #tpu.memory_space<hbm>>
        %dma_wait3A_52 = arith.constant 0 : i32
        %dma_wait3A_53 = tpu.memref_slice %arg13[%mul3A_40, %dma_wait3A_52] : memref<10240x16xf32, #tpu.memory_space<vmem_shared>> -> memref<640x16xf32, #tpu.memory_space<vmem_shared>>
        tpu.wait_dma2 semaphore(%run_scoped3A : memref<!tpu.dma_semaphore, #tpu.memory_space<semaphore_mem>>) src(%dma_wait3A_53 : memref<640x16xf32, #tpu.memory_space<vmem_shared>>) dst(%dma_wait3A_51 : memref<640x16xf32, #tpu.memory_space<hbm>>)
        tpu.yield
      }) : () -> ()
    } else {
    }
    %eq3A_43 = arith.constant 1 : i32
    %eq3A_44 = arith.cmpi eq, %arg0, %eq3A_43 : i32
    %convert_element_type3A_45 = arith.extui %eq3A_44 : i1 to i32
    %cond3A_46 = arith.constant 0 : i32
    %cond3A_47 = arith.cmpi ne, %convert_element_type3A_45, %cond3A_46 : i32
    scf.if %cond3A_47 {
      "tpu.region"() ({
        %run_scoped3A = tpu.sem_alloc : memref<!tpu.dma_semaphore, #tpu.memory_space<semaphore_mem>>
        %dma_start3A = arith.constant 0 : i32
        %dma_start3A_48 = tpu.memref_slice %arg5[%mul3A_40, %dma_start3A] : memref<10240x16xf32, #tpu.memory_space<hbm>> -> memref<640x16xf32, #tpu.memory_space<hbm>>
        %dma_start3A_49 = arith.constant 0 : i32
        %dma_start3A_50 = tpu.memref_slice %arg12[%mul3A_40, %dma_start3A_49] : memref<10240x16xf32, #tpu.memory_space<vmem_shared>> -> memref<640x16xf32, #tpu.memory_space<vmem_shared>>
        tpu.enqueue_dma source(%dma_start3A_50 : memref<640x16xf32, #tpu.memory_space<vmem_shared>>) target(%dma_start3A_48 : memref<640x16xf32, #tpu.memory_space<hbm>>) target_semaphore(%run_scoped3A : memref<!tpu.dma_semaphore, #tpu.memory_space<semaphore_mem>>)
        %dma_wait3A = arith.constant 0 : i32
        %dma_wait3A_51 = tpu.memref_slice %arg5[%mul3A_40, %dma_wait3A] : memref<10240x16xf32, #tpu.memory_space<hbm>> -> memref<640x16xf32, #tpu.memory_space<hbm>>
        %dma_wait3A_52 = arith.constant 0 : i32
        %dma_wait3A_53 = tpu.memref_slice %arg12[%mul3A_40, %dma_wait3A_52] : memref<10240x16xf32, #tpu.memory_space<vmem_shared>> -> memref<640x16xf32, #tpu.memory_space<vmem_shared>>
        tpu.wait_dma2 semaphore(%run_scoped3A : memref<!tpu.dma_semaphore, #tpu.memory_space<semaphore_mem>>) src(%dma_wait3A_53 : memref<640x16xf32, #tpu.memory_space<vmem_shared>>) dst(%dma_wait3A_51 : memref<640x16xf32, #tpu.memory_space<hbm>>)
        tpu.yield
      }) : () -> ()
      "tpu.region"() ({
        %run_scoped3A = tpu.sem_alloc : memref<!tpu.dma_semaphore, #tpu.memory_space<semaphore_mem>>
        %dma_start3A = arith.constant 0 : i32
        %dma_start3A_48 = tpu.memref_slice %arg7[%mul3A_40, %dma_start3A] : memref<10240x16xf32, #tpu.memory_space<hbm>> -> memref<640x16xf32, #tpu.memory_space<hbm>>
        %dma_start3A_49 = arith.constant 0 : i32
        %dma_start3A_50 = tpu.memref_slice %arg13[%mul3A_40, %dma_start3A_49] : memref<10240x16xf32, #tpu.memory_space<vmem_shared>> -> memref<640x16xf32, #tpu.memory_space<vmem_shared>>
        tpu.enqueue_dma source(%dma_start3A_50 : memref<640x16xf32, #tpu.memory_space<vmem_shared>>) target(%dma_start3A_48 : memref<640x16xf32, #tpu.memory_space<hbm>>) target_semaphore(%run_scoped3A : memref<!tpu.dma_semaphore, #tpu.memory_space<semaphore_mem>>)
        %dma_wait3A = arith.constant 0 : i32
        %dma_wait3A_51 = tpu.memref_slice %arg7[%mul3A_40, %dma_wait3A] : memref<10240x16xf32, #tpu.memory_space<hbm>> -> memref<640x16xf32, #tpu.memory_space<hbm>>
        %dma_wait3A_52 = arith.constant 0 : i32
        %dma_wait3A_53 = tpu.memref_slice %arg13[%mul3A_40, %dma_wait3A_52] : memref<10240x16xf32, #tpu.memory_space<vmem_shared>> -> memref<640x16xf32, #tpu.memory_space<vmem_shared>>
        tpu.wait_dma2 semaphore(%run_scoped3A : memref<!tpu.dma_semaphore, #tpu.memory_space<semaphore_mem>>) src(%dma_wait3A_53 : memref<640x16xf32, #tpu.memory_space<vmem_shared>>) dst(%dma_wait3A_51 : memref<640x16xf32, #tpu.memory_space<hbm>>)
        tpu.yield
      }) : () -> ()
    } else {
    }
    return
  }
}

#map = affine_map<(d0, d1) -> (0, 0)>
#map1 = affine_map<(d0, d1) -> (0, 0, 0)>
module attributes {stable_mosaic.version = 14 : i64} {
  func.func @agg(%arg0: i32, %arg1: i32, %arg2: memref<10000x64xf32, #tpu.memory_space<hbm>>, %arg3: memref<10000x64xf32, #tpu.memory_space<hbm>>, %arg4: memref<16x250x80xi32, #tpu.memory_space<hbm>>, %arg5: memref<16x250x80xi32, #tpu.memory_space<hbm>>, %arg6: memref<10240x64xf32, #tpu.memory_space<hbm>>, %arg7: memref<10240x64xf32, #tpu.memory_space<hbm>>, %arg8: memref<250x80xi32, #tpu.memory_space<vmem>>, %arg9: memref<250x80xi32, #tpu.memory_space<vmem>>, %arg10: memref<80x64xf32, #tpu.memory_space<vmem>>, %arg11: memref<128x64xf32, #tpu.memory_space<vmem>>, %arg12: memref<10240x64xf32, #tpu.memory_space<vmem_shared>>, %arg13: memref<!tpu.dma_semaphore, #tpu.memory_space<semaphore_mem>>) attributes {dimension_semantics = [#tpu.dimension_semantics<core_parallel>, #tpu.dimension_semantics<subcore_parallel>], iteration_bounds = array<i64: 2, 16>, scalar_prefetch = 0 : i64, scratch_operands = 6 : i64, tpu.core_type = #tpu.core_type<sc_vector_subcore>, window_params = [{transform_indices = #map}, {transform_indices = #map}, {transform_indices = #map1}, {transform_indices = #map1}, {transform_indices = #map}, {transform_indices = #map}]} {
    "tpu.region"() ({
      %run_scoped3A = tpu.sem_alloc : memref<!tpu.dma_semaphore, #tpu.memory_space<semaphore_mem>>
      %dma_start3A = arith.constant 0 : i32
      %dma_start3A_30 = arith.constant 0 : i32
      %dma_start3A_31 = tpu.memref_slice %arg4[%arg1, %dma_start3A, %dma_start3A_30] : memref<16x250x80xi32, #tpu.memory_space<hbm>> -> memref<1x250x80xi32, #tpu.memory_space<hbm>>
      %dma_start3A_32 = tpu.memref_squeeze %dma_start3A_31 : memref<1x250x80xi32, #tpu.memory_space<hbm>> -> memref<250x80xi32, #tpu.memory_space<hbm>>
      %dma_start3A_33 = arith.constant 0 : i32
      %dma_start3A_34 = arith.constant 0 : i32
      %dma_start3A_35 = tpu.memref_slice %arg4[%arg1, %dma_start3A_33, %dma_start3A_34] : memref<16x250x80xi32, #tpu.memory_space<hbm>> -> memref<1x250x80xi32, #tpu.memory_space<hbm>>
      %dma_start3A_36 = tpu.memref_squeeze %dma_start3A_35 : memref<1x250x80xi32, #tpu.memory_space<hbm>> -> memref<250x80xi32, #tpu.memory_space<hbm>>
      tpu.enqueue_dma source(%dma_start3A_36 : memref<250x80xi32, #tpu.memory_space<hbm>>) target(%arg8 : memref<250x80xi32, #tpu.memory_space<vmem>>) target_semaphore(%run_scoped3A : memref<!tpu.dma_semaphore, #tpu.memory_space<semaphore_mem>>)
      %dma_wait3A = arith.constant 0 : i32
      %dma_wait3A_37 = arith.constant 0 : i32
      %dma_wait3A_38 = tpu.memref_slice %arg4[%arg1, %dma_wait3A, %dma_wait3A_37] : memref<16x250x80xi32, #tpu.memory_space<hbm>> -> memref<1x250x80xi32, #tpu.memory_space<hbm>>
      %dma_wait3A_39 = tpu.memref_squeeze %dma_wait3A_38 : memref<1x250x80xi32, #tpu.memory_space<hbm>> -> memref<250x80xi32, #tpu.memory_space<hbm>>
      %dma_wait3A_40 = arith.constant 0 : i32
      %dma_wait3A_41 = arith.constant 0 : i32
      %dma_wait3A_42 = tpu.memref_slice %arg4[%arg1, %dma_wait3A_40, %dma_wait3A_41] : memref<16x250x80xi32, #tpu.memory_space<hbm>> -> memref<1x250x80xi32, #tpu.memory_space<hbm>>
      %dma_wait3A_43 = tpu.memref_squeeze %dma_wait3A_42 : memref<1x250x80xi32, #tpu.memory_space<hbm>> -> memref<250x80xi32, #tpu.memory_space<hbm>>
      tpu.wait_dma2 semaphore(%run_scoped3A : memref<!tpu.dma_semaphore, #tpu.memory_space<semaphore_mem>>) src(%dma_wait3A_43 : memref<250x80xi32, #tpu.memory_space<hbm>>) dst(%arg8 : memref<250x80xi32, #tpu.memory_space<vmem>>)
      tpu.yield
    }) : () -> ()
    "tpu.region"() ({
      %run_scoped3A = tpu.sem_alloc : memref<!tpu.dma_semaphore, #tpu.memory_space<semaphore_mem>>
      %dma_start3A = arith.constant 0 : i32
      %dma_start3A_30 = arith.constant 0 : i32
      %dma_start3A_31 = tpu.memref_slice %arg5[%arg1, %dma_start3A, %dma_start3A_30] : memref<16x250x80xi32, #tpu.memory_space<hbm>> -> memref<1x250x80xi32, #tpu.memory_space<hbm>>
      %dma_start3A_32 = tpu.memref_squeeze %dma_start3A_31 : memref<1x250x80xi32, #tpu.memory_space<hbm>> -> memref<250x80xi32, #tpu.memory_space<hbm>>
      %dma_start3A_33 = arith.constant 0 : i32
      %dma_start3A_34 = arith.constant 0 : i32
      %dma_start3A_35 = tpu.memref_slice %arg5[%arg1, %dma_start3A_33, %dma_start3A_34] : memref<16x250x80xi32, #tpu.memory_space<hbm>> -> memref<1x250x80xi32, #tpu.memory_space<hbm>>
      %dma_start3A_36 = tpu.memref_squeeze %dma_start3A_35 : memref<1x250x80xi32, #tpu.memory_space<hbm>> -> memref<250x80xi32, #tpu.memory_space<hbm>>
      tpu.enqueue_dma source(%dma_start3A_36 : memref<250x80xi32, #tpu.memory_space<hbm>>) target(%arg9 : memref<250x80xi32, #tpu.memory_space<vmem>>) target_semaphore(%run_scoped3A : memref<!tpu.dma_semaphore, #tpu.memory_space<semaphore_mem>>)
      %dma_wait3A = arith.constant 0 : i32
      %dma_wait3A_37 = arith.constant 0 : i32
      %dma_wait3A_38 = tpu.memref_slice %arg5[%arg1, %dma_wait3A, %dma_wait3A_37] : memref<16x250x80xi32, #tpu.memory_space<hbm>> -> memref<1x250x80xi32, #tpu.memory_space<hbm>>
      %dma_wait3A_39 = tpu.memref_squeeze %dma_wait3A_38 : memref<1x250x80xi32, #tpu.memory_space<hbm>> -> memref<250x80xi32, #tpu.memory_space<hbm>>
      %dma_wait3A_40 = arith.constant 0 : i32
      %dma_wait3A_41 = arith.constant 0 : i32
      %dma_wait3A_42 = tpu.memref_slice %arg5[%arg1, %dma_wait3A_40, %dma_wait3A_41] : memref<16x250x80xi32, #tpu.memory_space<hbm>> -> memref<1x250x80xi32, #tpu.memory_space<hbm>>
      %dma_wait3A_43 = tpu.memref_squeeze %dma_wait3A_42 : memref<1x250x80xi32, #tpu.memory_space<hbm>> -> memref<250x80xi32, #tpu.memory_space<hbm>>
      tpu.wait_dma2 semaphore(%run_scoped3A : memref<!tpu.dma_semaphore, #tpu.memory_space<semaphore_mem>>) src(%dma_wait3A_43 : memref<250x80xi32, #tpu.memory_space<hbm>>) dst(%arg9 : memref<250x80xi32, #tpu.memory_space<vmem>>)
      tpu.yield
    }) : () -> ()
    %broadcast_in_dim3A = arith.constant 0.000000e+00 : f32
    %broadcast_in_dim3A_0 = vector.broadcast %broadcast_in_dim3A : f32 to vector<16xf32>
    %scan3A = arith.constant 0 : i32
    %scan3A_1 = arith.constant 0 : i32
    %scan3A_2 = arith.constant 128 : i32
    %scan3A_3 = arith.addi %scan3A_1, %scan3A_2 : i32
    %scan3A_4 = arith.constant 1 : i32
    %scan3A_5 = scf.for %scan3A_30 = %scan3A_1 to %scan3A_3 step %scan3A_4 iter_args(%scan3A_31 = %scan3A) -> (i32)  : i32 {
      %scan3A_32 = arith.constant 0 : i32
      %scan3A_33 = arith.constant 0 : i32
      %scan3A_34 = arith.constant 4 : i32
      %scan3A_35 = arith.addi %scan3A_33, %scan3A_34 : i32
      %scan3A_36 = arith.constant 1 : i32
      %scan3A_37 = scf.for %scan3A_39 = %scan3A_33 to %scan3A_35 step %scan3A_36 iter_args(%scan3A_40 = %scan3A_32) -> (i32)  : i32 {
        %mul3A_41 = arith.constant 16 : i32
        %mul3A_42 = arith.muli %scan3A_39, %mul3A_41 : i32
        %swap3A = arith.index_cast %scan3A_30 : i32 to index
        %swap3A_43 = arith.index_cast %mul3A_42 : i32 to index
        %swap3A_44 = tpu.vector_load %arg11[%swap3A, %swap3A_43] {strides = array<i32>} : memref<128x64xf32, #tpu.memory_space<vmem>>, vector<1x16xf32>,
        %swap3A_45 = vector.shape_cast %swap3A_44 : vector<1x16xf32> to vector<16xf32>
        %swap3A_46 = vector.shape_cast %broadcast_in_dim3A_0 : vector<16xf32> to vector<1x16xf32>
        tpu.vector_store %arg11[%swap3A, %swap3A_43], %swap3A_46 {strides = array<i32>} : memref<128x64xf32, #tpu.memory_space<vmem>>, vector<1x16xf32>,
        %scan3A_47 = arith.constant 0 : i32
        scf.yield %scan3A_47 : i32
      }
      %scan3A_38 = arith.constant 4 : i32
      scf.yield %scan3A_37 : i32
    }
    %scan3A_6 = arith.constant 128 : i32
    %scan3A_7 = arith.constant 0 : i32
    %scan3A_8 = arith.constant 0 : i32
    %scan3A_9 = arith.constant 5 : i32
    %scan3A_10 = arith.addi %scan3A_8, %scan3A_9 : i32
    %scan3A_11 = arith.constant 1 : i32
    %scan3A_12 = scf.for %scan3A_30 = %scan3A_8 to %scan3A_10 step %scan3A_11 iter_args(%scan3A_31 = %scan3A_7) -> (i32)  : i32 {
      %mul3A_32 = arith.constant 640 : i32
      %mul3A_33 = arith.muli %arg1, %mul3A_32 : i32
      %mul3A_34 = arith.constant 128 : i32
      %mul3A_35 = arith.muli %scan3A_30, %mul3A_34 : i32
      %add3A = arith.addi %mul3A_33, %mul3A_35 : i32
      "tpu.region"() ({
        %run_scoped3A = tpu.sem_alloc : memref<!tpu.dma_semaphore, #tpu.memory_space<semaphore_mem>>
        %dma_start3A = arith.constant 0 : i32
        %dma_start3A_37 = tpu.memref_slice %arg12[%add3A, %dma_start3A] : memref<10240x64xf32, #tpu.memory_space<vmem_shared>> -> memref<128x64xf32, #tpu.memory_space<vmem_shared>>
        %dma_start3A_38 = arith.constant 0 : i32
        %dma_start3A_39 = tpu.memref_slice %arg12[%add3A, %dma_start3A_38] : memref<10240x64xf32, #tpu.memory_space<vmem_shared>> -> memref<128x64xf32, #tpu.memory_space<vmem_shared>>
        tpu.enqueue_dma source(%arg11 : memref<128x64xf32, #tpu.memory_space<vmem>>) target(%dma_start3A_39 : memref<128x64xf32, #tpu.memory_space<vmem_shared>>) target_semaphore(%run_scoped3A : memref<!tpu.dma_semaphore, #tpu.memory_space<semaphore_mem>>)
        %dma_wait3A = arith.constant 0 : i32
        %dma_wait3A_40 = tpu.memref_slice %arg12[%add3A, %dma_wait3A] : memref<10240x64xf32, #tpu.memory_space<vmem_shared>> -> memref<128x64xf32, #tpu.memory_space<vmem_shared>>
        %dma_wait3A_41 = arith.constant 0 : i32
        %dma_wait3A_42 = tpu.memref_slice %arg12[%add3A, %dma_wait3A_41] : memref<10240x64xf32, #tpu.memory_space<vmem_shared>> -> memref<128x64xf32, #tpu.memory_space<vmem_shared>>
        tpu.wait_dma2 semaphore(%run_scoped3A : memref<!tpu.dma_semaphore, #tpu.memory_space<semaphore_mem>>) src(%arg11 : memref<128x64xf32, #tpu.memory_space<vmem>>) dst(%dma_wait3A_42 : memref<128x64xf32, #tpu.memory_space<vmem_shared>>)
        tpu.yield
      }) : () -> ()
      %scan3A_36 = arith.constant 0 : i32
      scf.yield %scan3A_36 : i32
    }
    %scan3A_13 = arith.constant 5 : i32
    %barrier3A = arith.constant 0 : index
    tpu.barrier barrier_id(%barrier3A)
    %scan3A_14 = arith.constant 0 : i32
    %scan3A_15 = arith.constant 0 : i32
    %scan3A_16 = arith.constant 250 : i32
    %scan3A_17 = arith.addi %scan3A_15, %scan3A_16 : i32
    %scan3A_18 = arith.constant 1 : i32
    %scan3A_19 = scf.for %scan3A_30 = %scan3A_15 to %scan3A_17 step %scan3A_18 iter_args(%scan3A_31 = %scan3A_14) -> (i32)  : i32 {
      %eq3A_32 = arith.constant 0 : i32
      %eq3A_33 = arith.cmpi eq, %arg0, %eq3A_32 : i32
      %convert_element_type3A_34 = arith.extui %eq3A_33 : i1 to i32
      %cond3A_35 = arith.constant 0 : i32
      %cond3A_36 = arith.cmpi ne, %convert_element_type3A_34, %cond3A_35 : i32
      scf.if %cond3A_36 {
        %dma_start3A = arith.constant 0 : i32
        %dma_start3A_43 = tpu.memref_slice %arg8[%scan3A_30, %dma_start3A] : memref<250x80xi32, #tpu.memory_space<vmem>> -> memref<1x80xi32, #tpu.memory_space<vmem>>
        %dma_start3A_44 = tpu.memref_squeeze %dma_start3A_43 : memref<1x80xi32, #tpu.memory_space<vmem>> -> memref<80xi32, #tpu.memory_space<vmem>>
        %dma_start3A_45 = arith.constant 0 : i32
        %dma_start3A_46 = arith.constant 0 : i32
        %dma_start3A_47 = tpu.memref_slice %arg2[%dma_start3A_45, %dma_start3A_46] : memref<10000x64xf32, #tpu.memory_space<hbm>> -> memref<10000x64xf32, #tpu.memory_space<hbm>>
        tpu.enqueue_indirect_dma source(%dma_start3A_47 : memref<10000x64xf32, #tpu.memory_space<hbm>>) target(%arg10 : memref<80x64xf32, #tpu.memory_space<vmem>>) offsets(%dma_start3A_44 : memref<80xi32, #tpu.memory_space<vmem>>) semaphore(%arg13 : memref<!tpu.dma_semaphore, #tpu.memory_space<semaphore_mem>>)
        %dma_wait3A = arith.constant 0 : i32
        %dma_wait3A_48 = tpu.memref_slice %arg8[%scan3A_30, %dma_wait3A] : memref<250x80xi32, #tpu.memory_space<vmem>> -> memref<1x80xi32, #tpu.memory_space<vmem>>
        %dma_wait3A_49 = tpu.memref_squeeze %dma_wait3A_48 : memref<1x80xi32, #tpu.memory_space<vmem>> -> memref<80xi32, #tpu.memory_space<vmem>>
        %dma_wait3A_50 = arith.constant 0 : i32
        %dma_wait3A_51 = arith.constant 0 : i32
        %dma_wait3A_52 = tpu.memref_slice %arg2[%dma_wait3A_50, %dma_wait3A_51] : memref<10000x64xf32, #tpu.memory_space<hbm>> -> memref<10000x64xf32, #tpu.memory_space<hbm>>
        tpu.wait_indirect_dma semaphore(%arg13 : memref<!tpu.dma_semaphore, #tpu.memory_space<semaphore_mem>>) src(%dma_wait3A_52 : memref<10000x64xf32, #tpu.memory_space<hbm>>) dst(%arg10 : memref<80x64xf32, #tpu.memory_space<vmem>>)
      } else {
      }
      %eq3A_37 = arith.constant 1 : i32
      %eq3A_38 = arith.cmpi eq, %arg0, %eq3A_37 : i32
      %convert_element_type3A_39 = arith.extui %eq3A_38 : i1 to i32
      %cond3A_40 = arith.constant 0 : i32
      %cond3A_41 = arith.cmpi ne, %convert_element_type3A_39, %cond3A_40 : i32
      scf.if %cond3A_41 {
        %dma_start3A = arith.constant 0 : i32
        %dma_start3A_43 = tpu.memref_slice %arg8[%scan3A_30, %dma_start3A] : memref<250x80xi32, #tpu.memory_space<vmem>> -> memref<1x80xi32, #tpu.memory_space<vmem>>
        %dma_start3A_44 = tpu.memref_squeeze %dma_start3A_43 : memref<1x80xi32, #tpu.memory_space<vmem>> -> memref<80xi32, #tpu.memory_space<vmem>>
        %dma_start3A_45 = arith.constant 0 : i32
        %dma_start3A_46 = arith.constant 0 : i32
        %dma_start3A_47 = tpu.memref_slice %arg3[%dma_start3A_45, %dma_start3A_46] : memref<10000x64xf32, #tpu.memory_space<hbm>> -> memref<10000x64xf32, #tpu.memory_space<hbm>>
        tpu.enqueue_indirect_dma source(%dma_start3A_47 : memref<10000x64xf32, #tpu.memory_space<hbm>>) target(%arg10 : memref<80x64xf32, #tpu.memory_space<vmem>>) offsets(%dma_start3A_44 : memref<80xi32, #tpu.memory_space<vmem>>) semaphore(%arg13 : memref<!tpu.dma_semaphore, #tpu.memory_space<semaphore_mem>>)
        %dma_wait3A = arith.constant 0 : i32
        %dma_wait3A_48 = tpu.memref_slice %arg8[%scan3A_30, %dma_wait3A] : memref<250x80xi32, #tpu.memory_space<vmem>> -> memref<1x80xi32, #tpu.memory_space<vmem>>
        %dma_wait3A_49 = tpu.memref_squeeze %dma_wait3A_48 : memref<1x80xi32, #tpu.memory_space<vmem>> -> memref<80xi32, #tpu.memory_space<vmem>>
        %dma_wait3A_50 = arith.constant 0 : i32
        %dma_wait3A_51 = arith.constant 0 : i32
        %dma_wait3A_52 = tpu.memref_slice %arg3[%dma_wait3A_50, %dma_wait3A_51] : memref<10000x64xf32, #tpu.memory_space<hbm>> -> memref<10000x64xf32, #tpu.memory_space<hbm>>
        tpu.wait_indirect_dma semaphore(%arg13 : memref<!tpu.dma_semaphore, #tpu.memory_space<semaphore_mem>>) src(%dma_wait3A_52 : memref<10000x64xf32, #tpu.memory_space<hbm>>) dst(%arg10 : memref<80x64xf32, #tpu.memory_space<vmem>>)
      } else {
      }
      "tpu.region"() ({
        %run_scoped3A = tpu.sem_alloc : memref<!tpu.dma_semaphore, #tpu.memory_space<semaphore_mem>>
        %dma_start3A = arith.constant 0 : i32
        %dma_start3A_43 = tpu.memref_slice %arg9[%scan3A_30, %dma_start3A] : memref<250x80xi32, #tpu.memory_space<vmem>> -> memref<1x80xi32, #tpu.memory_space<vmem>>
        %dma_start3A_44 = tpu.memref_squeeze %dma_start3A_43 : memref<1x80xi32, #tpu.memory_space<vmem>> -> memref<80xi32, #tpu.memory_space<vmem>>
        %dma_start3A_45 = arith.constant 0 : i32
        %dma_start3A_46 = arith.constant 0 : i32
        %dma_start3A_47 = tpu.memref_slice %arg12[%dma_start3A_45, %dma_start3A_46] : memref<10240x64xf32, #tpu.memory_space<vmem_shared>> -> memref<10240x64xf32, #tpu.memory_space<vmem_shared>>
        tpu.enqueue_indirect_dma source(%arg10 : memref<80x64xf32, #tpu.memory_space<vmem>>) target(%dma_start3A_47 : memref<10240x64xf32, #tpu.memory_space<vmem_shared>>) offsets(%dma_start3A_44 : memref<80xi32, #tpu.memory_space<vmem>>) semaphore(%run_scoped3A : memref<!tpu.dma_semaphore, #tpu.memory_space<semaphore_mem>>) {add = true}
        %dma_wait3A = arith.constant 0 : i32
        %dma_wait3A_48 = tpu.memref_slice %arg9[%scan3A_30, %dma_wait3A] : memref<250x80xi32, #tpu.memory_space<vmem>> -> memref<1x80xi32, #tpu.memory_space<vmem>>
        %dma_wait3A_49 = tpu.memref_squeeze %dma_wait3A_48 : memref<1x80xi32, #tpu.memory_space<vmem>> -> memref<80xi32, #tpu.memory_space<vmem>>
        %dma_wait3A_50 = arith.constant 0 : i32
        %dma_wait3A_51 = arith.constant 0 : i32
        %dma_wait3A_52 = tpu.memref_slice %arg12[%dma_wait3A_50, %dma_wait3A_51] : memref<10240x64xf32, #tpu.memory_space<vmem_shared>> -> memref<10240x64xf32, #tpu.memory_space<vmem_shared>>
        tpu.wait_indirect_dma semaphore(%run_scoped3A : memref<!tpu.dma_semaphore, #tpu.memory_space<semaphore_mem>>) src(%arg10 : memref<80x64xf32, #tpu.memory_space<vmem>>) dst(%dma_wait3A_52 : memref<10240x64xf32, #tpu.memory_space<vmem_shared>>)
        tpu.yield
      }) : () -> ()
      %scan3A_42 = arith.constant 0 : i32
      scf.yield %scan3A_42 : i32
    }
    %scan3A_20 = arith.constant 250 : i32
    %barrier3A_21 = arith.constant 0 : index
    tpu.barrier barrier_id(%barrier3A_21)
    %mul3A = arith.constant 640 : i32
    %mul3A_22 = arith.muli %arg1, %mul3A : i32
    %eq3A = arith.constant 0 : i32
    %eq3A_23 = arith.cmpi eq, %arg0, %eq3A : i32
    %convert_element_type3A = arith.extui %eq3A_23 : i1 to i32
    %cond3A = arith.constant 0 : i32
    %cond3A_24 = arith.cmpi ne, %convert_element_type3A, %cond3A : i32
    scf.if %cond3A_24 {
      "tpu.region"() ({
        %run_scoped3A = tpu.sem_alloc : memref<!tpu.dma_semaphore, #tpu.memory_space<semaphore_mem>>
        %dma_start3A = arith.constant 0 : i32
        %dma_start3A_30 = tpu.memref_slice %arg6[%mul3A_22, %dma_start3A] : memref<10240x64xf32, #tpu.memory_space<hbm>> -> memref<640x64xf32, #tpu.memory_space<hbm>>
        %dma_start3A_31 = arith.constant 0 : i32
        %dma_start3A_32 = tpu.memref_slice %arg12[%mul3A_22, %dma_start3A_31] : memref<10240x64xf32, #tpu.memory_space<vmem_shared>> -> memref<640x64xf32, #tpu.memory_space<vmem_shared>>
        tpu.enqueue_dma source(%dma_start3A_32 : memref<640x64xf32, #tpu.memory_space<vmem_shared>>) target(%dma_start3A_30 : memref<640x64xf32, #tpu.memory_space<hbm>>) target_semaphore(%run_scoped3A : memref<!tpu.dma_semaphore, #tpu.memory_space<semaphore_mem>>)
        %dma_wait3A = arith.constant 0 : i32
        %dma_wait3A_33 = tpu.memref_slice %arg6[%mul3A_22, %dma_wait3A] : memref<10240x64xf32, #tpu.memory_space<hbm>> -> memref<640x64xf32, #tpu.memory_space<hbm>>
        %dma_wait3A_34 = arith.constant 0 : i32
        %dma_wait3A_35 = tpu.memref_slice %arg12[%mul3A_22, %dma_wait3A_34] : memref<10240x64xf32, #tpu.memory_space<vmem_shared>> -> memref<640x64xf32, #tpu.memory_space<vmem_shared>>
        tpu.wait_dma2 semaphore(%run_scoped3A : memref<!tpu.dma_semaphore, #tpu.memory_space<semaphore_mem>>) src(%dma_wait3A_35 : memref<640x64xf32, #tpu.memory_space<vmem_shared>>) dst(%dma_wait3A_33 : memref<640x64xf32, #tpu.memory_space<hbm>>)
        tpu.yield
      }) : () -> ()
    } else {
    }
    %eq3A_25 = arith.constant 1 : i32
    %eq3A_26 = arith.cmpi eq, %arg0, %eq3A_25 : i32
    %convert_element_type3A_27 = arith.extui %eq3A_26 : i1 to i32
    %cond3A_28 = arith.constant 0 : i32
    %cond3A_29 = arith.cmpi ne, %convert_element_type3A_27, %cond3A_28 : i32
    scf.if %cond3A_29 {
      "tpu.region"() ({
        %run_scoped3A = tpu.sem_alloc : memref<!tpu.dma_semaphore, #tpu.memory_space<semaphore_mem>>
        %dma_start3A = arith.constant 0 : i32
        %dma_start3A_30 = tpu.memref_slice %arg7[%mul3A_22, %dma_start3A] : memref<10240x64xf32, #tpu.memory_space<hbm>> -> memref<640x64xf32, #tpu.memory_space<hbm>>
        %dma_start3A_31 = arith.constant 0 : i32
        %dma_start3A_32 = tpu.memref_slice %arg12[%mul3A_22, %dma_start3A_31] : memref<10240x64xf32, #tpu.memory_space<vmem_shared>> -> memref<640x64xf32, #tpu.memory_space<vmem_shared>>
        tpu.enqueue_dma source(%dma_start3A_32 : memref<640x64xf32, #tpu.memory_space<vmem_shared>>) target(%dma_start3A_30 : memref<640x64xf32, #tpu.memory_space<hbm>>) target_semaphore(%run_scoped3A : memref<!tpu.dma_semaphore, #tpu.memory_space<semaphore_mem>>)
        %dma_wait3A = arith.constant 0 : i32
        %dma_wait3A_33 = tpu.memref_slice %arg7[%mul3A_22, %dma_wait3A] : memref<10240x64xf32, #tpu.memory_space<hbm>> -> memref<640x64xf32, #tpu.memory_space<hbm>>
        %dma_wait3A_34 = arith.constant 0 : i32
        %dma_wait3A_35 = tpu.memref_slice %arg12[%mul3A_22, %dma_wait3A_34] : memref<10240x64xf32, #tpu.memory_space<vmem_shared>> -> memref<640x64xf32, #tpu.memory_space<vmem_shared>>
        tpu.wait_dma2 semaphore(%run_scoped3A : memref<!tpu.dma_semaphore, #tpu.memory_space<semaphore_mem>>) src(%dma_wait3A_35 : memref<640x64xf32, #tpu.memory_space<vmem_shared>>) dst(%dma_wait3A_33 : memref<640x64xf32, #tpu.memory_space<hbm>>)
        tpu.yield
      }) : () -> ()
    } else {
    }
    return
  }
}

#map = affine_map<(d0, d1) -> (0, 0)>
#map1 = affine_map<(d0, d1) -> (0, 0, 0)>
module attributes {stable_mosaic.version = 14 : i64} {
  func.func @agg(%arg0: i32, %arg1: i32, %arg2: memref<10000x64xf32, #tpu.memory_space<hbm>>, %arg3: memref<10000x64xf32, #tpu.memory_space<hbm>>, %arg4: memref<16x250x80xi32, #tpu.memory_space<hbm>>, %arg5: memref<16x250x80xi32, #tpu.memory_space<hbm>>, %arg6: memref<10240x64xf32, #tpu.memory_space<hbm>>, %arg7: memref<10240x64xf32, #tpu.memory_space<hbm>>, %arg8: memref<250x80xi32, #tpu.memory_space<vmem>>, %arg9: memref<250x80xi32, #tpu.memory_space<vmem>>, %arg10: memref<80x64xf32, #tpu.memory_space<vmem>>, %arg11: memref<128x64xf32, #tpu.memory_space<vmem>>, %arg12: memref<10240x64xf32, #tpu.memory_space<vmem_shared>>, %arg13: memref<!tpu.dma_semaphore, #tpu.memory_space<semaphore_mem>>) attributes {dimension_semantics = [#tpu.dimension_semantics<core_parallel>, #tpu.dimension_semantics<subcore_parallel>], iteration_bounds = array<i64: 2, 16>, scalar_prefetch = 0 : i64, scratch_operands = 6 : i64, tpu.core_type = #tpu.core_type<sc_vector_subcore>, window_params = [{transform_indices = #map}, {transform_indices = #map}, {transform_indices = #map1}, {transform_indices = #map1}, {transform_indices = #map}, {transform_indices = #map}]} {
    "tpu.region"() ({
      %run_scoped3A = tpu.sem_alloc : memref<!tpu.dma_semaphore, #tpu.memory_space<semaphore_mem>>
      %dma_start3A = arith.constant 0 : i32
      %dma_start3A_30 = arith.constant 0 : i32
      %dma_start3A_31 = tpu.memref_slice %arg4[%arg1, %dma_start3A, %dma_start3A_30] : memref<16x250x80xi32, #tpu.memory_space<hbm>> -> memref<1x250x80xi32, #tpu.memory_space<hbm>>
      %dma_start3A_32 = tpu.memref_squeeze %dma_start3A_31 : memref<1x250x80xi32, #tpu.memory_space<hbm>> -> memref<250x80xi32, #tpu.memory_space<hbm>>
      %dma_start3A_33 = arith.constant 0 : i32
      %dma_start3A_34 = arith.constant 0 : i32
      %dma_start3A_35 = tpu.memref_slice %arg4[%arg1, %dma_start3A_33, %dma_start3A_34] : memref<16x250x80xi32, #tpu.memory_space<hbm>> -> memref<1x250x80xi32, #tpu.memory_space<hbm>>
      %dma_start3A_36 = tpu.memref_squeeze %dma_start3A_35 : memref<1x250x80xi32, #tpu.memory_space<hbm>> -> memref<250x80xi32, #tpu.memory_space<hbm>>
      tpu.enqueue_dma source(%dma_start3A_36 : memref<250x80xi32, #tpu.memory_space<hbm>>) target(%arg8 : memref<250x80xi32, #tpu.memory_space<vmem>>) target_semaphore(%run_scoped3A : memref<!tpu.dma_semaphore, #tpu.memory_space<semaphore_mem>>)
      %dma_wait3A = arith.constant 0 : i32
      %dma_wait3A_37 = arith.constant 0 : i32
      %dma_wait3A_38 = tpu.memref_slice %arg4[%arg1, %dma_wait3A, %dma_wait3A_37] : memref<16x250x80xi32, #tpu.memory_space<hbm>> -> memref<1x250x80xi32, #tpu.memory_space<hbm>>
      %dma_wait3A_39 = tpu.memref_squeeze %dma_wait3A_38 : memref<1x250x80xi32, #tpu.memory_space<hbm>> -> memref<250x80xi32, #tpu.memory_space<hbm>>
      %dma_wait3A_40 = arith.constant 0 : i32
      %dma_wait3A_41 = arith.constant 0 : i32
      %dma_wait3A_42 = tpu.memref_slice %arg4[%arg1, %dma_wait3A_40, %dma_wait3A_41] : memref<16x250x80xi32, #tpu.memory_space<hbm>> -> memref<1x250x80xi32, #tpu.memory_space<hbm>>
      %dma_wait3A_43 = tpu.memref_squeeze %dma_wait3A_42 : memref<1x250x80xi32, #tpu.memory_space<hbm>> -> memref<250x80xi32, #tpu.memory_space<hbm>>
      tpu.wait_dma2 semaphore(%run_scoped3A : memref<!tpu.dma_semaphore, #tpu.memory_space<semaphore_mem>>) src(%dma_wait3A_43 : memref<250x80xi32, #tpu.memory_space<hbm>>) dst(%arg8 : memref<250x80xi32, #tpu.memory_space<vmem>>)
      tpu.yield
    }) : () -> ()
    "tpu.region"() ({
      %run_scoped3A = tpu.sem_alloc : memref<!tpu.dma_semaphore, #tpu.memory_space<semaphore_mem>>
      %dma_start3A = arith.constant 0 : i32
      %dma_start3A_30 = arith.constant 0 : i32
      %dma_start3A_31 = tpu.memref_slice %arg5[%arg1, %dma_start3A, %dma_start3A_30] : memref<16x250x80xi32, #tpu.memory_space<hbm>> -> memref<1x250x80xi32, #tpu.memory_space<hbm>>
      %dma_start3A_32 = tpu.memref_squeeze %dma_start3A_31 : memref<1x250x80xi32, #tpu.memory_space<hbm>> -> memref<250x80xi32, #tpu.memory_space<hbm>>
      %dma_start3A_33 = arith.constant 0 : i32
      %dma_start3A_34 = arith.constant 0 : i32
      %dma_start3A_35 = tpu.memref_slice %arg5[%arg1, %dma_start3A_33, %dma_start3A_34] : memref<16x250x80xi32, #tpu.memory_space<hbm>> -> memref<1x250x80xi32, #tpu.memory_space<hbm>>
      %dma_start3A_36 = tpu.memref_squeeze %dma_start3A_35 : memref<1x250x80xi32, #tpu.memory_space<hbm>> -> memref<250x80xi32, #tpu.memory_space<hbm>>
      tpu.enqueue_dma source(%dma_start3A_36 : memref<250x80xi32, #tpu.memory_space<hbm>>) target(%arg9 : memref<250x80xi32, #tpu.memory_space<vmem>>) target_semaphore(%run_scoped3A : memref<!tpu.dma_semaphore, #tpu.memory_space<semaphore_mem>>)
      %dma_wait3A = arith.constant 0 : i32
      %dma_wait3A_37 = arith.constant 0 : i32
      %dma_wait3A_38 = tpu.memref_slice %arg5[%arg1, %dma_wait3A, %dma_wait3A_37] : memref<16x250x80xi32, #tpu.memory_space<hbm>> -> memref<1x250x80xi32, #tpu.memory_space<hbm>>
      %dma_wait3A_39 = tpu.memref_squeeze %dma_wait3A_38 : memref<1x250x80xi32, #tpu.memory_space<hbm>> -> memref<250x80xi32, #tpu.memory_space<hbm>>
      %dma_wait3A_40 = arith.constant 0 : i32
      %dma_wait3A_41 = arith.constant 0 : i32
      %dma_wait3A_42 = tpu.memref_slice %arg5[%arg1, %dma_wait3A_40, %dma_wait3A_41] : memref<16x250x80xi32, #tpu.memory_space<hbm>> -> memref<1x250x80xi32, #tpu.memory_space<hbm>>
      %dma_wait3A_43 = tpu.memref_squeeze %dma_wait3A_42 : memref<1x250x80xi32, #tpu.memory_space<hbm>> -> memref<250x80xi32, #tpu.memory_space<hbm>>
      tpu.wait_dma2 semaphore(%run_scoped3A : memref<!tpu.dma_semaphore, #tpu.memory_space<semaphore_mem>>) src(%dma_wait3A_43 : memref<250x80xi32, #tpu.memory_space<hbm>>) dst(%arg9 : memref<250x80xi32, #tpu.memory_space<vmem>>)
      tpu.yield
    }) : () -> ()
    %broadcast_in_dim3A = arith.constant 0.000000e+00 : f32
    %broadcast_in_dim3A_0 = vector.broadcast %broadcast_in_dim3A : f32 to vector<16xf32>
    %scan3A = arith.constant 0 : i32
    %scan3A_1 = arith.constant 0 : i32
    %scan3A_2 = arith.constant 128 : i32
    %scan3A_3 = arith.addi %scan3A_1, %scan3A_2 : i32
    %scan3A_4 = arith.constant 1 : i32
    %scan3A_5 = scf.for %scan3A_30 = %scan3A_1 to %scan3A_3 step %scan3A_4 iter_args(%scan3A_31 = %scan3A) -> (i32)  : i32 {
      %scan3A_32 = arith.constant 0 : i32
      %scan3A_33 = arith.constant 0 : i32
      %scan3A_34 = arith.constant 4 : i32
      %scan3A_35 = arith.addi %scan3A_33, %scan3A_34 : i32
      %scan3A_36 = arith.constant 1 : i32
      %scan3A_37 = scf.for %scan3A_39 = %scan3A_33 to %scan3A_35 step %scan3A_36 iter_args(%scan3A_40 = %scan3A_32) -> (i32)  : i32 {
        %mul3A_41 = arith.constant 16 : i32
        %mul3A_42 = arith.muli %scan3A_39, %mul3A_41 : i32
        %swap3A = arith.index_cast %scan3A_30 : i32 to index
        %swap3A_43 = arith.index_cast %mul3A_42 : i32 to index
        %swap3A_44 = tpu.vector_load %arg11[%swap3A, %swap3A_43] {strides = array<i32>} : memref<128x64xf32, #tpu.memory_space<vmem>>, vector<1x16xf32>,
        %swap3A_45 = vector.shape_cast %swap3A_44 : vector<1x16xf32> to vector<16xf32>
        %swap3A_46 = vector.shape_cast %broadcast_in_dim3A_0 : vector<16xf32> to vector<1x16xf32>
        tpu.vector_store %arg11[%swap3A, %swap3A_43], %swap3A_46 {strides = array<i32>} : memref<128x64xf32, #tpu.memory_space<vmem>>, vector<1x16xf32>,
        %scan3A_47 = arith.constant 0 : i32
        scf.yield %scan3A_47 : i32
      }
      %scan3A_38 = arith.constant 4 : i32
      scf.yield %scan3A_37 : i32
    }
    %scan3A_6 = arith.constant 128 : i32
    %scan3A_7 = arith.constant 0 : i32
    %scan3A_8 = arith.constant 0 : i32
    %scan3A_9 = arith.constant 5 : i32
    %scan3A_10 = arith.addi %scan3A_8, %scan3A_9 : i32
    %scan3A_11 = arith.constant 1 : i32
    %scan3A_12 = scf.for %scan3A_30 = %scan3A_8 to %scan3A_10 step %scan3A_11 iter_args(%scan3A_31 = %scan3A_7) -> (i32)  : i32 {
      %mul3A_32 = arith.constant 640 : i32
      %mul3A_33 = arith.muli %arg1, %mul3A_32 : i32
      %mul3A_34 = arith.constant 128 : i32
      %mul3A_35 = arith.muli %scan3A_30, %mul3A_34 : i32
      %add3A = arith.addi %mul3A_33, %mul3A_35 : i32
      "tpu.region"() ({
        %run_scoped3A = tpu.sem_alloc : memref<!tpu.dma_semaphore, #tpu.memory_space<semaphore_mem>>
        %dma_start3A = arith.constant 0 : i32
        %dma_start3A_37 = tpu.memref_slice %arg12[%add3A, %dma_start3A] : memref<10240x64xf32, #tpu.memory_space<vmem_shared>> -> memref<128x64xf32, #tpu.memory_space<vmem_shared>>
        %dma_start3A_38 = arith.constant 0 : i32
        %dma_start3A_39 = tpu.memref_slice %arg12[%add3A, %dma_start3A_38] : memref<10240x64xf32, #tpu.memory_space<vmem_shared>> -> memref<128x64xf32, #tpu.memory_space<vmem_shared>>
        tpu.enqueue_dma source(%arg11 : memref<128x64xf32, #tpu.memory_space<vmem>>) target(%dma_start3A_39 : memref<128x64xf32, #tpu.memory_space<vmem_shared>>) target_semaphore(%run_scoped3A : memref<!tpu.dma_semaphore, #tpu.memory_space<semaphore_mem>>)
        %dma_wait3A = arith.constant 0 : i32
        %dma_wait3A_40 = tpu.memref_slice %arg12[%add3A, %dma_wait3A] : memref<10240x64xf32, #tpu.memory_space<vmem_shared>> -> memref<128x64xf32, #tpu.memory_space<vmem_shared>>
        %dma_wait3A_41 = arith.constant 0 : i32
        %dma_wait3A_42 = tpu.memref_slice %arg12[%add3A, %dma_wait3A_41] : memref<10240x64xf32, #tpu.memory_space<vmem_shared>> -> memref<128x64xf32, #tpu.memory_space<vmem_shared>>
        tpu.wait_dma2 semaphore(%run_scoped3A : memref<!tpu.dma_semaphore, #tpu.memory_space<semaphore_mem>>) src(%arg11 : memref<128x64xf32, #tpu.memory_space<vmem>>) dst(%dma_wait3A_42 : memref<128x64xf32, #tpu.memory_space<vmem_shared>>)
        tpu.yield
      }) : () -> ()
      %scan3A_36 = arith.constant 0 : i32
      scf.yield %scan3A_36 : i32
    }
    %scan3A_13 = arith.constant 5 : i32
    %barrier3A = arith.constant 0 : index
    tpu.barrier barrier_id(%barrier3A)
    %scan3A_14 = arith.constant 0 : i32
    %scan3A_15 = arith.constant 0 : i32
    %scan3A_16 = arith.constant 250 : i32
    %scan3A_17 = arith.addi %scan3A_15, %scan3A_16 : i32
    %scan3A_18 = arith.constant 1 : i32
    %scan3A_19 = scf.for %scan3A_30 = %scan3A_15 to %scan3A_17 step %scan3A_18 iter_args(%scan3A_31 = %scan3A_14) -> (i32)  : i32 {
      %eq3A_32 = arith.constant 0 : i32
      %eq3A_33 = arith.cmpi eq, %arg0, %eq3A_32 : i32
      %convert_element_type3A_34 = arith.extui %eq3A_33 : i1 to i32
      %cond3A_35 = arith.constant 0 : i32
      %cond3A_36 = arith.cmpi ne, %convert_element_type3A_34, %cond3A_35 : i32
      scf.if %cond3A_36 {
        %dma_start3A = arith.constant 0 : i32
        %dma_start3A_43 = tpu.memref_slice %arg8[%scan3A_30, %dma_start3A] : memref<250x80xi32, #tpu.memory_space<vmem>> -> memref<1x80xi32, #tpu.memory_space<vmem>>
        %dma_start3A_44 = tpu.memref_squeeze %dma_start3A_43 : memref<1x80xi32, #tpu.memory_space<vmem>> -> memref<80xi32, #tpu.memory_space<vmem>>
        %dma_start3A_45 = arith.constant 0 : i32
        %dma_start3A_46 = arith.constant 0 : i32
        %dma_start3A_47 = tpu.memref_slice %arg2[%dma_start3A_45, %dma_start3A_46] : memref<10000x64xf32, #tpu.memory_space<hbm>> -> memref<10000x64xf32, #tpu.memory_space<hbm>>
        tpu.enqueue_indirect_dma source(%dma_start3A_47 : memref<10000x64xf32, #tpu.memory_space<hbm>>) target(%arg10 : memref<80x64xf32, #tpu.memory_space<vmem>>) offsets(%dma_start3A_44 : memref<80xi32, #tpu.memory_space<vmem>>) semaphore(%arg13 : memref<!tpu.dma_semaphore, #tpu.memory_space<semaphore_mem>>)
        %dma_wait3A = arith.constant 0 : i32
        %dma_wait3A_48 = tpu.memref_slice %arg8[%scan3A_30, %dma_wait3A] : memref<250x80xi32, #tpu.memory_space<vmem>> -> memref<1x80xi32, #tpu.memory_space<vmem>>
        %dma_wait3A_49 = tpu.memref_squeeze %dma_wait3A_48 : memref<1x80xi32, #tpu.memory_space<vmem>> -> memref<80xi32, #tpu.memory_space<vmem>>
        %dma_wait3A_50 = arith.constant 0 : i32
        %dma_wait3A_51 = arith.constant 0 : i32
        %dma_wait3A_52 = tpu.memref_slice %arg2[%dma_wait3A_50, %dma_wait3A_51] : memref<10000x64xf32, #tpu.memory_space<hbm>> -> memref<10000x64xf32, #tpu.memory_space<hbm>>
        tpu.wait_indirect_dma semaphore(%arg13 : memref<!tpu.dma_semaphore, #tpu.memory_space<semaphore_mem>>) src(%dma_wait3A_52 : memref<10000x64xf32, #tpu.memory_space<hbm>>) dst(%arg10 : memref<80x64xf32, #tpu.memory_space<vmem>>)
      } else {
      }
      %eq3A_37 = arith.constant 1 : i32
      %eq3A_38 = arith.cmpi eq, %arg0, %eq3A_37 : i32
      %convert_element_type3A_39 = arith.extui %eq3A_38 : i1 to i32
      %cond3A_40 = arith.constant 0 : i32
      %cond3A_41 = arith.cmpi ne, %convert_element_type3A_39, %cond3A_40 : i32
      scf.if %cond3A_41 {
        %dma_start3A = arith.constant 0 : i32
        %dma_start3A_43 = tpu.memref_slice %arg8[%scan3A_30, %dma_start3A] : memref<250x80xi32, #tpu.memory_space<vmem>> -> memref<1x80xi32, #tpu.memory_space<vmem>>
        %dma_start3A_44 = tpu.memref_squeeze %dma_start3A_43 : memref<1x80xi32, #tpu.memory_space<vmem>> -> memref<80xi32, #tpu.memory_space<vmem>>
        %dma_start3A_45 = arith.constant 0 : i32
        %dma_start3A_46 = arith.constant 0 : i32
        %dma_start3A_47 = tpu.memref_slice %arg3[%dma_start3A_45, %dma_start3A_46] : memref<10000x64xf32, #tpu.memory_space<hbm>> -> memref<10000x64xf32, #tpu.memory_space<hbm>>
        tpu.enqueue_indirect_dma source(%dma_start3A_47 : memref<10000x64xf32, #tpu.memory_space<hbm>>) target(%arg10 : memref<80x64xf32, #tpu.memory_space<vmem>>) offsets(%dma_start3A_44 : memref<80xi32, #tpu.memory_space<vmem>>) semaphore(%arg13 : memref<!tpu.dma_semaphore, #tpu.memory_space<semaphore_mem>>)
        %dma_wait3A = arith.constant 0 : i32
        %dma_wait3A_48 = tpu.memref_slice %arg8[%scan3A_30, %dma_wait3A] : memref<250x80xi32, #tpu.memory_space<vmem>> -> memref<1x80xi32, #tpu.memory_space<vmem>>
        %dma_wait3A_49 = tpu.memref_squeeze %dma_wait3A_48 : memref<1x80xi32, #tpu.memory_space<vmem>> -> memref<80xi32, #tpu.memory_space<vmem>>
        %dma_wait3A_50 = arith.constant 0 : i32
        %dma_wait3A_51 = arith.constant 0 : i32
        %dma_wait3A_52 = tpu.memref_slice %arg3[%dma_wait3A_50, %dma_wait3A_51] : memref<10000x64xf32, #tpu.memory_space<hbm>> -> memref<10000x64xf32, #tpu.memory_space<hbm>>
        tpu.wait_indirect_dma semaphore(%arg13 : memref<!tpu.dma_semaphore, #tpu.memory_space<semaphore_mem>>) src(%dma_wait3A_52 : memref<10000x64xf32, #tpu.memory_space<hbm>>) dst(%arg10 : memref<80x64xf32, #tpu.memory_space<vmem>>)
      } else {
      }
      "tpu.region"() ({
        %run_scoped3A = tpu.sem_alloc : memref<!tpu.dma_semaphore, #tpu.memory_space<semaphore_mem>>
        %dma_start3A = arith.constant 0 : i32
        %dma_start3A_43 = tpu.memref_slice %arg9[%scan3A_30, %dma_start3A] : memref<250x80xi32, #tpu.memory_space<vmem>> -> memref<1x80xi32, #tpu.memory_space<vmem>>
        %dma_start3A_44 = tpu.memref_squeeze %dma_start3A_43 : memref<1x80xi32, #tpu.memory_space<vmem>> -> memref<80xi32, #tpu.memory_space<vmem>>
        %dma_start3A_45 = arith.constant 0 : i32
        %dma_start3A_46 = arith.constant 0 : i32
        %dma_start3A_47 = tpu.memref_slice %arg12[%dma_start3A_45, %dma_start3A_46] : memref<10240x64xf32, #tpu.memory_space<vmem_shared>> -> memref<10240x64xf32, #tpu.memory_space<vmem_shared>>
        tpu.enqueue_indirect_dma source(%arg10 : memref<80x64xf32, #tpu.memory_space<vmem>>) target(%dma_start3A_47 : memref<10240x64xf32, #tpu.memory_space<vmem_shared>>) offsets(%dma_start3A_44 : memref<80xi32, #tpu.memory_space<vmem>>) semaphore(%run_scoped3A : memref<!tpu.dma_semaphore, #tpu.memory_space<semaphore_mem>>) {add = true}
        %dma_wait3A = arith.constant 0 : i32
        %dma_wait3A_48 = tpu.memref_slice %arg9[%scan3A_30, %dma_wait3A] : memref<250x80xi32, #tpu.memory_space<vmem>> -> memref<1x80xi32, #tpu.memory_space<vmem>>
        %dma_wait3A_49 = tpu.memref_squeeze %dma_wait3A_48 : memref<1x80xi32, #tpu.memory_space<vmem>> -> memref<80xi32, #tpu.memory_space<vmem>>
        %dma_wait3A_50 = arith.constant 0 : i32
        %dma_wait3A_51 = arith.constant 0 : i32
        %dma_wait3A_52 = tpu.memref_slice %arg12[%dma_wait3A_50, %dma_wait3A_51] : memref<10240x64xf32, #tpu.memory_space<vmem_shared>> -> memref<10240x64xf32, #tpu.memory_space<vmem_shared>>
        tpu.wait_indirect_dma semaphore(%run_scoped3A : memref<!tpu.dma_semaphore, #tpu.memory_space<semaphore_mem>>) src(%arg10 : memref<80x64xf32, #tpu.memory_space<vmem>>) dst(%dma_wait3A_52 : memref<10240x64xf32, #tpu.memory_space<vmem_shared>>)
        tpu.yield
      }) : () -> ()
      %scan3A_42 = arith.constant 0 : i32
      scf.yield %scan3A_42 : i32
    }
    %scan3A_20 = arith.constant 250 : i32
    %barrier3A_21 = arith.constant 0 : index
    tpu.barrier barrier_id(%barrier3A_21)
    %mul3A = arith.constant 640 : i32
    %mul3A_22 = arith.muli %arg1, %mul3A : i32
    %eq3A = arith.constant 0 : i32
    %eq3A_23 = arith.cmpi eq, %arg0, %eq3A : i32
    %convert_element_type3A = arith.extui %eq3A_23 : i1 to i32
    %cond3A = arith.constant 0 : i32
    %cond3A_24 = arith.cmpi ne, %convert_element_type3A, %cond3A : i32
    scf.if %cond3A_24 {
      "tpu.region"() ({
        %run_scoped3A = tpu.sem_alloc : memref<!tpu.dma_semaphore, #tpu.memory_space<semaphore_mem>>
        %dma_start3A = arith.constant 0 : i32
        %dma_start3A_30 = tpu.memref_slice %arg6[%mul3A_22, %dma_start3A] : memref<10240x64xf32, #tpu.memory_space<hbm>> -> memref<640x64xf32, #tpu.memory_space<hbm>>
        %dma_start3A_31 = arith.constant 0 : i32
        %dma_start3A_32 = tpu.memref_slice %arg12[%mul3A_22, %dma_start3A_31] : memref<10240x64xf32, #tpu.memory_space<vmem_shared>> -> memref<640x64xf32, #tpu.memory_space<vmem_shared>>
        tpu.enqueue_dma source(%dma_start3A_32 : memref<640x64xf32, #tpu.memory_space<vmem_shared>>) target(%dma_start3A_30 : memref<640x64xf32, #tpu.memory_space<hbm>>) target_semaphore(%run_scoped3A : memref<!tpu.dma_semaphore, #tpu.memory_space<semaphore_mem>>)
        %dma_wait3A = arith.constant 0 : i32
        %dma_wait3A_33 = tpu.memref_slice %arg6[%mul3A_22, %dma_wait3A] : memref<10240x64xf32, #tpu.memory_space<hbm>> -> memref<640x64xf32, #tpu.memory_space<hbm>>
        %dma_wait3A_34 = arith.constant 0 : i32
        %dma_wait3A_35 = tpu.memref_slice %arg12[%mul3A_22, %dma_wait3A_34] : memref<10240x64xf32, #tpu.memory_space<vmem_shared>> -> memref<640x64xf32, #tpu.memory_space<vmem_shared>>
        tpu.wait_dma2 semaphore(%run_scoped3A : memref<!tpu.dma_semaphore, #tpu.memory_space<semaphore_mem>>) src(%dma_wait3A_35 : memref<640x64xf32, #tpu.memory_space<vmem_shared>>) dst(%dma_wait3A_33 : memref<640x64xf32, #tpu.memory_space<hbm>>)
        tpu.yield
      }) : () -> ()
    } else {
    }
    %eq3A_25 = arith.constant 1 : i32
    %eq3A_26 = arith.cmpi eq, %arg0, %eq3A_25 : i32
    %convert_element_type3A_27 = arith.extui %eq3A_26 : i1 to i32
    %cond3A_28 = arith.constant 0 : i32
    %cond3A_29 = arith.cmpi ne, %convert_element_type3A_27, %cond3A_28 : i32
    scf.if %cond3A_29 {
      "tpu.region"() ({
        %run_scoped3A = tpu.sem_alloc : memref<!tpu.dma_semaphore, #tpu.memory_space<semaphore_mem>>
        %dma_start3A = arith.constant 0 : i32
        %dma_start3A_30 = tpu.memref_slice %arg7[%mul3A_22, %dma_start3A] : memref<10240x64xf32, #tpu.memory_space<hbm>> -> memref<640x64xf32, #tpu.memory_space<hbm>>
        %dma_start3A_31 = arith.constant 0 : i32
        %dma_start3A_32 = tpu.memref_slice %arg12[%mul3A_22, %dma_start3A_31] : memref<10240x64xf32, #tpu.memory_space<vmem_shared>> -> memref<640x64xf32, #tpu.memory_space<vmem_shared>>
        tpu.enqueue_dma source(%dma_start3A_32 : memref<640x64xf32, #tpu.memory_space<vmem_shared>>) target(%dma_start3A_30 : memref<640x64xf32, #tpu.memory_space<hbm>>) target_semaphore(%run_scoped3A : memref<!tpu.dma_semaphore, #tpu.memory_space<semaphore_mem>>)
        %dma_wait3A = arith.constant 0 : i32
        %dma_wait3A_33 = tpu.memref_slice %arg7[%mul3A_22, %dma_wait3A] : memref<10240x64xf32, #tpu.memory_space<hbm>> -> memref<640x64xf32, #tpu.memory_space<hbm>>
        %dma_wait3A_34 = arith.constant 0 : i32
        %dma_wait3A_35 = tpu.memref_slice %arg12[%mul3A_22, %dma_wait3A_34] : memref<10240x64xf32, #tpu.memory_space<vmem_shared>> -> memref<640x64xf32, #tpu.memory_space<vmem_shared>>
        tpu.wait_dma2 semaphore(%run_scoped3A : memref<!tpu.dma_semaphore, #tpu.memory_space<semaphore_mem>>) src(%dma_wait3A_35 : memref<640x64xf32, #tpu.memory_space<vmem_shared>>) dst(%dma_wait3A_33 : memref<640x64xf32, #tpu.memory_space<hbm>>)
        tpu.yield
      }) : () -> ()
    } else {
    }
    return
  }
}

#map = affine_map<(d0, d1) -> (0, 0)>
#map1 = affine_map<(d0, d1) -> (0, 0, 0)>
module attributes {stable_mosaic.version = 14 : i64} {
  func.func @agg(%arg0: i32, %arg1: i32, %arg2: memref<10000x16xf32, #tpu.memory_space<hbm>>, %arg3: memref<32x125x80xi32, #tpu.memory_space<hbm>>, %arg4: memref<32x125x80xi32, #tpu.memory_space<hbm>>, %arg5: memref<10240x16xf32, #tpu.memory_space<hbm>>, %arg6: memref<10240x16xf32, #tpu.memory_space<hbm>>, %arg7: memref<125x80xi32, #tpu.memory_space<vmem>>, %arg8: memref<125x80xi32, #tpu.memory_space<vmem>>, %arg9: memref<80x16xf32, #tpu.memory_space<vmem>>, %arg10: memref<128x16xf32, #tpu.memory_space<vmem>>, %arg11: memref<10240x16xf32, #tpu.memory_space<vmem_shared>>, %arg12: memref<!tpu.dma_semaphore, #tpu.memory_space<semaphore_mem>>) attributes {dimension_semantics = [#tpu.dimension_semantics<core_parallel>, #tpu.dimension_semantics<subcore_parallel>], iteration_bounds = array<i64: 2, 16>, scalar_prefetch = 0 : i64, scratch_operands = 6 : i64, tpu.core_type = #tpu.core_type<sc_vector_subcore>, window_params = [{transform_indices = #map}, {transform_indices = #map1}, {transform_indices = #map1}, {transform_indices = #map}, {transform_indices = #map}]} {
    %mul3A = arith.constant 2 : i32
    %mul3A_0 = arith.muli %arg1, %mul3A : i32
    %add3A = arith.addi %mul3A_0, %arg0 : i32
    "tpu.region"() ({
      %run_scoped3A = tpu.sem_alloc : memref<!tpu.dma_semaphore, #tpu.memory_space<semaphore_mem>>
      %dma_start3A = arith.constant 0 : i32
      %dma_start3A_32 = arith.constant 0 : i32
      %dma_start3A_33 = tpu.memref_slice %arg3[%add3A, %dma_start3A, %dma_start3A_32] : memref<32x125x80xi32, #tpu.memory_space<hbm>> -> memref<1x125x80xi32, #tpu.memory_space<hbm>>
      %dma_start3A_34 = tpu.memref_squeeze %dma_start3A_33 : memref<1x125x80xi32, #tpu.memory_space<hbm>> -> memref<125x80xi32, #tpu.memory_space<hbm>>
      %dma_start3A_35 = arith.constant 0 : i32
      %dma_start3A_36 = arith.constant 0 : i32
      %dma_start3A_37 = tpu.memref_slice %arg3[%add3A, %dma_start3A_35, %dma_start3A_36] : memref<32x125x80xi32, #tpu.memory_space<hbm>> -> memref<1x125x80xi32, #tpu.memory_space<hbm>>
      %dma_start3A_38 = tpu.memref_squeeze %dma_start3A_37 : memref<1x125x80xi32, #tpu.memory_space<hbm>> -> memref<125x80xi32, #tpu.memory_space<hbm>>
      tpu.enqueue_dma source(%dma_start3A_38 : memref<125x80xi32, #tpu.memory_space<hbm>>) target(%arg7 : memref<125x80xi32, #tpu.memory_space<vmem>>) target_semaphore(%run_scoped3A : memref<!tpu.dma_semaphore, #tpu.memory_space<semaphore_mem>>)
      %dma_wait3A = arith.constant 0 : i32
      %dma_wait3A_39 = arith.constant 0 : i32
      %dma_wait3A_40 = tpu.memref_slice %arg3[%add3A, %dma_wait3A, %dma_wait3A_39] : memref<32x125x80xi32, #tpu.memory_space<hbm>> -> memref<1x125x80xi32, #tpu.memory_space<hbm>>
      %dma_wait3A_41 = tpu.memref_squeeze %dma_wait3A_40 : memref<1x125x80xi32, #tpu.memory_space<hbm>> -> memref<125x80xi32, #tpu.memory_space<hbm>>
      %dma_wait3A_42 = arith.constant 0 : i32
      %dma_wait3A_43 = arith.constant 0 : i32
      %dma_wait3A_44 = tpu.memref_slice %arg3[%add3A, %dma_wait3A_42, %dma_wait3A_43] : memref<32x125x80xi32, #tpu.memory_space<hbm>> -> memref<1x125x80xi32, #tpu.memory_space<hbm>>
      %dma_wait3A_45 = tpu.memref_squeeze %dma_wait3A_44 : memref<1x125x80xi32, #tpu.memory_space<hbm>> -> memref<125x80xi32, #tpu.memory_space<hbm>>
      tpu.wait_dma2 semaphore(%run_scoped3A : memref<!tpu.dma_semaphore, #tpu.memory_space<semaphore_mem>>) src(%dma_wait3A_45 : memref<125x80xi32, #tpu.memory_space<hbm>>) dst(%arg7 : memref<125x80xi32, #tpu.memory_space<vmem>>)
      tpu.yield
    }) : () -> ()
    "tpu.region"() ({
      %run_scoped3A = tpu.sem_alloc : memref<!tpu.dma_semaphore, #tpu.memory_space<semaphore_mem>>
      %dma_start3A = arith.constant 0 : i32
      %dma_start3A_32 = arith.constant 0 : i32
      %dma_start3A_33 = tpu.memref_slice %arg4[%add3A, %dma_start3A, %dma_start3A_32] : memref<32x125x80xi32, #tpu.memory_space<hbm>> -> memref<1x125x80xi32, #tpu.memory_space<hbm>>
      %dma_start3A_34 = tpu.memref_squeeze %dma_start3A_33 : memref<1x125x80xi32, #tpu.memory_space<hbm>> -> memref<125x80xi32, #tpu.memory_space<hbm>>
      %dma_start3A_35 = arith.constant 0 : i32
      %dma_start3A_36 = arith.constant 0 : i32
      %dma_start3A_37 = tpu.memref_slice %arg4[%add3A, %dma_start3A_35, %dma_start3A_36] : memref<32x125x80xi32, #tpu.memory_space<hbm>> -> memref<1x125x80xi32, #tpu.memory_space<hbm>>
      %dma_start3A_38 = tpu.memref_squeeze %dma_start3A_37 : memref<1x125x80xi32, #tpu.memory_space<hbm>> -> memref<125x80xi32, #tpu.memory_space<hbm>>
      tpu.enqueue_dma source(%dma_start3A_38 : memref<125x80xi32, #tpu.memory_space<hbm>>) target(%arg8 : memref<125x80xi32, #tpu.memory_space<vmem>>) target_semaphore(%run_scoped3A : memref<!tpu.dma_semaphore, #tpu.memory_space<semaphore_mem>>)
      %dma_wait3A = arith.constant 0 : i32
      %dma_wait3A_39 = arith.constant 0 : i32
      %dma_wait3A_40 = tpu.memref_slice %arg4[%add3A, %dma_wait3A, %dma_wait3A_39] : memref<32x125x80xi32, #tpu.memory_space<hbm>> -> memref<1x125x80xi32, #tpu.memory_space<hbm>>
      %dma_wait3A_41 = tpu.memref_squeeze %dma_wait3A_40 : memref<1x125x80xi32, #tpu.memory_space<hbm>> -> memref<125x80xi32, #tpu.memory_space<hbm>>
      %dma_wait3A_42 = arith.constant 0 : i32
      %dma_wait3A_43 = arith.constant 0 : i32
      %dma_wait3A_44 = tpu.memref_slice %arg4[%add3A, %dma_wait3A_42, %dma_wait3A_43] : memref<32x125x80xi32, #tpu.memory_space<hbm>> -> memref<1x125x80xi32, #tpu.memory_space<hbm>>
      %dma_wait3A_45 = tpu.memref_squeeze %dma_wait3A_44 : memref<1x125x80xi32, #tpu.memory_space<hbm>> -> memref<125x80xi32, #tpu.memory_space<hbm>>
      tpu.wait_dma2 semaphore(%run_scoped3A : memref<!tpu.dma_semaphore, #tpu.memory_space<semaphore_mem>>) src(%dma_wait3A_45 : memref<125x80xi32, #tpu.memory_space<hbm>>) dst(%arg8 : memref<125x80xi32, #tpu.memory_space<vmem>>)
      tpu.yield
    }) : () -> ()
    %broadcast_in_dim3A = arith.constant 0.000000e+00 : f32
    %broadcast_in_dim3A_1 = vector.broadcast %broadcast_in_dim3A : f32 to vector<16xf32>
    %scan3A = arith.constant 0 : i32
    %scan3A_2 = arith.constant 0 : i32
    %scan3A_3 = arith.constant 128 : i32
    %scan3A_4 = arith.addi %scan3A_2, %scan3A_3 : i32
    %scan3A_5 = arith.constant 1 : i32
    %scan3A_6 = scf.for %scan3A_32 = %scan3A_2 to %scan3A_4 step %scan3A_5 iter_args(%scan3A_33 = %scan3A) -> (i32)  : i32 {
      %scan3A_34 = arith.constant 0 : i32
      %scan3A_35 = arith.constant 0 : i32
      %mul3A_36 = arith.constant 16 : i32
      %mul3A_37 = arith.muli %scan3A_35, %mul3A_36 : i32
      %swap3A = arith.index_cast %scan3A_32 : i32 to index
      %swap3A_38 = arith.index_cast %mul3A_37 : i32 to index
      %swap3A_39 = tpu.vector_load %arg10[%swap3A, %swap3A_38] {strides = array<i32>} : memref<128x16xf32, #tpu.memory_space<vmem>>, vector<1x16xf32>,
      %swap3A_40 = vector.shape_cast %swap3A_39 : vector<1x16xf32> to vector<16xf32>
      %swap3A_41 = vector.shape_cast %broadcast_in_dim3A_1 : vector<16xf32> to vector<1x16xf32>
      tpu.vector_store %arg10[%swap3A, %swap3A_38], %swap3A_41 {strides = array<i32>} : memref<128x16xf32, #tpu.memory_space<vmem>>, vector<1x16xf32>,
      %scan3A_42 = arith.constant 0 : i32
      %scan3A_43 = arith.constant 1 : i32
      scf.yield %scan3A_42 : i32
    }
    %scan3A_7 = arith.constant 128 : i32
    %scan3A_8 = arith.constant 0 : i32
    %scan3A_9 = arith.constant 0 : i32
    %scan3A_10 = arith.constant 5 : i32
    %scan3A_11 = arith.addi %scan3A_9, %scan3A_10 : i32
    %scan3A_12 = arith.constant 1 : i32
    %scan3A_13 = scf.for %scan3A_32 = %scan3A_9 to %scan3A_11 step %scan3A_12 iter_args(%scan3A_33 = %scan3A_8) -> (i32)  : i32 {
      %mul3A_34 = arith.constant 640 : i32
      %mul3A_35 = arith.muli %arg1, %mul3A_34 : i32
      %mul3A_36 = arith.constant 128 : i32
      %mul3A_37 = arith.muli %scan3A_32, %mul3A_36 : i32
      %add3A_38 = arith.addi %mul3A_35, %mul3A_37 : i32
      "tpu.region"() ({
        %run_scoped3A = tpu.sem_alloc : memref<!tpu.dma_semaphore, #tpu.memory_space<semaphore_mem>>
        %dma_start3A = arith.constant 0 : i32
        %dma_start3A_40 = tpu.memref_slice %arg11[%add3A_38, %dma_start3A] : memref<10240x16xf32, #tpu.memory_space<vmem_shared>> -> memref<128x16xf32, #tpu.memory_space<vmem_shared>>
        %dma_start3A_41 = arith.constant 0 : i32
        %dma_start3A_42 = tpu.memref_slice %arg11[%add3A_38, %dma_start3A_41] : memref<10240x16xf32, #tpu.memory_space<vmem_shared>> -> memref<128x16xf32, #tpu.memory_space<vmem_shared>>
        tpu.enqueue_dma source(%arg10 : memref<128x16xf32, #tpu.memory_space<vmem>>) target(%dma_start3A_42 : memref<128x16xf32, #tpu.memory_space<vmem_shared>>) target_semaphore(%run_scoped3A : memref<!tpu.dma_semaphore, #tpu.memory_space<semaphore_mem>>)
        %dma_wait3A = arith.constant 0 : i32
        %dma_wait3A_43 = tpu.memref_slice %arg11[%add3A_38, %dma_wait3A] : memref<10240x16xf32, #tpu.memory_space<vmem_shared>> -> memref<128x16xf32, #tpu.memory_space<vmem_shared>>
        %dma_wait3A_44 = arith.constant 0 : i32
        %dma_wait3A_45 = tpu.memref_slice %arg11[%add3A_38, %dma_wait3A_44] : memref<10240x16xf32, #tpu.memory_space<vmem_shared>> -> memref<128x16xf32, #tpu.memory_space<vmem_shared>>
        tpu.wait_dma2 semaphore(%run_scoped3A : memref<!tpu.dma_semaphore, #tpu.memory_space<semaphore_mem>>) src(%arg10 : memref<128x16xf32, #tpu.memory_space<vmem>>) dst(%dma_wait3A_45 : memref<128x16xf32, #tpu.memory_space<vmem_shared>>)
        tpu.yield
      }) : () -> ()
      %scan3A_39 = arith.constant 0 : i32
      scf.yield %scan3A_39 : i32
    }
    %scan3A_14 = arith.constant 5 : i32
    %barrier3A = arith.constant 0 : index
    tpu.barrier barrier_id(%barrier3A)
    %scan3A_15 = arith.constant 0 : i32
    %scan3A_16 = arith.constant 0 : i32
    %scan3A_17 = arith.constant 125 : i32
    %scan3A_18 = arith.addi %scan3A_16, %scan3A_17 : i32
    %scan3A_19 = arith.constant 1 : i32
    %scan3A_20 = scf.for %scan3A_32 = %scan3A_16 to %scan3A_18 step %scan3A_19 iter_args(%scan3A_33 = %scan3A_15) -> (i32)  : i32 {
      %dma_start3A = arith.constant 0 : i32
      %dma_start3A_34 = tpu.memref_slice %arg7[%scan3A_32, %dma_start3A] : memref<125x80xi32, #tpu.memory_space<vmem>> -> memref<1x80xi32, #tpu.memory_space<vmem>>
      %dma_start3A_35 = tpu.memref_squeeze %dma_start3A_34 : memref<1x80xi32, #tpu.memory_space<vmem>> -> memref<80xi32, #tpu.memory_space<vmem>>
      %dma_start3A_36 = arith.constant 0 : i32
      %dma_start3A_37 = arith.constant 0 : i32
      %dma_start3A_38 = tpu.memref_slice %arg2[%dma_start3A_36, %dma_start3A_37] : memref<10000x16xf32, #tpu.memory_space<hbm>> -> memref<10000x16xf32, #tpu.memory_space<hbm>>
      tpu.enqueue_indirect_dma source(%dma_start3A_38 : memref<10000x16xf32, #tpu.memory_space<hbm>>) target(%arg9 : memref<80x16xf32, #tpu.memory_space<vmem>>) offsets(%dma_start3A_35 : memref<80xi32, #tpu.memory_space<vmem>>) semaphore(%arg12 : memref<!tpu.dma_semaphore, #tpu.memory_space<semaphore_mem>>)
      %dma_wait3A = arith.constant 0 : i32
      %dma_wait3A_39 = tpu.memref_slice %arg7[%scan3A_32, %dma_wait3A] : memref<125x80xi32, #tpu.memory_space<vmem>> -> memref<1x80xi32, #tpu.memory_space<vmem>>
      %dma_wait3A_40 = tpu.memref_squeeze %dma_wait3A_39 : memref<1x80xi32, #tpu.memory_space<vmem>> -> memref<80xi32, #tpu.memory_space<vmem>>
      %dma_wait3A_41 = arith.constant 0 : i32
      %dma_wait3A_42 = arith.constant 0 : i32
      %dma_wait3A_43 = tpu.memref_slice %arg2[%dma_wait3A_41, %dma_wait3A_42] : memref<10000x16xf32, #tpu.memory_space<hbm>> -> memref<10000x16xf32, #tpu.memory_space<hbm>>
      tpu.wait_indirect_dma semaphore(%arg12 : memref<!tpu.dma_semaphore, #tpu.memory_space<semaphore_mem>>) src(%dma_wait3A_43 : memref<10000x16xf32, #tpu.memory_space<hbm>>) dst(%arg9 : memref<80x16xf32, #tpu.memory_space<vmem>>)
      "tpu.region"() ({
        %run_scoped3A = tpu.sem_alloc : memref<!tpu.dma_semaphore, #tpu.memory_space<semaphore_mem>>
        %dma_start3A_45 = arith.constant 0 : i32
        %dma_start3A_46 = tpu.memref_slice %arg8[%scan3A_32, %dma_start3A_45] : memref<125x80xi32, #tpu.memory_space<vmem>> -> memref<1x80xi32, #tpu.memory_space<vmem>>
        %dma_start3A_47 = tpu.memref_squeeze %dma_start3A_46 : memref<1x80xi32, #tpu.memory_space<vmem>> -> memref<80xi32, #tpu.memory_space<vmem>>
        %dma_start3A_48 = arith.constant 0 : i32
        %dma_start3A_49 = arith.constant 0 : i32
        %dma_start3A_50 = tpu.memref_slice %arg11[%dma_start3A_48, %dma_start3A_49] : memref<10240x16xf32, #tpu.memory_space<vmem_shared>> -> memref<10240x16xf32, #tpu.memory_space<vmem_shared>>
        tpu.enqueue_indirect_dma source(%arg9 : memref<80x16xf32, #tpu.memory_space<vmem>>) target(%dma_start3A_50 : memref<10240x16xf32, #tpu.memory_space<vmem_shared>>) offsets(%dma_start3A_47 : memref<80xi32, #tpu.memory_space<vmem>>) semaphore(%run_scoped3A : memref<!tpu.dma_semaphore, #tpu.memory_space<semaphore_mem>>) {add = true}
        %dma_wait3A_51 = arith.constant 0 : i32
        %dma_wait3A_52 = tpu.memref_slice %arg8[%scan3A_32, %dma_wait3A_51] : memref<125x80xi32, #tpu.memory_space<vmem>> -> memref<1x80xi32, #tpu.memory_space<vmem>>
        %dma_wait3A_53 = tpu.memref_squeeze %dma_wait3A_52 : memref<1x80xi32, #tpu.memory_space<vmem>> -> memref<80xi32, #tpu.memory_space<vmem>>
        %dma_wait3A_54 = arith.constant 0 : i32
        %dma_wait3A_55 = arith.constant 0 : i32
        %dma_wait3A_56 = tpu.memref_slice %arg11[%dma_wait3A_54, %dma_wait3A_55] : memref<10240x16xf32, #tpu.memory_space<vmem_shared>> -> memref<10240x16xf32, #tpu.memory_space<vmem_shared>>
        tpu.wait_indirect_dma semaphore(%run_scoped3A : memref<!tpu.dma_semaphore, #tpu.memory_space<semaphore_mem>>) src(%arg9 : memref<80x16xf32, #tpu.memory_space<vmem>>) dst(%dma_wait3A_56 : memref<10240x16xf32, #tpu.memory_space<vmem_shared>>)
        tpu.yield
      }) : () -> ()
      %scan3A_44 = arith.constant 0 : i32
      scf.yield %scan3A_44 : i32
    }
    %scan3A_21 = arith.constant 125 : i32
    %barrier3A_22 = arith.constant 0 : index
    tpu.barrier barrier_id(%barrier3A_22)
    %mul3A_23 = arith.constant 640 : i32
    %mul3A_24 = arith.muli %arg1, %mul3A_23 : i32
    %eq3A = arith.constant 0 : i32
    %eq3A_25 = arith.cmpi eq, %arg0, %eq3A : i32
    %convert_element_type3A = arith.extui %eq3A_25 : i1 to i32
    %cond3A = arith.constant 0 : i32
    %cond3A_26 = arith.cmpi ne, %convert_element_type3A, %cond3A : i32
    scf.if %cond3A_26 {
      "tpu.region"() ({
        %run_scoped3A = tpu.sem_alloc : memref<!tpu.dma_semaphore, #tpu.memory_space<semaphore_mem>>
        %dma_start3A = arith.constant 0 : i32
        %dma_start3A_32 = tpu.memref_slice %arg5[%mul3A_24, %dma_start3A] : memref<10240x16xf32, #tpu.memory_space<hbm>> -> memref<640x16xf32, #tpu.memory_space<hbm>>
        %dma_start3A_33 = arith.constant 0 : i32
        %dma_start3A_34 = tpu.memref_slice %arg11[%mul3A_24, %dma_start3A_33] : memref<10240x16xf32, #tpu.memory_space<vmem_shared>> -> memref<640x16xf32, #tpu.memory_space<vmem_shared>>
        tpu.enqueue_dma source(%dma_start3A_34 : memref<640x16xf32, #tpu.memory_space<vmem_shared>>) target(%dma_start3A_32 : memref<640x16xf32, #tpu.memory_space<hbm>>) target_semaphore(%run_scoped3A : memref<!tpu.dma_semaphore, #tpu.memory_space<semaphore_mem>>)
        %dma_wait3A = arith.constant 0 : i32
        %dma_wait3A_35 = tpu.memref_slice %arg5[%mul3A_24, %dma_wait3A] : memref<10240x16xf32, #tpu.memory_space<hbm>> -> memref<640x16xf32, #tpu.memory_space<hbm>>
        %dma_wait3A_36 = arith.constant 0 : i32
        %dma_wait3A_37 = tpu.memref_slice %arg11[%mul3A_24, %dma_wait3A_36] : memref<10240x16xf32, #tpu.memory_space<vmem_shared>> -> memref<640x16xf32, #tpu.memory_space<vmem_shared>>
        tpu.wait_dma2 semaphore(%run_scoped3A : memref<!tpu.dma_semaphore, #tpu.memory_space<semaphore_mem>>) src(%dma_wait3A_37 : memref<640x16xf32, #tpu.memory_space<vmem_shared>>) dst(%dma_wait3A_35 : memref<640x16xf32, #tpu.memory_space<hbm>>)
        tpu.yield
      }) : () -> ()
    } else {
    }
    %eq3A_27 = arith.constant 1 : i32
    %eq3A_28 = arith.cmpi eq, %arg0, %eq3A_27 : i32
    %convert_element_type3A_29 = arith.extui %eq3A_28 : i1 to i32
    %cond3A_30 = arith.constant 0 : i32
    %cond3A_31 = arith.cmpi ne, %convert_element_type3A_29, %cond3A_30 : i32
    scf.if %cond3A_31 {
      "tpu.region"() ({
        %run_scoped3A = tpu.sem_alloc : memref<!tpu.dma_semaphore, #tpu.memory_space<semaphore_mem>>
        %dma_start3A = arith.constant 0 : i32
        %dma_start3A_32 = tpu.memref_slice %arg6[%mul3A_24, %dma_start3A] : memref<10240x16xf32, #tpu.memory_space<hbm>> -> memref<640x16xf32, #tpu.memory_space<hbm>>
        %dma_start3A_33 = arith.constant 0 : i32
        %dma_start3A_34 = tpu.memref_slice %arg11[%mul3A_24, %dma_start3A_33] : memref<10240x16xf32, #tpu.memory_space<vmem_shared>> -> memref<640x16xf32, #tpu.memory_space<vmem_shared>>
        tpu.enqueue_dma source(%dma_start3A_34 : memref<640x16xf32, #tpu.memory_space<vmem_shared>>) target(%dma_start3A_32 : memref<640x16xf32, #tpu.memory_space<hbm>>) target_semaphore(%run_scoped3A : memref<!tpu.dma_semaphore, #tpu.memory_space<semaphore_mem>>)
        %dma_wait3A = arith.constant 0 : i32
        %dma_wait3A_35 = tpu.memref_slice %arg6[%mul3A_24, %dma_wait3A] : memref<10240x16xf32, #tpu.memory_space<hbm>> -> memref<640x16xf32, #tpu.memory_space<hbm>>
        %dma_wait3A_36 = arith.constant 0 : i32
        %dma_wait3A_37 = tpu.memref_slice %arg11[%mul3A_24, %dma_wait3A_36] : memref<10240x16xf32, #tpu.memory_space<vmem_shared>> -> memref<640x16xf32, #tpu.memory_space<vmem_shared>>
        tpu.wait_dma2 semaphore(%run_scoped3A : memref<!tpu.dma_semaphore, #tpu.memory_space<semaphore_mem>>) src(%dma_wait3A_37 : memref<640x16xf32, #tpu.memory_space<vmem_shared>>) dst(%dma_wait3A_35 : memref<640x16xf32, #tpu.memory_space<hbm>>)
        tpu.yield
      }) : () -> ()
    } else {
    }
    return
  }
}

module attributes {stable_mosaic.version = 14 : i64} {
  func.func @_norm_body(%arg0: memref<10240x16xf32, #tpu.memory_space<vmem>>, %arg1: memref<10240x16xf32, #tpu.memory_space<vmem>>, %arg2: memref<10240x16xf32, #tpu.memory_space<vmem>>, %arg3: memref<10240x16xf32, #tpu.memory_space<vmem>>, %arg4: memref<10000x1xf32, #tpu.memory_space<vmem>>, %arg5: memref<10000x1xf32, #tpu.memory_space<vmem>>) attributes {dimension_semantics = [], scalar_prefetch = 0 : i64, scratch_operands = 0 : i64, tpu.core_type = #tpu.core_type<tc>} {
    %get3A = arith.constant 0 : index
    %get3A_0 = arith.constant 0 : index
    %get3A_1 = vector.load %arg0[%get3A, %get3A_0] : memref<10240x16xf32, #tpu.memory_space<vmem>>, vector<10000x16xf32>
    %get3A_2 = arith.constant 0 : index
    %get3A_3 = arith.constant 0 : index
    %get3A_4 = vector.load %arg1[%get3A_2, %get3A_3] : memref<10240x16xf32, #tpu.memory_space<vmem>>, vector<10000x16xf32>
    %add3A = arith.addf %get3A_1, %get3A_4 : vector<10000x16xf32>
    %get3A_5 = arith.constant 0 : index
    %get3A_6 = arith.constant 0 : index
    %get3A_7 = vector.load %arg2[%get3A_5, %get3A_6] : memref<10240x16xf32, #tpu.memory_space<vmem>>, vector<10000x16xf32>
    %get3A_8 = arith.constant 0 : index
    %get3A_9 = arith.constant 0 : index
    %get3A_10 = vector.load %arg3[%get3A_8, %get3A_9] : memref<10240x16xf32, #tpu.memory_space<vmem>>, vector<10000x16xf32>
    %add3A_11 = arith.addf %get3A_7, %get3A_10 : vector<10000x16xf32>
    %slice3A = vector.extract_strided_slice %add3A {offsets = [0, 0], sizes = [10000, 1], strides = [1, 1]} : vector<10000x16xf32> to vector<10000x1xf32>
    %jit3A = arith.constant 1.000000e+00 : f32
    %max3A = vector.broadcast %jit3A : f32 to vector<10000x1xf32>
    %max3A_12 = arith.maximumf %max3A, %slice3A : vector<10000x1xf32>
    %rsqrt3A = math.rsqrt %max3A_12 : vector<10000x1xf32>
    %swap3A = arith.constant 0 : index
    %swap3A_13 = arith.constant 0 : index
    %swap3A_14 = vector.load %arg4[%swap3A, %swap3A_13] : memref<10000x1xf32, #tpu.memory_space<vmem>>, vector<10000x1xf32>
    tpu.vector_store %arg4[%swap3A, %swap3A_13], %rsqrt3A {strides = array<i32>} : memref<10000x1xf32, #tpu.memory_space<vmem>>, vector<10000x1xf32>,
    %slice3A_15 = vector.extract_strided_slice %add3A_11 {offsets = [0, 0], sizes = [10000, 1], strides = [1, 1]} : vector<10000x16xf32> to vector<10000x1xf32>
    %jit3A_16 = arith.constant 1.000000e+00 : f32
    %max3A_17 = vector.broadcast %jit3A_16 : f32 to vector<10000x1xf32>
    %max3A_18 = arith.maximumf %max3A_17, %slice3A_15 : vector<10000x1xf32>
    %rsqrt3A_19 = math.rsqrt %max3A_18 : vector<10000x1xf32>
    %swap3A_20 = arith.constant 0 : index
    %swap3A_21 = arith.constant 0 : index
    %swap3A_22 = vector.load %arg5[%swap3A_20, %swap3A_21] : memref<10000x1xf32, #tpu.memory_space<vmem>>, vector<10000x1xf32>
    tpu.vector_store %arg5[%swap3A_20, %swap3A_21], %rsqrt3A_19 {strides = array<i32>} : memref<10000x1xf32, #tpu.memory_space<vmem>>, vector<10000x1xf32>,
    return
  }
}

module attributes {stable_mosaic.version = 14 : i64} {
  func.func @_preA_body(%arg0: i32, %arg1: memref<2000x128xf32, #tpu.memory_space<vmem>>, %arg2: memref<2000x1xf32, #tpu.memory_space<vmem>>, %arg3: memref<128x128xf32, #tpu.memory_space<vmem>>, %arg4: memref<2000x64xf32, #tpu.memory_space<vmem>>, %arg5: memref<2000x64xf32, #tpu.memory_space<vmem>>) attributes {dimension_semantics = [#tpu.dimension_semantics<arbitrary>], iteration_bounds = array<i64: 5>, scalar_prefetch = 0 : i64, scratch_operands = 0 : i64, tpu.core_type = #tpu.core_type<tc>, window_params = [{transform_indices = @transform_0, window_bounds = array<i64: 2000, 128>}, {transform_indices = @transform_1, window_bounds = array<i64: 2000, 1>}, {pipeline_mode = #tpu.pipeline_mode<synchronous>, transform_indices = @transform_2, window_bounds = array<i64: 128, 128>}, {transform_indices = @transform_3, window_bounds = array<i64: 2000, 64>}, {transform_indices = @transform_4, window_bounds = array<i64: 2000, 64>}]} {
    %get3A = arith.constant 0 : index
    %get3A_0 = arith.constant 0 : index
    %get3A_1 = vector.load %arg1[%get3A, %get3A_0] : memref<2000x128xf32, #tpu.memory_space<vmem>>, vector<2000x128xf32>
    %get3A_2 = arith.constant 0 : index
    %get3A_3 = arith.constant 0 : index
    %get3A_4 = vector.load %arg2[%get3A_2, %get3A_3] : memref<2000x1xf32, #tpu.memory_space<vmem>>, vector<2000x1xf32>
    %mul3A = vector.broadcast %get3A_4 : vector<2000x1xf32> to vector<2000x128xf32>
    %mul3A_5 = arith.mulf %get3A_1, %mul3A : vector<2000x128xf32>
    %get3A_6 = arith.constant 0 : index
    %get3A_7 = arith.constant 0 : index
    %get3A_8 = vector.load %arg3[%get3A_6, %get3A_7] : memref<128x128xf32, #tpu.memory_space<vmem>>, vector<128x128xf32>
    %dot_general3A = arith.constant dense<0.000000e+00> : vector<2000x128xf32>
    %dot_general3A_9 = tpu.matmul %mul3A_5, %get3A_8, %dot_general3A {dimension_numbers = #tpu.dot_dimension_numbers<[1], [0], [0], [1], [0, 0, 1, 1], [], []>, transpose_lhs_hint = false} : vector<2000x128xf32>, vector<128x128xf32>, vector<2000x128xf32> -> vector<2000x128xf32>
    %slice3A = vector.extract_strided_slice %dot_general3A_9 {offsets = [0, 0], sizes = [2000, 64], strides = [1, 1]} : vector<2000x128xf32> to vector<2000x64xf32>
    %swap3A = arith.constant 0 : index
    %swap3A_10 = arith.constant 0 : index
    %swap3A_11 = vector.load %arg4[%swap3A, %swap3A_10] : memref<2000x64xf32, #tpu.memory_space<vmem>>, vector<2000x64xf32>
    tpu.vector_store %arg4[%swap3A, %swap3A_10], %slice3A {strides = array<i32>} : memref<2000x64xf32, #tpu.memory_space<vmem>>, vector<2000x64xf32>,
    %slice3A_12 = vector.extract_strided_slice %dot_general3A_9 {offsets = [0, 64], sizes = [2000, 64], strides = [1, 1]} : vector<2000x128xf32> to vector<2000x64xf32>
    %swap3A_13 = arith.constant 0 : index
    %swap3A_14 = arith.constant 0 : index
    %swap3A_15 = vector.load %arg5[%swap3A_13, %swap3A_14] : memref<2000x64xf32, #tpu.memory_space<vmem>>, vector<2000x64xf32>
    tpu.vector_store %arg5[%swap3A_13, %swap3A_14], %slice3A_12 {strides = array<i32>} : memref<2000x64xf32, #tpu.memory_space<vmem>>, vector<2000x64xf32>,
    return
  }
  func.func @transform_0(%arg0: i32) -> (i32, i32) {
    %c0_i32 = arith.constant 0 : i32
    %c0_i32_0 = arith.constant 0 : i32
    return %arg0, %c0_i32 : i32, i32
  }
  func.func @transform_1(%arg0: i32) -> (i32, i32) {
    %c0_i32 = arith.constant 0 : i32
    %c0_i32_0 = arith.constant 0 : i32
    return %arg0, %c0_i32 : i32, i32
  }
  func.func @transform_2(%arg0: i32) -> (i32, i32) {
    %c0_i32 = arith.constant 0 : i32
    %c0_i32_0 = arith.constant 0 : i32
    %c0_i32_1 = arith.constant 0 : i32
    return %c0_i32, %c0_i32_0 : i32, i32
  }
  func.func @transform_3(%arg0: i32) -> (i32, i32) {
    %c0_i32 = arith.constant 0 : i32
    %c0_i32_0 = arith.constant 0 : i32
    return %arg0, %c0_i32 : i32, i32
  }
  func.func @transform_4(%arg0: i32) -> (i32, i32) {
    %c0_i32 = arith.constant 0 : i32
    %c0_i32_0 = arith.constant 0 : i32
    return %arg0, %c0_i32 : i32, i32
  }
}

module attributes {stable_mosaic.version = 14 : i64} {
  func.func @_preB_body(%arg0: i32, %arg1: memref<2000x64xf32, #tpu.memory_space<vmem>>, %arg2: memref<2000x64xf32, #tpu.memory_space<vmem>>, %arg3: memref<2000x1xf32, #tpu.memory_space<vmem>>, %arg4: memref<1x128xf32, #tpu.memory_space<vmem>>, %arg5: memref<2000x1xf32, #tpu.memory_space<vmem>>, %arg6: memref<128x128xf32, #tpu.memory_space<vmem>>, %arg7: memref<2000x64xf32, #tpu.memory_space<vmem>>, %arg8: memref<2000x64xf32, #tpu.memory_space<vmem>>, %arg9: memref<2x128xf32, #tpu.memory_space<vmem>>) attributes {dimension_semantics = [#tpu.dimension_semantics<arbitrary>], iteration_bounds = array<i64: 5>, scalar_prefetch = 0 : i64, scratch_operands = 0 : i64, tpu.core_type = #tpu.core_type<tc>, window_params = [{transform_indices = @transform_0, window_bounds = array<i64: 2000, 64>}, {transform_indices = @transform_1, window_bounds = array<i64: 2000, 64>}, {transform_indices = @transform_2, window_bounds = array<i64: 2000, 1>}, {pipeline_mode = #tpu.pipeline_mode<synchronous>, transform_indices = @transform_3, window_bounds = array<i64: 1, 128>}, {transform_indices = @transform_4, window_bounds = array<i64: 2000, 1>}, {pipeline_mode = #tpu.pipeline_mode<synchronous>, transform_indices = @transform_5, window_bounds = array<i64: 128, 128>}, {transform_indices = @transform_6, window_bounds = array<i64: 2000, 64>}, {transform_indices = @transform_7, window_bounds = array<i64: 2000, 64>}, {pipeline_mode = #tpu.pipeline_mode<synchronous>, transform_indices = @transform_8, window_bounds = array<i64: 2, 128>}]} {
    %get3A = arith.constant 0 : index
    %get3A_0 = arith.constant 0 : index
    %get3A_1 = vector.load %arg1[%get3A, %get3A_0] : memref<2000x64xf32, #tpu.memory_space<vmem>>, vector<2000x64xf32>
    %get3A_2 = arith.constant 0 : index
    %get3A_3 = arith.constant 0 : index
    %get3A_4 = vector.load %arg2[%get3A_2, %get3A_3] : memref<2000x64xf32, #tpu.memory_space<vmem>>, vector<2000x64xf32>
    %concatenate3A = tpu.concatenate %get3A_1, %get3A_4 in 1 : vector<2000x64xf32>, vector<2000x64xf32> -> vector<2000x128xf32>
    %get3A_5 = arith.constant 0 : index
    %get3A_6 = arith.constant 0 : index
    %get3A_7 = vector.load %arg3[%get3A_5, %get3A_6] : memref<2000x1xf32, #tpu.memory_space<vmem>>, vector<2000x1xf32>
    %mul3A = vector.broadcast %get3A_7 : vector<2000x1xf32> to vector<2000x128xf32>
    %mul3A_8 = arith.mulf %concatenate3A, %mul3A : vector<2000x128xf32>
    %get3A_9 = arith.constant 0 : index
    %get3A_10 = arith.constant 0 : index
    %get3A_11 = vector.load %arg4[%get3A_9, %get3A_10] : memref<1x128xf32, #tpu.memory_space<vmem>>, vector<1x128xf32>
    %add3A = vector.broadcast %get3A_11 : vector<1x128xf32> to vector<2000x128xf32>
    %add3A_12 = arith.addf %mul3A_8, %add3A : vector<2000x128xf32>
    %max3A = arith.constant 0.000000e+00 : f32
    %max3A_13 = vector.broadcast %max3A : f32 to vector<2000x128xf32>
    %max3A_14 = arith.maximumf %add3A_12, %max3A_13 : vector<2000x128xf32>
    %get3A_15 = arith.constant 0 : index
    %get3A_16 = arith.constant 0 : index
    %get3A_17 = vector.load %arg5[%get3A_15, %get3A_16] : memref<2000x1xf32, #tpu.memory_space<vmem>>, vector<2000x1xf32>
    %mul3A_18 = vector.broadcast %get3A_17 : vector<2000x1xf32> to vector<2000x128xf32>
    %mul3A_19 = arith.mulf %max3A_14, %mul3A_18 : vector<2000x128xf32>
    %get3A_20 = arith.constant 0 : index
    %get3A_21 = arith.constant 0 : index
    %get3A_22 = vector.load %arg6[%get3A_20, %get3A_21] : memref<128x128xf32, #tpu.memory_space<vmem>>, vector<128x128xf32>
    %dot_general3A = arith.constant dense<0.000000e+00> : vector<2000x128xf32>
    %dot_general3A_23 = tpu.matmul %mul3A_19, %get3A_22, %dot_general3A {dimension_numbers = #tpu.dot_dimension_numbers<[1], [0], [0], [1], [0, 0, 1, 1], [], []>, transpose_lhs_hint = false} : vector<2000x128xf32>, vector<128x128xf32>, vector<2000x128xf32> -> vector<2000x128xf32>
    %slice3A = vector.extract_strided_slice %dot_general3A_23 {offsets = [0, 0], sizes = [2000, 64], strides = [1, 1]} : vector<2000x128xf32> to vector<2000x64xf32>
    %swap3A = arith.constant 0 : index
    %swap3A_24 = arith.constant 0 : index
    %swap3A_25 = vector.load %arg7[%swap3A, %swap3A_24] : memref<2000x64xf32, #tpu.memory_space<vmem>>, vector<2000x64xf32>
    tpu.vector_store %arg7[%swap3A, %swap3A_24], %slice3A {strides = array<i32>} : memref<2000x64xf32, #tpu.memory_space<vmem>>, vector<2000x64xf32>,
    %slice3A_26 = vector.extract_strided_slice %dot_general3A_23 {offsets = [0, 64], sizes = [2000, 64], strides = [1, 1]} : vector<2000x128xf32> to vector<2000x64xf32>
    %swap3A_27 = arith.constant 0 : index
    %swap3A_28 = arith.constant 0 : index
    %swap3A_29 = vector.load %arg8[%swap3A_27, %swap3A_28] : memref<2000x64xf32, #tpu.memory_space<vmem>>, vector<2000x64xf32>
    tpu.vector_store %arg8[%swap3A_27, %swap3A_28], %slice3A_26 {strides = array<i32>} : memref<2000x64xf32, #tpu.memory_space<vmem>>, vector<2000x64xf32>,
    %reduce_sum3A = arith.constant dense<0.000000e+00> : vector<128xf32>
    %reduce_sum3A_30 = vector.multi_reduction <add>, %max3A_14, %reduce_sum3A [0] : vector<2000x128xf32> to vector<128xf32>
    %broadcast_in_dim3A = vector.shape_cast %reduce_sum3A_30 : vector<128xf32> to vector<1x128xf32>
    %reduce_max3A = arith.constant dense<0xFF800000> : vector<128xf32>
    %reduce_max3A_31 = vector.multi_reduction <maximumf>, %max3A_14, %reduce_max3A [0] : vector<2000x128xf32> to vector<128xf32>
    %broadcast_in_dim3A_32 = vector.shape_cast %reduce_max3A_31 : vector<128xf32> to vector<1x128xf32>
    %eq3A = arith.constant 0 : i32
    %eq3A_33 = arith.cmpi eq, %arg0, %eq3A : i32
    %convert_element_type3A = arith.extui %eq3A_33 : i1 to i32
    %cond3A = arith.constant 0 : i32
    %cond3A_34 = arith.cmpi ne, %convert_element_type3A, %cond3A : i32
    scf.if %cond3A_34 {
      %swap3A_44 = arith.constant 0 : index
      %swap3A_45 = arith.constant 0 : index
      %swap3A_46 = vector.load %arg9[%swap3A_44, %swap3A_45] : memref<2x128xf32, #tpu.memory_space<vmem>>, vector<1x128xf32>
      tpu.vector_store %arg9[%swap3A_44, %swap3A_45], %broadcast_in_dim3A {strides = array<i32>} : memref<2x128xf32, #tpu.memory_space<vmem>>, vector<1x128xf32>,
      %swap3A_47 = arith.constant 1 : index
      %swap3A_48 = arith.constant 0 : index
      %swap3A_49 = vector.load %arg9[%swap3A_47, %swap3A_48] : memref<2x128xf32, #tpu.memory_space<vmem>>, vector<1x128xf32>
      tpu.vector_store %arg9[%swap3A_47, %swap3A_48], %broadcast_in_dim3A_32 {strides = array<i32>} : memref<2x128xf32, #tpu.memory_space<vmem>>, vector<1x128xf32>,
    } else {
    }
    %ne3A = arith.constant 0 : i32
    %ne3A_35 = arith.cmpi ne, %arg0, %ne3A : i32
    %convert_element_type3A_36 = arith.extui %ne3A_35 : i1 to i32
    %cond3A_37 = arith.constant 0 : i32
    %cond3A_38 = arith.cmpi ne, %convert_element_type3A_36, %cond3A_37 : i32
    scf.if %cond3A_38 {
      %get3A_44 = arith.constant 0 : index
      %get3A_45 = arith.constant 0 : index
      %get3A_46 = vector.load %arg9[%get3A_44, %get3A_45] : memref<2x128xf32, #tpu.memory_space<vmem>>, vector<1x128xf32>
      %add3A_47 = arith.addf %get3A_46, %broadcast_in_dim3A : vector<1x128xf32>
      %swap3A_48 = arith.constant 0 : index
      %swap3A_49 = arith.constant 0 : index
      %swap3A_50 = vector.load %arg9[%swap3A_48, %swap3A_49] : memref<2x128xf32, #tpu.memory_space<vmem>>, vector<1x128xf32>
      tpu.vector_store %arg9[%swap3A_48, %swap3A_49], %add3A_47 {strides = array<i32>} : memref<2x128xf32, #tpu.memory_space<vmem>>, vector<1x128xf32>,
      %get3A_51 = arith.constant 1 : index
      %get3A_52 = arith.constant 0 : index
      %get3A_53 = vector.load %arg9[%get3A_51, %get3A_52] : memref<2x128xf32, #tpu.memory_space<vmem>>, vector<1x128xf32>
      %max3A_54 = arith.maximumf %get3A_53, %broadcast_in_dim3A_32 : vector<1x128xf32>
      %swap3A_55 = arith.constant 1 : index
      %swap3A_56 = arith.constant 0 : index
      %swap3A_57 = vector.load %arg9[%swap3A_55, %swap3A_56] : memref<2x128xf32, #tpu.memory_space<vmem>>, vector<1x128xf32>
      tpu.vector_store %arg9[%swap3A_55, %swap3A_56], %max3A_54 {strides = array<i32>} : memref<2x128xf32, #tpu.memory_space<vmem>>, vector<1x128xf32>,
    } else {
    }
    %eq3A_39 = arith.constant 4 : i32
    %eq3A_40 = arith.cmpi eq, %arg0, %eq3A_39 : i32
    %convert_element_type3A_41 = arith.extui %eq3A_40 : i1 to i32
    %cond3A_42 = arith.constant 0 : i32
    %cond3A_43 = arith.cmpi ne, %convert_element_type3A_41, %cond3A_42 : i32
    scf.if %cond3A_43 {
      %get3A_44 = arith.constant 0 : index
      %get3A_45 = arith.constant 0 : index
      %get3A_46 = vector.load %arg9[%get3A_44, %get3A_45] : memref<2x128xf32, #tpu.memory_space<vmem>>, vector<1x128xf32>
      %mul3A_47 = arith.constant 9.99999974E-5 : f32
      %mul3A_48 = vector.broadcast %mul3A_47 : f32 to vector<1x128xf32>
      %mul3A_49 = arith.mulf %get3A_46, %mul3A_48 : vector<1x128xf32>
      %swap3A_50 = arith.constant 0 : index
      %swap3A_51 = arith.constant 0 : index
      %swap3A_52 = vector.load %arg9[%swap3A_50, %swap3A_51] : memref<2x128xf32, #tpu.memory_space<vmem>>, vector<1x128xf32>
      tpu.vector_store %arg9[%swap3A_50, %swap3A_51], %mul3A_49 {strides = array<i32>} : memref<2x128xf32, #tpu.memory_space<vmem>>, vector<1x128xf32>,
    } else {
    }
    return
  }
  func.func @transform_0(%arg0: i32) -> (i32, i32) {
    %c0_i32 = arith.constant 0 : i32
    %c0_i32_0 = arith.constant 0 : i32
    return %arg0, %c0_i32 : i32, i32
  }
  func.func @transform_1(%arg0: i32) -> (i32, i32) {
    %c0_i32 = arith.constant 0 : i32
    %c0_i32_0 = arith.constant 0 : i32
    return %arg0, %c0_i32 : i32, i32
  }
  func.func @transform_2(%arg0: i32) -> (i32, i32) {
    %c0_i32 = arith.constant 0 : i32
    %c0_i32_0 = arith.constant 0 : i32
    return %arg0, %c0_i32 : i32, i32
  }
  func.func @transform_3(%arg0: i32) -> (i32, i32) {
    %c0_i32 = arith.constant 0 : i32
    %c0_i32_0 = arith.constant 0 : i32
    %c0_i32_1 = arith.constant 0 : i32
    return %c0_i32, %c0_i32_0 : i32, i32
  }
  func.func @transform_4(%arg0: i32) -> (i32, i32) {
    %c0_i32 = arith.constant 0 : i32
    %c0_i32_0 = arith.constant 0 : i32
    return %arg0, %c0_i32 : i32, i32
  }
  func.func @transform_5(%arg0: i32) -> (i32, i32) {
    %c0_i32 = arith.constant 0 : i32
    %c0_i32_0 = arith.constant 0 : i32
    %c0_i32_1 = arith.constant 0 : i32
    return %c0_i32, %c0_i32_0 : i32, i32
  }
  func.func @transform_6(%arg0: i32) -> (i32, i32) {
    %c0_i32 = arith.constant 0 : i32
    %c0_i32_0 = arith.constant 0 : i32
    return %arg0, %c0_i32 : i32, i32
  }
  func.func @transform_7(%arg0: i32) -> (i32, i32) {
    %c0_i32 = arith.constant 0 : i32
    %c0_i32_0 = arith.constant 0 : i32
    return %arg0, %c0_i32 : i32, i32
  }
  func.func @transform_8(%arg0: i32) -> (i32, i32) {
    %c0_i32 = arith.constant 0 : i32
    %c0_i32_0 = arith.constant 0 : i32
    %c0_i32_1 = arith.constant 0 : i32
    return %c0_i32, %c0_i32_0 : i32, i32
  }
}

module attributes {stable_mosaic.version = 14 : i64} {
  func.func @_preC_body(%arg0: i32, %arg1: memref<2000x64xf32, #tpu.memory_space<vmem>>, %arg2: memref<2000x64xf32, #tpu.memory_space<vmem>>, %arg3: memref<2000x1xf32, #tpu.memory_space<vmem>>, %arg4: memref<1x128xf32, #tpu.memory_space<vmem>>, %arg5: memref<2000x1xf32, #tpu.memory_space<vmem>>, %arg6: memref<128x128xf32, #tpu.memory_space<vmem>>, %arg7: memref<2000x128xf32, #tpu.memory_space<vmem>>, %arg8: memref<2000x64xf32, #tpu.memory_space<vmem>>, %arg9: memref<2000x64xf32, #tpu.memory_space<vmem>>) attributes {dimension_semantics = [#tpu.dimension_semantics<arbitrary>], iteration_bounds = array<i64: 5>, scalar_prefetch = 0 : i64, scratch_operands = 0 : i64, tpu.core_type = #tpu.core_type<tc>, window_params = [{transform_indices = @transform_0, window_bounds = array<i64: 2000, 64>}, {transform_indices = @transform_1, window_bounds = array<i64: 2000, 64>}, {transform_indices = @transform_2, window_bounds = array<i64: 2000, 1>}, {pipeline_mode = #tpu.pipeline_mode<synchronous>, transform_indices = @transform_3, window_bounds = array<i64: 1, 128>}, {transform_indices = @transform_4, window_bounds = array<i64: 2000, 1>}, {pipeline_mode = #tpu.pipeline_mode<synchronous>, transform_indices = @transform_5, window_bounds = array<i64: 128, 128>}, {transform_indices = @transform_6, window_bounds = array<i64: 2000, 128>}, {transform_indices = @transform_7, window_bounds = array<i64: 2000, 64>}, {transform_indices = @transform_8, window_bounds = array<i64: 2000, 64>}]} {
    %get3A = arith.constant 0 : index
    %get3A_0 = arith.constant 0 : index
    %get3A_1 = vector.load %arg1[%get3A, %get3A_0] : memref<2000x64xf32, #tpu.memory_space<vmem>>, vector<2000x64xf32>
    %get3A_2 = arith.constant 0 : index
    %get3A_3 = arith.constant 0 : index
    %get3A_4 = vector.load %arg2[%get3A_2, %get3A_3] : memref<2000x64xf32, #tpu.memory_space<vmem>>, vector<2000x64xf32>
    %concatenate3A = tpu.concatenate %get3A_1, %get3A_4 in 1 : vector<2000x64xf32>, vector<2000x64xf32> -> vector<2000x128xf32>
    %get3A_5 = arith.constant 0 : index
    %get3A_6 = arith.constant 0 : index
    %get3A_7 = vector.load %arg3[%get3A_5, %get3A_6] : memref<2000x1xf32, #tpu.memory_space<vmem>>, vector<2000x1xf32>
    %mul3A = vector.broadcast %get3A_7 : vector<2000x1xf32> to vector<2000x128xf32>
    %mul3A_8 = arith.mulf %concatenate3A, %mul3A : vector<2000x128xf32>
    %get3A_9 = arith.constant 0 : index
    %get3A_10 = arith.constant 0 : index
    %get3A_11 = vector.load %arg4[%get3A_9, %get3A_10] : memref<1x128xf32, #tpu.memory_space<vmem>>, vector<1x128xf32>
    %add3A = vector.broadcast %get3A_11 : vector<1x128xf32> to vector<2000x128xf32>
    %add3A_12 = arith.addf %mul3A_8, %add3A : vector<2000x128xf32>
    %max3A = arith.constant 0.000000e+00 : f32
    %max3A_13 = vector.broadcast %max3A : f32 to vector<2000x128xf32>
    %max3A_14 = arith.maximumf %add3A_12, %max3A_13 : vector<2000x128xf32>
    %swap3A = arith.constant 0 : index
    %swap3A_15 = arith.constant 0 : index
    %swap3A_16 = vector.load %arg7[%swap3A, %swap3A_15] : memref<2000x128xf32, #tpu.memory_space<vmem>>, vector<2000x128xf32>
    tpu.vector_store %arg7[%swap3A, %swap3A_15], %max3A_14 {strides = array<i32>} : memref<2000x128xf32, #tpu.memory_space<vmem>>, vector<2000x128xf32>,
    %get3A_17 = arith.constant 0 : index
    %get3A_18 = arith.constant 0 : index
    %get3A_19 = vector.load %arg5[%get3A_17, %get3A_18] : memref<2000x1xf32, #tpu.memory_space<vmem>>, vector<2000x1xf32>
    %mul3A_20 = vector.broadcast %get3A_19 : vector<2000x1xf32> to vector<2000x128xf32>
    %mul3A_21 = arith.mulf %max3A_14, %mul3A_20 : vector<2000x128xf32>
    %get3A_22 = arith.constant 0 : index
    %get3A_23 = arith.constant 0 : index
    %get3A_24 = vector.load %arg6[%get3A_22, %get3A_23] : memref<128x128xf32, #tpu.memory_space<vmem>>, vector<128x128xf32>
    %dot_general3A = arith.constant dense<0.000000e+00> : vector<2000x128xf32>
    %dot_general3A_25 = tpu.matmul %mul3A_21, %get3A_24, %dot_general3A {dimension_numbers = #tpu.dot_dimension_numbers<[1], [0], [0], [1], [0, 0, 1, 1], [], []>, transpose_lhs_hint = false} : vector<2000x128xf32>, vector<128x128xf32>, vector<2000x128xf32> -> vector<2000x128xf32>
    %slice3A = vector.extract_strided_slice %dot_general3A_25 {offsets = [0, 0], sizes = [2000, 64], strides = [1, 1]} : vector<2000x128xf32> to vector<2000x64xf32>
    %swap3A_26 = arith.constant 0 : index
    %swap3A_27 = arith.constant 0 : index
    %swap3A_28 = vector.load %arg8[%swap3A_26, %swap3A_27] : memref<2000x64xf32, #tpu.memory_space<vmem>>, vector<2000x64xf32>
    tpu.vector_store %arg8[%swap3A_26, %swap3A_27], %slice3A {strides = array<i32>} : memref<2000x64xf32, #tpu.memory_space<vmem>>, vector<2000x64xf32>,
    %slice3A_29 = vector.extract_strided_slice %dot_general3A_25 {offsets = [0, 64], sizes = [2000, 64], strides = [1, 1]} : vector<2000x128xf32> to vector<2000x64xf32>
    %swap3A_30 = arith.constant 0 : index
    %swap3A_31 = arith.constant 0 : index
    %swap3A_32 = vector.load %arg9[%swap3A_30, %swap3A_31] : memref<2000x64xf32, #tpu.memory_space<vmem>>, vector<2000x64xf32>
    tpu.vector_store %arg9[%swap3A_30, %swap3A_31], %slice3A_29 {strides = array<i32>} : memref<2000x64xf32, #tpu.memory_space<vmem>>, vector<2000x64xf32>,
    return
  }
  func.func @transform_0(%arg0: i32) -> (i32, i32) {
    %c0_i32 = arith.constant 0 : i32
    %c0_i32_0 = arith.constant 0 : i32
    return %arg0, %c0_i32 : i32, i32
  }
  func.func @transform_1(%arg0: i32) -> (i32, i32) {
    %c0_i32 = arith.constant 0 : i32
    %c0_i32_0 = arith.constant 0 : i32
    return %arg0, %c0_i32 : i32, i32
  }
  func.func @transform_2(%arg0: i32) -> (i32, i32) {
    %c0_i32 = arith.constant 0 : i32
    %c0_i32_0 = arith.constant 0 : i32
    return %arg0, %c0_i32 : i32, i32
  }
  func.func @transform_3(%arg0: i32) -> (i32, i32) {
    %c0_i32 = arith.constant 0 : i32
    %c0_i32_0 = arith.constant 0 : i32
    %c0_i32_1 = arith.constant 0 : i32
    return %c0_i32, %c0_i32_0 : i32, i32
  }
  func.func @transform_4(%arg0: i32) -> (i32, i32) {
    %c0_i32 = arith.constant 0 : i32
    %c0_i32_0 = arith.constant 0 : i32
    return %arg0, %c0_i32 : i32, i32
  }
  func.func @transform_5(%arg0: i32) -> (i32, i32) {
    %c0_i32 = arith.constant 0 : i32
    %c0_i32_0 = arith.constant 0 : i32
    %c0_i32_1 = arith.constant 0 : i32
    return %c0_i32, %c0_i32_0 : i32, i32
  }
  func.func @transform_6(%arg0: i32) -> (i32, i32) {
    %c0_i32 = arith.constant 0 : i32
    %c0_i32_0 = arith.constant 0 : i32
    return %arg0, %c0_i32 : i32, i32
  }
  func.func @transform_7(%arg0: i32) -> (i32, i32) {
    %c0_i32 = arith.constant 0 : i32
    %c0_i32_0 = arith.constant 0 : i32
    return %arg0, %c0_i32 : i32, i32
  }
  func.func @transform_8(%arg0: i32) -> (i32, i32) {
    %c0_i32 = arith.constant 0 : i32
    %c0_i32_0 = arith.constant 0 : i32
    return %arg0, %c0_i32 : i32, i32
  }
}

module attributes {stable_mosaic.version = 14 : i64} {
  func.func @_preD_body(%arg0: i32, %arg1: memref<2000x64xf32, #tpu.memory_space<vmem>>, %arg2: memref<2000x64xf32, #tpu.memory_space<vmem>>, %arg3: memref<2000x1xf32, #tpu.memory_space<vmem>>, %arg4: memref<1x128xf32, #tpu.memory_space<vmem>>, %arg5: memref<2000x1xf32, #tpu.memory_space<vmem>>, %arg6: memref<128x16xf32, #tpu.memory_space<vmem>>, %arg7: memref<2000x16xf32, #tpu.memory_space<vmem>>) attributes {dimension_semantics = [#tpu.dimension_semantics<arbitrary>], iteration_bounds = array<i64: 5>, scalar_prefetch = 0 : i64, scratch_operands = 0 : i64, tpu.core_type = #tpu.core_type<tc>, window_params = [{transform_indices = @transform_0, window_bounds = array<i64: 2000, 64>}, {transform_indices = @transform_1, window_bounds = array<i64: 2000, 64>}, {transform_indices = @transform_2, window_bounds = array<i64: 2000, 1>}, {pipeline_mode = #tpu.pipeline_mode<synchronous>, transform_indices = @transform_3, window_bounds = array<i64: 1, 128>}, {transform_indices = @transform_4, window_bounds = array<i64: 2000, 1>}, {pipeline_mode = #tpu.pipeline_mode<synchronous>, transform_indices = @transform_5, window_bounds = array<i64: 128, 16>}, {transform_indices = @transform_6, window_bounds = array<i64: 2000, 16>}]} {
    %get3A = arith.constant 0 : index
    %get3A_0 = arith.constant 0 : index
    %get3A_1 = vector.load %arg1[%get3A, %get3A_0] : memref<2000x64xf32, #tpu.memory_space<vmem>>, vector<2000x64xf32>
    %get3A_2 = arith.constant 0 : index
    %get3A_3 = arith.constant 0 : index
    %get3A_4 = vector.load %arg2[%get3A_2, %get3A_3] : memref<2000x64xf32, #tpu.memory_space<vmem>>, vector<2000x64xf32>
    %concatenate3A = tpu.concatenate %get3A_1, %get3A_4 in 1 : vector<2000x64xf32>, vector<2000x64xf32> -> vector<2000x128xf32>
    %get3A_5 = arith.constant 0 : index
    %get3A_6 = arith.constant 0 : index
    %get3A_7 = vector.load %arg3[%get3A_5, %get3A_6] : memref<2000x1xf32, #tpu.memory_space<vmem>>, vector<2000x1xf32>
    %mul3A = vector.broadcast %get3A_7 : vector<2000x1xf32> to vector<2000x128xf32>
    %mul3A_8 = arith.mulf %concatenate3A, %mul3A : vector<2000x128xf32>
    %get3A_9 = arith.constant 0 : index
    %get3A_10 = arith.constant 0 : index
    %get3A_11 = vector.load %arg4[%get3A_9, %get3A_10] : memref<1x128xf32, #tpu.memory_space<vmem>>, vector<1x128xf32>
    %add3A = vector.broadcast %get3A_11 : vector<1x128xf32> to vector<2000x128xf32>
    %add3A_12 = arith.addf %mul3A_8, %add3A : vector<2000x128xf32>
    %get3A_13 = arith.constant 0 : index
    %get3A_14 = arith.constant 0 : index
    %get3A_15 = vector.load %arg5[%get3A_13, %get3A_14] : memref<2000x1xf32, #tpu.memory_space<vmem>>, vector<2000x1xf32>
    %mul3A_16 = vector.broadcast %get3A_15 : vector<2000x1xf32> to vector<2000x128xf32>
    %mul3A_17 = arith.mulf %add3A_12, %mul3A_16 : vector<2000x128xf32>
    %get3A_18 = arith.constant 0 : index
    %get3A_19 = arith.constant 0 : index
    %get3A_20 = vector.load %arg6[%get3A_18, %get3A_19] : memref<128x16xf32, #tpu.memory_space<vmem>>, vector<128x16xf32>
    %dot_general3A = arith.constant dense<0.000000e+00> : vector<2000x16xf32>
    %dot_general3A_21 = tpu.matmul %mul3A_17, %get3A_20, %dot_general3A {dimension_numbers = #tpu.dot_dimension_numbers<[1], [0], [0], [1], [0, 0, 1, 1], [], []>, transpose_lhs_hint = false} : vector<2000x128xf32>, vector<128x16xf32>, vector<2000x16xf32> -> vector<2000x16xf32>
    %swap3A = arith.constant 0 : index
    %swap3A_22 = arith.constant 0 : index
    %swap3A_23 = vector.load %arg7[%swap3A, %swap3A_22] : memref<2000x16xf32, #tpu.memory_space<vmem>>, vector<2000x16xf32>
    tpu.vector_store %arg7[%swap3A, %swap3A_22], %dot_general3A_21 {strides = array<i32>} : memref<2000x16xf32, #tpu.memory_space<vmem>>, vector<2000x16xf32>,
    return
  }
  func.func @transform_0(%arg0: i32) -> (i32, i32) {
    %c0_i32 = arith.constant 0 : i32
    %c0_i32_0 = arith.constant 0 : i32
    return %arg0, %c0_i32 : i32, i32
  }
  func.func @transform_1(%arg0: i32) -> (i32, i32) {
    %c0_i32 = arith.constant 0 : i32
    %c0_i32_0 = arith.constant 0 : i32
    return %arg0, %c0_i32 : i32, i32
  }
  func.func @transform_2(%arg0: i32) -> (i32, i32) {
    %c0_i32 = arith.constant 0 : i32
    %c0_i32_0 = arith.constant 0 : i32
    return %arg0, %c0_i32 : i32, i32
  }
  func.func @transform_3(%arg0: i32) -> (i32, i32) {
    %c0_i32 = arith.constant 0 : i32
    %c0_i32_0 = arith.constant 0 : i32
    %c0_i32_1 = arith.constant 0 : i32
    return %c0_i32, %c0_i32_0 : i32, i32
  }
  func.func @transform_4(%arg0: i32) -> (i32, i32) {
    %c0_i32 = arith.constant 0 : i32
    %c0_i32_0 = arith.constant 0 : i32
    return %arg0, %c0_i32 : i32, i32
  }
  func.func @transform_5(%arg0: i32) -> (i32, i32) {
    %c0_i32 = arith.constant 0 : i32
    %c0_i32_0 = arith.constant 0 : i32
    %c0_i32_1 = arith.constant 0 : i32
    return %c0_i32, %c0_i32_0 : i32, i32
  }
  func.func @transform_6(%arg0: i32) -> (i32, i32) {
    %c0_i32 = arith.constant 0 : i32
    %c0_i32_0 = arith.constant 0 : i32
    return %arg0, %c0_i32 : i32, i32
  }
}

module attributes {stable_mosaic.version = 14 : i64} {
  func.func @_final_body(%arg0: i32, %arg1: memref<2000x16xf32, #tpu.memory_space<vmem>>, %arg2: memref<2000x16xf32, #tpu.memory_space<vmem>>, %arg3: memref<2000x1xf32, #tpu.memory_space<vmem>>, %arg4: memref<1x1xf32, #tpu.memory_space<vmem>>, %arg5: memref<2000x1xf32, #tpu.memory_space<vmem>>, %arg6: memref<2000x128xf32, #tpu.memory_space<vmem>>, %arg7: memref<2x128xf32, #tpu.memory_space<vmem>>, %arg8: memref<2x128xf32, #tpu.memory_space<vmem>>, %arg9: memref<128x64xf32, #tpu.memory_space<vmem>>, %arg10: memref<1x64xf32, #tpu.memory_space<vmem>>, %arg11: memref<64x32xf32, #tpu.memory_space<vmem>>, %arg12: memref<1x32xf32, #tpu.memory_space<vmem>>, %arg13: memref<32x2xf32, #tpu.memory_space<vmem>>, %arg14: memref<1x2xf32, #tpu.memory_space<vmem>>, %arg15: memref<128x128xf32, #tpu.memory_space<vmem>>, %arg16: memref<128x128xf32, #tpu.memory_space<vmem>>, %arg17: memref<1x128xf32, #tpu.memory_space<vmem>>, %arg18: memref<128x64xf32, #tpu.memory_space<vmem>>, %arg19: memref<1x64xf32, #tpu.memory_space<vmem>>, %arg20: memref<64x2xf32, #tpu.memory_space<vmem>>, %arg21: memref<1x2xf32, #tpu.memory_space<vmem>>, %arg22: memref<1x2xf32, #tpu.memory_space<vmem>>, %arg23: memref<1x2xf32, #tpu.memory_space<vmem>>, %arg24: memref<1x256xf32, #tpu.memory_space<vmem>>, %arg25: memref<2000x2xf32, #tpu.memory_space<vmem>>, %arg26: memref<2x128xf32, #tpu.memory_space<vmem>>) attributes {dimension_semantics = [#tpu.dimension_semantics<arbitrary>], iteration_bounds = array<i64: 5>, scalar_prefetch = 0 : i64, scratch_operands = 1 : i64, tpu.core_type = #tpu.core_type<tc>, window_params = [{transform_indices = @transform_0, window_bounds = array<i64: 2000, 16>}, {transform_indices = @transform_1, window_bounds = array<i64: 2000, 16>}, {transform_indices = @transform_2, window_bounds = array<i64: 2000, 1>}, {pipeline_mode = #tpu.pipeline_mode<synchronous>, transform_indices = @transform_3, window_bounds = array<i64: 1, 1>}, {transform_indices = @transform_4, window_bounds = array<i64: 2000, 1>}, {transform_indices = @transform_5, window_bounds = array<i64: 2000, 128>}, {pipeline_mode = #tpu.pipeline_mode<synchronous>, transform_indices = @transform_6, window_bounds = array<i64: 2, 128>}, {pipeline_mode = #tpu.pipeline_mode<synchronous>, transform_indices = @transform_7, window_bounds = array<i64: 2, 128>}, {pipeline_mode = #tpu.pipeline_mode<synchronous>, transform_indices = @transform_8, window_bounds = array<i64: 128, 64>}, {pipeline_mode = #tpu.pipeline_mode<synchronous>, transform_indices = @transform_9, window_bounds = array<i64: 1, 64>}, {pipeline_mode = #tpu.pipeline_mode<synchronous>, transform_indices = @transform_10, window_bounds = array<i64: 64, 32>}, {pipeline_mode = #tpu.pipeline_mode<synchronous>, transform_indices = @transform_11, window_bounds = array<i64: 1, 32>}, {pipeline_mode = #tpu.pipeline_mode<synchronous>, transform_indices = @transform_12, window_bounds = array<i64: 32, 2>}, {pipeline_mode = #tpu.pipeline_mode<synchronous>, transform_indices = @transform_13, window_bounds = array<i64: 1, 2>}, {pipeline_mode = #tpu.pipeline_mode<synchronous>, transform_indices = @transform_14, window_bounds = array<i64: 128, 128>}, {pipeline_mode = #tpu.pipeline_mode<synchronous>, transform_indices = @transform_15, window_bounds = array<i64: 128, 128>}, {pipeline_mode = #tpu.pipeline_mode<synchronous>, transform_indices = @transform_16, window_bounds = array<i64: 1, 128>}, {pipeline_mode = #tpu.pipeline_mode<synchronous>, transform_indices = @transform_17, window_bounds = array<i64: 128, 64>}, {pipeline_mode = #tpu.pipeline_mode<synchronous>, transform_indices = @transform_18, window_bounds = array<i64: 1, 64>}, {pipeline_mode = #tpu.pipeline_mode<synchronous>, transform_indices = @transform_19, window_bounds = array<i64: 64, 2>}, {pipeline_mode = #tpu.pipeline_mode<synchronous>, transform_indices = @transform_20, window_bounds = array<i64: 1, 2>}, {pipeline_mode = #tpu.pipeline_mode<synchronous>, transform_indices = @transform_21, window_bounds = array<i64: 1, 2>}, {pipeline_mode = #tpu.pipeline_mode<synchronous>, transform_indices = @transform_22, window_bounds = array<i64: 1, 2>}, {pipeline_mode = #tpu.pipeline_mode<synchronous>, transform_indices = @transform_23, window_bounds = array<i64: 1, 256>}, {transform_indices = @transform_24, window_bounds = array<i64: 2000, 2>}]} {
    %get3A = arith.constant 0 : index
    %get3A_0 = arith.constant 0 : index
    %get3A_1 = vector.load %arg1[%get3A, %get3A_0] : memref<2000x16xf32, #tpu.memory_space<vmem>>, vector<2000x16xf32>
    %get3A_2 = arith.constant 0 : index
    %get3A_3 = arith.constant 0 : index
    %get3A_4 = vector.load %arg2[%get3A_2, %get3A_3] : memref<2000x16xf32, #tpu.memory_space<vmem>>, vector<2000x16xf32>
    %add3A = arith.addf %get3A_1, %get3A_4 : vector<2000x16xf32>
    %slice3A = vector.extract_strided_slice %add3A {offsets = [0, 1], sizes = [2000, 1], strides = [1, 1]} : vector<2000x16xf32> to vector<2000x1xf32>
    %slice3A_5 = vector.extract_strided_slice %add3A {offsets = [0, 0], sizes = [2000, 1], strides = [1, 1]} : vector<2000x16xf32> to vector<2000x1xf32>
    %sub3A = arith.subf %slice3A, %slice3A_5 : vector<2000x1xf32>
    %get3A_6 = arith.constant 0 : index
    %get3A_7 = arith.constant 0 : index
    %get3A_8 = vector.load %arg3[%get3A_6, %get3A_7] : memref<2000x1xf32, #tpu.memory_space<vmem>>, vector<2000x1xf32>
    %mul3A = arith.mulf %sub3A, %get3A_8 : vector<2000x1xf32>
    %get3A_9 = arith.constant 0 : index
    %get3A_10 = arith.constant 0 : index
    %get3A_11 = vector.load %arg4[%get3A_9, %get3A_10] : memref<1x1xf32, #tpu.memory_space<vmem>>, vector<1x1xf32>
    %add3A_12 = vector.broadcast %get3A_11 : vector<1x1xf32> to vector<2000x1xf32>
    %add3A_13 = arith.addf %mul3A, %add3A_12 : vector<2000x1xf32>
    %get3A_14 = arith.constant 0 : index
    %get3A_15 = arith.constant 0 : index
    %get3A_16 = vector.load %arg5[%get3A_14, %get3A_15] : memref<2000x1xf32, #tpu.memory_space<vmem>>, vector<2000x1xf32>
    %add3A_17 = arith.addf %add3A_13, %get3A_16 : vector<2000x1xf32>
    %gt3A = arith.constant 0.000000e+00 : f32
    %gt3A_18 = vector.broadcast %gt3A : f32 to vector<2000x1xf32>
    %gt3A_19 = arith.cmpf ogt, %add3A_17, %gt3A_18 : vector<2000x1xf32>
    %jit3A = arith.constant 9.99987125E-4 : f32
    %jit3A_20 = arith.constant 1.000000e+00 : f32
    %broadcast_in_dim3A = vector.broadcast %jit3A : f32 to vector<2000x1xf32>
    %broadcast_in_dim3A_21 = vector.broadcast %jit3A_20 : f32 to vector<2000x1xf32>
    %select_n3A = arith.select %gt3A_19, %broadcast_in_dim3A, %broadcast_in_dim3A_21 : vector<2000x1xi1>, vector<2000x1xf32>
    %get3A_22 = arith.constant 0 : index
    %get3A_23 = arith.constant 0 : index
    %get3A_24 = vector.load %arg6[%get3A_22, %get3A_23] : memref<2000x128xf32, #tpu.memory_space<vmem>>, vector<2000x128xf32>
    %mul3A_25 = vector.broadcast %select_n3A : vector<2000x1xf32> to vector<2000x128xf32>
    %mul3A_26 = arith.mulf %get3A_24, %mul3A_25 : vector<2000x128xf32>
    %get3A_27 = arith.constant 0 : index
    %get3A_28 = arith.constant 0 : index
    %get3A_29 = vector.load %arg9[%get3A_27, %get3A_28] : memref<128x64xf32, #tpu.memory_space<vmem>>, vector<128x64xf32>
    %dot_general3A = arith.constant dense<0.000000e+00> : vector<2000x64xf32>
    %dot_general3A_30 = tpu.matmul %get3A_24, %get3A_29, %dot_general3A {dimension_numbers = #tpu.dot_dimension_numbers<[1], [0], [0], [1], [0, 0, 1, 1], [], []>, transpose_lhs_hint = false} : vector<2000x128xf32>, vector<128x64xf32>, vector<2000x64xf32> -> vector<2000x64xf32>
    %get3A_31 = arith.constant 0 : index
    %get3A_32 = arith.constant 0 : index
    %get3A_33 = vector.load %arg10[%get3A_31, %get3A_32] : memref<1x64xf32, #tpu.memory_space<vmem>>, vector<1x64xf32>
    %add3A_34 = vector.broadcast %get3A_33 : vector<1x64xf32> to vector<2000x64xf32>
    %add3A_35 = arith.addf %dot_general3A_30, %add3A_34 : vector<2000x64xf32>
    %max3A = arith.constant 0.000000e+00 : f32
    %max3A_36 = vector.broadcast %max3A : f32 to vector<2000x64xf32>
    %max3A_37 = arith.maximumf %add3A_35, %max3A_36 : vector<2000x64xf32>
    %get3A_38 = arith.constant 0 : index
    %get3A_39 = arith.constant 0 : index
    %get3A_40 = vector.load %arg11[%get3A_38, %get3A_39] : memref<64x32xf32, #tpu.memory_space<vmem>>, vector<64x32xf32>
    %dot_general3A_41 = arith.constant dense<0.000000e+00> : vector<2000x32xf32>
    %dot_general3A_42 = tpu.matmul %max3A_37, %get3A_40, %dot_general3A_41 {dimension_numbers = #tpu.dot_dimension_numbers<[1], [0], [0], [1], [0, 0, 1, 1], [], []>, transpose_lhs_hint = false} : vector<2000x64xf32>, vector<64x32xf32>, vector<2000x32xf32> -> vector<2000x32xf32>
    %get3A_43 = arith.constant 0 : index
    %get3A_44 = arith.constant 0 : index
    %get3A_45 = vector.load %arg12[%get3A_43, %get3A_44] : memref<1x32xf32, #tpu.memory_space<vmem>>, vector<1x32xf32>
    %add3A_46 = vector.broadcast %get3A_45 : vector<1x32xf32> to vector<2000x32xf32>
    %add3A_47 = arith.addf %dot_general3A_42, %add3A_46 : vector<2000x32xf32>
    %max3A_48 = arith.constant 0.000000e+00 : f32
    %max3A_49 = vector.broadcast %max3A_48 : f32 to vector<2000x32xf32>
    %max3A_50 = arith.maximumf %add3A_47, %max3A_49 : vector<2000x32xf32>
    %get3A_51 = arith.constant 0 : index
    %get3A_52 = arith.constant 0 : index
    %get3A_53 = vector.load %arg13[%get3A_51, %get3A_52] : memref<32x2xf32, #tpu.memory_space<vmem>>, vector<32x2xf32>
    %dot_general3A_54 = arith.constant dense<0.000000e+00> : vector<2000x2xf32>
    %dot_general3A_55 = tpu.matmul %max3A_50, %get3A_53, %dot_general3A_54 {dimension_numbers = #tpu.dot_dimension_numbers<[1], [0], [0], [1], [0, 0, 1, 1], [], []>, transpose_lhs_hint = false} : vector<2000x32xf32>, vector<32x2xf32>, vector<2000x2xf32> -> vector<2000x2xf32>
    %get3A_56 = arith.constant 0 : index
    %get3A_57 = arith.constant 0 : index
    %get3A_58 = vector.load %arg14[%get3A_56, %get3A_57] : memref<1x2xf32, #tpu.memory_space<vmem>>, vector<1x2xf32>
    %add3A_59 = vector.broadcast %get3A_58 : vector<1x2xf32> to vector<2000x2xf32>
    %add3A_60 = arith.addf %dot_general3A_55, %add3A_59 : vector<2000x2xf32>
    %swap3A = arith.constant 0 : index
    %swap3A_61 = arith.constant 0 : index
    %swap3A_62 = vector.load %arg25[%swap3A, %swap3A_61] : memref<2000x2xf32, #tpu.memory_space<vmem>>, vector<2000x2xf32>
    tpu.vector_store %arg25[%swap3A, %swap3A_61], %add3A_60 {strides = array<i32>} : memref<2000x2xf32, #tpu.memory_space<vmem>>, vector<2000x2xf32>,
    %reduce_sum3A = arith.constant dense<0.000000e+00> : vector<128xf32>
    %reduce_sum3A_63 = vector.multi_reduction <add>, %mul3A_26, %reduce_sum3A [0] : vector<2000x128xf32> to vector<128xf32>
    %broadcast_in_dim3A_64 = vector.shape_cast %reduce_sum3A_63 : vector<128xf32> to vector<1x128xf32>
    %reduce_max3A = arith.constant dense<0xFF800000> : vector<128xf32>
    %reduce_max3A_65 = vector.multi_reduction <maximumf>, %mul3A_26, %reduce_max3A [0] : vector<2000x128xf32> to vector<128xf32>
    %broadcast_in_dim3A_66 = vector.shape_cast %reduce_max3A_65 : vector<128xf32> to vector<1x128xf32>
    %eq3A = arith.constant 0 : i32
    %eq3A_67 = arith.cmpi eq, %arg0, %eq3A : i32
    %convert_element_type3A = arith.extui %eq3A_67 : i1 to i32
    %cond3A = arith.constant 0 : i32
    %cond3A_68 = arith.cmpi ne, %convert_element_type3A, %cond3A : i32
    scf.if %cond3A_68 {
      %swap3A_78 = arith.constant 0 : index
      %swap3A_79 = arith.constant 0 : index
      %swap3A_80 = vector.load %arg26[%swap3A_78, %swap3A_79] : memref<2x128xf32, #tpu.memory_space<vmem>>, vector<1x128xf32>
      tpu.vector_store %arg26[%swap3A_78, %swap3A_79], %broadcast_in_dim3A_64 {strides = array<i32>} : memref<2x128xf32, #tpu.memory_space<vmem>>, vector<1x128xf32>,
      %swap3A_81 = arith.constant 1 : index
      %swap3A_82 = arith.constant 0 : index
      %swap3A_83 = vector.load %arg26[%swap3A_81, %swap3A_82] : memref<2x128xf32, #tpu.memory_space<vmem>>, vector<1x128xf32>
      tpu.vector_store %arg26[%swap3A_81, %swap3A_82], %broadcast_in_dim3A_66 {strides = array<i32>} : memref<2x128xf32, #tpu.memory_space<vmem>>, vector<1x128xf32>,
    } else {
    }
    %ne3A = arith.constant 0 : i32
    %ne3A_69 = arith.cmpi ne, %arg0, %ne3A : i32
    %convert_element_type3A_70 = arith.extui %ne3A_69 : i1 to i32
    %cond3A_71 = arith.constant 0 : i32
    %cond3A_72 = arith.cmpi ne, %convert_element_type3A_70, %cond3A_71 : i32
    scf.if %cond3A_72 {
      %get3A_78 = arith.constant 0 : index
      %get3A_79 = arith.constant 0 : index
      %get3A_80 = vector.load %arg26[%get3A_78, %get3A_79] : memref<2x128xf32, #tpu.memory_space<vmem>>, vector<1x128xf32>
      %add3A_81 = arith.addf %get3A_80, %broadcast_in_dim3A_64 : vector<1x128xf32>
      %swap3A_82 = arith.constant 0 : index
      %swap3A_83 = arith.constant 0 : index
      %swap3A_84 = vector.load %arg26[%swap3A_82, %swap3A_83] : memref<2x128xf32, #tpu.memory_space<vmem>>, vector<1x128xf32>
      tpu.vector_store %arg26[%swap3A_82, %swap3A_83], %add3A_81 {strides = array<i32>} : memref<2x128xf32, #tpu.memory_space<vmem>>, vector<1x128xf32>,
      %get3A_85 = arith.constant 1 : index
      %get3A_86 = arith.constant 0 : index
      %get3A_87 = vector.load %arg26[%get3A_85, %get3A_86] : memref<2x128xf32, #tpu.memory_space<vmem>>, vector<1x128xf32>
      %max3A_88 = arith.maximumf %get3A_87, %broadcast_in_dim3A_66 : vector<1x128xf32>
      %swap3A_89 = arith.constant 1 : index
      %swap3A_90 = arith.constant 0 : index
      %swap3A_91 = vector.load %arg26[%swap3A_89, %swap3A_90] : memref<2x128xf32, #tpu.memory_space<vmem>>, vector<1x128xf32>
      tpu.vector_store %arg26[%swap3A_89, %swap3A_90], %max3A_88 {strides = array<i32>} : memref<2x128xf32, #tpu.memory_space<vmem>>, vector<1x128xf32>,
    } else {
    }
    %eq3A_73 = arith.constant 4 : i32
    %eq3A_74 = arith.cmpi eq, %arg0, %eq3A_73 : i32
    %convert_element_type3A_75 = arith.extui %eq3A_74 : i1 to i32
    %cond3A_76 = arith.constant 0 : i32
    %cond3A_77 = arith.cmpi ne, %convert_element_type3A_75, %cond3A_76 : i32
    scf.if %cond3A_77 {
      %get3A_78 = arith.constant 0 : index
      %get3A_79 = arith.constant 0 : index
      %get3A_80 = vector.load %arg26[%get3A_78, %get3A_79] : memref<2x128xf32, #tpu.memory_space<vmem>>, vector<1x128xf32>
      %mul3A_81 = arith.constant 9.99999974E-5 : f32
      %mul3A_82 = vector.broadcast %mul3A_81 : f32 to vector<1x128xf32>
      %mul3A_83 = arith.mulf %get3A_80, %mul3A_82 : vector<1x128xf32>
      %get3A_84 = arith.constant 1 : index
      %get3A_85 = arith.constant 0 : index
      %get3A_86 = vector.load %arg26[%get3A_84, %get3A_85] : memref<2x128xf32, #tpu.memory_space<vmem>>, vector<1x128xf32>
      %swap3A_87 = arith.constant 0 : index
      %swap3A_88 = arith.constant 0 : index
      %swap3A_89 = vector.load %arg24[%swap3A_87, %swap3A_88] : memref<1x256xf32, #tpu.memory_space<vmem>>, vector<1x128xf32>
      tpu.vector_store %arg24[%swap3A_87, %swap3A_88], %mul3A_83 {strides = array<i32>} : memref<1x256xf32, #tpu.memory_space<vmem>>, vector<1x128xf32>,
      %swap3A_90 = arith.constant 0 : index
      %swap3A_91 = arith.constant 128 : index
      %swap3A_92 = vector.load %arg24[%swap3A_90, %swap3A_91] : memref<1x256xf32, #tpu.memory_space<vmem>>, vector<1x128xf32>
      tpu.vector_store %arg24[%swap3A_90, %swap3A_91], %get3A_86 {strides = array<i32>} : memref<1x256xf32, #tpu.memory_space<vmem>>, vector<1x128xf32>,
      %get3A_93 = arith.constant 0 : index
      %get3A_94 = arith.constant 0 : index
      %get3A_95 = vector.load %arg7[%get3A_93, %get3A_94] : memref<2x128xf32, #tpu.memory_space<vmem>>, vector<1x128xf32>
      %get3A_96 = arith.constant 0 : index
      %get3A_97 = arith.constant 0 : index
      %get3A_98 = vector.load %arg8[%get3A_96, %get3A_97] : memref<2x128xf32, #tpu.memory_space<vmem>>, vector<1x128xf32>
      %add3A_99 = arith.addf %get3A_95, %get3A_98 : vector<1x128xf32>
      %add3A_100 = arith.addf %add3A_99, %mul3A_83 : vector<1x128xf32>
      %get3A_101 = arith.constant 1 : index
      %get3A_102 = arith.constant 0 : index
      %get3A_103 = vector.load %arg7[%get3A_101, %get3A_102] : memref<2x128xf32, #tpu.memory_space<vmem>>, vector<1x128xf32>
      %get3A_104 = arith.constant 1 : index
      %get3A_105 = arith.constant 0 : index
      %get3A_106 = vector.load %arg8[%get3A_104, %get3A_105] : memref<2x128xf32, #tpu.memory_space<vmem>>, vector<1x128xf32>
      %add3A_107 = arith.addf %get3A_103, %get3A_106 : vector<1x128xf32>
      %add3A_108 = arith.addf %add3A_107, %get3A_86 : vector<1x128xf32>
      %get3A_109 = arith.constant 0 : index
      %get3A_110 = arith.constant 0 : index
      %get3A_111 = vector.load %arg15[%get3A_109, %get3A_110] : memref<128x128xf32, #tpu.memory_space<vmem>>, vector<128x128xf32>
      %dot_general3A_112 = arith.constant dense<0.000000e+00> : vector<1x128xf32>
      %dot_general3A_113 = tpu.matmul %add3A_100, %get3A_111, %dot_general3A_112 {dimension_numbers = #tpu.dot_dimension_numbers<[1], [0], [0], [1], [0, 0, 1, 1], [], []>, transpose_lhs_hint = false} : vector<1x128xf32>, vector<128x128xf32>, vector<1x128xf32> -> vector<1x128xf32>
      %get3A_114 = arith.constant 0 : index
      %get3A_115 = arith.constant 0 : index
      %get3A_116 = vector.load %arg16[%get3A_114, %get3A_115] : memref<128x128xf32, #tpu.memory_space<vmem>>, vector<128x128xf32>
      %dot_general3A_117 = arith.constant dense<0.000000e+00> : vector<1x128xf32>
      %dot_general3A_118 = tpu.matmul %add3A_108, %get3A_116, %dot_general3A_117 {dimension_numbers = #tpu.dot_dimension_numbers<[1], [0], [0], [1], [0, 0, 1, 1], [], []>, transpose_lhs_hint = false} : vector<1x128xf32>, vector<128x128xf32>, vector<1x128xf32> -> vector<1x128xf32>
      %add3A_119 = arith.addf %dot_general3A_113, %dot_general3A_118 : vector<1x128xf32>
      %get3A_120 = arith.constant 0 : index
      %get3A_121 = arith.constant 0 : index
      %get3A_122 = vector.load %arg17[%get3A_120, %get3A_121] : memref<1x128xf32, #tpu.memory_space<vmem>>, vector<1x128xf32>
      %add3A_123 = arith.addf %add3A_119, %get3A_122 : vector<1x128xf32>
      %max3A_124 = arith.constant 0.000000e+00 : f32
      %max3A_125 = vector.broadcast %max3A_124 : f32 to vector<1x128xf32>
      %max3A_126 = arith.maximumf %add3A_123, %max3A_125 : vector<1x128xf32>
      %get3A_127 = arith.constant 0 : index
      %get3A_128 = arith.constant 0 : index
      %get3A_129 = vector.load %arg18[%get3A_127, %get3A_128] : memref<128x64xf32, #tpu.memory_space<vmem>>, vector<128x64xf32>
      %dot_general3A_130 = arith.constant dense<0.000000e+00> : vector<1x64xf32>
      %dot_general3A_131 = tpu.matmul %max3A_126, %get3A_129, %dot_general3A_130 {dimension_numbers = #tpu.dot_dimension_numbers<[1], [0], [0], [1], [0, 0, 1, 1], [], []>, transpose_lhs_hint = false} : vector<1x128xf32>, vector<128x64xf32>, vector<1x64xf32> -> vector<1x64xf32>
      %get3A_132 = arith.constant 0 : index
      %get3A_133 = arith.constant 0 : index
      %get3A_134 = vector.load %arg19[%get3A_132, %get3A_133] : memref<1x64xf32, #tpu.memory_space<vmem>>, vector<1x64xf32>
      %add3A_135 = arith.addf %dot_general3A_131, %get3A_134 : vector<1x64xf32>
      %max3A_136 = arith.constant 0.000000e+00 : f32
      %max3A_137 = vector.broadcast %max3A_136 : f32 to vector<1x64xf32>
      %max3A_138 = arith.maximumf %add3A_135, %max3A_137 : vector<1x64xf32>
      %get3A_139 = arith.constant 0 : index
      %get3A_140 = arith.constant 0 : index
      %get3A_141 = vector.load %arg20[%get3A_139, %get3A_140] : memref<64x2xf32, #tpu.memory_space<vmem>>, vector<64x2xf32>
      %dot_general3A_142 = arith.constant dense<0.000000e+00> : vector<1x2xf32>
      %dot_general3A_143 = tpu.matmul %max3A_138, %get3A_141, %dot_general3A_142 {dimension_numbers = #tpu.dot_dimension_numbers<[1], [0], [0], [1], [0, 0, 1, 1], [], []>, transpose_lhs_hint = false} : vector<1x64xf32>, vector<64x2xf32>, vector<1x2xf32> -> vector<1x2xf32>
      %get3A_144 = arith.constant 0 : index
      %get3A_145 = arith.constant 0 : index
      %get3A_146 = vector.load %arg21[%get3A_144, %get3A_145] : memref<1x2xf32, #tpu.memory_space<vmem>>, vector<1x2xf32>
      %add3A_147 = arith.addf %dot_general3A_143, %get3A_146 : vector<1x2xf32>
      %swap3A_148 = arith.constant 0 : index
      %swap3A_149 = arith.constant 0 : index
      %swap3A_150 = vector.load %arg22[%swap3A_148, %swap3A_149] : memref<1x2xf32, #tpu.memory_space<vmem>>, vector<1x2xf32>
      tpu.vector_store %arg22[%swap3A_148, %swap3A_149], %add3A_147 {strides = array<i32>} : memref<1x2xf32, #tpu.memory_space<vmem>>, vector<1x2xf32>,
      %get3A_151 = arith.constant 0 : index
      %get3A_152 = arith.constant 0 : index
      %get3A_153 = vector.load %arg15[%get3A_151, %get3A_152] : memref<128x128xf32, #tpu.memory_space<vmem>>, vector<128x128xf32>
      %dot_general3A_154 = arith.constant dense<0.000000e+00> : vector<1x128xf32>
      %dot_general3A_155 = tpu.matmul %mul3A_83, %get3A_153, %dot_general3A_154 {dimension_numbers = #tpu.dot_dimension_numbers<[1], [0], [0], [1], [0, 0, 1, 1], [], []>, transpose_lhs_hint = false} : vector<1x128xf32>, vector<128x128xf32>, vector<1x128xf32> -> vector<1x128xf32>
      %get3A_156 = arith.constant 0 : index
      %get3A_157 = arith.constant 0 : index
      %get3A_158 = vector.load %arg16[%get3A_156, %get3A_157] : memref<128x128xf32, #tpu.memory_space<vmem>>, vector<128x128xf32>
      %dot_general3A_159 = arith.constant dense<0.000000e+00> : vector<1x128xf32>
      %dot_general3A_160 = tpu.matmul %get3A_86, %get3A_158, %dot_general3A_159 {dimension_numbers = #tpu.dot_dimension_numbers<[1], [0], [0], [1], [0, 0, 1, 1], [], []>, transpose_lhs_hint = false} : vector<1x128xf32>, vector<128x128xf32>, vector<1x128xf32> -> vector<1x128xf32>
      %add3A_161 = arith.addf %dot_general3A_155, %dot_general3A_160 : vector<1x128xf32>
      %get3A_162 = arith.constant 0 : index
      %get3A_163 = arith.constant 0 : index
      %get3A_164 = vector.load %arg17[%get3A_162, %get3A_163] : memref<1x128xf32, #tpu.memory_space<vmem>>, vector<1x128xf32>
      %add3A_165 = arith.addf %add3A_161, %get3A_164 : vector<1x128xf32>
      %max3A_166 = arith.constant 0.000000e+00 : f32
      %max3A_167 = vector.broadcast %max3A_166 : f32 to vector<1x128xf32>
      %max3A_168 = arith.maximumf %add3A_165, %max3A_167 : vector<1x128xf32>
      %get3A_169 = arith.constant 0 : index
      %get3A_170 = arith.constant 0 : index
      %get3A_171 = vector.load %arg18[%get3A_169, %get3A_170] : memref<128x64xf32, #tpu.memory_space<vmem>>, vector<128x64xf32>
      %dot_general3A_172 = arith.constant dense<0.000000e+00> : vector<1x64xf32>
      %dot_general3A_173 = tpu.matmul %max3A_168, %get3A_171, %dot_general3A_172 {dimension_numbers = #tpu.dot_dimension_numbers<[1], [0], [0], [1], [0, 0, 1, 1], [], []>, transpose_lhs_hint = false} : vector<1x128xf32>, vector<128x64xf32>, vector<1x64xf32> -> vector<1x64xf32>
      %get3A_174 = arith.constant 0 : index
      %get3A_175 = arith.constant 0 : index
      %get3A_176 = vector.load %arg19[%get3A_174, %get3A_175] : memref<1x64xf32, #tpu.memory_space<vmem>>, vector<1x64xf32>
      %add3A_177 = arith.addf %dot_general3A_173, %get3A_176 : vector<1x64xf32>
      %max3A_178 = arith.constant 0.000000e+00 : f32
      %max3A_179 = vector.broadcast %max3A_178 : f32 to vector<1x64xf32>
      %max3A_180 = arith.maximumf %add3A_177, %max3A_179 : vector<1x64xf32>
      %get3A_181 = arith.constant 0 : index
      %get3A_182 = arith.constant 0 : index
      %get3A_183 = vector.load %arg20[%get3A_181, %get3A_182] : memref<64x2xf32, #tpu.memory_space<vmem>>, vector<64x2xf32>
      %dot_general3A_184 = arith.constant dense<0.000000e+00> : vector<1x2xf32>
      %dot_general3A_185 = tpu.matmul %max3A_180, %get3A_183, %dot_general3A_184 {dimension_numbers = #tpu.dot_dimension_numbers<[1], [0], [0], [1], [0, 0, 1, 1], [], []>, transpose_lhs_hint = false} : vector<1x64xf32>, vector<64x2xf32>, vector<1x2xf32> -> vector<1x2xf32>
      %get3A_186 = arith.constant 0 : index
      %get3A_187 = arith.constant 0 : index
      %get3A_188 = vector.load %arg21[%get3A_186, %get3A_187] : memref<1x2xf32, #tpu.memory_space<vmem>>, vector<1x2xf32>
      %add3A_189 = arith.addf %dot_general3A_185, %get3A_188 : vector<1x2xf32>
      %swap3A_190 = arith.constant 0 : index
      %swap3A_191 = arith.constant 0 : index
      %swap3A_192 = vector.load %arg23[%swap3A_190, %swap3A_191] : memref<1x2xf32, #tpu.memory_space<vmem>>, vector<1x2xf32>
      tpu.vector_store %arg23[%swap3A_190, %swap3A_191], %add3A_189 {strides = array<i32>} : memref<1x2xf32, #tpu.memory_space<vmem>>, vector<1x2xf32>,
    } else {
    }
    return
  }
  func.func @transform_0(%arg0: i32) -> (i32, i32) {
    %c0_i32 = arith.constant 0 : i32
    %c0_i32_0 = arith.constant 0 : i32
    return %arg0, %c0_i32 : i32, i32
  }
  func.func @transform_1(%arg0: i32) -> (i32, i32) {
    %c0_i32 = arith.constant 0 : i32
    %c0_i32_0 = arith.constant 0 : i32
    return %arg0, %c0_i32 : i32, i32
  }
  func.func @transform_2(%arg0: i32) -> (i32, i32) {
    %c0_i32 = arith.constant 0 : i32
    %c0_i32_0 = arith.constant 0 : i32
    return %arg0, %c0_i32 : i32, i32
  }
  func.func @transform_3(%arg0: i32) -> (i32, i32) {
    %c0_i32 = arith.constant 0 : i32
    %c0_i32_0 = arith.constant 0 : i32
    %c0_i32_1 = arith.constant 0 : i32
    return %c0_i32, %c0_i32_0 : i32, i32
  }
  func.func @transform_4(%arg0: i32) -> (i32, i32) {
    %c0_i32 = arith.constant 0 : i32
    %c0_i32_0 = arith.constant 0 : i32
    return %arg0, %c0_i32 : i32, i32
  }
  func.func @transform_5(%arg0: i32) -> (i32, i32) {
    %c0_i32 = arith.constant 0 : i32
    %c0_i32_0 = arith.constant 0 : i32
    return %arg0, %c0_i32 : i32, i32
  }
  func.func @transform_6(%arg0: i32) -> (i32, i32) {
    %c0_i32 = arith.constant 0 : i32
    %c0_i32_0 = arith.constant 0 : i32
    %c0_i32_1 = arith.constant 0 : i32
    return %c0_i32, %c0_i32_0 : i32, i32
  }
  func.func @transform_7(%arg0: i32) -> (i32, i32) {
    %c0_i32 = arith.constant 0 : i32
    %c0_i32_0 = arith.constant 0 : i32
    %c0_i32_1 = arith.constant 0 : i32
    return %c0_i32, %c0_i32_0 : i32, i32
  }
  func.func @transform_8(%arg0: i32) -> (i32, i32) {
    %c0_i32 = arith.constant 0 : i32
    %c0_i32_0 = arith.constant 0 : i32
    %c0_i32_1 = arith.constant 0 : i32
    return %c0_i32, %c0_i32_0 : i32, i32
  }
  func.func @transform_9(%arg0: i32) -> (i32, i32) {
    %c0_i32 = arith.constant 0 : i32
    %c0_i32_0 = arith.constant 0 : i32
    %c0_i32_1 = arith.constant 0 : i32
    return %c0_i32, %c0_i32_0 : i32, i32
  }
  func.func @transform_10(%arg0: i32) -> (i32, i32) {
    %c0_i32 = arith.constant 0 : i32
    %c0_i32_0 = arith.constant 0 : i32
    %c0_i32_1 = arith.constant 0 : i32
    return %c0_i32, %c0_i32_0 : i32, i32
  }
  func.func @transform_11(%arg0: i32) -> (i32, i32) {
    %c0_i32 = arith.constant 0 : i32
    %c0_i32_0 = arith.constant 0 : i32
    %c0_i32_1 = arith.constant 0 : i32
    return %c0_i32, %c0_i32_0 : i32, i32
  }
  func.func @transform_12(%arg0: i32) -> (i32, i32) {
    %c0_i32 = arith.constant 0 : i32
    %c0_i32_0 = arith.constant 0 : i32
    %c0_i32_1 = arith.constant 0 : i32
    return %c0_i32, %c0_i32_0 : i32, i32
  }
  func.func @transform_13(%arg0: i32) -> (i32, i32) {
    %c0_i32 = arith.constant 0 : i32
    %c0_i32_0 = arith.constant 0 : i32
    %c0_i32_1 = arith.constant 0 : i32
    return %c0_i32, %c0_i32_0 : i32, i32
  }
  func.func @transform_14(%arg0: i32) -> (i32, i32) {
    %c0_i32 = arith.constant 0 : i32
    %c0_i32_0 = arith.constant 0 : i32
    %c0_i32_1 = arith.constant 0 : i32
    return %c0_i32, %c0_i32_0 : i32, i32
  }
  func.func @transform_15(%arg0: i32) -> (i32, i32) {
    %c0_i32 = arith.constant 0 : i32
    %c0_i32_0 = arith.constant 0 : i32
    %c0_i32_1 = arith.constant 0 : i32
    return %c0_i32, %c0_i32_0 : i32, i32
  }
  func.func @transform_16(%arg0: i32) -> (i32, i32) {
    %c0_i32 = arith.constant 0 : i32
    %c0_i32_0 = arith.constant 0 : i32
    %c0_i32_1 = arith.constant 0 : i32
    return %c0_i32, %c0_i32_0 : i32, i32
  }
  func.func @transform_17(%arg0: i32) -> (i32, i32) {
    %c0_i32 = arith.constant 0 : i32
    %c0_i32_0 = arith.constant 0 : i32
    %c0_i32_1 = arith.constant 0 : i32
    return %c0_i32, %c0_i32_0 : i32, i32
  }
  func.func @transform_18(%arg0: i32) -> (i32, i32) {
    %c0_i32 = arith.constant 0 : i32
    %c0_i32_0 = arith.constant 0 : i32
    %c0_i32_1 = arith.constant 0 : i32
    return %c0_i32, %c0_i32_0 : i32, i32
  }
  func.func @transform_19(%arg0: i32) -> (i32, i32) {
    %c0_i32 = arith.constant 0 : i32
    %c0_i32_0 = arith.constant 0 : i32
    %c0_i32_1 = arith.constant 0 : i32
    return %c0_i32, %c0_i32_0 : i32, i32
  }
  func.func @transform_20(%arg0: i32) -> (i32, i32) {
    %c0_i32 = arith.constant 0 : i32
    %c0_i32_0 = arith.constant 0 : i32
    %c0_i32_1 = arith.constant 0 : i32
    return %c0_i32, %c0_i32_0 : i32, i32
  }
  func.func @transform_21(%arg0: i32) -> (i32, i32) {
    %c0_i32 = arith.constant 0 : i32
    %c0_i32_0 = arith.constant 0 : i32
    %c0_i32_1 = arith.constant 0 : i32
    return %c0_i32, %c0_i32_0 : i32, i32
  }
  func.func @transform_22(%arg0: i32) -> (i32, i32) {
    %c0_i32 = arith.constant 0 : i32
    %c0_i32_0 = arith.constant 0 : i32
    %c0_i32_1 = arith.constant 0 : i32
    return %c0_i32, %c0_i32_0 : i32, i32
  }
  func.func @transform_23(%arg0: i32) -> (i32, i32) {
    %c0_i32 = arith.constant 0 : i32
    %c0_i32_0 = arith.constant 0 : i32
    %c0_i32_1 = arith.constant 0 : i32
    return %c0_i32, %c0_i32_0 : i32, i32
  }
  func.func @transform_24(%arg0: i32) -> (i32, i32) {
    %c0_i32 = arith.constant 0 : i32
    %c0_i32_0 = arith.constant 0 : i32
    return %arg0, %c0_i32 : i32, i32
  }
}

</mosaic_0001>

<sc_bundles>
// kernel: kernel.15.cloned.1.call-start
scs
__scs_entry_jumppad:
0x0: {  	(pc) =	sbr.rel $0x88, $3  }
0x1: {  	(tag) =	ssettag $0x0;
	lr =	simm.s32 $0x1  }
0x2: {  	[smem:$0x3F89] =	sst lr;
	_ =	strace $0xD0000000  }
0x3: {  	_ = 	snop  }
0x4: {  	_ = 	snop  }
0x5: {  	_ = 	snop  }
0x6: {  	_ = 	snop  }
0x7: {  	_ = 	snop  }
__scs_overlays_trampoline_lowered:
0x8: {  	[smem:$0x3F98] =	sst s0  }
0x9: {  	[smem:$0x3F99] =	sst s1  }
0xa: {  	[smem:$0x3F9A] =	sst s2  }
0xb: {  	[smem:$0x3F9B] =	sst s3  }
0xc: {  	[smem:$0x3F9C] =	sst s4  }
0xd: {  	[smem:$0x3F9D] =	sst s5  }
0xe: {  	[smem:$0x3F9E] =	sst s6  }
0xf: {  	[smem:$0x3F9F] =	sst s7  }
0x10: {  	[smem:$0x3FA0] =	sst s8  }
0x11: {  	[smem:$0x3FA1] =	sst s9;
	s0 =	simm.s32 @!p0 $0x0  }
0x12: {  	s1 =	sld [smem:$0x3F87];
	s0 =	simm.s32 @p0 $0x1  }
0x13: {  	[smem:$0x3FA2] =	sst s0;
	s0 =	simm.s32 @!p1 $0x0  }
0x14: {  	s2 =	sld [smem:$0x3F86];
	s0 =	simm.s32 @p1 $0x1  }
0x15: {  	[smem:$0x3FA3] =	sst s0;
	s0 =	simm.s32 @!p2 $0x0  }
0x16: {  	s3 =	sld [smem:$0x3FDB];
	s0 =	simm.s32 @p2 $0x1  }
0x17: {  	s4 =	simm.s32 $0x1BF5;
	[smem:$0x3FA5] =	sst s0  }
0x18: {  	s0 =	sld [smem:$0x3F88];
	_ =	swait.ge [sflag:s4], $0x0  }
0x19: {  	s7 =	sld [smem:$0x3F89]  }
0x1a: {  	s8 =	sadd.s32 $0xFFFFE003, lr  }
0x1b: {  	s9 =	sadd.s32 $0xFFFFFEF7, lr;
	s5 =	simm.s32 $0xFFFFFFFF;
	p2 =	slt.u32 s8, $0xFFFFF086  }
0x1c: {  	p1 =	slt.u32 s9, $0xF7A;
	s5 =	simm.s32 @!p2 $0x0  }
0x1d: {  	s5 =	simm.s32 @p1 $0x1;
	p0 =	seq.s32 s7, s2  }
0x1e: {  	s7 =	smul.u32 @!p0 $0xF7A, s2;
	p2 =	seq.s32 @!p0 s5, $0x0  }
0x1f: {  	s9 =	smul.u32 $0xF7A, s1;
	s8 =	simm.s32 @!p0 $0x1BF5;
	p2 =	por !p2, p0  }
0x20: {  	[sflag:s8] =	ssyncset.s32 @!p0 $0xFFFFF086;
	s6 =	sadd.s32 @!p0 s3, s7;
	s7 =	simm.s32 @!p0 $0x108  }
0x21: {  	s3 =	sadd.s32 s3, s9;
	s6 =	sadd.s32 @!p0 $0x88, s6;
	s7 =	simm.s32 @p2 $0x1082  }
0x22: {  	[simem:s7], [sflag:s8] =	dma.local @!p0 [hbm:s6], $0xF7A  }
0x23: {  	s9 =	sor.u32 $0xD0000000, s2;
	s6 =	simm.s32 $0x108;
	_ =	swait.ge @!p0 [sflag:s8], $0x0  }
0x24: {  	s3 =	sadd.s32 $0x88, s3;
	s6 =	simm.s32 @!p1 $0x1082;
	[sflag:s4] =	ssyncset.s32 $0xFFFFF086  }
0x25: {  	[simem:s6], [sflag:s4] =	dma.local [hbm:s3], $0xF7A  }
0x26: {  	[smem:$0x3F89] =	sst s1;
	(tag) =	ssettag s2;
	_ =	strace s9  }
0x27: {  	s1 =	sld [smem:$0x3F99]  }
0x28: {  	s2 =	sld [smem:$0x3F9A]  }
0x29: {  	s4 =	sld [smem:$0x3F9C]  }
0x2a: {  	p0 =	seq.s32 s5, $0x0;
	s5 =	sld [smem:$0x3F9D]  }
0x2b: {  	s6 =	sld [smem:$0x3F9E]  }
0x2c: {  	s7 =	sld [smem:$0x3F9F]  }
0x2d: {  	s3 =	simm.s32 $0x108;
	s8 =	sld [smem:$0x3FA0]  }
0x2e: {  	s3 =	simm.s32 @!p0 $0x1082;
	s9 =	sld [smem:$0x3FA1]  }
0x2f: {  	lr =	sadd.s32 s0, s3;
	s0 =	sld [smem:$0x3F98]  }
0x30: {  	s3 =	sld [smem:$0x3F9B]  }
0x31: {  	[smem:$0x3FA4] =	sst s10  }
0x32: {  	s10 =	sld [smem:$0x3FA2];
	_ =	sdelay $0x3  }
0x33: {  	p0 =	seq.s32 s10, $0x1;
	s10 =	sld [smem:$0x3FA4];
	_ =	sdelay $0x3  }
0x34: {  	[smem:$0x3FA4] =	sst s10  }
0x35: {  	s10 =	sld [smem:$0x3FA3];
	_ =	sdelay $0x3  }
0x36: {  	p1 =	seq.s32 s10, $0x1;
	s10 =	sld [smem:$0x3FA4];
	_ =	sdelay $0x3  }
0x37: {  	[smem:$0x3FA4] =	sst s10  }
0x38: {  	s10 =	sld [smem:$0x3FA5]  }
0x39: {  	_ = 	snop;
	(pc) =	sbr.ind lr, $3  }
0x3a: {  	_ = 	snop  }
0x3b: {  	_ = 	snop  }
0x3c: {  	p2 =	seq.s32 s10, $0x1;
	s10 =	sld [smem:$0x3FA4]  }
0x3d: {  	_ =	shalt  }
0x3e: {  	_ =	shalt  }
0x3f: {  	_ =	shalt  }
0x40: {  	_ =	shalt  }
0x41: {  	_ =	shalt  }
0x42: {  	_ =	shalt  }
0x43: {  	_ =	shalt  }
0x44: {  	_ =	shalt  }
0x45: {  	_ =	shalt  }
0x46: {  	_ =	shalt  }
0x47: {  	_ =	shalt  }
0x48: {  	_ =	shalt  }
0x49: {  	_ =	shalt  }
0x4a: {  	_ =	shalt  }
0x4b: {  	_ =	shalt  }
0x4c: {  	_ =	shalt  }
0x4d: {  	_ =	shalt  }
0x4e: {  	_ =	shalt  }
0x4f: {  	_ =	shalt  }
0x50: {  	_ =	shalt  }
0x51: {  	_ =	shalt  }
0x52: {  	_ =	shalt  }
0x53: {  	_ =	shalt  }
0x54: {  	_ =	shalt  }
0x55: {  	_ =	shalt  }
0x56: {  	_ =	shalt  }
0x57: {  	_ =	shalt  }
0x58: {  	_ =	shalt  }
0x59: {  	_ =	shalt  }
0x5a: {  	_ =	shalt  }
0x5b: {  	_ =	shalt  }
0x5c: {  	_ =	shalt  }
0x5d: {  	_ =	shalt  }
0x5e: {  	_ =	shalt  }
0x5f: {  	_ =	shalt  }
0x60: {  	_ =	shalt  }
0x61: {  	_ =	shalt  }
0x62: {  	_ =	shalt  }
0x63: {  	_ =	shalt  }
0x64: {  	_ =	shalt  }
0x65: {  	_ =	shalt  }
0x66: {  	_ =	shalt  }
0x67: {  	_ =	shalt  }
0x68: {  	_ =	shalt  }
0x69: {  	_ =	shalt  }
0x6a: {  	_ =	shalt  }
0x6b: {  	_ =	shalt  }
0x6c: {  	_ =	shalt  }
0x6d: {  	_ =	shalt  }
0x6e: {  	_ =	shalt  }
0x6f: {  	_ =	shalt  }
0x70: {  	_ =	shalt  }
0x71: {  	_ =	shalt  }
0x72: {  	_ =	shalt  }
0x73: {  	_ =	shalt  }
0x74: {  	_ =	shalt  }
0x75: {  	_ =	shalt  }
0x76: {  	_ =	shalt  }
0x77: {  	_ =	shalt  }
0x78: {  	_ =	shalt  }
0x79: {  	_ =	shalt  }
0x7a: {  	_ =	shalt  }
0x7b: {  	_ =	shalt  }
0x7c: {  	_ =	shalt  }
0x7d: {  	_ =	shalt  }
0x7e: {  	_ =	shalt  }
0x7f: {  	_ =	shalt  }
0x80: {  	_ =	shalt  }
0x81: {  	_ =	shalt  }
0x82: {  	_ =	shalt  }
0x83: {  	_ =	shalt  }
0x84: {  	_ =	shalt  }
0x85: {  	_ =	shalt  }
0x86: {  	_ =	shalt  }
0x87: {  	_ =	shalt  }
.Lfunc_end0:
.L_simem_size_0:
called_computation_lowered:
.L_overlay_start_0:
0x88: {  	s2 =	sld [smem:$0x3FD9]  }
0x89: {  	s3 =	sld [smem:$0x3FFE];
	_ =	sdelay $0x1  }
0x8a: {  	s1 =	srdreg.scid  }
0x8b: {  	s0 =	sand.u32 $0x1, s1  }
0x8c: {  	s16 =	sshll.u32 s0, $0xA;
	s2 =	sadd.s32 s3, s2  }
0x8d: {  	s2 =	sadd.s32 s2, s16  }
0x8e: {  	[smem:$0x3FB0] =	sst s2  }
0x8f: {  	_ = 	snop  }
0x90: {  	(tm) =	ssettm $0x1  }
0x91: {  	s17 =	sld [smem:$0x3FFB];
	_ =	sdelay $0x3  }
0x92: {  	_ =	strace s17  }
0x93: {  	s2 =	sld [smem:$0x3FFC];
	_ =	sdelay $0x3  }
0x94: {  	_ =	strace s2  }
0x95: {  	s2 =	sld [smem:$0x3FFD];
	_ =	sdelay $0x3  }
0x96: {  	_ =	strace s2  }
0x97: {  	_ =	strace $0x8FFFFFFF  }
0x98: {  	s18 =	sld [smem:$0x3FDB];
	_ =	sdelay $0x1  }
0x99: {  	s19 =	simm.s32 $_scs_section_size  }
0x9a: {  	s4 =	simm.s32 $_size__tile_overlayer_lowered;
	s5 =	simm.s32 $_tile_overlayer_lowered  }
0x9b: {  	s22 =	simm.s32 $0x1BFF;
	s21 =	sshll.u32 s5, $0x1;
	s2 =	sadd.s32 s19, s18  }
0x9c: {  	s6 =	simm.s32 $0x0;
	s20 =	sshll.u32 s4, $0x1;
	s4 =	sadd.s32 s21, s2  }
0x9d: {  	[timem:s6], [sflag:s22] =	dma.local [hbm:s4], s20  }
0x9e: {  	_ =	swait.ge [sflag:s22], s20  }
0x9f: {  	s3 =	ssub.s32 $0x0, s20;
	[sflag:s22] =	ssyncset.done $0x0  }
0xa0: {  	[sflag:s22] =	ssyncadd.s32 s3;
	_ =	sdelay $0x1  }
0xa1: {  	s23 =	simm.s32 $0x1B8B  }
0xa2: {  	_ =	swait.ge [sflag:s23], $0x1  }
0xa3: {  	[sflag:s23] =	ssyncset.done $0x0  }
0xa4: {  	s25 =	simm.s32 $0x1B8E;
	s24 =	sld [smem:$0x3FFE];
	[sflag:s23] =	ssyncadd.s32 $0xFFFFFFFF  }
0xa5: {  	s26 =	simm.s32 $execute0_lowered;
	[smem:$0x3FD2] =	sst s25  }
0xa6: {  	s4 =	sshll.u32 s26, $0x1;
	_ =	strace $0x80000046;
	[dreg:$0x1] =	wrdreg $0xFFFFFFFF  }
0xa7: {  	s28 =	simm.s32 $_size_execute0_lowered;
	s2 =	sadd.s32 s2, s4;
	[dreg:$0x0] =	wrdreg $0x0  }
0xa8: {  	s4 =	sshll.u32 s28, $0x1;
	[dreg:$0x2] =	wrdreg s2  }
0xa9: {  	[dreg:$0x3] =	wrdreg s4  }
0xaa: {  	[dreg:$0x4] =	wrdreg $0xC0  }
0xab: {  	_ =	task [dreg:s6], $0x5FFFF  }
0xac: {  	[dreg:$0x1] =	wrdreg $0xFFFFFFFF  }
0xad: {  	[dreg:$0x0] =	wrdreg $0x60  }
0xae: {  	[dreg:$0x2] =	wrdreg s24  }
0xaf: {  	[dreg:$0x3] =	wrdreg $0x5B200  }
0xb0: {  	[dreg:$0x4] =	wrdreg $0x83200  }
0xb1: {  	[dreg:$0x5] =	wrdreg $0x9  }
0xb2: {  	_ =	task.clear_ibuf [dreg:s6], $0x6FFFF;
	_ =	strace $0x90000046  }
0xb3: {  	s29 =	simm.s32 $0x9;
	_ =	strace $0x80000048  }
0xb4: {  	_ =	swait.ge [sflag:s29], $0x1  }
0xb5: {  	[sflag:s29] =	ssyncadd.s32 $0xFFFFFFFF  }
0xb6: {  	_ =	strace $0x90000048  }
0xb7: {  	_ =	sfence  }
0xb8: {  	s30 =	sld [smem:$0x0];
	_ =	sdelay $0x2  }
0xb9: {  	s31 =	sshll.u32 s1, $0xD;
	s1 =	sshrl.u32 s1, $0x2  }
0xba: {  	s3 =	sand.u32 $0x4000, s31;
	s1 =	sadd.s32 s1, s30  }
0xbb: {  	s0 =	sor.u32 s3, s0;
	s1 =	sshll.u32 s1, $0x11  }
0xbc: {  	s0 =	sor.u32 s1, s0  }
0xbd: {  	s0 =	sadd.s32 $0x8F2B, s0  }
0xbe: {  	[sflag:s0] =	ssyncadd.remote.s32 $0x1  }
0xbf: {  	_ =	sfence.sel $0xFFFF  }
0xc0: {  	[dreg:$0x0] =	wrdreg $0xFFFFFFFF;
	(pc) =	sbr.abs _section_cstart, $3  }
0xc1: {  	[dreg:$0x1] =	wrdreg $0xFFFFFFFF  }
0xc2: {  	_ =	task.clear_ibuf [dreg:s6], $0x2FFFF;
	_ =	strace $0x9FFFFFFF  }
0xc3: {  	(tm) =	ssettm $0x7FFFFFFF  }
tec
execute0_lowered:
.L_overlay_start_1:
0x0: {  	(tag) =	ssettag $0x1  }
0x1: {  	s5 =	rddreg [dreg:$0x0];
	s1 =	srdreg.scid  }
0x2: {  	s0 =	stileid.u32;
	s2 =	rddreg [dreg:$0x1]  }
0x3: {  	s3 =	rddreg [dreg:$0x2];
	s4 =	simm.s32 $0x0;
	s22 =	simm.s32 $0x5320  }
0x4: {  	s23 =	simm.s32 $0x50;
	s26 =	simm.s32 $0x4E20;
	s28 =	simm.s32 $0x0  }
0x5: {  	s9 =	sand.u32 $0x1, s1;
	s29 =	sshll.u32 s0, $0x1;
	[smem:$0x7FF] =	sst s4  }
0x6: {  	s18 =	sadd.s32 $0x2AE00, s5;
	s17 =	sadd.s32 $0x25E00, s5;
	s10 =	smul.u32 $0xA000, s0  }
0x7: {  	s19 =	sadd.s32 $0x20E00, s5;
	s20 =	sadd.s32 $0x1BE00, s5;
	s31 =	smul.u32 $0x2800, s0  }
0x8: {  	s6 =	sor.u32 s9, s29;
	_ =	strace $0x80000047;
	s7 =	ssub.s32 $0x2, s9  }
0x9: {  	p0 =	seq.s32 s9, $0x1;
	s6 =	smul.u32 $0x4E2, s6;
	s8 =	sshrl.u32 s7, $0x1  }
0xa: {  	s30 =	sshrl.u32 s10, $0x2;
	s21 =	sshrl.u32 s31, $0x3;
	s24 =	sadd.s32 s31, s2  }
0xb: {  	s25 =	sadd.s32 s31, s3;
	s18 =	smov.u32 @p0 s17;
	s19 =	smov.u32 @p0 s20  }
0xc: {  	s20 =	simm.s32 $0x1;
	s11 =	ssub.s32 s7, s8;
	s7 =	sadd.s32 s30, s2  }
0xd: {  	s8 =	sadd.s32 s30, s3;
	s18 =	sadd.s32 s18, s21;
	s19 =	sadd.s32 s19, s21  }
0xe: {  	s21 =	simm.s32 $0x2710;
	s24 =	sshrl.u32 s24, $0x3;
	s25 =	sshrl.u32 s25, $0x3  }
0xf: {  	s6 =	sadd.s32 s6, s5;
	s9 =	smax.u32 s11, $0x1;
	s10 =	sadd.s32 $0x800, s7  }
0x10: {  	s11 =	sadd.s32 $0x1000, s7;
	s12 =	sadd.s32 $0x1800, s7;
	s13 =	sadd.s32 $0x2000, s7  }
0x11: {  	s14 =	sadd.s32 $0x800, s8;
	s15 =	sadd.s32 $0x1000, s8;
	s16 =	sadd.s32 $0x1800, s8  }
0x12: {  	v0 =	vimm.f32 $1.000000000e+00;
	v1 =	vimm.f32 $0.0e+00;
	s17 =	sadd.s32 $0x2000, s8;
	s5 =	sadd.s32 $0x12000, s6;
	s6 =	sadd.s32 $0x8200, s6  }
.LBB2_1:
0x13: {  	[tilespmem:s4], [sflag:$0x1] =	stream.linear.gather [hbm4b:s5+s4], $0x2710, $0x38;
	[tilespmem:$0xAB20] =	vst v63  }
0x14: {  	_ =	swait.ge [sflag:s20], $0x2710  }
0x15: {  	[sflag:s20] =	ssyncset.done $0x0  }
0x16: {  	[sflag:s20] =	ssyncadd.s32 $0xFFFFD8F0  }
0x17: {  	[tilespmem:s21], [sflag:$0x1] =	stream.linear.gather [hbm4b:s6+s4], $0x2710, $0x38;
	[tilespmem:$0xAB20] =	vst v63  }
0x18: {  	_ =	swait.ge [sflag:s20], $0x2710  }
0x19: {  	[sflag:s20] =	ssyncset.done $0x0  }
0x1a: {  	s29 =	simm.s32 $0x0;
	[sflag:s20] =	ssyncadd.s32 $0xFFFFD8F0  }
.LBB2_2:
0x1b: {  	p0 =	sne.s32 s29, $0x13C0  }
.Ltmp0:
0x1c: {  	_ = 	snop;
	(pc) =	sbr.rel @p0 .LBB2_2-.Ltmp0, $3  }
0x1d: {  	_ =	sdelay $0x1  }
0x1e: {  	s30 =	sshra.s32 s29, $0x2  }
0x1f: {  	s29 =	sadd.s32 $0x40, s29;
	[tilespmem:s30+$0x4E20] =	vst v0  }
0x20: {  	s29 =	simm.s32 $0x40;
	s30 =	simm.s32 $0x0  }
.LBB2_4:
0x21: {  	p0 =	sne.s32 s29, $0x1FC0;
	[tilespmem:s30+$0x5320] =	vst v1;
	s30 =	smov.u32 s29;
	s29 =	sadd.s32 $0x40, s29  }
.Ltmp1:
0x22: {  	(pc) =	sbr.rel @p0 .LBB2_4-.Ltmp1, $2  }
0x23: {  	_ =	sdelay $0x2  }
0x24: {  	s30 =	sshra.s32 s30, $0x2  }
0x25: {  	[tilespmem:s30+$0x5320] =	vst v1  }
0x26: {  	[spmem:s7] =	stream.linear.scatter [tilespmem:s22], [sflag:$0x1], $0x800, $0x38;
	[tilespmem:$0xAB20] =	vst v63  }
0x27: {  	_ =	swait.ge [sflag:s20], $0x800  }
0x28: {  	[sflag:s20] =	ssyncset.done $0x0  }
0x29: {  	[sflag:s20] =	ssyncadd.s32 $0xFFFFF800  }
0x2a: {  	[spmem:s10] =	stream.linear.scatter [tilespmem:s22], [sflag:$0x1], $0x800, $0x38;
	[tilespmem:$0xAB20] =	vst v63  }
0x2b: {  	_ =	swait.ge [sflag:s20], $0x800  }
0x2c: {  	[sflag:s20] =	ssyncset.done $0x0  }
0x2d: {  	[sflag:s20] =	ssyncadd.s32 $0xFFFFF800  }
0x2e: {  	[spmem:s11] =	stream.linear.scatter [tilespmem:s22], [sflag:$0x1], $0x800, $0x38;
	[tilespmem:$0xAB20] =	vst v63  }
0x2f: {  	_ =	swait.ge [sflag:s20], $0x800  }
0x30: {  	[sflag:s20] =	ssyncset.done $0x0  }
0x31: {  	[sflag:s20] =	ssyncadd.s32 $0xFFFFF800  }
0x32: {  	[spmem:s12] =	stream.linear.scatter [tilespmem:s22], [sflag:$0x1], $0x800, $0x38;
	[tilespmem:$0xAB20] =	vst v63  }
0x33: {  	_ =	swait.ge [sflag:s20], $0x800  }
0x34: {  	[sflag:s20] =	ssyncset.done $0x0  }
0x35: {  	[sflag:s20] =	ssyncadd.s32 $0xFFFFF800  }
0x36: {  	[spmem:s13] =	stream.linear.scatter [tilespmem:s22], [sflag:$0x1], $0x800, $0x38;
	[tilespmem:$0xAB20] =	vst v63  }
0x37: {  	_ =	swait.ge [sflag:s20], $0x800  }
0x38: {  	[sflag:s20] =	ssyncset.done $0x0  }
0x39: {  	[sflag:s20] =	ssyncadd.s32 $0xFFFFF800  }
0x3a: {  	[spmem:s8] =	stream.linear.scatter [tilespmem:s22], [sflag:$0x1], $0x800, $0x38;
	[tilespmem:$0xAB20] =	vst v63  }
0x3b: {  	_ =	swait.ge [sflag:s20], $0x800  }
0x3c: {  	[sflag:s20] =	ssyncset.done $0x0  }
0x3d: {  	[sflag:s20] =	ssyncadd.s32 $0xFFFFF800  }
0x3e: {  	[spmem:s14] =	stream.linear.scatter [tilespmem:s22], [sflag:$0x1], $0x800, $0x38;
	[tilespmem:$0xAB20] =	vst v63  }
0x3f: {  	_ =	swait.ge [sflag:s20], $0x800  }
0x40: {  	[sflag:s20] =	ssyncset.done $0x0  }
0x41: {  	[sflag:s20] =	ssyncadd.s32 $0xFFFFF800  }
0x42: {  	[spmem:s15] =	stream.linear.scatter [tilespmem:s22], [sflag:$0x1], $0x800, $0x38;
	[tilespmem:$0xAB20] =	vst v63  }
0x43: {  	_ =	swait.ge [sflag:s20], $0x800  }
0x44: {  	[sflag:s20] =	ssyncset.done $0x0  }
0x45: {  	[sflag:s20] =	ssyncadd.s32 $0xFFFFF800  }
0x46: {  	[spmem:s16] =	stream.linear.scatter [tilespmem:s22], [sflag:$0x1], $0x800, $0x38;
	[tilespmem:$0xAB20] =	vst v63  }
0x47: {  	_ =	swait.ge [sflag:s20], $0x800  }
0x48: {  	[sflag:s20] =	ssyncset.done $0x0  }
0x49: {  	[sflag:s20] =	ssyncadd.s32 $0xFFFFF800  }
0x4a: {  	[spmem:s17] =	stream.linear.scatter [tilespmem:s22], [sflag:$0x1], $0x800, $0x38;
	[tilespmem:$0xAB20] =	vst v63  }
0x4b: {  	_ =	swait.ge [sflag:s20], $0x800  }
0x4c: {  	[sflag:s20] =	ssyncset.done $0x0  }
0x4d: {  	[sflag:s20] =	ssyncadd.s32 $0xFFFFF800  }
0x4e: {  	s29 =	simm.s32 $0x0;
	[bflag:$0x0] =	sbarrier.arrive $0xFFFF  }
0x4f: {  	[spmem:s2] =	stream.indirect.scatter.add.f32 [tilespmem:s26], [sflag:$0x1], $0x10, s29, s23, $0xb8;
	[tilespmem:$0xAB20] =	vst v63  }
0x50: {  	_ =	swait.ge [sflag:s20], $0x500  }
0x51: {  	[sflag:s20] =	ssyncset.done $0x0  }
0x52: {  	s29 =	simm.s32 $0x2710;
	[sflag:s20] =	ssyncadd.s32 $0xFFFFFB00  }
0x53: {  	[spmem:s3] =	stream.indirect.scatter.add.f32 [tilespmem:s26], [sflag:$0x1], $0x10, s29, s23, $0xb8;
	[tilespmem:$0xAB20] =	vst v63  }
0x54: {  	_ =	swait.ge [sflag:s20], $0x500  }
0x55: {  	s30 =	simm.s32 $0x280;
	s29 =	simm.s32 $0x140;
	[sflag:s20] =	ssyncset.done $0x0  }
.LBB2_6:
0x56: {  	s31 =	sshra.s32 s29, $0x2  }
0x57: {  	[sflag:s20] =	ssyncadd.s32 $0xFFFFFB00;
	s29 =	smov.u32 s30;
	s1 =	sadd.s32 $0x140, s30  }
0x58: {  	[spmem:s2] =	stream.indirect.scatter.add.f32 [tilespmem:s26], [sflag:$0x1], $0x10, s31, s23, $0xb8;
	[tilespmem:$0xAB20] =	vst v63  }
0x59: {  	p0 =	sne.s32 s30, $0x9B00;
	_ =	swait.ge [sflag:s20], $0x500  }
.Ltmp2:
0x5a: {  	[sflag:s20] =	ssyncset.done $0x0;
	(pc) =	sbr.rel @p0 .LBB2_6-.Ltmp2, $4  }
0x5b: {  	s30 =	sadd.s32 $0x2710, s31;
	[sflag:s20] =	ssyncadd.s32 $0xFFFFFB00  }
0x5c: {  	[spmem:s3] =	stream.indirect.scatter.add.f32 [tilespmem:s26], [sflag:$0x1], $0x10, s30, s23, $0xb8;
	[tilespmem:$0xAB20] =	vst v63  }
0x5d: {  	_ =	swait.ge [sflag:s20], $0x500  }
0x5e: {  	s30 =	smov.u32 s1;
	[sflag:s20] =	ssyncset.done $0x0  }
0x5f: {  	s1 =	sshra.s32 s29, $0x2;
	[sflag:s20] =	ssyncadd.s32 $0xFFFFFB00  }
0x60: {  	[spmem:s2] =	stream.indirect.scatter.add.f32 [tilespmem:s26], [sflag:$0x1], $0x10, s1, s23, $0xb8;
	[tilespmem:$0xAB20] =	vst v63  }
0x61: {  	_ =	swait.ge [sflag:s20], $0x500  }
0x62: {  	[sflag:s20] =	ssyncset.done $0x0  }
0x63: {  	s1 =	sadd.s32 $0x2710, s1;
	[sflag:s20] =	ssyncadd.s32 $0xFFFFFB00  }
0x64: {  	[spmem:s3] =	stream.indirect.scatter.add.f32 [tilespmem:s26], [sflag:$0x1], $0x10, s1, s23, $0xb8;
	[tilespmem:$0xAB20] =	vst v63  }
0x65: {  	_ =	swait.ge [sflag:s20], $0x500  }
0x66: {  	[sflag:s20] =	ssyncset.done $0x0  }
0x67: {  	s31 =	sshll.u32 s0, $0x6;
	[sflag:s20] =	ssyncadd.s32 $0xFFFFFB00  }
0x68: {  	s1 =	sor.u32 $0x1C01, s31;
	[bflag:$0x0] =	sbarrier.arrive $0xFFFF  }
0x69: {  	[hbm:s18], [sflag:s1] =	dma.local [spmem:s24], $0x500  }
0x6a: {  	s28 =	sadd.s32 $0x1, s28;
	_ =	swait.ge [sflag:s20], $0x500  }
0x6b: {  	p0 =	sne.s32 s28, s9;
	[sflag:s20] =	ssyncset.done $0x0  }
.Ltmp3:
0x6c: {  	[sflag:s20] =	ssyncadd.s32 $0xFFFFFB00;
	(pc) =	sbr.rel @p0 .LBB2_1-.Ltmp3, $4  }
0x6d: {  	[hbm:s19], [sflag:s1] =	dma.local [spmem:s25], $0x500  }
0x6e: {  	_ =	swait.ge [sflag:s20], $0x500  }
0x6f: {  	[sflag:s20] =	ssyncset.done $0x0  }
0x70: {  	[sflag:s20] =	ssyncadd.s32 $0xFFFFFB00  }
0x71: {  	_ =	sfence.sel $0x180000  }
0x72: {  	[bflag:$0x0] =	sbarrier.arrive $0xFFFF  }
0x73: {  	_ =	strace $0x90000047  }
0x74: {  	[bflag:$0x2] =	sbarrier.arrive $0xFFFF  }
0x75: {  	p0 =	sne.s32 s0, $0x0;
	s0 =	rddreg [dreg:$0x3]  }
0x76: {  	s0 =	sadd.s32 @!p0 $0x100000, s0  }
0x77: {  	[sflag:s0] =	ssyncadd.tile.s32 @!p0 $0x1;
	_ =	shalt  }
.Lfunc_end2:
_tile_overlayer_lowered:
.L_overlay_start_2:
0x78: {  	(tag) =	ssettag $0x2  }
0x79: {  	s0 =	rddreg [dreg:$0x0];
	s2 =	stileid.u32  }
0x7a: {  	s1 =	rddreg [dreg:$0x1];
	p0 =	sne.s32 s2, $0x0  }
0x7b: {  	s3 =	rddreg [dreg:$0x2];
	[bflag:$0x3] =	sbarrier.arrive $0xFFFF;
	s2 =	simm.s32 @!p0 $0x1C01  }
0x7c: {  	[timem:s3], [sflag:s2] =	dma.local @!p0 [hbm:s0], s1  }
0x7d: {  	s0 =	simm.s32 @!p0 $0x1  }
0x7e: {  	_ =	swait.ge @!p0 [sflag:s0], s1  }
0x7f: {  	s1 =	ssub.s32 @!p0 $0x0, s1;
	[sflag:s0] =	ssyncset.done @!p0 $0x0  }
0x80: {  	[sflag:s0] =	ssyncadd.s32 @!p0 s1  }
0x81: {  	[bflag:$0x3] =	sbarrier.arrive $0xFFFF  }
0x82: {  	_ =	shalt  }

// kernel: kernel.18.cloned.1.call-start
scs
__scs_entry_jumppad:
0x0: {  	(pc) =	sbr.rel $0x88, $3  }
0x1: {  	(tag) =	ssettag $0x0;
	lr =	simm.s32 $0x1  }
0x2: {  	[smem:$0x3F89] =	sst lr;
	_ =	strace $0xD0000000  }
0x3: {  	_ = 	snop  }
0x4: {  	_ = 	snop  }
0x5: {  	_ = 	snop  }
0x6: {  	_ = 	snop  }
0x7: {  	_ = 	snop  }
__scs_overlays_trampoline_lowered:
0x8: {  	[smem:$0x3F98] =	sst s0  }
0x9: {  	[smem:$0x3F99] =	sst s1  }
0xa: {  	[smem:$0x3F9A] =	sst s2  }
0xb: {  	[smem:$0x3F9B] =	sst s3  }
0xc: {  	[smem:$0x3F9C] =	sst s4  }
0xd: {  	[smem:$0x3F9D] =	sst s5  }
0xe: {  	[smem:$0x3F9E] =	sst s6  }
0xf: {  	[smem:$0x3F9F] =	sst s7  }
0x10: {  	[smem:$0x3FA0] =	sst s8  }
0x11: {  	[smem:$0x3FA1] =	sst s9;
	s0 =	simm.s32 @!p0 $0x0  }
0x12: {  	s1 =	sld [smem:$0x3F87];
	s0 =	simm.s32 @p0 $0x1  }
0x13: {  	[smem:$0x3FA2] =	sst s0;
	s0 =	simm.s32 @!p1 $0x0  }
0x14: {  	s2 =	sld [smem:$0x3F86];
	s0 =	simm.s32 @p1 $0x1  }
0x15: {  	[smem:$0x3FA3] =	sst s0;
	s0 =	simm.s32 @!p2 $0x0  }
0x16: {  	s3 =	sld [smem:$0x3FDB];
	s0 =	simm.s32 @p2 $0x1  }
0x17: {  	s4 =	simm.s32 $0x1BF5;
	[smem:$0x3FA5] =	sst s0  }
0x18: {  	s0 =	sld [smem:$0x3F88];
	_ =	swait.ge [sflag:s4], $0x0  }
0x19: {  	s7 =	sld [smem:$0x3F89]  }
0x1a: {  	s8 =	sadd.s32 $0xFFFFE003, lr  }
0x1b: {  	s9 =	sadd.s32 $0xFFFFFEF7, lr;
	s5 =	simm.s32 $0xFFFFFFFF;
	p2 =	slt.u32 s8, $0xFFFFF086  }
0x1c: {  	p1 =	slt.u32 s9, $0xF7A;
	s5 =	simm.s32 @!p2 $0x0  }
0x1d: {  	s5 =	simm.s32 @p1 $0x1;
	p0 =	seq.s32 s7, s2  }
0x1e: {  	s7 =	smul.u32 @!p0 $0xF7A, s2;
	p2 =	seq.s32 @!p0 s5, $0x0  }
0x1f: {  	s9 =	smul.u32 $0xF7A, s1;
	s8 =	simm.s32 @!p0 $0x1BF5;
	p2 =	por !p2, p0  }
0x20: {  	[sflag:s8] =	ssyncset.s32 @!p0 $0xFFFFF086;
	s6 =	sadd.s32 @!p0 s3, s7;
	s7 =	simm.s32 @!p0 $0x108  }
0x21: {  	s3 =	sadd.s32 s3, s9;
	s6 =	sadd.s32 @!p0 $0x88, s6;
	s7 =	simm.s32 @p2 $0x1082  }
0x22: {  	[simem:s7], [sflag:s8] =	dma.local @!p0 [hbm:s6], $0xF7A  }
0x23: {  	s9 =	sor.u32 $0xD0000000, s2;
	s6 =	simm.s32 $0x108;
	_ =	swait.ge @!p0 [sflag:s8], $0x0  }
0x24: {  	s3 =	sadd.s32 $0x88, s3;
	s6 =	simm.s32 @!p1 $0x1082;
	[sflag:s4] =	ssyncset.s32 $0xFFFFF086  }
0x25: {  	[simem:s6], [sflag:s4] =	dma.local [hbm:s3], $0xF7A  }
0x26: {  	[smem:$0x3F89] =	sst s1;
	(tag) =	ssettag s2;
	_ =	strace s9  }
0x27: {  	s1 =	sld [smem:$0x3F99]  }
0x28: {  	s2 =	sld [smem:$0x3F9A]  }
0x29: {  	s4 =	sld [smem:$0x3F9C]  }
0x2a: {  	p0 =	seq.s32 s5, $0x0;
	s5 =	sld [smem:$0x3F9D]  }
0x2b: {  	s6 =	sld [smem:$0x3F9E]  }
0x2c: {  	s7 =	sld [smem:$0x3F9F]  }
0x2d: {  	s3 =	simm.s32 $0x108;
	s8 =	sld [smem:$0x3FA0]  }
0x2e: {  	s3 =	simm.s32 @!p0 $0x1082;
	s9 =	sld [smem:$0x3FA1]  }
0x2f: {  	lr =	sadd.s32 s0, s3;
	s0 =	sld [smem:$0x3F98]  }
0x30: {  	s3 =	sld [smem:$0x3F9B]  }
0x31: {  	[smem:$0x3FA4] =	sst s10  }
0x32: {  	s10 =	sld [smem:$0x3FA2];
	_ =	sdelay $0x3  }
0x33: {  	p0 =	seq.s32 s10, $0x1;
	s10 =	sld [smem:$0x3FA4];
	_ =	sdelay $0x3  }
0x34: {  	[smem:$0x3FA4] =	sst s10  }
0x35: {  	s10 =	sld [smem:$0x3FA3];
	_ =	sdelay $0x3  }
0x36: {  	p1 =	seq.s32 s10, $0x1;
	s10 =	sld [smem:$0x3FA4];
	_ =	sdelay $0x3  }
0x37: {  	[smem:$0x3FA4] =	sst s10  }
0x38: {  	s10 =	sld [smem:$0x3FA5]  }
0x39: {  	_ = 	snop;
	(pc) =	sbr.ind lr, $3  }
0x3a: {  	_ = 	snop  }
0x3b: {  	_ = 	snop  }
0x3c: {  	p2 =	seq.s32 s10, $0x1;
	s10 =	sld [smem:$0x3FA4]  }
0x3d: {  	_ =	shalt  }
0x3e: {  	_ =	shalt  }
0x3f: {  	_ =	shalt  }
0x40: {  	_ =	shalt  }
0x41: {  	_ =	shalt  }
0x42: {  	_ =	shalt  }
0x43: {  	_ =	shalt  }
0x44: {  	_ =	shalt  }
0x45: {  	_ =	shalt  }
0x46: {  	_ =	shalt  }
0x47: {  	_ =	shalt  }
0x48: {  	_ =	shalt  }
0x49: {  	_ =	shalt  }
0x4a: {  	_ =	shalt  }
0x4b: {  	_ =	shalt  }
0x4c: {  	_ =	shalt  }
0x4d: {  	_ =	shalt  }
0x4e: {  	_ =	shalt  }
0x4f: {  	_ =	shalt  }
0x50: {  	_ =	shalt  }
0x51: {  	_ =	shalt  }
0x52: {  	_ =	shalt  }
0x53: {  	_ =	shalt  }
0x54: {  	_ =	shalt  }
0x55: {  	_ =	shalt  }
0x56: {  	_ =	shalt  }
0x57: {  	_ =	shalt  }
0x58: {  	_ =	shalt  }
0x59: {  	_ =	shalt  }
0x5a: {  	_ =	shalt  }
0x5b: {  	_ =	shalt  }
0x5c: {  	_ =	shalt  }
0x5d: {  	_ =	shalt  }
0x5e: {  	_ =	shalt  }
0x5f: {  	_ =	shalt  }
0x60: {  	_ =	shalt  }
0x61: {  	_ =	shalt  }
0x62: {  	_ =	shalt  }
0x63: {  	_ =	shalt  }
0x64: {  	_ =	shalt  }
0x65: {  	_ =	shalt  }
0x66: {  	_ =	shalt  }
0x67: {  	_ =	shalt  }
0x68: {  	_ =	shalt  }
0x69: {  	_ =	shalt  }
0x6a: {  	_ =	shalt  }
0x6b: {  	_ =	shalt  }
0x6c: {  	_ =	shalt  }
0x6d: {  	_ =	shalt  }
0x6e: {  	_ =	shalt  }
0x6f: {  	_ =	shalt  }
0x70: {  	_ =	shalt  }
0x71: {  	_ =	shalt  }
0x72: {  	_ =	shalt  }
0x73: {  	_ =	shalt  }
0x74: {  	_ =	shalt  }
0x75: {  	_ =	shalt  }
0x76: {  	_ =	shalt  }
0x77: {  	_ =	shalt  }
0x78: {  	_ =	shalt  }
0x79: {  	_ =	shalt  }
0x7a: {  	_ =	shalt  }
0x7b: {  	_ =	shalt  }
0x7c: {  	_ =	shalt  }
0x7d: {  	_ =	shalt  }
0x7e: {  	_ =	shalt  }
0x7f: {  	_ =	shalt  }
0x80: {  	_ =	shalt  }
0x81: {  	_ =	shalt  }
0x82: {  	_ =	shalt  }
0x83: {  	_ =	shalt  }
0x84: {  	_ =	shalt  }
0x85: {  	_ =	shalt  }
0x86: {  	_ =	shalt  }
0x87: {  	_ =	shalt  }
.Lfunc_end0:
.L_simem_size_0:
called_computation.1_lowered:
.L_overlay_start_0:
0x88: {  	s2 =	sld [smem:$0x3FD9]  }
0x89: {  	s3 =	sld [smem:$0x3FFE];
	_ =	sdelay $0x1  }
0x8a: {  	s1 =	srdreg.scid  }
0x8b: {  	s0 =	sand.u32 $0x1, s1  }
0x8c: {  	s16 =	sshll.u32 s0, $0xA;
	s2 =	sadd.s32 s3, s2  }
0x8d: {  	s2 =	sadd.s32 s2, s16  }
0x8e: {  	[smem:$0x3FB0] =	sst s2  }
0x8f: {  	_ = 	snop  }
0x90: {  	(tm) =	ssettm $0x1  }
0x91: {  	s17 =	sld [smem:$0x3FFB];
	_ =	sdelay $0x3  }
0x92: {  	_ =	strace s17  }
0x93: {  	s2 =	sld [smem:$0x3FFC];
	_ =	sdelay $0x3  }
0x94: {  	_ =	strace s2  }
0x95: {  	s2 =	sld [smem:$0x3FFD];
	_ =	sdelay $0x3  }
0x96: {  	_ =	strace s2  }
0x97: {  	_ =	strace $0x8FFFFFFF  }
0x98: {  	s18 =	sld [smem:$0x3FDB];
	_ =	sdelay $0x1  }
0x99: {  	s19 =	simm.s32 $_scs_section_size  }
0x9a: {  	s4 =	simm.s32 $_size__tile_overlayer_lowered;
	s5 =	simm.s32 $_tile_overlayer_lowered  }
0x9b: {  	s22 =	simm.s32 $0x1BFF;
	s21 =	sshll.u32 s5, $0x1;
	s2 =	sadd.s32 s19, s18  }
0x9c: {  	s6 =	simm.s32 $0x0;
	s20 =	sshll.u32 s4, $0x1;
	s4 =	sadd.s32 s21, s2  }
0x9d: {  	[timem:s6], [sflag:s22] =	dma.local [hbm:s4], s20  }
0x9e: {  	_ =	swait.ge [sflag:s22], s20  }
0x9f: {  	s3 =	ssub.s32 $0x0, s20;
	[sflag:s22] =	ssyncset.done $0x0  }
0xa0: {  	[sflag:s22] =	ssyncadd.s32 s3;
	_ =	sdelay $0x1  }
0xa1: {  	s23 =	simm.s32 $0x1B8B  }
0xa2: {  	_ =	swait.ge [sflag:s23], $0x1  }
0xa3: {  	[sflag:s23] =	ssyncset.done $0x0  }
0xa4: {  	s25 =	simm.s32 $0x1B8E;
	s24 =	sld [smem:$0x3FFE];
	[sflag:s23] =	ssyncadd.s32 $0xFFFFFFFF  }
0xa5: {  	s26 =	simm.s32 $execute0_lowered;
	[smem:$0x3FD2] =	sst s25  }
0xa6: {  	s4 =	sshll.u32 s26, $0x1;
	_ =	strace $0x80000049;
	[dreg:$0x1] =	wrdreg $0xFFFFFFFF  }
0xa7: {  	s28 =	simm.s32 $_size_execute0_lowered;
	s2 =	sadd.s32 s2, s4;
	[dreg:$0x0] =	wrdreg $0x0  }
0xa8: {  	s4 =	sshll.u32 s28, $0x1;
	[dreg:$0x2] =	wrdreg s2  }
0xa9: {  	[dreg:$0x3] =	wrdreg s4  }
0xaa: {  	[dreg:$0x4] =	wrdreg $0xC0  }
0xab: {  	_ =	task [dreg:s6], $0x5FFFF  }
0xac: {  	[dreg:$0x1] =	wrdreg $0xFFFFFFFF  }
0xad: {  	[dreg:$0x0] =	wrdreg $0x60  }
0xae: {  	[dreg:$0x2] =	wrdreg s24  }
0xaf: {  	[dreg:$0x3] =	wrdreg $0xD0400  }
0xb0: {  	[dreg:$0x4] =	wrdreg $0x9  }
0xb1: {  	_ =	task.clear_ibuf [dreg:s6], $0x5FFFF;
	_ =	strace $0x90000049  }
0xb2: {  	s29 =	simm.s32 $0x9;
	_ =	strace $0x8000004B  }
0xb3: {  	_ =	swait.ge [sflag:s29], $0x1  }
0xb4: {  	[sflag:s29] =	ssyncadd.s32 $0xFFFFFFFF  }
0xb5: {  	_ =	strace $0x9000004B  }
0xb6: {  	_ =	sfence  }
0xb7: {  	s30 =	sld [smem:$0x0];
	_ =	sdelay $0x2  }
0xb8: {  	s31 =	sshll.u32 s1, $0xD;
	s1 =	sshrl.u32 s1, $0x2  }
0xb9: {  	s3 =	sand.u32 $0x4000, s31;
	s1 =	sadd.s32 s1, s30  }
0xba: {  	s0 =	sor.u32 s3, s0;
	s1 =	sshll.u32 s1, $0x11  }
0xbb: {  	s0 =	sor.u32 s1, s0  }
0xbc: {  	s0 =	sadd.s32 $0x8F2B, s0  }
0xbd: {  	[sflag:s0] =	ssyncadd.remote.s32 $0x1  }
0xbe: {  	_ =	sfence.sel $0xFFFF  }
0xbf: {  	[dreg:$0x0] =	wrdreg $0xFFFFFFFF;
	(pc) =	sbr.abs _section_cstart, $3  }
0xc0: {  	[dreg:$0x1] =	wrdreg $0xFFFFFFFF  }
0xc1: {  	_ =	task.clear_ibuf [dreg:s6], $0x2FFFF;
	_ =	strace $0x9FFFFFFF  }
0xc2: {  	(tm) =	ssettm $0x7FFFFFFF  }
0xc3: {  	_ =	shalt  }
tec
execute0_lowered:
.L_overlay_start_1:
0x0: {  	(tag) =	ssettag $0x1  }
0x1: {  	s5 =	rddreg [dreg:$0x0]  }
0x2: {  	s2 =	rddreg [dreg:$0x1]  }
0x3: {  	s0 =	rddreg [dreg:$0x2]  }
0x4: {  	s3 =	simm.s32 $0x0;
	s1 =	stileid.u32;
	s7 =	srdreg.scid  }
0x5: {  	s17 =	simm.s32 $0x50;
	s18 =	simm.s32 $0x9C40;
	s19 =	simm.s32 $0x1  }
0x6: {  	s22 =	simm.s32 $0x0;
	[smem:$0x7FF] =	sst s3;
	s6 =	smul.u32 $0x9C4, s1  }
0x7: {  	s4 =	sadd.s32 $0x56A00, s5;
	s13 =	sadd.s32 $0x43000, s5;
	s8 =	sand.u32 $0x1, s7  }
0x8: {  	s9 =	smul.u32 $0x28000, s1;
	s14 =	sadd.s32 $0x7E400, s5;
	s15 =	sadd.s32 $0x6A400, s5  }
0x9: {  	s31 =	smul.u32 $0xA000, s1;
	s20 =	sshll.u32 s1, $0x6;
	_ =	strace $0x8000004A  }
0xa: {  	s7 =	ssub.s32 $0x2, s8;
	p0 =	seq.s32 s8, $0x1;
	s20 =	sor.u32 $0x1C02, s20  }
0xb: {  	s6 =	sadd.s32 s6, s5;
	s29 =	sshrl.u32 s7, $0x1;
	s30 =	sshrl.u32 s9, $0x2  }
0xc: {  	s16 =	sshrl.u32 s31, $0x3;
	s21 =	sadd.s32 s31, s2;
	s14 =	smov.u32 @p0 s15  }
0xd: {  	s4 =	smov.u32 @p0 s13;
	s15 =	simm.s32 $0x4E20;
	s10 =	ssub.s32 s7, s29  }
0xe: {  	s5 =	sadd.s32 $0x12000, s6;
	s6 =	sadd.s32 $0x8200, s6;
	s7 =	sadd.s32 s30, s2  }
0xf: {  	s13 =	sadd.s32 s14, s16;
	s14 =	simm.s32 $0x2;
	s16 =	simm.s32 $0xB040  }
0x10: {  	s21 =	sshrl.u32 s21, $0x3;
	s8 =	smax.u32 s10, $0x1;
	s9 =	sadd.s32 $0x2000, s7  }
0x11: {  	v0 =	vimm.f32 $0.0e+00;
	s10 =	sadd.s32 $0x4000, s7;
	s11 =	sadd.s32 $0x6000, s7;
	s12 =	sadd.s32 $0x8000, s7  }
.LBB2_1:
0x12: {  	[tilespmem:s3], [sflag:$0x2] =	stream.linear.gather [hbm4b:s5+s3], $0x4E20, $0x38;
	[tilespmem:$0x17040] =	vst v63  }
0x13: {  	_ =	swait.ge [sflag:s14], $0x4E20  }
0x14: {  	[sflag:s14] =	ssyncset.done $0x0  }
0x15: {  	[sflag:s14] =	ssyncadd.s32 $0xFFFFB1E0  }
0x16: {  	[tilespmem:s15], [sflag:$0x2] =	stream.linear.gather [hbm4b:s6+s3], $0x4E20, $0x38;
	[tilespmem:$0x17040] =	vst v63  }
0x17: {  	_ =	swait.ge [sflag:s14], $0x4E20  }
0x18: {  	[sflag:s14] =	ssyncset.done $0x0  }
0x19: {  	s24 =	simm.s32 $0x100;
	s23 =	simm.s32 $0x0;
	[sflag:s14] =	ssyncadd.s32 $0xFFFFB1E0  }
.LBB2_2:
0x1a: {  	p0 =	sne.s32 s24, $0x7F00;
	[tilespmem:s23+$0xB070] =	vst v0;
	s25 =	smov.u32 s24;
	s24 =	sadd.s32 $0x100, s24  }
.Ltmp0:
0x1b: {  	[tilespmem:s23+$0xB060] =	vst v0;
	(pc) =	sbr.rel @p0 .LBB2_2-.Ltmp0, $3  }
0x1c: {  	[tilespmem:s23+$0xB040] =	vst v0  }
0x1d: {  	[tilespmem:s23+$0xB050] =	vst v0;
	_ =	sdelay $0x1  }
0x1e: {  	s23 =	sshra.s32 s25, $0x2  }
0x1f: {  	[tilespmem:s23+$0xB070] =	vst v0  }
0x20: {  	[tilespmem:s23+$0xB060] =	vst v0  }
0x21: {  	[tilespmem:s23+$0xB040] =	vst v0  }
0x22: {  	[tilespmem:s23+$0xB050] =	vst v0  }
0x23: {  	[spmem:s7] =	stream.linear.scatter [tilespmem:s16], [sflag:$0x2], $0x2000, $0x38;
	[tilespmem:$0x17040] =	vst v63  }
0x24: {  	_ =	swait.ge [sflag:s14], $0x2000  }
0x25: {  	[sflag:s14] =	ssyncset.done $0x0  }
0x26: {  	[sflag:s14] =	ssyncadd.s32 $0xFFFFE000  }
0x27: {  	[spmem:s9] =	stream.linear.scatter [tilespmem:s16], [sflag:$0x2], $0x2000, $0x38;
	[tilespmem:$0x17040] =	vst v63  }
0x28: {  	_ =	swait.ge [sflag:s14], $0x2000  }
0x29: {  	[sflag:s14] =	ssyncset.done $0x0  }
0x2a: {  	[sflag:s14] =	ssyncadd.s32 $0xFFFFE000  }
0x2b: {  	[spmem:s10] =	stream.linear.scatter [tilespmem:s16], [sflag:$0x2], $0x2000, $0x38;
	[tilespmem:$0x17040] =	vst v63  }
0x2c: {  	_ =	swait.ge [sflag:s14], $0x2000  }
0x2d: {  	[sflag:s14] =	ssyncset.done $0x0  }
0x2e: {  	[sflag:s14] =	ssyncadd.s32 $0xFFFFE000  }
0x2f: {  	[spmem:s11] =	stream.linear.scatter [tilespmem:s16], [sflag:$0x2], $0x2000, $0x38;
	[tilespmem:$0x17040] =	vst v63  }
0x30: {  	_ =	swait.ge [sflag:s14], $0x2000  }
0x31: {  	[sflag:s14] =	ssyncset.done $0x0  }
0x32: {  	[sflag:s14] =	ssyncadd.s32 $0xFFFFE000  }
0x33: {  	[spmem:s12] =	stream.linear.scatter [tilespmem:s16], [sflag:$0x2], $0x2000, $0x38;
	[tilespmem:$0x17040] =	vst v63  }
0x34: {  	_ =	swait.ge [sflag:s14], $0x2000  }
0x35: {  	[sflag:s14] =	ssyncset.done $0x0  }
0x36: {  	[sflag:s14] =	ssyncadd.s32 $0xFFFFE000  }
0x37: {  	s30 =	simm.s32 $0x0;
	[bflag:$0x0] =	sbarrier.arrive $0xFFFF  }
0x38: {  	[tilespmem:s18], [sflag:$0x1] =	stream.indirect.gather [hbm4b:s4+s17], $0x40, s30, s17, $0xb8;
	[tilespmem:$0x17040] =	vst v63  }
0x39: {  	_ =	swait.ge [sflag:s19], $0x1400  }
0x3a: {  	[sflag:s19] =	ssyncset.done $0x0  }
0x3b: {  	s31 =	simm.s32 $0x4E20;
	[sflag:s19] =	ssyncadd.s32 $0xFFFFEC00  }
0x3c: {  	[spmem:s2] =	stream.indirect.scatter.add.f32 [tilespmem:s18], [sflag:$0x2], $0x40, s31, s17, $0xb8;
	[tilespmem:$0x17040] =	vst v63  }
0x3d: {  	_ =	swait.ge [sflag:s14], $0x1400  }
0x3e: {  	s23 =	simm.s32 $0x140;
	s24 =	simm.s32 $0x280;
	[sflag:s14] =	ssyncset.done $0x0  }
.LBB2_4:
0x3f: {  	s25 =	sshra.s32 s23, $0x2  }
0x40: {  	[sflag:s14] =	ssyncadd.s32 $0xFFFFEC00;
	s23 =	smov.u32 s24;
	s26 =	sadd.s32 $0x140, s24  }
0x41: {  	[tilespmem:s18], [sflag:$0x1] =	stream.indirect.gather [hbm4b:s4+s17], $0x40, s25, s17, $0xb8;
	[tilespmem:$0x17040] =	vst v63  }
0x42: {  	p0 =	sne.s32 s24, $0x13740;
	_ =	swait.ge [sflag:s19], $0x1400  }
.Ltmp1:
0x43: {  	[sflag:s19] =	ssyncset.done $0x0;
	(pc) =	sbr.rel @p0 .LBB2_4-.Ltmp1, $4  }
0x44: {  	s24 =	sadd.s32 $0x4E20, s25;
	[sflag:s19] =	ssyncadd.s32 $0xFFFFEC00  }
0x45: {  	[spmem:s2] =	stream.indirect.scatter.add.f32 [tilespmem:s18], [sflag:$0x2], $0x40, s24, s17, $0xb8;
	[tilespmem:$0x17040] =	vst v63  }
0x46: {  	_ =	swait.ge [sflag:s14], $0x1400  }
0x47: {  	s24 =	smov.u32 s26;
	[sflag:s14] =	ssyncset.done $0x0  }
0x48: {  	s23 =	sshra.s32 s23, $0x2;
	[sflag:s14] =	ssyncadd.s32 $0xFFFFEC00  }
0x49: {  	[tilespmem:s18], [sflag:$0x1] =	stream.indirect.gather [hbm4b:s4+s17], $0x40, s23, s17, $0xb8;
	[tilespmem:$0x17040] =	vst v63  }
0x4a: {  	_ =	swait.ge [sflag:s19], $0x1400  }
0x4b: {  	[sflag:s19] =	ssyncset.done $0x0  }
0x4c: {  	s23 =	sadd.s32 $0x4E20, s23;
	[sflag:s19] =	ssyncadd.s32 $0xFFFFEC00  }
0x4d: {  	[spmem:s2] =	stream.indirect.scatter.add.f32 [tilespmem:s18], [sflag:$0x2], $0x40, s23, s17, $0xb8;
	[tilespmem:$0x17040] =	vst v63  }
0x4e: {  	_ =	swait.ge [sflag:s14], $0x1400  }
0x4f: {  	s22 =	sadd.s32 $0x1, s22;
	[sflag:s14] =	ssyncset.done $0x0  }
0x50: {  	p0 =	sne.s32 s22, s8;
	[sflag:s14] =	ssyncadd.s32 $0xFFFFEC00  }
.Ltmp2:
0x51: {  	[bflag:$0x0] =	sbarrier.arrive $0xFFFF;
	(pc) =	sbr.rel @p0 .LBB2_1-.Ltmp2, $4  }
0x52: {  	[hbm:s13], [sflag:s20] =	dma.local [spmem:s21], $0x1400  }
0x53: {  	_ =	swait.ge [sflag:s14], $0x1400  }
0x54: {  	[sflag:s14] =	ssyncset.done $0x0  }
0x55: {  	[sflag:s14] =	ssyncadd.s32 $0xFFFFEC00  }
0x56: {  	_ =	sfence.sel $0x180000  }
0x57: {  	[bflag:$0x0] =	sbarrier.arrive $0xFFFF  }
0x58: {  	p0 =	sne.s32 s1, $0x0;
	_ =	strace $0x9000004A  }
0x59: {  	s0 =	sadd.s32 @!p0 $0x100000, s0;
	[bflag:$0x2] =	sbarrier.arrive $0xFFFF  }
0x5a: {  	[sflag:s0] =	ssyncadd.tile.s32 @!p0 $0x1;
	_ =	shalt  }
.Lfunc_end2:
_tile_overlayer_lowered:
.L_overlay_start_2:
0x5b: {  	(tag) =	ssettag $0x2  }
0x5c: {  	s0 =	rddreg [dreg:$0x0];
	s2 =	stileid.u32  }
0x5d: {  	s1 =	rddreg [dreg:$0x1];
	p0 =	sne.s32 s2, $0x0  }
0x5e: {  	s3 =	rddreg [dreg:$0x2];
	[bflag:$0x3] =	sbarrier.arrive $0xFFFF;
	s2 =	simm.s32 @!p0 $0x1C02  }
0x5f: {  	[timem:s3], [sflag:s2] =	dma.local @!p0 [hbm:s0], s1  }
0x60: {  	s0 =	simm.s32 @!p0 $0x2  }
0x61: {  	_ =	swait.ge @!p0 [sflag:s0], s1  }
0x62: {  	s1 =	ssub.s32 @!p0 $0x0, s1;
	[sflag:s0] =	ssyncset.done @!p0 $0x0  }
0x63: {  	[sflag:s0] =	ssyncadd.s32 @!p0 s1  }
0x64: {  	[bflag:$0x3] =	sbarrier.arrive $0xFFFF  }
0x65: {  	_ =	shalt  }

// kernel: kernel.21.cloned.1.call-start
scs
__scs_entry_jumppad:
0x0: {  	(pc) =	sbr.rel $0x88, $3  }
0x1: {  	(tag) =	ssettag $0x0;
	lr =	simm.s32 $0x1  }
0x2: {  	[smem:$0x3F89] =	sst lr;
	_ =	strace $0xD0000000  }
0x3: {  	_ = 	snop  }
0x4: {  	_ = 	snop  }
0x5: {  	_ = 	snop  }
0x6: {  	_ = 	snop  }
0x7: {  	_ = 	snop  }
__scs_overlays_trampoline_lowered:
0x8: {  	[smem:$0x3F98] =	sst s0  }
0x9: {  	[smem:$0x3F99] =	sst s1  }
0xa: {  	[smem:$0x3F9A] =	sst s2  }
0xb: {  	[smem:$0x3F9B] =	sst s3  }
0xc: {  	[smem:$0x3F9C] =	sst s4  }
0xd: {  	[smem:$0x3F9D] =	sst s5  }
0xe: {  	[smem:$0x3F9E] =	sst s6  }
0xf: {  	[smem:$0x3F9F] =	sst s7  }
0x10: {  	[smem:$0x3FA0] =	sst s8  }
0x11: {  	[smem:$0x3FA1] =	sst s9;
	s0 =	simm.s32 @!p0 $0x0  }
0x12: {  	s1 =	sld [smem:$0x3F87];
	s0 =	simm.s32 @p0 $0x1  }
0x13: {  	[smem:$0x3FA2] =	sst s0;
	s0 =	simm.s32 @!p1 $0x0  }
0x14: {  	s2 =	sld [smem:$0x3F86];
	s0 =	simm.s32 @p1 $0x1  }
0x15: {  	[smem:$0x3FA3] =	sst s0;
	s0 =	simm.s32 @!p2 $0x0  }
0x16: {  	s3 =	sld [smem:$0x3FDB];
	s0 =	simm.s32 @p2 $0x1  }
0x17: {  	s4 =	simm.s32 $0x1BF5;
	[smem:$0x3FA5] =	sst s0  }
0x18: {  	s0 =	sld [smem:$0x3F88];
	_ =	swait.ge [sflag:s4], $0x0  }
0x19: {  	s7 =	sld [smem:$0x3F89]  }
0x1a: {  	s8 =	sadd.s32 $0xFFFFE003, lr  }
0x1b: {  	s9 =	sadd.s32 $0xFFFFFEF7, lr;
	s5 =	simm.s32 $0xFFFFFFFF;
	p2 =	slt.u32 s8, $0xFFFFF086  }
0x1c: {  	p1 =	slt.u32 s9, $0xF7A;
	s5 =	simm.s32 @!p2 $0x0  }
0x1d: {  	s5 =	simm.s32 @p1 $0x1;
	p0 =	seq.s32 s7, s2  }
0x1e: {  	s7 =	smul.u32 @!p0 $0xF7A, s2;
	p2 =	seq.s32 @!p0 s5, $0x0  }
0x1f: {  	s9 =	smul.u32 $0xF7A, s1;
	s8 =	simm.s32 @!p0 $0x1BF5;
	p2 =	por !p2, p0  }
0x20: {  	[sflag:s8] =	ssyncset.s32 @!p0 $0xFFFFF086;
	s6 =	sadd.s32 @!p0 s3, s7;
	s7 =	simm.s32 @!p0 $0x108  }
0x21: {  	s3 =	sadd.s32 s3, s9;
	s6 =	sadd.s32 @!p0 $0x88, s6;
	s7 =	simm.s32 @p2 $0x1082  }
0x22: {  	[simem:s7], [sflag:s8] =	dma.local @!p0 [hbm:s6], $0xF7A  }
0x23: {  	s9 =	sor.u32 $0xD0000000, s2;
	s6 =	simm.s32 $0x108;
	_ =	swait.ge @!p0 [sflag:s8], $0x0  }
0x24: {  	s3 =	sadd.s32 $0x88, s3;
	s6 =	simm.s32 @!p1 $0x1082;
	[sflag:s4] =	ssyncset.s32 $0xFFFFF086  }
0x25: {  	[simem:s6], [sflag:s4] =	dma.local [hbm:s3], $0xF7A  }
0x26: {  	[smem:$0x3F89] =	sst s1;
	(tag) =	ssettag s2;
	_ =	strace s9  }
0x27: {  	s1 =	sld [smem:$0x3F99]  }
0x28: {  	s2 =	sld [smem:$0x3F9A]  }
0x29: {  	s4 =	sld [smem:$0x3F9C]  }
0x2a: {  	p0 =	seq.s32 s5, $0x0;
	s5 =	sld [smem:$0x3F9D]  }
0x2b: {  	s6 =	sld [smem:$0x3F9E]  }
0x2c: {  	s7 =	sld [smem:$0x3F9F]  }
0x2d: {  	s3 =	simm.s32 $0x108;
	s8 =	sld [smem:$0x3FA0]  }
0x2e: {  	s3 =	simm.s32 @!p0 $0x1082;
	s9 =	sld [smem:$0x3FA1]  }
0x2f: {  	lr =	sadd.s32 s0, s3;
	s0 =	sld [smem:$0x3F98]  }
0x30: {  	s3 =	sld [smem:$0x3F9B]  }
0x31: {  	[smem:$0x3FA4] =	sst s10  }
0x32: {  	s10 =	sld [smem:$0x3FA2];
	_ =	sdelay $0x3  }
0x33: {  	p0 =	seq.s32 s10, $0x1;
	s10 =	sld [smem:$0x3FA4];
	_ =	sdelay $0x3  }
0x34: {  	[smem:$0x3FA4] =	sst s10  }
0x35: {  	s10 =	sld [smem:$0x3FA3];
	_ =	sdelay $0x3  }
0x36: {  	p1 =	seq.s32 s10, $0x1;
	s10 =	sld [smem:$0x3FA4];
	_ =	sdelay $0x3  }
0x37: {  	[smem:$0x3FA4] =	sst s10  }
0x38: {  	s10 =	sld [smem:$0x3FA5]  }
0x39: {  	_ = 	snop;
	(pc) =	sbr.ind lr, $3  }
0x3a: {  	_ = 	snop  }
0x3b: {  	_ = 	snop  }
0x3c: {  	p2 =	seq.s32 s10, $0x1;
	s10 =	sld [smem:$0x3FA4]  }
0x3d: {  	_ =	shalt  }
0x3e: {  	_ =	shalt  }
0x3f: {  	_ =	shalt  }
0x40: {  	_ =	shalt  }
0x41: {  	_ =	shalt  }
0x42: {  	_ =	shalt  }
0x43: {  	_ =	shalt  }
0x44: {  	_ =	shalt  }
0x45: {  	_ =	shalt  }
0x46: {  	_ =	shalt  }
0x47: {  	_ =	shalt  }
0x48: {  	_ =	shalt  }
0x49: {  	_ =	shalt  }
0x4a: {  	_ =	shalt  }
0x4b: {  	_ =	shalt  }
0x4c: {  	_ =	shalt  }
0x4d: {  	_ =	shalt  }
0x4e: {  	_ =	shalt  }
0x4f: {  	_ =	shalt  }
0x50: {  	_ =	shalt  }
0x51: {  	_ =	shalt  }
0x52: {  	_ =	shalt  }
0x53: {  	_ =	shalt  }
0x54: {  	_ =	shalt  }
0x55: {  	_ =	shalt  }
0x56: {  	_ =	shalt  }
0x57: {  	_ =	shalt  }
0x58: {  	_ =	shalt  }
0x59: {  	_ =	shalt  }
0x5a: {  	_ =	shalt  }
0x5b: {  	_ =	shalt  }
0x5c: {  	_ =	shalt  }
0x5d: {  	_ =	shalt  }
0x5e: {  	_ =	shalt  }
0x5f: {  	_ =	shalt  }
0x60: {  	_ =	shalt  }
0x61: {  	_ =	shalt  }
0x62: {  	_ =	shalt  }
0x63: {  	_ =	shalt  }
0x64: {  	_ =	shalt  }
0x65: {  	_ =	shalt  }
0x66: {  	_ =	shalt  }
0x67: {  	_ =	shalt  }
0x68: {  	_ =	shalt  }
0x69: {  	_ =	shalt  }
0x6a: {  	_ =	shalt  }
0x6b: {  	_ =	shalt  }
0x6c: {  	_ =	shalt  }
0x6d: {  	_ =	shalt  }
0x6e: {  	_ =	shalt  }
0x6f: {  	_ =	shalt  }
0x70: {  	_ =	shalt  }
0x71: {  	_ =	shalt  }
0x72: {  	_ =	shalt  }
0x73: {  	_ =	shalt  }
0x74: {  	_ =	shalt  }
0x75: {  	_ =	shalt  }
0x76: {  	_ =	shalt  }
0x77: {  	_ =	shalt  }
0x78: {  	_ =	shalt  }
0x79: {  	_ =	shalt  }
0x7a: {  	_ =	shalt  }
0x7b: {  	_ =	shalt  }
0x7c: {  	_ =	shalt  }
0x7d: {  	_ =	shalt  }
0x7e: {  	_ =	shalt  }
0x7f: {  	_ =	shalt  }
0x80: {  	_ =	shalt  }
0x81: {  	_ =	shalt  }
0x82: {  	_ =	shalt  }
0x83: {  	_ =	shalt  }
0x84: {  	_ =	shalt  }
0x85: {  	_ =	shalt  }
0x86: {  	_ =	shalt  }
0x87: {  	_ =	shalt  }
.Lfunc_end0:
.L_simem_size_0:
called_computation.2_lowered:
.L_overlay_start_0:
0x88: {  	s2 =	sld [smem:$0x3FD9]  }
0x89: {  	s3 =	sld [smem:$0x3FFE];
	_ =	sdelay $0x1  }
0x8a: {  	s1 =	srdreg.scid  }
0x8b: {  	s0 =	sand.u32 $0x1, s1  }
0x8c: {  	s16 =	sshll.u32 s0, $0xA;
	s2 =	sadd.s32 s3, s2  }
0x8d: {  	s2 =	sadd.s32 s2, s16  }
0x8e: {  	[smem:$0x3FB0] =	sst s2  }
0x8f: {  	_ = 	snop  }
0x90: {  	(tm) =	ssettm $0x1  }
0x91: {  	s17 =	sld [smem:$0x3FFB];
	_ =	sdelay $0x3  }
0x92: {  	_ =	strace s17  }
0x93: {  	s2 =	sld [smem:$0x3FFC];
	_ =	sdelay $0x3  }
0x94: {  	_ =	strace s2  }
0x95: {  	s2 =	sld [smem:$0x3FFD];
	_ =	sdelay $0x3  }
0x96: {  	_ =	strace s2  }
0x97: {  	_ =	strace $0x8FFFFFFF  }
0x98: {  	s18 =	sld [smem:$0x3FDB];
	_ =	sdelay $0x1  }
0x99: {  	s19 =	simm.s32 $_scs_section_size  }
0x9a: {  	s4 =	simm.s32 $_size__tile_overlayer_lowered;
	s5 =	simm.s32 $_tile_overlayer_lowered  }
0x9b: {  	s22 =	simm.s32 $0x1BFF;
	s21 =	sshll.u32 s5, $0x1;
	s2 =	sadd.s32 s19, s18  }
0x9c: {  	s6 =	simm.s32 $0x0;
	s20 =	sshll.u32 s4, $0x1;
	s4 =	sadd.s32 s21, s2  }
0x9d: {  	[timem:s6], [sflag:s22] =	dma.local [hbm:s4], s20  }
0x9e: {  	_ =	swait.ge [sflag:s22], s20  }
0x9f: {  	s3 =	ssub.s32 $0x0, s20;
	[sflag:s22] =	ssyncset.done $0x0  }
0xa0: {  	[sflag:s22] =	ssyncadd.s32 s3;
	_ =	sdelay $0x1  }
0xa1: {  	s23 =	simm.s32 $0x1B8B  }
0xa2: {  	_ =	swait.ge [sflag:s23], $0x1  }
0xa3: {  	[sflag:s23] =	ssyncset.done $0x0  }
0xa4: {  	s25 =	simm.s32 $0x1B8E;
	s24 =	sld [smem:$0x3FFE];
	[sflag:s23] =	ssyncadd.s32 $0xFFFFFFFF  }
0xa5: {  	s26 =	simm.s32 $execute0_lowered;
	[smem:$0x3FD2] =	sst s25  }
0xa6: {  	s4 =	sshll.u32 s26, $0x1;
	_ =	strace $0x8000004C;
	[dreg:$0x1] =	wrdreg $0xFFFFFFFF  }
0xa7: {  	s28 =	simm.s32 $_size_execute0_lowered;
	s2 =	sadd.s32 s2, s4;
	[dreg:$0x0] =	wrdreg $0x0  }
0xa8: {  	s4 =	sshll.u32 s28, $0x1;
	[dreg:$0x2] =	wrdreg s2  }
0xa9: {  	[dreg:$0x3] =	wrdreg s4  }
0xaa: {  	[dreg:$0x4] =	wrdreg $0xC0  }
0xab: {  	_ =	task [dreg:s6], $0x5FFFF  }
0xac: {  	[dreg:$0x1] =	wrdreg $0xFFFFFFFF  }
0xad: {  	[dreg:$0x0] =	wrdreg $0x60  }
0xae: {  	[dreg:$0x2] =	wrdreg s24  }
0xaf: {  	[dreg:$0x3] =	wrdreg $0xD0400  }
0xb0: {  	[dreg:$0x4] =	wrdreg $0x9  }
0xb1: {  	_ =	task.clear_ibuf [dreg:s6], $0x5FFFF;
	_ =	strace $0x9000004C  }
0xb2: {  	s29 =	simm.s32 $0x9;
	_ =	strace $0x8000004E  }
0xb3: {  	_ =	swait.ge [sflag:s29], $0x1  }
0xb4: {  	[sflag:s29] =	ssyncadd.s32 $0xFFFFFFFF  }
0xb5: {  	_ =	strace $0x9000004E  }
0xb6: {  	_ =	sfence  }
0xb7: {  	s30 =	sld [smem:$0x0];
	_ =	sdelay $0x2  }
0xb8: {  	s31 =	sshll.u32 s1, $0xD;
	s1 =	sshrl.u32 s1, $0x2  }
0xb9: {  	s3 =	sand.u32 $0x4000, s31;
	s1 =	sadd.s32 s1, s30  }
0xba: {  	s0 =	sor.u32 s3, s0;
	s1 =	sshll.u32 s1, $0x11  }
0xbb: {  	s0 =	sor.u32 s1, s0  }
0xbc: {  	s0 =	sadd.s32 $0x8F2B, s0  }
0xbd: {  	[sflag:s0] =	ssyncadd.remote.s32 $0x1  }
0xbe: {  	_ =	sfence.sel $0xFFFF  }
0xbf: {  	[dreg:$0x0] =	wrdreg $0xFFFFFFFF;
	(pc) =	sbr.abs _section_cstart, $3  }
0xc0: {  	[dreg:$0x1] =	wrdreg $0xFFFFFFFF  }
0xc1: {  	_ =	task.clear_ibuf [dreg:s6], $0x2FFFF;
	_ =	strace $0x9FFFFFFF  }
0xc2: {  	(tm) =	ssettm $0x7FFFFFFF  }
0xc3: {  	_ =	shalt  }
tec
execute0_lowered:
.L_overlay_start_1:
0x0: {  	(tag) =	ssettag $0x1  }
0x1: {  	s5 =	rddreg [dreg:$0x0]  }
0x2: {  	s2 =	rddreg [dreg:$0x1]  }
0x3: {  	s0 =	rddreg [dreg:$0x2]  }
0x4: {  	s3 =	simm.s32 $0x0;
	s1 =	stileid.u32;
	s7 =	srdreg.scid  }
0x5: {  	s17 =	simm.s32 $0x50;
	s18 =	simm.s32 $0x9C40;
	s19 =	simm.s32 $0x1  }
0x6: {  	s22 =	simm.s32 $0x0;
	[smem:$0x7FF] =	sst s3;
	s6 =	smul.u32 $0x9C4, s1  }
0x7: {  	s4 =	sadd.s32 $0x56A00, s5;
	s13 =	sadd.s32 $0x43000, s5;
	s8 =	sand.u32 $0x1, s7  }
0x8: {  	s9 =	smul.u32 $0x28000, s1;
	s14 =	sadd.s32 $0x7E400, s5;
	s15 =	sadd.s32 $0x6A400, s5  }
0x9: {  	s31 =	smul.u32 $0xA000, s1;
	s20 =	sshll.u32 s1, $0x6;
	_ =	strace $0x8000004D  }
0xa: {  	s7 =	ssub.s32 $0x2, s8;
	p0 =	seq.s32 s8, $0x1;
	s20 =	sor.u32 $0x1C02, s20  }
0xb: {  	s6 =	sadd.s32 s6, s5;
	s29 =	sshrl.u32 s7, $0x1;
	s30 =	sshrl.u32 s9, $0x2  }
0xc: {  	s16 =	sshrl.u32 s31, $0x3;
	s21 =	sadd.s32 s31, s2;
	s14 =	smov.u32 @p0 s15  }
0xd: {  	s4 =	smov.u32 @p0 s13;
	s15 =	simm.s32 $0x4E20;
	s10 =	ssub.s32 s7, s29  }
0xe: {  	s5 =	sadd.s32 $0x12000, s6;
	s6 =	sadd.s32 $0x8200, s6;
	s7 =	sadd.s32 s30, s2  }
0xf: {  	s13 =	sadd.s32 s14, s16;
	s14 =	simm.s32 $0x2;
	s16 =	simm.s32 $0xB040  }
0x10: {  	s21 =	sshrl.u32 s21, $0x3;
	s8 =	smax.u32 s10, $0x1;
	s9 =	sadd.s32 $0x2000, s7  }
0x11: {  	v0 =	vimm.f32 $0.0e+00;
	s10 =	sadd.s32 $0x4000, s7;
	s11 =	sadd.s32 $0x6000, s7;
	s12 =	sadd.s32 $0x8000, s7  }
.LBB2_1:
0x12: {  	[tilespmem:s3], [sflag:$0x2] =	stream.linear.gather [hbm4b:s5+s3], $0x4E20, $0x38;
	[tilespmem:$0x17040] =	vst v63  }
0x13: {  	_ =	swait.ge [sflag:s14], $0x4E20  }
0x14: {  	[sflag:s14] =	ssyncset.done $0x0  }
0x15: {  	[sflag:s14] =	ssyncadd.s32 $0xFFFFB1E0  }
0x16: {  	[tilespmem:s15], [sflag:$0x2] =	stream.linear.gather [hbm4b:s6+s3], $0x4E20, $0x38;
	[tilespmem:$0x17040] =	vst v63  }
0x17: {  	_ =	swait.ge [sflag:s14], $0x4E20  }
0x18: {  	[sflag:s14] =	ssyncset.done $0x0  }
0x19: {  	s24 =	simm.s32 $0x100;
	s23 =	simm.s32 $0x0;
	[sflag:s14] =	ssyncadd.s32 $0xFFFFB1E0  }
.LBB2_2:
0x1a: {  	p0 =	sne.s32 s24, $0x7F00;
	[tilespmem:s23+$0xB070] =	vst v0;
	s25 =	smov.u32 s24;
	s24 =	sadd.s32 $0x100, s24  }
.Ltmp0:
0x1b: {  	[tilespmem:s23+$0xB060] =	vst v0;
	(pc) =	sbr.rel @p0 .LBB2_2-.Ltmp0, $3  }
0x1c: {  	[tilespmem:s23+$0xB040] =	vst v0  }
0x1d: {  	[tilespmem:s23+$0xB050] =	vst v0;
	_ =	sdelay $0x1  }
0x1e: {  	s23 =	sshra.s32 s25, $0x2  }
0x1f: {  	[tilespmem:s23+$0xB070] =	vst v0  }
0x20: {  	[tilespmem:s23+$0xB060] =	vst v0  }
0x21: {  	[tilespmem:s23+$0xB040] =	vst v0  }
0x22: {  	[tilespmem:s23+$0xB050] =	vst v0  }
0x23: {  	[spmem:s7] =	stream.linear.scatter [tilespmem:s16], [sflag:$0x2], $0x2000, $0x38;
	[tilespmem:$0x17040] =	vst v63  }
0x24: {  	_ =	swait.ge [sflag:s14], $0x2000  }
0x25: {  	[sflag:s14] =	ssyncset.done $0x0  }
0x26: {  	[sflag:s14] =	ssyncadd.s32 $0xFFFFE000  }
0x27: {  	[spmem:s9] =	stream.linear.scatter [tilespmem:s16], [sflag:$0x2], $0x2000, $0x38;
	[tilespmem:$0x17040] =	vst v63  }
0x28: {  	_ =	swait.ge [sflag:s14], $0x2000  }
0x29: {  	[sflag:s14] =	ssyncset.done $0x0  }
0x2a: {  	[sflag:s14] =	ssyncadd.s32 $0xFFFFE000  }
0x2b: {  	[spmem:s10] =	stream.linear.scatter [tilespmem:s16], [sflag:$0x2], $0x2000, $0x38;
	[tilespmem:$0x17040] =	vst v63  }
0x2c: {  	_ =	swait.ge [sflag:s14], $0x2000  }
0x2d: {  	[sflag:s14] =	ssyncset.done $0x0  }
0x2e: {  	[sflag:s14] =	ssyncadd.s32 $0xFFFFE000  }
0x2f: {  	[spmem:s11] =	stream.linear.scatter [tilespmem:s16], [sflag:$0x2], $0x2000, $0x38;
	[tilespmem:$0x17040] =	vst v63  }
0x30: {  	_ =	swait.ge [sflag:s14], $0x2000  }
0x31: {  	[sflag:s14] =	ssyncset.done $0x0  }
0x32: {  	[sflag:s14] =	ssyncadd.s32 $0xFFFFE000  }
0x33: {  	[spmem:s12] =	stream.linear.scatter [tilespmem:s16], [sflag:$0x2], $0x2000, $0x38;
	[tilespmem:$0x17040] =	vst v63  }
0x34: {  	_ =	swait.ge [sflag:s14], $0x2000  }
0x35: {  	[sflag:s14] =	ssyncset.done $0x0  }
0x36: {  	[sflag:s14] =	ssyncadd.s32 $0xFFFFE000  }
0x37: {  	s30 =	simm.s32 $0x0;
	[bflag:$0x0] =	sbarrier.arrive $0xFFFF  }
0x38: {  	[tilespmem:s18], [sflag:$0x1] =	stream.indirect.gather [hbm4b:s4+s17], $0x40, s30, s17, $0xb8;
	[tilespmem:$0x17040] =	vst v63  }
0x39: {  	_ =	swait.ge [sflag:s19], $0x1400  }
0x3a: {  	[sflag:s19] =	ssyncset.done $0x0  }
0x3b: {  	s31 =	simm.s32 $0x4E20;
	[sflag:s19] =	ssyncadd.s32 $0xFFFFEC00  }
0x3c: {  	[spmem:s2] =	stream.indirect.scatter.add.f32 [tilespmem:s18], [sflag:$0x2], $0x40, s31, s17, $0xb8;
	[tilespmem:$0x17040] =	vst v63  }
0x3d: {  	_ =	swait.ge [sflag:s14], $0x1400  }
0x3e: {  	s23 =	simm.s32 $0x140;
	s24 =	simm.s32 $0x280;
	[sflag:s14] =	ssyncset.done $0x0  }
.LBB2_4:
0x3f: {  	s25 =	sshra.s32 s23, $0x2  }
0x40: {  	[sflag:s14] =	ssyncadd.s32 $0xFFFFEC00;
	s23 =	smov.u32 s24;
	s26 =	sadd.s32 $0x140, s24  }
0x41: {  	[tilespmem:s18], [sflag:$0x1] =	stream.indirect.gather [hbm4b:s4+s17], $0x40, s25, s17, $0xb8;
	[tilespmem:$0x17040] =	vst v63  }
0x42: {  	p0 =	sne.s32 s24, $0x13740;
	_ =	swait.ge [sflag:s19], $0x1400  }
.Ltmp1:
0x43: {  	[sflag:s19] =	ssyncset.done $0x0;
	(pc) =	sbr.rel @p0 .LBB2_4-.Ltmp1, $4  }
0x44: {  	s24 =	sadd.s32 $0x4E20, s25;
	[sflag:s19] =	ssyncadd.s32 $0xFFFFEC00  }
0x45: {  	[spmem:s2] =	stream.indirect.scatter.add.f32 [tilespmem:s18], [sflag:$0x2], $0x40, s24, s17, $0xb8;
	[tilespmem:$0x17040] =	vst v63  }
0x46: {  	_ =	swait.ge [sflag:s14], $0x1400  }
0x47: {  	s24 =	smov.u32 s26;
	[sflag:s14] =	ssyncset.done $0x0  }
0x48: {  	s23 =	sshra.s32 s23, $0x2;
	[sflag:s14] =	ssyncadd.s32 $0xFFFFEC00  }
0x49: {  	[tilespmem:s18], [sflag:$0x1] =	stream.indirect.gather [hbm4b:s4+s17], $0x40, s23, s17, $0xb8;
	[tilespmem:$0x17040] =	vst v63  }
0x4a: {  	_ =	swait.ge [sflag:s19], $0x1400  }
0x4b: {  	[sflag:s19] =	ssyncset.done $0x0  }
0x4c: {  	s23 =	sadd.s32 $0x4E20, s23;
	[sflag:s19] =	ssyncadd.s32 $0xFFFFEC00  }
0x4d: {  	[spmem:s2] =	stream.indirect.scatter.add.f32 [tilespmem:s18], [sflag:$0x2], $0x40, s23, s17, $0xb8;
	[tilespmem:$0x17040] =	vst v63  }
0x4e: {  	_ =	swait.ge [sflag:s14], $0x1400  }
0x4f: {  	s22 =	sadd.s32 $0x1, s22;
	[sflag:s14] =	ssyncset.done $0x0  }
0x50: {  	p0 =	sne.s32 s22, s8;
	[sflag:s14] =	ssyncadd.s32 $0xFFFFEC00  }
.Ltmp2:
0x51: {  	[bflag:$0x0] =	sbarrier.arrive $0xFFFF;
	(pc) =	sbr.rel @p0 .LBB2_1-.Ltmp2, $4  }
0x52: {  	[hbm:s13], [sflag:s20] =	dma.local [spmem:s21], $0x1400  }
0x53: {  	_ =	swait.ge [sflag:s14], $0x1400  }
0x54: {  	[sflag:s14] =	ssyncset.done $0x0  }
0x55: {  	[sflag:s14] =	ssyncadd.s32 $0xFFFFEC00  }
0x56: {  	_ =	sfence.sel $0x180000  }
0x57: {  	[bflag:$0x0] =	sbarrier.arrive $0xFFFF  }
0x58: {  	p0 =	sne.s32 s1, $0x0;
	_ =	strace $0x9000004D  }
0x59: {  	s0 =	sadd.s32 @!p0 $0x100000, s0;
	[bflag:$0x2] =	sbarrier.arrive $0xFFFF  }
0x5a: {  	[sflag:s0] =	ssyncadd.tile.s32 @!p0 $0x1;
	_ =	shalt  }
.Lfunc_end2:
_tile_overlayer_lowered:
.L_overlay_start_2:
0x5b: {  	(tag) =	ssettag $0x2  }
0x5c: {  	s0 =	rddreg [dreg:$0x0];
	s2 =	stileid.u32  }
0x5d: {  	s1 =	rddreg [dreg:$0x1];
	p0 =	sne.s32 s2, $0x0  }
0x5e: {  	s3 =	rddreg [dreg:$0x2];
	[bflag:$0x3] =	sbarrier.arrive $0xFFFF;
	s2 =	simm.s32 @!p0 $0x1C02  }
0x5f: {  	[timem:s3], [sflag:s2] =	dma.local @!p0 [hbm:s0], s1  }
0x60: {  	s0 =	simm.s32 @!p0 $0x2  }
0x61: {  	_ =	swait.ge @!p0 [sflag:s0], s1  }
0x62: {  	s1 =	ssub.s32 @!p0 $0x0, s1;
	[sflag:s0] =	ssyncset.done @!p0 $0x0  }
0x63: {  	[sflag:s0] =	ssyncadd.s32 @!p0 s1  }
0x64: {  	[bflag:$0x3] =	sbarrier.arrive $0xFFFF  }
0x65: {  	_ =	shalt  }

// kernel: kernel.24.cloned.1.call-start
scs
__scs_entry_jumppad:
0x0: {  	(pc) =	sbr.rel $0x88, $3  }
0x1: {  	(tag) =	ssettag $0x0;
	lr =	simm.s32 $0x1  }
0x2: {  	[smem:$0x3F89] =	sst lr;
	_ =	strace $0xD0000000  }
0x3: {  	_ = 	snop  }
0x4: {  	_ = 	snop  }
0x5: {  	_ = 	snop  }
0x6: {  	_ = 	snop  }
0x7: {  	_ = 	snop  }
__scs_overlays_trampoline_lowered:
0x8: {  	[smem:$0x3F98] =	sst s0  }
0x9: {  	[smem:$0x3F99] =	sst s1  }
0xa: {  	[smem:$0x3F9A] =	sst s2  }
0xb: {  	[smem:$0x3F9B] =	sst s3  }
0xc: {  	[smem:$0x3F9C] =	sst s4  }
0xd: {  	[smem:$0x3F9D] =	sst s5  }
0xe: {  	[smem:$0x3F9E] =	sst s6  }
0xf: {  	[smem:$0x3F9F] =	sst s7  }
0x10: {  	[smem:$0x3FA0] =	sst s8  }
0x11: {  	[smem:$0x3FA1] =	sst s9;
	s0 =	simm.s32 @!p0 $0x0  }
0x12: {  	s1 =	sld [smem:$0x3F87];
	s0 =	simm.s32 @p0 $0x1  }
0x13: {  	[smem:$0x3FA2] =	sst s0;
	s0 =	simm.s32 @!p1 $0x0  }
0x14: {  	s2 =	sld [smem:$0x3F86];
	s0 =	simm.s32 @p1 $0x1  }
0x15: {  	[smem:$0x3FA3] =	sst s0;
	s0 =	simm.s32 @!p2 $0x0  }
0x16: {  	s3 =	sld [smem:$0x3FDB];
	s0 =	simm.s32 @p2 $0x1  }
0x17: {  	s4 =	simm.s32 $0x1BF5;
	[smem:$0x3FA5] =	sst s0  }
0x18: {  	s0 =	sld [smem:$0x3F88];
	_ =	swait.ge [sflag:s4], $0x0  }
0x19: {  	s7 =	sld [smem:$0x3F89]  }
0x1a: {  	s8 =	sadd.s32 $0xFFFFE003, lr  }
0x1b: {  	s9 =	sadd.s32 $0xFFFFFEF7, lr;
	s5 =	simm.s32 $0xFFFFFFFF;
	p2 =	slt.u32 s8, $0xFFFFF086  }
0x1c: {  	p1 =	slt.u32 s9, $0xF7A;
	s5 =	simm.s32 @!p2 $0x0  }
0x1d: {  	s5 =	simm.s32 @p1 $0x1;
	p0 =	seq.s32 s7, s2  }
0x1e: {  	s7 =	smul.u32 @!p0 $0xF7A, s2;
	p2 =	seq.s32 @!p0 s5, $0x0  }
0x1f: {  	s9 =	smul.u32 $0xF7A, s1;
	s8 =	simm.s32 @!p0 $0x1BF5;
	p2 =	por !p2, p0  }
0x20: {  	[sflag:s8] =	ssyncset.s32 @!p0 $0xFFFFF086;
	s6 =	sadd.s32 @!p0 s3, s7;
	s7 =	simm.s32 @!p0 $0x108  }
0x21: {  	s3 =	sadd.s32 s3, s9;
	s6 =	sadd.s32 @!p0 $0x88, s6;
	s7 =	simm.s32 @p2 $0x1082  }
0x22: {  	[simem:s7], [sflag:s8] =	dma.local @!p0 [hbm:s6], $0xF7A  }
0x23: {  	s9 =	sor.u32 $0xD0000000, s2;
	s6 =	simm.s32 $0x108;
	_ =	swait.ge @!p0 [sflag:s8], $0x0  }
0x24: {  	s3 =	sadd.s32 $0x88, s3;
	s6 =	simm.s32 @!p1 $0x1082;
	[sflag:s4] =	ssyncset.s32 $0xFFFFF086  }
0x25: {  	[simem:s6], [sflag:s4] =	dma.local [hbm:s3], $0xF7A  }
0x26: {  	[smem:$0x3F89] =	sst s1;
	(tag) =	ssettag s2;
	_ =	strace s9  }
0x27: {  	s1 =	sld [smem:$0x3F99]  }
0x28: {  	s2 =	sld [smem:$0x3F9A]  }
0x29: {  	s4 =	sld [smem:$0x3F9C]  }
0x2a: {  	p0 =	seq.s32 s5, $0x0;
	s5 =	sld [smem:$0x3F9D]  }
0x2b: {  	s6 =	sld [smem:$0x3F9E]  }
0x2c: {  	s7 =	sld [smem:$0x3F9F]  }
0x2d: {  	s3 =	simm.s32 $0x108;
	s8 =	sld [smem:$0x3FA0]  }
0x2e: {  	s3 =	simm.s32 @!p0 $0x1082;
	s9 =	sld [smem:$0x3FA1]  }
0x2f: {  	lr =	sadd.s32 s0, s3;
	s0 =	sld [smem:$0x3F98]  }
0x30: {  	s3 =	sld [smem:$0x3F9B]  }
0x31: {  	[smem:$0x3FA4] =	sst s10  }
0x32: {  	s10 =	sld [smem:$0x3FA2];
	_ =	sdelay $0x3  }
0x33: {  	p0 =	seq.s32 s10, $0x1;
	s10 =	sld [smem:$0x3FA4];
	_ =	sdelay $0x3  }
0x34: {  	[smem:$0x3FA4] =	sst s10  }
0x35: {  	s10 =	sld [smem:$0x3FA3];
	_ =	sdelay $0x3  }
0x36: {  	p1 =	seq.s32 s10, $0x1;
	s10 =	sld [smem:$0x3FA4];
	_ =	sdelay $0x3  }
0x37: {  	[smem:$0x3FA4] =	sst s10  }
0x38: {  	s10 =	sld [smem:$0x3FA5]  }
0x39: {  	_ = 	snop;
	(pc) =	sbr.ind lr, $3  }
0x3a: {  	_ = 	snop  }
0x3b: {  	_ = 	snop  }
0x3c: {  	p2 =	seq.s32 s10, $0x1;
	s10 =	sld [smem:$0x3FA4]  }
0x3d: {  	_ =	shalt  }
0x3e: {  	_ =	shalt  }
0x3f: {  	_ =	shalt  }
0x40: {  	_ =	shalt  }
0x41: {  	_ =	shalt  }
0x42: {  	_ =	shalt  }
0x43: {  	_ =	shalt  }
0x44: {  	_ =	shalt  }
0x45: {  	_ =	shalt  }
0x46: {  	_ =	shalt  }
0x47: {  	_ =	shalt  }
0x48: {  	_ =	shalt  }
0x49: {  	_ =	shalt  }
0x4a: {  	_ =	shalt  }
0x4b: {  	_ =	shalt  }
0x4c: {  	_ =	shalt  }
0x4d: {  	_ =	shalt  }
0x4e: {  	_ =	shalt  }
0x4f: {  	_ =	shalt  }
0x50: {  	_ =	shalt  }
0x51: {  	_ =	shalt  }
0x52: {  	_ =	shalt  }
0x53: {  	_ =	shalt  }
0x54: {  	_ =	shalt  }
0x55: {  	_ =	shalt  }
0x56: {  	_ =	shalt  }
0x57: {  	_ =	shalt  }
0x58: {  	_ =	shalt  }
0x59: {  	_ =	shalt  }
0x5a: {  	_ =	shalt  }
0x5b: {  	_ =	shalt  }
0x5c: {  	_ =	shalt  }
0x5d: {  	_ =	shalt  }
0x5e: {  	_ =	shalt  }
0x5f: {  	_ =	shalt  }
0x60: {  	_ =	shalt  }
0x61: {  	_ =	shalt  }
0x62: {  	_ =	shalt  }
0x63: {  	_ =	shalt  }
0x64: {  	_ =	shalt  }
0x65: {  	_ =	shalt  }
0x66: {  	_ =	shalt  }
0x67: {  	_ =	shalt  }
0x68: {  	_ =	shalt  }
0x69: {  	_ =	shalt  }
0x6a: {  	_ =	shalt  }
0x6b: {  	_ =	shalt  }
0x6c: {  	_ =	shalt  }
0x6d: {  	_ =	shalt  }
0x6e: {  	_ =	shalt  }
0x6f: {  	_ =	shalt  }
0x70: {  	_ =	shalt  }
0x71: {  	_ =	shalt  }
0x72: {  	_ =	shalt  }
0x73: {  	_ =	shalt  }
0x74: {  	_ =	shalt  }
0x75: {  	_ =	shalt  }
0x76: {  	_ =	shalt  }
0x77: {  	_ =	shalt  }
0x78: {  	_ =	shalt  }
0x79: {  	_ =	shalt  }
0x7a: {  	_ =	shalt  }
0x7b: {  	_ =	shalt  }
0x7c: {  	_ =	shalt  }
0x7d: {  	_ =	shalt  }
0x7e: {  	_ =	shalt  }
0x7f: {  	_ =	shalt  }
0x80: {  	_ =	shalt  }
0x81: {  	_ =	shalt  }
0x82: {  	_ =	shalt  }
0x83: {  	_ =	shalt  }
0x84: {  	_ =	shalt  }
0x85: {  	_ =	shalt  }
0x86: {  	_ =	shalt  }
0x87: {  	_ =	shalt  }
.Lfunc_end0:
.L_simem_size_0:
called_computation.3_lowered:
.L_overlay_start_0:
0x88: {  	s2 =	sld [smem:$0x3FD9]  }
0x89: {  	s3 =	sld [smem:$0x3FFE];
	_ =	sdelay $0x1  }
0x8a: {  	s1 =	srdreg.scid  }
0x8b: {  	s0 =	sand.u32 $0x1, s1  }
0x8c: {  	s16 =	sshll.u32 s0, $0xA;
	s2 =	sadd.s32 s3, s2  }
0x8d: {  	s2 =	sadd.s32 s2, s16  }
0x8e: {  	[smem:$0x3FB0] =	sst s2  }
0x8f: {  	_ = 	snop  }
0x90: {  	(tm) =	ssettm $0x1  }
0x91: {  	s17 =	sld [smem:$0x3FFB];
	_ =	sdelay $0x3  }
0x92: {  	_ =	strace s17  }
0x93: {  	s2 =	sld [smem:$0x3FFC];
	_ =	sdelay $0x3  }
0x94: {  	_ =	strace s2  }
0x95: {  	s2 =	sld [smem:$0x3FFD];
	_ =	sdelay $0x3  }
0x96: {  	_ =	strace s2  }
0x97: {  	_ =	strace $0x8FFFFFFF  }
0x98: {  	s18 =	sld [smem:$0x3FDB];
	_ =	sdelay $0x1  }
0x99: {  	s19 =	simm.s32 $_scs_section_size  }
0x9a: {  	s4 =	simm.s32 $_size__tile_overlayer_lowered;
	s5 =	simm.s32 $_tile_overlayer_lowered  }
0x9b: {  	s22 =	simm.s32 $0x1BFF;
	s21 =	sshll.u32 s5, $0x1;
	s2 =	sadd.s32 s19, s18  }
0x9c: {  	s6 =	simm.s32 $0x0;
	s20 =	sshll.u32 s4, $0x1;
	s4 =	sadd.s32 s21, s2  }
0x9d: {  	[timem:s6], [sflag:s22] =	dma.local [hbm:s4], s20  }
0x9e: {  	_ =	swait.ge [sflag:s22], s20  }
0x9f: {  	s3 =	ssub.s32 $0x0, s20;
	[sflag:s22] =	ssyncset.done $0x0  }
0xa0: {  	[sflag:s22] =	ssyncadd.s32 s3;
	_ =	sdelay $0x1  }
0xa1: {  	s23 =	simm.s32 $0x1B8B  }
0xa2: {  	_ =	swait.ge [sflag:s23], $0x1  }
0xa3: {  	[sflag:s23] =	ssyncset.done $0x0  }
0xa4: {  	s25 =	simm.s32 $0x1B8E;
	s24 =	sld [smem:$0x3FFE];
	[sflag:s23] =	ssyncadd.s32 $0xFFFFFFFF  }
0xa5: {  	s26 =	simm.s32 $execute0_lowered;
	[smem:$0x3FD2] =	sst s25  }
0xa6: {  	s4 =	sshll.u32 s26, $0x1;
	_ =	strace $0x8000004F;
	[dreg:$0x1] =	wrdreg $0xFFFFFFFF  }
0xa7: {  	s28 =	simm.s32 $_size_execute0_lowered;
	s2 =	sadd.s32 s2, s4;
	[dreg:$0x0] =	wrdreg $0x0  }
0xa8: {  	s4 =	sshll.u32 s28, $0x1;
	[dreg:$0x2] =	wrdreg s2  }
0xa9: {  	[dreg:$0x3] =	wrdreg s4  }
0xaa: {  	[dreg:$0x4] =	wrdreg $0xC0  }
0xab: {  	_ =	task [dreg:s6], $0x5FFFF  }
0xac: {  	[dreg:$0x1] =	wrdreg $0xFFFFFFFF  }
0xad: {  	[dreg:$0x0] =	wrdreg $0x60  }
0xae: {  	[dreg:$0x2] =	wrdreg s24  }
0xaf: {  	[dreg:$0x3] =	wrdreg $0xD0400  }
0xb0: {  	[dreg:$0x4] =	wrdreg $0x9  }
0xb1: {  	_ =	task.clear_ibuf [dreg:s6], $0x5FFFF;
	_ =	strace $0x9000004F  }
0xb2: {  	s29 =	simm.s32 $0x9;
	_ =	strace $0x80000051  }
0xb3: {  	_ =	swait.ge [sflag:s29], $0x1  }
0xb4: {  	[sflag:s29] =	ssyncadd.s32 $0xFFFFFFFF  }
0xb5: {  	_ =	strace $0x90000051  }
0xb6: {  	_ =	sfence  }
0xb7: {  	s30 =	sld [smem:$0x0];
	_ =	sdelay $0x2  }
0xb8: {  	s31 =	sshll.u32 s1, $0xD;
	s1 =	sshrl.u32 s1, $0x2  }
0xb9: {  	s3 =	sand.u32 $0x4000, s31;
	s1 =	sadd.s32 s1, s30  }
0xba: {  	s0 =	sor.u32 s3, s0;
	s1 =	sshll.u32 s1, $0x11  }
0xbb: {  	s0 =	sor.u32 s1, s0  }
0xbc: {  	s0 =	sadd.s32 $0x8F2B, s0  }
0xbd: {  	[sflag:s0] =	ssyncadd.remote.s32 $0x1  }
0xbe: {  	_ =	sfence.sel $0xFFFF  }
0xbf: {  	[dreg:$0x0] =	wrdreg $0xFFFFFFFF;
	(pc) =	sbr.abs _section_cstart, $3  }
0xc0: {  	[dreg:$0x1] =	wrdreg $0xFFFFFFFF  }
0xc1: {  	_ =	task.clear_ibuf [dreg:s6], $0x2FFFF;
	_ =	strace $0x9FFFFFFF  }
0xc2: {  	(tm) =	ssettm $0x7FFFFFFF  }
0xc3: {  	_ =	shalt  }
tec
execute0_lowered:
.L_overlay_start_1:
0x0: {  	(tag) =	ssettag $0x1  }
0x1: {  	s5 =	rddreg [dreg:$0x0]  }
0x2: {  	s2 =	rddreg [dreg:$0x1]  }
0x3: {  	s0 =	rddreg [dreg:$0x2]  }
0x4: {  	s3 =	simm.s32 $0x0;
	s1 =	stileid.u32;
	s7 =	srdreg.scid  }
0x5: {  	s17 =	simm.s32 $0x50;
	s18 =	simm.s32 $0x9C40;
	s19 =	simm.s32 $0x1  }
0x6: {  	s22 =	simm.s32 $0x0;
	[smem:$0x7FF] =	sst s3;
	s6 =	smul.u32 $0x9C4, s1  }
0x7: {  	s4 =	sadd.s32 $0x56A00, s5;
	s13 =	sadd.s32 $0x43000, s5;
	s8 =	sand.u32 $0x1, s7  }
0x8: {  	s9 =	smul.u32 $0x28000, s1;
	s14 =	sadd.s32 $0x7E400, s5;
	s15 =	sadd.s32 $0x6A400, s5  }
0x9: {  	s31 =	smul.u32 $0xA000, s1;
	s20 =	sshll.u32 s1, $0x6;
	_ =	strace $0x80000050  }
0xa: {  	s7 =	ssub.s32 $0x2, s8;
	p0 =	seq.s32 s8, $0x1;
	s20 =	sor.u32 $0x1C02, s20  }
0xb: {  	s6 =	sadd.s32 s6, s5;
	s29 =	sshrl.u32 s7, $0x1;
	s30 =	sshrl.u32 s9, $0x2  }
0xc: {  	s16 =	sshrl.u32 s31, $0x3;
	s21 =	sadd.s32 s31, s2;
	s14 =	smov.u32 @p0 s15  }
0xd: {  	s4 =	smov.u32 @p0 s13;
	s15 =	simm.s32 $0x4E20;
	s10 =	ssub.s32 s7, s29  }
0xe: {  	s5 =	sadd.s32 $0x12000, s6;
	s6 =	sadd.s32 $0x8200, s6;
	s7 =	sadd.s32 s30, s2  }
0xf: {  	s13 =	sadd.s32 s14, s16;
	s14 =	simm.s32 $0x2;
	s16 =	simm.s32 $0xB040  }
0x10: {  	s21 =	sshrl.u32 s21, $0x3;
	s8 =	smax.u32 s10, $0x1;
	s9 =	sadd.s32 $0x2000, s7  }
0x11: {  	v0 =	vimm.f32 $0.0e+00;
	s10 =	sadd.s32 $0x4000, s7;
	s11 =	sadd.s32 $0x6000, s7;
	s12 =	sadd.s32 $0x8000, s7  }
.LBB2_1:
0x12: {  	[tilespmem:s3], [sflag:$0x2] =	stream.linear.gather [hbm4b:s5+s3], $0x4E20, $0x38;
	[tilespmem:$0x17040] =	vst v63  }
0x13: {  	_ =	swait.ge [sflag:s14], $0x4E20  }
0x14: {  	[sflag:s14] =	ssyncset.done $0x0  }
0x15: {  	[sflag:s14] =	ssyncadd.s32 $0xFFFFB1E0  }
0x16: {  	[tilespmem:s15], [sflag:$0x2] =	stream.linear.gather [hbm4b:s6+s3], $0x4E20, $0x38;
	[tilespmem:$0x17040] =	vst v63  }
0x17: {  	_ =	swait.ge [sflag:s14], $0x4E20  }
0x18: {  	[sflag:s14] =	ssyncset.done $0x0  }
0x19: {  	s24 =	simm.s32 $0x100;
	s23 =	simm.s32 $0x0;
	[sflag:s14] =	ssyncadd.s32 $0xFFFFB1E0  }
.LBB2_2:
0x1a: {  	p0 =	sne.s32 s24, $0x7F00;
	[tilespmem:s23+$0xB070] =	vst v0;
	s25 =	smov.u32 s24;
	s24 =	sadd.s32 $0x100, s24  }
.Ltmp0:
0x1b: {  	[tilespmem:s23+$0xB060] =	vst v0;
	(pc) =	sbr.rel @p0 .LBB2_2-.Ltmp0, $3  }
0x1c: {  	[tilespmem:s23+$0xB040] =	vst v0  }
0x1d: {  	[tilespmem:s23+$0xB050] =	vst v0;
	_ =	sdelay $0x1  }
0x1e: {  	s23 =	sshra.s32 s25, $0x2  }
0x1f: {  	[tilespmem:s23+$0xB070] =	vst v0  }
0x20: {  	[tilespmem:s23+$0xB060] =	vst v0  }
0x21: {  	[tilespmem:s23+$0xB040] =	vst v0  }
0x22: {  	[tilespmem:s23+$0xB050] =	vst v0  }
0x23: {  	[spmem:s7] =	stream.linear.scatter [tilespmem:s16], [sflag:$0x2], $0x2000, $0x38;
	[tilespmem:$0x17040] =	vst v63  }
0x24: {  	_ =	swait.ge [sflag:s14], $0x2000  }
0x25: {  	[sflag:s14] =	ssyncset.done $0x0  }
0x26: {  	[sflag:s14] =	ssyncadd.s32 $0xFFFFE000  }
0x27: {  	[spmem:s9] =	stream.linear.scatter [tilespmem:s16], [sflag:$0x2], $0x2000, $0x38;
	[tilespmem:$0x17040] =	vst v63  }
0x28: {  	_ =	swait.ge [sflag:s14], $0x2000  }
0x29: {  	[sflag:s14] =	ssyncset.done $0x0  }
0x2a: {  	[sflag:s14] =	ssyncadd.s32 $0xFFFFE000  }
0x2b: {  	[spmem:s10] =	stream.linear.scatter [tilespmem:s16], [sflag:$0x2], $0x2000, $0x38;
	[tilespmem:$0x17040] =	vst v63  }
0x2c: {  	_ =	swait.ge [sflag:s14], $0x2000  }
0x2d: {  	[sflag:s14] =	ssyncset.done $0x0  }
0x2e: {  	[sflag:s14] =	ssyncadd.s32 $0xFFFFE000  }
0x2f: {  	[spmem:s11] =	stream.linear.scatter [tilespmem:s16], [sflag:$0x2], $0x2000, $0x38;
	[tilespmem:$0x17040] =	vst v63  }
0x30: {  	_ =	swait.ge [sflag:s14], $0x2000  }
0x31: {  	[sflag:s14] =	ssyncset.done $0x0  }
0x32: {  	[sflag:s14] =	ssyncadd.s32 $0xFFFFE000  }
0x33: {  	[spmem:s12] =	stream.linear.scatter [tilespmem:s16], [sflag:$0x2], $0x2000, $0x38;
	[tilespmem:$0x17040] =	vst v63  }
0x34: {  	_ =	swait.ge [sflag:s14], $0x2000  }
0x35: {  	[sflag:s14] =	ssyncset.done $0x0  }
0x36: {  	[sflag:s14] =	ssyncadd.s32 $0xFFFFE000  }
0x37: {  	s30 =	simm.s32 $0x0;
	[bflag:$0x0] =	sbarrier.arrive $0xFFFF  }
0x38: {  	[tilespmem:s18], [sflag:$0x1] =	stream.indirect.gather [hbm4b:s4+s17], $0x40, s30, s17, $0xb8;
	[tilespmem:$0x17040] =	vst v63  }
0x39: {  	_ =	swait.ge [sflag:s19], $0x1400  }
0x3a: {  	[sflag:s19] =	ssyncset.done $0x0  }
0x3b: {  	s31 =	simm.s32 $0x4E20;
	[sflag:s19] =	ssyncadd.s32 $0xFFFFEC00  }
0x3c: {  	[spmem:s2] =	stream.indirect.scatter.add.f32 [tilespmem:s18], [sflag:$0x2], $0x40, s31, s17, $0xb8;
	[tilespmem:$0x17040] =	vst v63  }
0x3d: {  	_ =	swait.ge [sflag:s14], $0x1400  }
0x3e: {  	s23 =	simm.s32 $0x140;
	s24 =	simm.s32 $0x280;
	[sflag:s14] =	ssyncset.done $0x0  }
.LBB2_4:
0x3f: {  	s25 =	sshra.s32 s23, $0x2  }
0x40: {  	[sflag:s14] =	ssyncadd.s32 $0xFFFFEC00;
	s23 =	smov.u32 s24;
	s26 =	sadd.s32 $0x140, s24  }
0x41: {  	[tilespmem:s18], [sflag:$0x1] =	stream.indirect.gather [hbm4b:s4+s17], $0x40, s25, s17, $0xb8;
	[tilespmem:$0x17040] =	vst v63  }
0x42: {  	p0 =	sne.s32 s24, $0x13740;
	_ =	swait.ge [sflag:s19], $0x1400  }
.Ltmp1:
0x43: {  	[sflag:s19] =	ssyncset.done $0x0;
	(pc) =	sbr.rel @p0 .LBB2_4-.Ltmp1, $4  }
0x44: {  	s24 =	sadd.s32 $0x4E20, s25;
	[sflag:s19] =	ssyncadd.s32 $0xFFFFEC00  }
0x45: {  	[spmem:s2] =	stream.indirect.scatter.add.f32 [tilespmem:s18], [sflag:$0x2], $0x40, s24, s17, $0xb8;
	[tilespmem:$0x17040] =	vst v63  }
0x46: {  	_ =	swait.ge [sflag:s14], $0x1400  }
0x47: {  	s24 =	smov.u32 s26;
	[sflag:s14] =	ssyncset.done $0x0  }
0x48: {  	s23 =	sshra.s32 s23, $0x2;
	[sflag:s14] =	ssyncadd.s32 $0xFFFFEC00  }
0x49: {  	[tilespmem:s18], [sflag:$0x1] =	stream.indirect.gather [hbm4b:s4+s17], $0x40, s23, s17, $0xb8;
	[tilespmem:$0x17040] =	vst v63  }
0x4a: {  	_ =	swait.ge [sflag:s19], $0x1400  }
0x4b: {  	[sflag:s19] =	ssyncset.done $0x0  }
0x4c: {  	s23 =	sadd.s32 $0x4E20, s23;
	[sflag:s19] =	ssyncadd.s32 $0xFFFFEC00  }
0x4d: {  	[spmem:s2] =	stream.indirect.scatter.add.f32 [tilespmem:s18], [sflag:$0x2], $0x40, s23, s17, $0xb8;
	[tilespmem:$0x17040] =	vst v63  }
0x4e: {  	_ =	swait.ge [sflag:s14], $0x1400  }
0x4f: {  	s22 =	sadd.s32 $0x1, s22;
	[sflag:s14] =	ssyncset.done $0x0  }
0x50: {  	p0 =	sne.s32 s22, s8;
	[sflag:s14] =	ssyncadd.s32 $0xFFFFEC00  }
.Ltmp2:
0x51: {  	[bflag:$0x0] =	sbarrier.arrive $0xFFFF;
	(pc) =	sbr.rel @p0 .LBB2_1-.Ltmp2, $4  }
0x52: {  	[hbm:s13], [sflag:s20] =	dma.local [spmem:s21], $0x1400  }
0x53: {  	_ =	swait.ge [sflag:s14], $0x1400  }
0x54: {  	[sflag:s14] =	ssyncset.done $0x0  }
0x55: {  	[sflag:s14] =	ssyncadd.s32 $0xFFFFEC00  }
0x56: {  	_ =	sfence.sel $0x180000  }
0x57: {  	[bflag:$0x0] =	sbarrier.arrive $0xFFFF  }
0x58: {  	p0 =	sne.s32 s1, $0x0;
	_ =	strace $0x90000050  }
0x59: {  	s0 =	sadd.s32 @!p0 $0x100000, s0;
	[bflag:$0x2] =	sbarrier.arrive $0xFFFF  }
0x5a: {  	[sflag:s0] =	ssyncadd.tile.s32 @!p0 $0x1;
	_ =	shalt  }
.Lfunc_end2:
_tile_overlayer_lowered:
.L_overlay_start_2:
0x5b: {  	(tag) =	ssettag $0x2  }
0x5c: {  	s0 =	rddreg [dreg:$0x0];
	s2 =	stileid.u32  }
0x5d: {  	s1 =	rddreg [dreg:$0x1];
	p0 =	sne.s32 s2, $0x0  }
0x5e: {  	s3 =	rddreg [dreg:$0x2];
	[bflag:$0x3] =	sbarrier.arrive $0xFFFF;
	s2 =	simm.s32 @!p0 $0x1C02  }
0x5f: {  	[timem:s3], [sflag:s2] =	dma.local @!p0 [hbm:s0], s1  }
0x60: {  	s0 =	simm.s32 @!p0 $0x2  }
0x61: {  	_ =	swait.ge @!p0 [sflag:s0], s1  }
0x62: {  	s1 =	ssub.s32 @!p0 $0x0, s1;
	[sflag:s0] =	ssyncset.done @!p0 $0x0  }
0x63: {  	[sflag:s0] =	ssyncadd.s32 @!p0 s1  }
0x64: {  	[bflag:$0x3] =	sbarrier.arrive $0xFFFF  }
0x65: {  	_ =	shalt  }

// kernel: kernel.27.cloned.1.call-start
scs
__scs_entry_jumppad:
0x0: {  	(pc) =	sbr.rel $0x88, $3  }
0x1: {  	(tag) =	ssettag $0x0;
	lr =	simm.s32 $0x1  }
0x2: {  	[smem:$0x3F89] =	sst lr;
	_ =	strace $0xD0000000  }
0x3: {  	_ = 	snop  }
0x4: {  	_ = 	snop  }
0x5: {  	_ = 	snop  }
0x6: {  	_ = 	snop  }
0x7: {  	_ = 	snop  }
__scs_overlays_trampoline_lowered:
0x8: {  	[smem:$0x3F98] =	sst s0  }
0x9: {  	[smem:$0x3F99] =	sst s1  }
0xa: {  	[smem:$0x3F9A] =	sst s2  }
0xb: {  	[smem:$0x3F9B] =	sst s3  }
0xc: {  	[smem:$0x3F9C] =	sst s4  }
0xd: {  	[smem:$0x3F9D] =	sst s5  }
0xe: {  	[smem:$0x3F9E] =	sst s6  }
0xf: {  	[smem:$0x3F9F] =	sst s7  }
0x10: {  	[smem:$0x3FA0] =	sst s8  }
0x11: {  	[smem:$0x3FA1] =	sst s9;
	s0 =	simm.s32 @!p0 $0x0  }
0x12: {  	s1 =	sld [smem:$0x3F87];
	s0 =	simm.s32 @p0 $0x1  }
0x13: {  	[smem:$0x3FA2] =	sst s0;
	s0 =	simm.s32 @!p1 $0x0  }
0x14: {  	s2 =	sld [smem:$0x3F86];
	s0 =	simm.s32 @p1 $0x1  }
0x15: {  	[smem:$0x3FA3] =	sst s0;
	s0 =	simm.s32 @!p2 $0x0  }
0x16: {  	s3 =	sld [smem:$0x3FDB];
	s0 =	simm.s32 @p2 $0x1  }
0x17: {  	s4 =	simm.s32 $0x1BF5;
	[smem:$0x3FA5] =	sst s0  }
0x18: {  	s0 =	sld [smem:$0x3F88];
	_ =	swait.ge [sflag:s4], $0x0  }
0x19: {  	s7 =	sld [smem:$0x3F89]  }
0x1a: {  	s8 =	sadd.s32 $0xFFFFE003, lr  }
0x1b: {  	s9 =	sadd.s32 $0xFFFFFEF7, lr;
	s5 =	simm.s32 $0xFFFFFFFF;
	p2 =	slt.u32 s8, $0xFFFFF086  }
0x1c: {  	p1 =	slt.u32 s9, $0xF7A;
	s5 =	simm.s32 @!p2 $0x0  }
0x1d: {  	s5 =	simm.s32 @p1 $0x1;
	p0 =	seq.s32 s7, s2  }
0x1e: {  	s7 =	smul.u32 @!p0 $0xF7A, s2;
	p2 =	seq.s32 @!p0 s5, $0x0  }
0x1f: {  	s9 =	smul.u32 $0xF7A, s1;
	s8 =	simm.s32 @!p0 $0x1BF5;
	p2 =	por !p2, p0  }
0x20: {  	[sflag:s8] =	ssyncset.s32 @!p0 $0xFFFFF086;
	s6 =	sadd.s32 @!p0 s3, s7;
	s7 =	simm.s32 @!p0 $0x108  }
0x21: {  	s3 =	sadd.s32 s3, s9;
	s6 =	sadd.s32 @!p0 $0x88, s6;
	s7 =	simm.s32 @p2 $0x1082  }
0x22: {  	[simem:s7], [sflag:s8] =	dma.local @!p0 [hbm:s6], $0xF7A  }
0x23: {  	s9 =	sor.u32 $0xD0000000, s2;
	s6 =	simm.s32 $0x108;
	_ =	swait.ge @!p0 [sflag:s8], $0x0  }
0x24: {  	s3 =	sadd.s32 $0x88, s3;
	s6 =	simm.s32 @!p1 $0x1082;
	[sflag:s4] =	ssyncset.s32 $0xFFFFF086  }
0x25: {  	[simem:s6], [sflag:s4] =	dma.local [hbm:s3], $0xF7A  }
0x26: {  	[smem:$0x3F89] =	sst s1;
	(tag) =	ssettag s2;
	_ =	strace s9  }
0x27: {  	s1 =	sld [smem:$0x3F99]  }
0x28: {  	s2 =	sld [smem:$0x3F9A]  }
0x29: {  	s4 =	sld [smem:$0x3F9C]  }
0x2a: {  	p0 =	seq.s32 s5, $0x0;
	s5 =	sld [smem:$0x3F9D]  }
0x2b: {  	s6 =	sld [smem:$0x3F9E]  }
0x2c: {  	s7 =	sld [smem:$0x3F9F]  }
0x2d: {  	s3 =	simm.s32 $0x108;
	s8 =	sld [smem:$0x3FA0]  }
0x2e: {  	s3 =	simm.s32 @!p0 $0x1082;
	s9 =	sld [smem:$0x3FA1]  }
0x2f: {  	lr =	sadd.s32 s0, s3;
	s0 =	sld [smem:$0x3F98]  }
0x30: {  	s3 =	sld [smem:$0x3F9B]  }
0x31: {  	[smem:$0x3FA4] =	sst s10  }
0x32: {  	s10 =	sld [smem:$0x3FA2];
	_ =	sdelay $0x3  }
0x33: {  	p0 =	seq.s32 s10, $0x1;
	s10 =	sld [smem:$0x3FA4];
	_ =	sdelay $0x3  }
0x34: {  	[smem:$0x3FA4] =	sst s10  }
0x35: {  	s10 =	sld [smem:$0x3FA3];
	_ =	sdelay $0x3  }
0x36: {  	p1 =	seq.s32 s10, $0x1;
	s10 =	sld [smem:$0x3FA4];
	_ =	sdelay $0x3  }
0x37: {  	[smem:$0x3FA4] =	sst s10  }
0x38: {  	s10 =	sld [smem:$0x3FA5]  }
0x39: {  	_ = 	snop;
	(pc) =	sbr.ind lr, $3  }
0x3a: {  	_ = 	snop  }
0x3b: {  	_ = 	snop  }
0x3c: {  	p2 =	seq.s32 s10, $0x1;
	s10 =	sld [smem:$0x3FA4]  }
0x3d: {  	_ =	shalt  }
0x3e: {  	_ =	shalt  }
0x3f: {  	_ =	shalt  }
0x40: {  	_ =	shalt  }
0x41: {  	_ =	shalt  }
0x42: {  	_ =	shalt  }
0x43: {  	_ =	shalt  }
0x44: {  	_ =	shalt  }
0x45: {  	_ =	shalt  }
0x46: {  	_ =	shalt  }
0x47: {  	_ =	shalt  }
0x48: {  	_ =	shalt  }
0x49: {  	_ =	shalt  }
0x4a: {  	_ =	shalt  }
0x4b: {  	_ =	shalt  }
0x4c: {  	_ =	shalt  }
0x4d: {  	_ =	shalt  }
0x4e: {  	_ =	shalt  }
0x4f: {  	_ =	shalt  }
0x50: {  	_ =	shalt  }
0x51: {  	_ =	shalt  }
0x52: {  	_ =	shalt  }
0x53: {  	_ =	shalt  }
0x54: {  	_ =	shalt  }
0x55: {  	_ =	shalt  }
0x56: {  	_ =	shalt  }
0x57: {  	_ =	shalt  }
0x58: {  	_ =	shalt  }
0x59: {  	_ =	shalt  }
0x5a: {  	_ =	shalt  }
0x5b: {  	_ =	shalt  }
0x5c: {  	_ =	shalt  }
0x5d: {  	_ =	shalt  }
0x5e: {  	_ =	shalt  }
0x5f: {  	_ =	shalt  }
0x60: {  	_ =	shalt  }
0x61: {  	_ =	shalt  }
0x62: {  	_ =	shalt  }
0x63: {  	_ =	shalt  }
0x64: {  	_ =	shalt  }
0x65: {  	_ =	shalt  }
0x66: {  	_ =	shalt  }
0x67: {  	_ =	shalt  }
0x68: {  	_ =	shalt  }
0x69: {  	_ =	shalt  }
0x6a: {  	_ =	shalt  }
0x6b: {  	_ =	shalt  }
0x6c: {  	_ =	shalt  }
0x6d: {  	_ =	shalt  }
0x6e: {  	_ =	shalt  }
0x6f: {  	_ =	shalt  }
0x70: {  	_ =	shalt  }
0x71: {  	_ =	shalt  }
0x72: {  	_ =	shalt  }
0x73: {  	_ =	shalt  }
0x74: {  	_ =	shalt  }
0x75: {  	_ =	shalt  }
0x76: {  	_ =	shalt  }
0x77: {  	_ =	shalt  }
0x78: {  	_ =	shalt  }
0x79: {  	_ =	shalt  }
0x7a: {  	_ =	shalt  }
0x7b: {  	_ =	shalt  }
0x7c: {  	_ =	shalt  }
0x7d: {  	_ =	shalt  }
0x7e: {  	_ =	shalt  }
0x7f: {  	_ =	shalt  }
0x80: {  	_ =	shalt  }
0x81: {  	_ =	shalt  }
0x82: {  	_ =	shalt  }
0x83: {  	_ =	shalt  }
0x84: {  	_ =	shalt  }
0x85: {  	_ =	shalt  }
0x86: {  	_ =	shalt  }
0x87: {  	_ =	shalt  }
.Lfunc_end0:
.L_simem_size_0:
called_computation.4_lowered:
.L_overlay_start_0:
0x88: {  	s2 =	sld [smem:$0x3FD9]  }
0x89: {  	s3 =	sld [smem:$0x3FFE];
	_ =	sdelay $0x1  }
0x8a: {  	s1 =	srdreg.scid  }
0x8b: {  	s0 =	sand.u32 $0x1, s1  }
0x8c: {  	s16 =	sshll.u32 s0, $0xA;
	s2 =	sadd.s32 s3, s2  }
0x8d: {  	s2 =	sadd.s32 s2, s16  }
0x8e: {  	[smem:$0x3FB0] =	sst s2  }
0x8f: {  	_ = 	snop  }
0x90: {  	(tm) =	ssettm $0x1  }
0x91: {  	s17 =	sld [smem:$0x3FFB];
	_ =	sdelay $0x3  }
0x92: {  	_ =	strace s17  }
0x93: {  	s2 =	sld [smem:$0x3FFC];
	_ =	sdelay $0x3  }
0x94: {  	_ =	strace s2  }
0x95: {  	s2 =	sld [smem:$0x3FFD];
	_ =	sdelay $0x3  }
0x96: {  	_ =	strace s2  }
0x97: {  	_ =	strace $0x8FFFFFFF  }
0x98: {  	s18 =	sld [smem:$0x3FDB];
	_ =	sdelay $0x1  }
0x99: {  	s19 =	simm.s32 $_scs_section_size  }
0x9a: {  	s4 =	simm.s32 $_size__tile_overlayer_lowered;
	s5 =	simm.s32 $_tile_overlayer_lowered  }
0x9b: {  	s22 =	simm.s32 $0x1BFF;
	s21 =	sshll.u32 s5, $0x1;
	s2 =	sadd.s32 s19, s18  }
0x9c: {  	s6 =	simm.s32 $0x0;
	s20 =	sshll.u32 s4, $0x1;
	s4 =	sadd.s32 s21, s2  }
0x9d: {  	[timem:s6], [sflag:s22] =	dma.local [hbm:s4], s20  }
0x9e: {  	_ =	swait.ge [sflag:s22], s20  }
0x9f: {  	s3 =	ssub.s32 $0x0, s20;
	[sflag:s22] =	ssyncset.done $0x0  }
0xa0: {  	[sflag:s22] =	ssyncadd.s32 s3;
	_ =	sdelay $0x1  }
0xa1: {  	s23 =	simm.s32 $0x1B8B  }
0xa2: {  	_ =	swait.ge [sflag:s23], $0x1  }
0xa3: {  	[sflag:s23] =	ssyncset.done $0x0  }
0xa4: {  	s25 =	simm.s32 $0x1B8E;
	s24 =	sld [smem:$0x3FFE];
	[sflag:s23] =	ssyncadd.s32 $0xFFFFFFFF  }
0xa5: {  	s26 =	simm.s32 $execute0_lowered;
	[smem:$0x3FD2] =	sst s25  }
0xa6: {  	s4 =	sshll.u32 s26, $0x1;
	_ =	strace $0x80000052;
	[dreg:$0x1] =	wrdreg $0xFFFFFFFF  }
0xa7: {  	s28 =	simm.s32 $_size_execute0_lowered;
	s2 =	sadd.s32 s2, s4;
	[dreg:$0x0] =	wrdreg $0x0  }
0xa8: {  	s4 =	sshll.u32 s28, $0x1;
	[dreg:$0x2] =	wrdreg s2  }
0xa9: {  	[dreg:$0x3] =	wrdreg s4  }
0xaa: {  	[dreg:$0x4] =	wrdreg $0xC0  }
0xab: {  	_ =	task [dreg:s6], $0x5FFFF  }
0xac: {  	[dreg:$0x1] =	wrdreg $0xFFFFFFFF  }
0xad: {  	[dreg:$0x0] =	wrdreg $0x60  }
0xae: {  	[dreg:$0x2] =	wrdreg s24  }
0xaf: {  	[dreg:$0x3] =	wrdreg $0xD0400  }
0xb0: {  	[dreg:$0x4] =	wrdreg $0x9  }
0xb1: {  	_ =	task.clear_ibuf [dreg:s6], $0x5FFFF;
	_ =	strace $0x90000052  }
0xb2: {  	s29 =	simm.s32 $0x9;
	_ =	strace $0x80000054  }
0xb3: {  	_ =	swait.ge [sflag:s29], $0x1  }
0xb4: {  	[sflag:s29] =	ssyncadd.s32 $0xFFFFFFFF  }
0xb5: {  	_ =	strace $0x90000054  }
0xb6: {  	_ =	sfence  }
0xb7: {  	s30 =	sld [smem:$0x0];
	_ =	sdelay $0x2  }
0xb8: {  	s31 =	sshll.u32 s1, $0xD;
	s1 =	sshrl.u32 s1, $0x2  }
0xb9: {  	s3 =	sand.u32 $0x4000, s31;
	s1 =	sadd.s32 s1, s30  }
0xba: {  	s0 =	sor.u32 s3, s0;
	s1 =	sshll.u32 s1, $0x11  }
0xbb: {  	s0 =	sor.u32 s1, s0  }
0xbc: {  	s0 =	sadd.s32 $0x8F2B, s0  }
0xbd: {  	[sflag:s0] =	ssyncadd.remote.s32 $0x1  }
0xbe: {  	_ =	sfence.sel $0xFFFF  }
0xbf: {  	[dreg:$0x0] =	wrdreg $0xFFFFFFFF;
	(pc) =	sbr.abs _section_cstart, $3  }
0xc0: {  	[dreg:$0x1] =	wrdreg $0xFFFFFFFF  }
0xc1: {  	_ =	task.clear_ibuf [dreg:s6], $0x2FFFF;
	_ =	strace $0x9FFFFFFF  }
0xc2: {  	(tm) =	ssettm $0x7FFFFFFF  }
0xc3: {  	_ =	shalt  }
tec
execute0_lowered:
.L_overlay_start_1:
0x0: {  	(tag) =	ssettag $0x1  }
0x1: {  	s5 =	rddreg [dreg:$0x0]  }
0x2: {  	s2 =	rddreg [dreg:$0x1]  }
0x3: {  	s0 =	rddreg [dreg:$0x2]  }
0x4: {  	s3 =	simm.s32 $0x0;
	s1 =	stileid.u32;
	s7 =	srdreg.scid  }
0x5: {  	s17 =	simm.s32 $0x50;
	s18 =	simm.s32 $0x9C40;
	s19 =	simm.s32 $0x1  }
0x6: {  	s22 =	simm.s32 $0x0;
	[smem:$0x7FF] =	sst s3;
	s6 =	smul.u32 $0x9C4, s1  }
0x7: {  	s4 =	sadd.s32 $0x43000, s5;
	s13 =	sadd.s32 $0x56A00, s5;
	s8 =	sand.u32 $0x1, s7  }
0x8: {  	s9 =	smul.u32 $0x28000, s1;
	s14 =	sadd.s32 $0x7E400, s5;
	s15 =	sadd.s32 $0x6A400, s5  }
0x9: {  	s31 =	smul.u32 $0xA000, s1;
	s20 =	sshll.u32 s1, $0x6;
	_ =	strace $0x80000053  }
0xa: {  	s7 =	ssub.s32 $0x2, s8;
	p0 =	seq.s32 s8, $0x1;
	s20 =	sor.u32 $0x1C02, s20  }
0xb: {  	s6 =	sadd.s32 s6, s5;
	s29 =	sshrl.u32 s7, $0x1;
	s30 =	sshrl.u32 s9, $0x2  }
0xc: {  	s16 =	sshrl.u32 s31, $0x3;
	s21 =	sadd.s32 s31, s2;
	s14 =	smov.u32 @p0 s15  }
0xd: {  	s4 =	smov.u32 @p0 s13;
	s15 =	simm.s32 $0x4E20;
	s10 =	ssub.s32 s7, s29  }
0xe: {  	s5 =	sadd.s32 $0x12000, s6;
	s6 =	sadd.s32 $0x8200, s6;
	s7 =	sadd.s32 s30, s2  }
0xf: {  	s13 =	sadd.s32 s14, s16;
	s14 =	simm.s32 $0x2;
	s16 =	simm.s32 $0xB040  }
0x10: {  	s21 =	sshrl.u32 s21, $0x3;
	s8 =	smax.u32 s10, $0x1;
	s9 =	sadd.s32 $0x2000, s7  }
0x11: {  	v0 =	vimm.f32 $0.0e+00;
	s10 =	sadd.s32 $0x4000, s7;
	s11 =	sadd.s32 $0x6000, s7;
	s12 =	sadd.s32 $0x8000, s7  }
.LBB2_1:
0x12: {  	[tilespmem:s3], [sflag:$0x2] =	stream.linear.gather [hbm4b:s5+s3], $0x4E20, $0x38;
	[tilespmem:$0x17040] =	vst v63  }
0x13: {  	_ =	swait.ge [sflag:s14], $0x4E20  }
0x14: {  	[sflag:s14] =	ssyncset.done $0x0  }
0x15: {  	[sflag:s14] =	ssyncadd.s32 $0xFFFFB1E0  }
0x16: {  	[tilespmem:s15], [sflag:$0x2] =	stream.linear.gather [hbm4b:s6+s3], $0x4E20, $0x38;
	[tilespmem:$0x17040] =	vst v63  }
0x17: {  	_ =	swait.ge [sflag:s14], $0x4E20  }
0x18: {  	[sflag:s14] =	ssyncset.done $0x0  }
0x19: {  	s24 =	simm.s32 $0x100;
	s23 =	simm.s32 $0x0;
	[sflag:s14] =	ssyncadd.s32 $0xFFFFB1E0  }
.LBB2_2:
0x1a: {  	p0 =	sne.s32 s24, $0x7F00;
	[tilespmem:s23+$0xB070] =	vst v0;
	s25 =	smov.u32 s24;
	s24 =	sadd.s32 $0x100, s24  }
.Ltmp0:
0x1b: {  	[tilespmem:s23+$0xB060] =	vst v0;
	(pc) =	sbr.rel @p0 .LBB2_2-.Ltmp0, $3  }
0x1c: {  	[tilespmem:s23+$0xB040] =	vst v0  }
0x1d: {  	[tilespmem:s23+$0xB050] =	vst v0;
	_ =	sdelay $0x1  }
0x1e: {  	s23 =	sshra.s32 s25, $0x2  }
0x1f: {  	[tilespmem:s23+$0xB070] =	vst v0  }
0x20: {  	[tilespmem:s23+$0xB060] =	vst v0  }
0x21: {  	[tilespmem:s23+$0xB040] =	vst v0  }
0x22: {  	[tilespmem:s23+$0xB050] =	vst v0  }
0x23: {  	[spmem:s7] =	stream.linear.scatter [tilespmem:s16], [sflag:$0x2], $0x2000, $0x38;
	[tilespmem:$0x17040] =	vst v63  }
0x24: {  	_ =	swait.ge [sflag:s14], $0x2000  }
0x25: {  	[sflag:s14] =	ssyncset.done $0x0  }
0x26: {  	[sflag:s14] =	ssyncadd.s32 $0xFFFFE000  }
0x27: {  	[spmem:s9] =	stream.linear.scatter [tilespmem:s16], [sflag:$0x2], $0x2000, $0x38;
	[tilespmem:$0x17040] =	vst v63  }
0x28: {  	_ =	swait.ge [sflag:s14], $0x2000  }
0x29: {  	[sflag:s14] =	ssyncset.done $0x0  }
0x2a: {  	[sflag:s14] =	ssyncadd.s32 $0xFFFFE000  }
0x2b: {  	[spmem:s10] =	stream.linear.scatter [tilespmem:s16], [sflag:$0x2], $0x2000, $0x38;
	[tilespmem:$0x17040] =	vst v63  }
0x2c: {  	_ =	swait.ge [sflag:s14], $0x2000  }
0x2d: {  	[sflag:s14] =	ssyncset.done $0x0  }
0x2e: {  	[sflag:s14] =	ssyncadd.s32 $0xFFFFE000  }
0x2f: {  	[spmem:s11] =	stream.linear.scatter [tilespmem:s16], [sflag:$0x2], $0x2000, $0x38;
	[tilespmem:$0x17040] =	vst v63  }
0x30: {  	_ =	swait.ge [sflag:s14], $0x2000  }
0x31: {  	[sflag:s14] =	ssyncset.done $0x0  }
0x32: {  	[sflag:s14] =	ssyncadd.s32 $0xFFFFE000  }
0x33: {  	[spmem:s12] =	stream.linear.scatter [tilespmem:s16], [sflag:$0x2], $0x2000, $0x38;
	[tilespmem:$0x17040] =	vst v63  }
0x34: {  	_ =	swait.ge [sflag:s14], $0x2000  }
0x35: {  	[sflag:s14] =	ssyncset.done $0x0  }
0x36: {  	[sflag:s14] =	ssyncadd.s32 $0xFFFFE000  }
0x37: {  	s30 =	simm.s32 $0x0;
	[bflag:$0x0] =	sbarrier.arrive $0xFFFF  }
0x38: {  	[tilespmem:s18], [sflag:$0x1] =	stream.indirect.gather [hbm4b:s4+s17], $0x40, s30, s17, $0xb8;
	[tilespmem:$0x17040] =	vst v63  }
0x39: {  	_ =	swait.ge [sflag:s19], $0x1400  }
0x3a: {  	[sflag:s19] =	ssyncset.done $0x0  }
0x3b: {  	s31 =	simm.s32 $0x4E20;
	[sflag:s19] =	ssyncadd.s32 $0xFFFFEC00  }
0x3c: {  	[spmem:s2] =	stream.indirect.scatter.add.f32 [tilespmem:s18], [sflag:$0x2], $0x40, s31, s17, $0xb8;
	[tilespmem:$0x17040] =	vst v63  }
0x3d: {  	_ =	swait.ge [sflag:s14], $0x1400  }
0x3e: {  	s23 =	simm.s32 $0x140;
	s24 =	simm.s32 $0x280;
	[sflag:s14] =	ssyncset.done $0x0  }
.LBB2_4:
0x3f: {  	s25 =	sshra.s32 s23, $0x2  }
0x40: {  	[sflag:s14] =	ssyncadd.s32 $0xFFFFEC00;
	s23 =	smov.u32 s24;
	s26 =	sadd.s32 $0x140, s24  }
0x41: {  	[tilespmem:s18], [sflag:$0x1] =	stream.indirect.gather [hbm4b:s4+s17], $0x40, s25, s17, $0xb8;
	[tilespmem:$0x17040] =	vst v63  }
0x42: {  	p0 =	sne.s32 s24, $0x13740;
	_ =	swait.ge [sflag:s19], $0x1400  }
.Ltmp1:
0x43: {  	[sflag:s19] =	ssyncset.done $0x0;
	(pc) =	sbr.rel @p0 .LBB2_4-.Ltmp1, $4  }
0x44: {  	s24 =	sadd.s32 $0x4E20, s25;
	[sflag:s19] =	ssyncadd.s32 $0xFFFFEC00  }
0x45: {  	[spmem:s2] =	stream.indirect.scatter.add.f32 [tilespmem:s18], [sflag:$0x2], $0x40, s24, s17, $0xb8;
	[tilespmem:$0x17040] =	vst v63  }
0x46: {  	_ =	swait.ge [sflag:s14], $0x1400  }
0x47: {  	s24 =	smov.u32 s26;
	[sflag:s14] =	ssyncset.done $0x0  }
0x48: {  	s23 =	sshra.s32 s23, $0x2;
	[sflag:s14] =	ssyncadd.s32 $0xFFFFEC00  }
0x49: {  	[tilespmem:s18], [sflag:$0x1] =	stream.indirect.gather [hbm4b:s4+s17], $0x40, s23, s17, $0xb8;
	[tilespmem:$0x17040] =	vst v63  }
0x4a: {  	_ =	swait.ge [sflag:s19], $0x1400  }
0x4b: {  	[sflag:s19] =	ssyncset.done $0x0  }
0x4c: {  	s23 =	sadd.s32 $0x4E20, s23;
	[sflag:s19] =	ssyncadd.s32 $0xFFFFEC00  }
0x4d: {  	[spmem:s2] =	stream.indirect.scatter.add.f32 [tilespmem:s18], [sflag:$0x2], $0x40, s23, s17, $0xb8;
	[tilespmem:$0x17040] =	vst v63  }
0x4e: {  	_ =	swait.ge [sflag:s14], $0x1400  }
0x4f: {  	s22 =	sadd.s32 $0x1, s22;
	[sflag:s14] =	ssyncset.done $0x0  }
0x50: {  	p0 =	sne.s32 s22, s8;
	[sflag:s14] =	ssyncadd.s32 $0xFFFFEC00  }
.Ltmp2:
0x51: {  	[bflag:$0x0] =	sbarrier.arrive $0xFFFF;
	(pc) =	sbr.rel @p0 .LBB2_1-.Ltmp2, $4  }
0x52: {  	[hbm:s13], [sflag:s20] =	dma.local [spmem:s21], $0x1400  }
0x53: {  	_ =	swait.ge [sflag:s14], $0x1400  }
0x54: {  	[sflag:s14] =	ssyncset.done $0x0  }
0x55: {  	[sflag:s14] =	ssyncadd.s32 $0xFFFFEC00  }
0x56: {  	_ =	sfence.sel $0x180000  }
0x57: {  	[bflag:$0x0] =	sbarrier.arrive $0xFFFF  }
0x58: {  	p0 =	sne.s32 s1, $0x0;
	_ =	strace $0x90000053  }
0x59: {  	s0 =	sadd.s32 @!p0 $0x100000, s0;
	[bflag:$0x2] =	sbarrier.arrive $0xFFFF  }
0x5a: {  	[sflag:s0] =	ssyncadd.tile.s32 @!p0 $0x1;
	_ =	shalt  }
.Lfunc_end2:
_tile_overlayer_lowered:
.L_overlay_start_2:
0x5b: {  	(tag) =	ssettag $0x2  }
0x5c: {  	s0 =	rddreg [dreg:$0x0];
	s2 =	stileid.u32  }
0x5d: {  	s1 =	rddreg [dreg:$0x1];
	p0 =	sne.s32 s2, $0x0  }
0x5e: {  	s3 =	rddreg [dreg:$0x2];
	[bflag:$0x3] =	sbarrier.arrive $0xFFFF;
	s2 =	simm.s32 @!p0 $0x1C02  }
0x5f: {  	[timem:s3], [sflag:s2] =	dma.local @!p0 [hbm:s0], s1  }
0x60: {  	s0 =	simm.s32 @!p0 $0x2  }
0x61: {  	_ =	swait.ge @!p0 [sflag:s0], s1  }
0x62: {  	s1 =	ssub.s32 @!p0 $0x0, s1;
	[sflag:s0] =	ssyncset.done @!p0 $0x0  }
0x63: {  	[sflag:s0] =	ssyncadd.s32 @!p0 s1  }
0x64: {  	[bflag:$0x3] =	sbarrier.arrive $0xFFFF  }
0x65: {  	_ =	shalt  }

// kernel: kernel.30.cloned.1.call-start
scs
__scs_entry_jumppad:
0x0: {  	(pc) =	sbr.rel $0x88, $3  }
0x1: {  	(tag) =	ssettag $0x0;
	lr =	simm.s32 $0x1  }
0x2: {  	[smem:$0x3F89] =	sst lr;
	_ =	strace $0xD0000000  }
0x3: {  	_ = 	snop  }
0x4: {  	_ = 	snop  }
0x5: {  	_ = 	snop  }
0x6: {  	_ = 	snop  }
0x7: {  	_ = 	snop  }
__scs_overlays_trampoline_lowered:
0x8: {  	[smem:$0x3F98] =	sst s0  }
0x9: {  	[smem:$0x3F99] =	sst s1  }
0xa: {  	[smem:$0x3F9A] =	sst s2  }
0xb: {  	[smem:$0x3F9B] =	sst s3  }
0xc: {  	[smem:$0x3F9C] =	sst s4  }
0xd: {  	[smem:$0x3F9D] =	sst s5  }
0xe: {  	[smem:$0x3F9E] =	sst s6  }
0xf: {  	[smem:$0x3F9F] =	sst s7  }
0x10: {  	[smem:$0x3FA0] =	sst s8  }
0x11: {  	[smem:$0x3FA1] =	sst s9;
	s0 =	simm.s32 @!p0 $0x0  }
0x12: {  	s1 =	sld [smem:$0x3F87];
	s0 =	simm.s32 @p0 $0x1  }
0x13: {  	[smem:$0x3FA2] =	sst s0;
	s0 =	simm.s32 @!p1 $0x0  }
0x14: {  	s2 =	sld [smem:$0x3F86];
	s0 =	simm.s32 @p1 $0x1  }
0x15: {  	[smem:$0x3FA3] =	sst s0;
	s0 =	simm.s32 @!p2 $0x0  }
0x16: {  	s3 =	sld [smem:$0x3FDB];
	s0 =	simm.s32 @p2 $0x1  }
0x17: {  	s4 =	simm.s32 $0x1BF5;
	[smem:$0x3FA5] =	sst s0  }
0x18: {  	s0 =	sld [smem:$0x3F88];
	_ =	swait.ge [sflag:s4], $0x0  }
0x19: {  	s7 =	sld [smem:$0x3F89]  }
0x1a: {  	s8 =	sadd.s32 $0xFFFFE003, lr  }
0x1b: {  	s9 =	sadd.s32 $0xFFFFFEF7, lr;
	s5 =	simm.s32 $0xFFFFFFFF;
	p2 =	slt.u32 s8, $0xFFFFF086  }
0x1c: {  	p1 =	slt.u32 s9, $0xF7A;
	s5 =	simm.s32 @!p2 $0x0  }
0x1d: {  	s5 =	simm.s32 @p1 $0x1;
	p0 =	seq.s32 s7, s2  }
0x1e: {  	s7 =	smul.u32 @!p0 $0xF7A, s2;
	p2 =	seq.s32 @!p0 s5, $0x0  }
0x1f: {  	s9 =	smul.u32 $0xF7A, s1;
	s8 =	simm.s32 @!p0 $0x1BF5;
	p2 =	por !p2, p0  }
0x20: {  	[sflag:s8] =	ssyncset.s32 @!p0 $0xFFFFF086;
	s6 =	sadd.s32 @!p0 s3, s7;
	s7 =	simm.s32 @!p0 $0x108  }
0x21: {  	s3 =	sadd.s32 s3, s9;
	s6 =	sadd.s32 @!p0 $0x88, s6;
	s7 =	simm.s32 @p2 $0x1082  }
0x22: {  	[simem:s7], [sflag:s8] =	dma.local @!p0 [hbm:s6], $0xF7A  }
0x23: {  	s9 =	sor.u32 $0xD0000000, s2;
	s6 =	simm.s32 $0x108;
	_ =	swait.ge @!p0 [sflag:s8], $0x0  }
0x24: {  	s3 =	sadd.s32 $0x88, s3;
	s6 =	simm.s32 @!p1 $0x1082;
	[sflag:s4] =	ssyncset.s32 $0xFFFFF086  }
0x25: {  	[simem:s6], [sflag:s4] =	dma.local [hbm:s3], $0xF7A  }
0x26: {  	[smem:$0x3F89] =	sst s1;
	(tag) =	ssettag s2;
	_ =	strace s9  }
0x27: {  	s1 =	sld [smem:$0x3F99]  }
0x28: {  	s2 =	sld [smem:$0x3F9A]  }
0x29: {  	s4 =	sld [smem:$0x3F9C]  }
0x2a: {  	p0 =	seq.s32 s5, $0x0;
	s5 =	sld [smem:$0x3F9D]  }
0x2b: {  	s6 =	sld [smem:$0x3F9E]  }
0x2c: {  	s7 =	sld [smem:$0x3F9F]  }
0x2d: {  	s3 =	simm.s32 $0x108;
	s8 =	sld [smem:$0x3FA0]  }
0x2e: {  	s3 =	simm.s32 @!p0 $0x1082;
	s9 =	sld [smem:$0x3FA1]  }
0x2f: {  	lr =	sadd.s32 s0, s3;
	s0 =	sld [smem:$0x3F98]  }
0x30: {  	s3 =	sld [smem:$0x3F9B]  }
0x31: {  	[smem:$0x3FA4] =	sst s10  }
0x32: {  	s10 =	sld [smem:$0x3FA2];
	_ =	sdelay $0x3  }
0x33: {  	p0 =	seq.s32 s10, $0x1;
	s10 =	sld [smem:$0x3FA4];
	_ =	sdelay $0x3  }
0x34: {  	[smem:$0x3FA4] =	sst s10  }
0x35: {  	s10 =	sld [smem:$0x3FA3];
	_ =	sdelay $0x3  }
0x36: {  	p1 =	seq.s32 s10, $0x1;
	s10 =	sld [smem:$0x3FA4];
	_ =	sdelay $0x3  }
0x37: {  	[smem:$0x3FA4] =	sst s10  }
0x38: {  	s10 =	sld [smem:$0x3FA5]  }
0x39: {  	_ = 	snop;
	(pc) =	sbr.ind lr, $3  }
0x3a: {  	_ = 	snop  }
0x3b: {  	_ = 	snop  }
0x3c: {  	p2 =	seq.s32 s10, $0x1;
	s10 =	sld [smem:$0x3FA4]  }
0x3d: {  	_ =	shalt  }
0x3e: {  	_ =	shalt  }
0x3f: {  	_ =	shalt  }
0x40: {  	_ =	shalt  }
0x41: {  	_ =	shalt  }
0x42: {  	_ =	shalt  }
0x43: {  	_ =	shalt  }
0x44: {  	_ =	shalt  }
0x45: {  	_ =	shalt  }
0x46: {  	_ =	shalt  }
0x47: {  	_ =	shalt  }
0x48: {  	_ =	shalt  }
0x49: {  	_ =	shalt  }
0x4a: {  	_ =	shalt  }
0x4b: {  	_ =	shalt  }
0x4c: {  	_ =	shalt  }
0x4d: {  	_ =	shalt  }
0x4e: {  	_ =	shalt  }
0x4f: {  	_ =	shalt  }
0x50: {  	_ =	shalt  }
0x51: {  	_ =	shalt  }
0x52: {  	_ =	shalt  }
0x53: {  	_ =	shalt  }
0x54: {  	_ =	shalt  }
0x55: {  	_ =	shalt  }
0x56: {  	_ =	shalt  }
0x57: {  	_ =	shalt  }
0x58: {  	_ =	shalt  }
0x59: {  	_ =	shalt  }
0x5a: {  	_ =	shalt  }
0x5b: {  	_ =	shalt  }
0x5c: {  	_ =	shalt  }
0x5d: {  	_ =	shalt  }
0x5e: {  	_ =	shalt  }
0x5f: {  	_ =	shalt  }
0x60: {  	_ =	shalt  }
0x61: {  	_ =	shalt  }
0x62: {  	_ =	shalt  }
0x63: {  	_ =	shalt  }
0x64: {  	_ =	shalt  }
0x65: {  	_ =	shalt  }
0x66: {  	_ =	shalt  }
0x67: {  	_ =	shalt  }
0x68: {  	_ =	shalt  }
0x69: {  	_ =	shalt  }
0x6a: {  	_ =	shalt  }
0x6b: {  	_ =	shalt  }
0x6c: {  	_ =	shalt  }
0x6d: {  	_ =	shalt  }
0x6e: {  	_ =	shalt  }
0x6f: {  	_ =	shalt  }
0x70: {  	_ =	shalt  }
0x71: {  	_ =	shalt  }
0x72: {  	_ =	shalt  }
0x73: {  	_ =	shalt  }
0x74: {  	_ =	shalt  }
0x75: {  	_ =	shalt  }
0x76: {  	_ =	shalt  }
0x77: {  	_ =	shalt  }
0x78: {  	_ =	shalt  }
0x79: {  	_ =	shalt  }
0x7a: {  	_ =	shalt  }
0x7b: {  	_ =	shalt  }
0x7c: {  	_ =	shalt  }
0x7d: {  	_ =	shalt  }
0x7e: {  	_ =	shalt  }
0x7f: {  	_ =	shalt  }
0x80: {  	_ =	shalt  }
0x81: {  	_ =	shalt  }
0x82: {  	_ =	shalt  }
0x83: {  	_ =	shalt  }
0x84: {  	_ =	shalt  }
0x85: {  	_ =	shalt  }
0x86: {  	_ =	shalt  }
0x87: {  	_ =	shalt  }
.Lfunc_end0:
.L_simem_size_0:
called_computation.5_lowered:
.L_overlay_start_0:
0x88: {  	s2 =	sld [smem:$0x3FD9]  }
0x89: {  	s3 =	sld [smem:$0x3FFE];
	_ =	sdelay $0x1  }
0x8a: {  	s1 =	srdreg.scid  }
0x8b: {  	s0 =	sand.u32 $0x1, s1  }
0x8c: {  	s16 =	sshll.u32 s0, $0xA;
	s2 =	sadd.s32 s3, s2  }
0x8d: {  	s2 =	sadd.s32 s2, s16  }
0x8e: {  	[smem:$0x3FB0] =	sst s2  }
0x8f: {  	_ = 	snop  }
0x90: {  	(tm) =	ssettm $0x1  }
0x91: {  	s17 =	sld [smem:$0x3FFB];
	_ =	sdelay $0x3  }
0x92: {  	_ =	strace s17  }
0x93: {  	s2 =	sld [smem:$0x3FFC];
	_ =	sdelay $0x3  }
0x94: {  	_ =	strace s2  }
0x95: {  	s2 =	sld [smem:$0x3FFD];
	_ =	sdelay $0x3  }
0x96: {  	_ =	strace s2  }
0x97: {  	_ =	strace $0x8FFFFFFF  }
0x98: {  	s18 =	sld [smem:$0x3FDB];
	_ =	sdelay $0x1  }
0x99: {  	s19 =	simm.s32 $_scs_section_size  }
0x9a: {  	s4 =	simm.s32 $_size__tile_overlayer_lowered;
	s5 =	simm.s32 $_tile_overlayer_lowered  }
0x9b: {  	s22 =	simm.s32 $0x1BFF;
	s21 =	sshll.u32 s5, $0x1;
	s2 =	sadd.s32 s19, s18  }
0x9c: {  	s6 =	simm.s32 $0x0;
	s20 =	sshll.u32 s4, $0x1;
	s4 =	sadd.s32 s21, s2  }
0x9d: {  	[timem:s6], [sflag:s22] =	dma.local [hbm:s4], s20  }
0x9e: {  	_ =	swait.ge [sflag:s22], s20  }
0x9f: {  	s3 =	ssub.s32 $0x0, s20;
	[sflag:s22] =	ssyncset.done $0x0  }
0xa0: {  	[sflag:s22] =	ssyncadd.s32 s3;
	_ =	sdelay $0x1  }
0xa1: {  	s23 =	simm.s32 $0x1B8B  }
0xa2: {  	_ =	swait.ge [sflag:s23], $0x1  }
0xa3: {  	[sflag:s23] =	ssyncset.done $0x0  }
0xa4: {  	s25 =	simm.s32 $0x1B8E;
	s24 =	sld [smem:$0x3FFE];
	[sflag:s23] =	ssyncadd.s32 $0xFFFFFFFF  }
0xa5: {  	s26 =	simm.s32 $execute0_lowered;
	[smem:$0x3FD2] =	sst s25  }
0xa6: {  	s4 =	sshll.u32 s26, $0x1;
	_ =	strace $0x80000055;
	[dreg:$0x1] =	wrdreg $0xFFFFFFFF  }
0xa7: {  	s28 =	simm.s32 $_size_execute0_lowered;
	s2 =	sadd.s32 s2, s4;
	[dreg:$0x0] =	wrdreg $0x0  }
0xa8: {  	s4 =	sshll.u32 s28, $0x1;
	[dreg:$0x2] =	wrdreg s2  }
0xa9: {  	[dreg:$0x3] =	wrdreg s4  }
0xaa: {  	[dreg:$0x4] =	wrdreg $0xC0  }
0xab: {  	_ =	task [dreg:s6], $0x5FFFF  }
0xac: {  	[dreg:$0x1] =	wrdreg $0xFFFFFFFF  }
0xad: {  	[dreg:$0x0] =	wrdreg $0x60  }
0xae: {  	[dreg:$0x2] =	wrdreg s24  }
0xaf: {  	[dreg:$0x3] =	wrdreg $0x5B200  }
0xb0: {  	[dreg:$0x4] =	wrdreg $0x9  }
0xb1: {  	_ =	task.clear_ibuf [dreg:s6], $0x5FFFF;
	_ =	strace $0x90000055  }
0xb2: {  	s29 =	simm.s32 $0x9;
	_ =	strace $0x80000057  }
0xb3: {  	_ =	swait.ge [sflag:s29], $0x1  }
0xb4: {  	[sflag:s29] =	ssyncadd.s32 $0xFFFFFFFF  }
0xb5: {  	_ =	strace $0x90000057  }
0xb6: {  	_ =	sfence  }
0xb7: {  	s30 =	sld [smem:$0x0];
	_ =	sdelay $0x2  }
0xb8: {  	s31 =	sshll.u32 s1, $0xD;
	s1 =	sshrl.u32 s1, $0x2  }
0xb9: {  	s3 =	sand.u32 $0x4000, s31;
	s1 =	sadd.s32 s1, s30  }
0xba: {  	s0 =	sor.u32 s3, s0;
	s1 =	sshll.u32 s1, $0x11  }
0xbb: {  	s0 =	sor.u32 s1, s0  }
0xbc: {  	s0 =	sadd.s32 $0x8F2B, s0  }
0xbd: {  	[sflag:s0] =	ssyncadd.remote.s32 $0x1  }
0xbe: {  	_ =	sfence.sel $0xFFFF  }
0xbf: {  	[dreg:$0x0] =	wrdreg $0xFFFFFFFF;
	(pc) =	sbr.abs _section_cstart, $3  }
0xc0: {  	[dreg:$0x1] =	wrdreg $0xFFFFFFFF  }
0xc1: {  	_ =	task.clear_ibuf [dreg:s6], $0x2FFFF;
	_ =	strace $0x9FFFFFFF  }
0xc2: {  	(tm) =	ssettm $0x7FFFFFFF  }
0xc3: {  	_ =	shalt  }
tec
execute0_lowered:
.L_overlay_start_1:
0x0: {  	(tag) =	ssettag $0x1  }
0x1: {  	s12 =	rddreg [dreg:$0x0]  }
0x2: {  	s1 =	srdreg.scid;
	s0 =	stileid.u32  }
0x3: {  	s2 =	rddreg [dreg:$0x1];
	s3 =	simm.s32 $0x0;
	s14 =	simm.s32 $0x20E00  }
0x4: {  	s15 =	simm.s32 $0x2710;
	s16 =	simm.s32 $0x5320;
	s17 =	simm.s32 $0x50  }
0x5: {  	s18 =	simm.s32 $0x4E20;
	s19 =	simm.s32 $0x1;
	s22 =	simm.s32 $0x0  }
0x6: {  	s8 =	sand.u32 $0x1, s1;
	s1 =	rddreg [dreg:$0x2];
	s9 =	smul.u32 $0xA000, s0  }
0x7: {  	s4 =	sshll.u32 s0, $0x1;
	[smem:$0x7FF] =	sst s3;
	s31 =	smul.u32 $0x2800, s0  }
0x8: {  	s20 =	sshll.u32 s0, $0x6;
	s4 =	sor.u32 s8, s4;
	s6 =	ssub.s32 $0x2, s8  }
0x9: {  	_ =	strace $0x80000056;
	p0 =	seq.s32 s8, $0x1;
	s20 =	sor.u32 $0x1C02, s20  }
0xa: {  	s5 =	smul.u32 $0x4E2, s4;
	s7 =	sshrl.u32 s6, $0x1;
	s4 =	sadd.s32 $0x1BE00, s12  }
0xb: {  	s30 =	sshrl.u32 s9, $0x2;
	s13 =	sshrl.u32 s31, $0x3;
	s21 =	sadd.s32 s31, s2  }
0xc: {  	s14 =	simm.s32 @!p0 $0x25E00;
	s11 =	ssub.s32 s6, s7;
	s7 =	sadd.s32 s30, s2  }
0xd: {  	s14 =	sadd.s32 s14, s12;
	s21 =	sshrl.u32 s21, $0x3;
	s10 =	sadd.s32 s5, s12  }
0xe: {  	s8 =	smax.u32 s11, $0x1;
	s9 =	sadd.s32 $0x800, s7;
	s11 =	sadd.s32 $0x1800, s7  }
0xf: {  	s12 =	sadd.s32 $0x2000, s7;
	s13 =	sadd.s32 s14, s13;
	s14 =	simm.s32 $0x2  }
0x10: {  	v0 =	vimm.f32 $0.0e+00;
	s5 =	sadd.s32 $0x12000, s10;
	s6 =	sadd.s32 $0x8200, s10;
	s10 =	sadd.s32 $0x1000, s7  }
.LBB2_1:
0x11: {  	[tilespmem:s3], [sflag:$0x2] =	stream.linear.gather [hbm4b:s5+s3], $0x2710, $0x38;
	[tilespmem:$0x8320] =	vst v63  }
0x12: {  	_ =	swait.ge [sflag:s14], $0x2710  }
0x13: {  	[sflag:s14] =	ssyncset.done $0x0  }
0x14: {  	[sflag:s14] =	ssyncadd.s32 $0xFFFFD8F0  }
0x15: {  	[tilespmem:s15], [sflag:$0x2] =	stream.linear.gather [hbm4b:s6+s3], $0x2710, $0x38;
	[tilespmem:$0x8320] =	vst v63  }
0x16: {  	_ =	swait.ge [sflag:s14], $0x2710  }
0x17: {  	[sflag:s14] =	ssyncset.done $0x0  }
0x18: {  	s23 =	simm.s32 $0x40;
	s24 =	simm.s32 $0x0;
	[sflag:s14] =	ssyncadd.s32 $0xFFFFD8F0  }
.LBB2_2:
0x19: {  	p0 =	sne.s32 s23, $0x1FC0;
	[tilespmem:s24+$0x5320] =	vst v0;
	s24 =	smov.u32 s23;
	s23 =	sadd.s32 $0x40, s23  }
.Ltmp0:
0x1a: {  	(pc) =	sbr.rel @p0 .LBB2_2-.Ltmp0, $2  }
0x1b: {  	_ =	sdelay $0x2  }
0x1c: {  	s24 =	sshra.s32 s24, $0x2  }
0x1d: {  	[tilespmem:s24+$0x5320] =	vst v0  }
0x1e: {  	[spmem:s7] =	stream.linear.scatter [tilespmem:s16], [sflag:$0x2], $0x800, $0x38;
	[tilespmem:$0x8320] =	vst v63  }
0x1f: {  	_ =	swait.ge [sflag:s14], $0x800  }
0x20: {  	[sflag:s14] =	ssyncset.done $0x0  }
0x21: {  	[sflag:s14] =	ssyncadd.s32 $0xFFFFF800  }
0x22: {  	[spmem:s9] =	stream.linear.scatter [tilespmem:s16], [sflag:$0x2], $0x800, $0x38;
	[tilespmem:$0x8320] =	vst v63  }
0x23: {  	_ =	swait.ge [sflag:s14], $0x800  }
0x24: {  	[sflag:s14] =	ssyncset.done $0x0  }
0x25: {  	[sflag:s14] =	ssyncadd.s32 $0xFFFFF800  }
0x26: {  	[spmem:s10] =	stream.linear.scatter [tilespmem:s16], [sflag:$0x2], $0x800, $0x38;
	[tilespmem:$0x8320] =	vst v63  }
0x27: {  	_ =	swait.ge [sflag:s14], $0x800  }
0x28: {  	[sflag:s14] =	ssyncset.done $0x0  }
0x29: {  	[sflag:s14] =	ssyncadd.s32 $0xFFFFF800  }
0x2a: {  	[spmem:s11] =	stream.linear.scatter [tilespmem:s16], [sflag:$0x2], $0x800, $0x38;
	[tilespmem:$0x8320] =	vst v63  }
0x2b: {  	_ =	swait.ge [sflag:s14], $0x800  }
0x2c: {  	[sflag:s14] =	ssyncset.done $0x0  }
0x2d: {  	[sflag:s14] =	ssyncadd.s32 $0xFFFFF800  }
0x2e: {  	[spmem:s12] =	stream.linear.scatter [tilespmem:s16], [sflag:$0x2], $0x800, $0x38;
	[tilespmem:$0x8320] =	vst v63  }
0x2f: {  	_ =	swait.ge [sflag:s14], $0x800  }
0x30: {  	[sflag:s14] =	ssyncset.done $0x0  }
0x31: {  	[sflag:s14] =	ssyncadd.s32 $0xFFFFF800  }
0x32: {  	s23 =	simm.s32 $0x0;
	[bflag:$0x0] =	sbarrier.arrive $0xFFFF  }
0x33: {  	[tilespmem:s18], [sflag:$0x1] =	stream.indirect.gather [hbm4b:s4+s17], $0x10, s23, s17, $0xb8;
	[tilespmem:$0x8320] =	vst v63  }
0x34: {  	_ =	swait.ge [sflag:s19], $0x500  }
0x35: {  	[sflag:s19] =	ssyncset.done $0x0  }
0x36: {  	s31 =	simm.s32 $0x2710;
	[sflag:s19] =	ssyncadd.s32 $0xFFFFFB00  }
0x37: {  	[spmem:s2] =	stream.indirect.scatter.add.f32 [tilespmem:s18], [sflag:$0x2], $0x10, s31, s17, $0xb8;
	[tilespmem:$0x8320] =	vst v63  }
0x38: {  	_ =	swait.ge [sflag:s14], $0x500  }
0x39: {  	s24 =	simm.s32 $0x280;
	s23 =	simm.s32 $0x140;
	[sflag:s14] =	ssyncset.done $0x0  }
.LBB2_4:
0x3a: {  	s25 =	sshra.s32 s23, $0x2  }
0x3b: {  	[sflag:s14] =	ssyncadd.s32 $0xFFFFFB00;
	s23 =	smov.u32 s24;
	s26 =	sadd.s32 $0x140, s24  }
0x3c: {  	[tilespmem:s18], [sflag:$0x1] =	stream.indirect.gather [hbm4b:s4+s17], $0x10, s25, s17, $0xb8;
	[tilespmem:$0x8320] =	vst v63  }
0x3d: {  	p0 =	sne.s32 s24, $0x9B00;
	_ =	swait.ge [sflag:s19], $0x500  }
.Ltmp1:
0x3e: {  	[sflag:s19] =	ssyncset.done $0x0;
	(pc) =	sbr.rel @p0 .LBB2_4-.Ltmp1, $4  }
0x3f: {  	s24 =	sadd.s32 $0x2710, s25;
	[sflag:s19] =	ssyncadd.s32 $0xFFFFFB00  }
0x40: {  	[spmem:s2] =	stream.indirect.scatter.add.f32 [tilespmem:s18], [sflag:$0x2], $0x10, s24, s17, $0xb8;
	[tilespmem:$0x8320] =	vst v63  }
0x41: {  	_ =	swait.ge [sflag:s14], $0x500  }
0x42: {  	s24 =	smov.u32 s26;
	[sflag:s14] =	ssyncset.done $0x0  }
0x43: {  	s23 =	sshra.s32 s23, $0x2;
	[sflag:s14] =	ssyncadd.s32 $0xFFFFFB00  }
0x44: {  	[tilespmem:s18], [sflag:$0x1] =	stream.indirect.gather [hbm4b:s4+s17], $0x10, s23, s17, $0xb8;
	[tilespmem:$0x8320] =	vst v63  }
0x45: {  	_ =	swait.ge [sflag:s19], $0x500  }
0x46: {  	[sflag:s19] =	ssyncset.done $0x0  }
0x47: {  	s23 =	sadd.s32 $0x2710, s23;
	[sflag:s19] =	ssyncadd.s32 $0xFFFFFB00  }
0x48: {  	[spmem:s2] =	stream.indirect.scatter.add.f32 [tilespmem:s18], [sflag:$0x2], $0x10, s23, s17, $0xb8;
	[tilespmem:$0x8320] =	vst v63  }
0x49: {  	_ =	swait.ge [sflag:s14], $0x500  }
0x4a: {  	s22 =	sadd.s32 $0x1, s22;
	[sflag:s14] =	ssyncset.done $0x0  }
0x4b: {  	p0 =	sne.s32 s22, s8;
	[sflag:s14] =	ssyncadd.s32 $0xFFFFFB00  }
.Ltmp2:
0x4c: {  	[bflag:$0x0] =	sbarrier.arrive $0xFFFF;
	(pc) =	sbr.rel @p0 .LBB2_1-.Ltmp2, $4  }
0x4d: {  	[hbm:s13], [sflag:s20] =	dma.local [spmem:s21], $0x500  }
0x4e: {  	_ =	swait.ge [sflag:s14], $0x500  }
0x4f: {  	[sflag:s14] =	ssyncset.done $0x0  }
0x50: {  	[sflag:s14] =	ssyncadd.s32 $0xFFFFFB00  }
0x51: {  	_ =	sfence.sel $0x180000  }
0x52: {  	[bflag:$0x0] =	sbarrier.arrive $0xFFFF  }
0x53: {  	p0 =	sne.s32 s0, $0x0;
	_ =	strace $0x90000056  }
0x54: {  	s0 =	sadd.s32 @!p0 $0x100000, s1;
	[bflag:$0x2] =	sbarrier.arrive $0xFFFF  }
0x55: {  	[sflag:s0] =	ssyncadd.tile.s32 @!p0 $0x1;
	_ =	shalt  }
.Lfunc_end2:
_tile_overlayer_lowered:
.L_overlay_start_2:
0x56: {  	(tag) =	ssettag $0x2  }
0x57: {  	s0 =	rddreg [dreg:$0x0];
	s2 =	stileid.u32  }
0x58: {  	s1 =	rddreg [dreg:$0x1];
	p0 =	sne.s32 s2, $0x0  }
0x59: {  	s3 =	rddreg [dreg:$0x2];
	[bflag:$0x3] =	sbarrier.arrive $0xFFFF;
	s2 =	simm.s32 @!p0 $0x1C02  }
0x5a: {  	[timem:s3], [sflag:s2] =	dma.local @!p0 [hbm:s0], s1  }
0x5b: {  	s0 =	simm.s32 @!p0 $0x2  }
0x5c: {  	_ =	swait.ge @!p0 [sflag:s0], s1  }
0x5d: {  	s1 =	ssub.s32 @!p0 $0x0, s1;
	[sflag:s0] =	ssyncset.done @!p0 $0x0  }
0x5e: {  	[sflag:s0] =	ssyncadd.s32 @!p0 s1  }
0x5f: {  	[bflag:$0x3] =	sbarrier.arrive $0xFFFF  }
0x60: {  	_ =	shalt  }

</sc_bundles>
